<compile_context>
chip_gen: v7x
topology: tpu7x:2x2x1
jax: 0.10.2.dev20260603
libtpu: 0.0.44.dev20260713+nightly
codegen_flags: <defaults>
</compile_context>

<pallas_src>
import functools

import jax
import jax.numpy as jnp
from jax import lax
from jax.experimental import pallas as pl
from jax.experimental.pallas import tpu as pltpu
from jax.experimental.pallas import tpu_sc as plsc


def _sc_info():
    try:
        info = plsc.get_sparse_core_info()
        return info.num_cores, info.num_subcores
    except Exception:
        return 2, 16


def _sc_gather(table, flat_idx):
    V, D = table.shape
    T = flat_idx.shape[0]
    NC, NS = _sc_info()
    NW = NC * NS
    assert T % NW == 0
    per_w = T // NW
    C = 40
    while per_w % (2 * C):
        C -= 8
    nchunks = per_w // C

    mesh = plsc.VectorSubcoreMesh(core_axis_name="c", subcore_axis_name="s",
                                  num_cores=NC, num_subcores=NS)

    @functools.partial(
        pl.kernel,
        mesh=mesh,
        out_type=jax.ShapeDtypeStruct((T, D), table.dtype),
        scratch_types=[
            pltpu.VMEM((per_w,), jnp.int32),
            pltpu.VMEM((C, D), table.dtype),
            pltpu.VMEM((C, D), table.dtype),
            pltpu.SemaphoreType.DMA,
            pltpu.SemaphoreType.DMA,
            pltpu.SemaphoreType.DMA,
            pltpu.SemaphoreType.DMA,
        ],
    )
    def gather_k(table_hbm, idx_hbm, out_hbm, idx_v, rows0, rows1,
                 sg0, sg1, so0, so1):
        wid = lax.axis_index("s") * NC + lax.axis_index("c")
        base = wid * per_w
        pltpu.sync_copy(idx_hbm.at[pl.ds(base, per_w)], idx_v)

        def g_copy(j, rows, sg):
            return pltpu.make_async_copy(
                table_hbm.at[idx_v.at[pl.ds(j * C, C)]], rows, sg)

        def o_copy(j, rows, so):
            return pltpu.make_async_copy(
                rows, out_hbm.at[pl.ds(base + j * C, C)], so)

        g_copy(0, rows0, sg0).start()
        g_copy(1, rows1, sg1).start()

        def pair(g, carry):
            j0 = g * 2
            g_copy(j0, rows0, sg0).wait()
            o_copy(j0, rows0, so0).start()
            g_copy(j0 + 1, rows1, sg1).wait()
            o_copy(j0 + 1, rows1, so1).start()
            o_copy(j0, rows0, so0).wait()
            g_copy(j0 + 2, rows0, sg0).start()
            o_copy(j0 + 1, rows1, so1).wait()
            g_copy(j0 + 3, rows1, sg1).start()
            return carry

        lax.fori_loop(0, nchunks // 2 - 1, pair, 0)
        jl = nchunks - 2
        g_copy(jl, rows0, sg0).wait()
        o_copy(jl, rows0, so0).start()
        g_copy(jl + 1, rows1, sg1).wait()
        o_copy(jl + 1, rows1, so1).start()
        o_copy(jl, rows0, so0).wait()
        o_copy(jl + 1, rows1, so1).wait()

    return gather_k(table, flat_idx)


def _lstm_layer(m_sm, h_in, wcat, bias, wout, b, relu):
    DEG, N, D = m_sm.shape
    dout = wout.shape[1]
    B = 400
    assert N % B == 0

    cdt = jnp.bfloat16

    def body(m_ref, h_ref, wcat_ref, bias_ref, wout_ref, b_ref, out_ref):
        hin = h_ref[...].astype(cdt)
        wc = wcat_ref[...]
        bs = bias_ref[...]

        def sg(x):
            return 0.5 + 0.5 * jnp.tanh(0.5 * x)

        def cell(x, h, c):
            xh = jnp.concatenate([x, h.astype(cdt)], axis=1)
            gates = jnp.dot(xh, wc, preferred_element_type=jnp.float32) + bs
            i = sg(gates[:, :D])
            f = sg(gates[:, D:2 * D])
            g = jnp.tanh(gates[:, 2 * D:3 * D])
            o = sg(gates[:, 3 * D:])
            c = f * c + i * g
            h = o * jnp.tanh(c)
            return h, c

        z = jnp.zeros((B, D), jnp.float32)
        h, c = z, z
        for t in range(DEG):
            h, c = cell(m_ref[t].astype(cdt), h, c)
        hT = h
        hcat = jnp.concatenate([hin, hT.astype(cdt)], axis=1)
        rst = jnp.dot(hcat, wout_ref[...], preferred_element_type=jnp.float32)
        rst = rst + b_ref[...]
        if relu:
            rst = jnp.maximum(rst, 0.0)
        out_ref[...] = rst

    return pl.pallas_call(
        body,
        grid=(N // B,),
        in_specs=[
            pl.BlockSpec((DEG, B, D), lambda i: (0, i, 0)),
            pl.BlockSpec((B, D), lambda i: (i, 0)),
            pl.BlockSpec((2 * D, 4 * D), lambda i: (0, 0)),
            pl.BlockSpec((1, 4 * D), lambda i: (0, 0)),
            pl.BlockSpec((2 * D, dout), lambda i: (0, 0)),
            pl.BlockSpec((1, dout), lambda i: (0, 0)),
        ],
        out_specs=pl.BlockSpec((B, dout), lambda i: (i, 0)),
        out_shape=jax.ShapeDtypeStruct((N, dout), jnp.float32),
    )(m_sm, h_in, wcat, bias, wout, b)


def kernel(p, neigh_idx, params):
    N, P = p.shape
    DEG = neigh_idx.shape[1]
    deg_col = jnp.full((N, 1), jnp.float32(DEG) / jnp.float32(N), jnp.float32)
    h = jnp.concatenate([deg_col, p.astype(jnp.float32)], axis=1)
    flat_idx = neigh_idx.T.reshape(-1).astype(jnp.int32)

    n_layers = len(params['layers'])
    for li, lp in enumerate(params['layers']):
        D = h.shape[1]
        wcat = jnp.concatenate([lp['Wih'].T, lp['Whh'].T],
                               axis=0).astype(jnp.bfloat16)
        bias = (lp['bih'] + lp['bhh'])[None, :]
        wout = jnp.concatenate([lp['W_self'].T, lp['W_neigh'].T],
                               axis=0).astype(jnp.bfloat16)
        b = lp['b'][None, :]
        rows = _sc_gather(h, flat_idx)
        m_sm = rows.reshape(DEG, N, D)
        h = _lstm_layer(m_sm, h, wcat, bias, wout, b,
                        relu=(li < n_layers - 1))
    return h

# --- scband reference (transcript-rebuilt; emitter-appended) ---
"""Pipeline reference for scband-net-61272003445332 (READ-ONLY COPY).

The authoritative reference and input builder live on the scoring server;
editing this copy changes nothing except your own understanding.
"""

import jax, jax.numpy as jnp
import numpy as np

N = 10000
DEG = 32
P_DIM = 127
IN_DIM = 128
HID = 128
NCLS = 64


def _layer_params(key, din, dout):
    ks = jax.random.split(key, 4)
    s = 0.05
    return {
        'Wih': jax.random.normal(ks[0], (4 * din, din), jnp.float32) * s,
        'Whh': jax.random.normal(ks[1], (4 * din, din), jnp.float32) * s,
        'bih': jnp.zeros((4 * din,), jnp.float32),
        'bhh': jnp.zeros((4 * din,), jnp.float32),
        'W_self': jax.random.normal(ks[2], (dout, din), jnp.float32) * s,
        'W_neigh': jax.random.normal(ks[3], (dout, din), jnp.float32) * s,
        'b': jnp.zeros((dout,), jnp.float32),
    }


def setup_inputs(seed: int = 0):
    key = jax.random.key(seed)
    k1, k2, k3, k4, k5 = jax.random.split(key, 5)
    p = jax.random.normal(k1, (N, P_DIM), jnp.float32)
    neigh_idx = jax.random.randint(k2, (N, DEG), 0, N, dtype=jnp.int32)
    params = {'layers': [_layer_params(k3, IN_DIM, HID), _layer_params(k4, HID, HID), _layer_params(k5, HID, NCLS)]}
    return {'p': p, 'neigh_idx': neigh_idx, 'params': params}


def _lstm_agg(m, lp):
    # m: [N, deg, din]; DGL SAGEConv 'lstm' aggregator: hidden size == in_feats, take final hidden state
    din = m.shape[-1]
    def cell(carry, x):
        h, c = carry
        gates = x @ lp['Wih'].T + lp['bih'] + h @ lp['Whh'].T + lp['bhh']
        i, f, g, o = jnp.split(gates, 4, axis=-1)
        c = jax.nn.sigmoid(f) * c + jax.nn.sigmoid(i) * jnp.tanh(g)
        h = jax.nn.sigmoid(o) * jnp.tanh(c)
        return (h, c), None
    h0 = jnp.zeros((m.shape[0], din), m.dtype)
    (hT, _), _ = jax.lax.scan(cell, (h0, h0), jnp.transpose(m, (1, 0, 2)))
    return hT


def _sage_conv(h, neigh_idx, lp, act):
    # gather neighbor features (message passing; feat_drop is identity in eval mode)
    m = jnp.take(h, neigh_idx, axis=0)  # [N, deg, din]
    h_neigh = _lstm_agg(m, lp)
    rst = h @ lp['W_self'].T + h_neigh @ lp['W_neigh'].T + lp['b']
    return act(rst) if act is not None else rst


def _forward(p, params, neigh_idx):
    # g.in_degrees() via scatter-add over dst nodes (fixed-fanout graph: dst = row node)
    dst = jnp.repeat(jnp.arange(N), DEG)
    in_deg = jnp.zeros((N,), jnp.float32).at[dst].add(1.0)
    feats = jnp.concatenate([in_deg[:, None] / float(N), p], axis=1)
    feats = _sage_conv(feats, neigh_idx, params['layers'][0], jax.nn.relu)
    feats = _sage_conv(feats, neigh_idx, params['layers'][1], jax.nn.relu)
    feats = _sage_conv(feats, neigh_idx, params['layers'][2], None)
    return feats


def reference(p, neigh_idx, params):
    return _forward(p, params, neigh_idx)

if __name__ == "__main__":
    import jax
    _d = setup_inputs()
    print(jax.jit(kernel)(*tuple(_d.values())))

</pallas_src>

<mosaic_0001>
#map = affine_map<(d0, d1) -> (0, 0)>
#map1 = affine_map<(d0, d1) -> (0)>
module attributes {stable_mosaic.version = 14 : i64} {
  func.func @gather_k(%arg0: i32, %arg1: i32, %arg2: memref<10000x128xf32, #tpu.memory_space<hbm>>, %arg3: memref<320000xi32, #tpu.memory_space<hbm>>, %arg4: memref<320000x128xf32, #tpu.memory_space<hbm>>, %arg5: memref<10000xi32, #tpu.memory_space<vmem>>, %arg6: memref<40x128xf32, #tpu.memory_space<vmem>>, %arg7: memref<40x128xf32, #tpu.memory_space<vmem>>, %arg8: memref<!tpu.dma_semaphore, #tpu.memory_space<semaphore_mem>>, %arg9: memref<!tpu.dma_semaphore, #tpu.memory_space<semaphore_mem>>, %arg10: memref<!tpu.dma_semaphore, #tpu.memory_space<semaphore_mem>>, %arg11: memref<!tpu.dma_semaphore, #tpu.memory_space<semaphore_mem>>) attributes {dimension_semantics = [#tpu.dimension_semantics<core_parallel>, #tpu.dimension_semantics<subcore_parallel>], iteration_bounds = array<i64: 2, 16>, scalar_prefetch = 0 : i64, scratch_operands = 7 : i64, tpu.core_type = #tpu.core_type<sc_vector_subcore>, window_params = [{transform_indices = #map}, {transform_indices = #map1}, {transform_indices = #map}]} {
    %mul3A = arith.constant 2 : i32
    %mul3A_0 = arith.muli %arg1, %mul3A : i32
    %add3A = arith.addi %mul3A_0, %arg0 : i32
    %mul3A_1 = arith.constant 10000 : i32
    %mul3A_2 = arith.muli %add3A, %mul3A_1 : i32
    "tpu.region"() ({
      %run_scoped3A = tpu.sem_alloc : memref<!tpu.dma_semaphore, #tpu.memory_space<semaphore_mem>>
      %dma_start3A_50 = tpu.memref_slice %arg3[%mul3A_2] : memref<320000xi32, #tpu.memory_space<hbm>> -> memref<10000xi32, #tpu.memory_space<hbm>>
      %dma_start3A_51 = tpu.memref_slice %arg3[%mul3A_2] : memref<320000xi32, #tpu.memory_space<hbm>> -> memref<10000xi32, #tpu.memory_space<hbm>>
      tpu.enqueue_dma source(%dma_start3A_51 : memref<10000xi32, #tpu.memory_space<hbm>>) target(%arg5 : memref<10000xi32, #tpu.memory_space<vmem>>) target_semaphore(%run_scoped3A : memref<!tpu.dma_semaphore, #tpu.memory_space<semaphore_mem>>)
      %dma_wait3A_52 = tpu.memref_slice %arg3[%mul3A_2] : memref<320000xi32, #tpu.memory_space<hbm>> -> memref<10000xi32, #tpu.memory_space<hbm>>
      %dma_wait3A_53 = tpu.memref_slice %arg3[%mul3A_2] : memref<320000xi32, #tpu.memory_space<hbm>> -> memref<10000xi32, #tpu.memory_space<hbm>>
      tpu.wait_dma2 semaphore(%run_scoped3A : memref<!tpu.dma_semaphore, #tpu.memory_space<semaphore_mem>>) src(%dma_wait3A_53 : memref<10000xi32, #tpu.memory_space<hbm>>) dst(%arg5 : memref<10000xi32, #tpu.memory_space<vmem>>)
      tpu.yield
    }) : () -> ()
    %dma_start3A = arith.constant 0 : i32
    %dma_start3A_3 = tpu.memref_slice %arg5[%dma_start3A] : memref<10000xi32, #tpu.memory_space<vmem>> -> memref<40xi32, #tpu.memory_space<vmem>>
    %dma_start3A_4 = arith.constant 0 : i32
    %dma_start3A_5 = arith.constant 0 : i32
    %dma_start3A_6 = tpu.memref_slice %arg2[%dma_start3A_4, %dma_start3A_5] : memref<10000x128xf32, #tpu.memory_space<hbm>> -> memref<10000x128xf32, #tpu.memory_space<hbm>>
    tpu.enqueue_indirect_dma source(%dma_start3A_6 : memref<10000x128xf32, #tpu.memory_space<hbm>>) target(%arg6 : memref<40x128xf32, #tpu.memory_space<vmem>>) offsets(%dma_start3A_3 : memref<40xi32, #tpu.memory_space<vmem>>) semaphore(%arg8 : memref<!tpu.dma_semaphore, #tpu.memory_space<semaphore_mem>>)
    %dma_start3A_7 = arith.constant 40 : i32
    %dma_start3A_8 = tpu.memref_slice %arg5[%dma_start3A_7] : memref<10000xi32, #tpu.memory_space<vmem>> -> memref<40xi32, #tpu.memory_space<vmem>>
    %dma_start3A_9 = arith.constant 0 : i32
    %dma_start3A_10 = arith.constant 0 : i32
    %dma_start3A_11 = tpu.memref_slice %arg2[%dma_start3A_9, %dma_start3A_10] : memref<10000x128xf32, #tpu.memory_space<hbm>> -> memref<10000x128xf32, #tpu.memory_space<hbm>>
    tpu.enqueue_indirect_dma source(%dma_start3A_11 : memref<10000x128xf32, #tpu.memory_space<hbm>>) target(%arg7 : memref<40x128xf32, #tpu.memory_space<vmem>>) offsets(%dma_start3A_8 : memref<40xi32, #tpu.memory_space<vmem>>) semaphore(%arg9 : memref<!tpu.dma_semaphore, #tpu.memory_space<semaphore_mem>>)
    %scan3A = arith.constant 0 : i32
    %scan3A_12 = arith.constant 0 : i32
    %scan3A_13 = arith.constant 124 : i32
    %scan3A_14 = arith.addi %scan3A_12, %scan3A_13 : i32
    %scan3A_15 = arith.constant 1 : i32
    scf.for %scan3A_50 = %scan3A_12 to %scan3A_14 step %scan3A_15  : i32 {
      %mul3A_51 = arith.constant 2 : i32
      %mul3A_52 = arith.muli %scan3A_50, %mul3A_51 : i32
      %mul3A_53 = arith.constant 40 : i32
      %mul3A_54 = arith.muli %mul3A_52, %mul3A_53 : i32
      %dma_wait3A_55 = tpu.memref_slice %arg5[%mul3A_54] : memref<10000xi32, #tpu.memory_space<vmem>> -> memref<40xi32, #tpu.memory_space<vmem>>
      %dma_wait3A_56 = arith.constant 0 : i32
      %dma_wait3A_57 = arith.constant 0 : i32
      %dma_wait3A_58 = tpu.memref_slice %arg2[%dma_wait3A_56, %dma_wait3A_57] : memref<10000x128xf32, #tpu.memory_space<hbm>> -> memref<10000x128xf32, #tpu.memory_space<hbm>>
      tpu.wait_indirect_dma semaphore(%arg8 : memref<!tpu.dma_semaphore, #tpu.memory_space<semaphore_mem>>) src(%dma_wait3A_58 : memref<10000x128xf32, #tpu.memory_space<hbm>>) dst(%arg6 : memref<40x128xf32, #tpu.memory_space<vmem>>)
      %mul3A_59 = arith.constant 40 : i32
      %mul3A_60 = arith.muli %mul3A_52, %mul3A_59 : i32
      %add3A_61 = arith.addi %mul3A_2, %mul3A_60 : i32
      %dma_start3A_62 = arith.constant 0 : i32
      %dma_start3A_63 = tpu.memref_slice %arg4[%add3A_61, %dma_start3A_62] : memref<320000x128xf32, #tpu.memory_space<hbm>> -> memref<40x128xf32, #tpu.memory_space<hbm>>
      %dma_start3A_64 = arith.constant 0 : i32
      %dma_start3A_65 = tpu.memref_slice %arg4[%add3A_61, %dma_start3A_64] : memref<320000x128xf32, #tpu.memory_space<hbm>> -> memref<40x128xf32, #tpu.memory_space<hbm>>
      tpu.enqueue_dma source(%arg6 : memref<40x128xf32, #tpu.memory_space<vmem>>) target(%dma_start3A_65 : memref<40x128xf32, #tpu.memory_space<hbm>>) target_semaphore(%arg10 : memref<!tpu.dma_semaphore, #tpu.memory_space<semaphore_mem>>)
      %add3A_66 = arith.constant 1 : i32
      %add3A_67 = arith.addi %mul3A_52, %add3A_66 : i32
      %mul3A_68 = arith.constant 40 : i32
      %mul3A_69 = arith.muli %add3A_67, %mul3A_68 : i32
      %dma_wait3A_70 = tpu.memref_slice %arg5[%mul3A_69] : memref<10000xi32, #tpu.memory_space<vmem>> -> memref<40xi32, #tpu.memory_space<vmem>>
      %dma_wait3A_71 = arith.constant 0 : i32
      %dma_wait3A_72 = arith.constant 0 : i32
      %dma_wait3A_73 = tpu.memref_slice %arg2[%dma_wait3A_71, %dma_wait3A_72] : memref<10000x128xf32, #tpu.memory_space<hbm>> -> memref<10000x128xf32, #tpu.memory_space<hbm>>
      tpu.wait_indirect_dma semaphore(%arg9 : memref<!tpu.dma_semaphore, #tpu.memory_space<semaphore_mem>>) src(%dma_wait3A_73 : memref<10000x128xf32, #tpu.memory_space<hbm>>) dst(%arg7 : memref<40x128xf32, #tpu.memory_space<vmem>>)
      %add3A_74 = arith.constant 1 : i32
      %add3A_75 = arith.addi %mul3A_52, %add3A_74 : i32
      %mul3A_76 = arith.constant 40 : i32
      %mul3A_77 = arith.muli %add3A_75, %mul3A_76 : i32
      %add3A_78 = arith.addi %mul3A_2, %mul3A_77 : i32
      %dma_start3A_79 = arith.constant 0 : i32
      %dma_start3A_80 = tpu.memref_slice %arg4[%add3A_78, %dma_start3A_79] : memref<320000x128xf32, #tpu.memory_space<hbm>> -> memref<40x128xf32, #tpu.memory_space<hbm>>
      %dma_start3A_81 = arith.constant 0 : i32
      %dma_start3A_82 = tpu.memref_slice %arg4[%add3A_78, %dma_start3A_81] : memref<320000x128xf32, #tpu.memory_space<hbm>> -> memref<40x128xf32, #tpu.memory_space<hbm>>
      tpu.enqueue_dma source(%arg7 : memref<40x128xf32, #tpu.memory_space<vmem>>) target(%dma_start3A_82 : memref<40x128xf32, #tpu.memory_space<hbm>>) target_semaphore(%arg11 : memref<!tpu.dma_semaphore, #tpu.memory_space<semaphore_mem>>)
      %mul3A_83 = arith.constant 40 : i32
      %mul3A_84 = arith.muli %mul3A_52, %mul3A_83 : i32
      %add3A_85 = arith.addi %mul3A_2, %mul3A_84 : i32
      %dma_wait3A_86 = arith.constant 0 : i32
      %dma_wait3A_87 = tpu.memref_slice %arg4[%add3A_85, %dma_wait3A_86] : memref<320000x128xf32, #tpu.memory_space<hbm>> -> memref<40x128xf32, #tpu.memory_space<hbm>>
      %dma_wait3A_88 = arith.constant 0 : i32
      %dma_wait3A_89 = tpu.memref_slice %arg4[%add3A_85, %dma_wait3A_88] : memref<320000x128xf32, #tpu.memory_space<hbm>> -> memref<40x128xf32, #tpu.memory_space<hbm>>
      tpu.wait_dma2 semaphore(%arg10 : memref<!tpu.dma_semaphore, #tpu.memory_space<semaphore_mem>>) src(%arg6 : memref<40x128xf32, #tpu.memory_space<vmem>>) dst(%dma_wait3A_89 : memref<40x128xf32, #tpu.memory_space<hbm>>)
      %add3A_90 = arith.constant 2 : i32
      %add3A_91 = arith.addi %mul3A_52, %add3A_90 : i32
      %mul3A_92 = arith.constant 40 : i32
      %mul3A_93 = arith.muli %add3A_91, %mul3A_92 : i32
      %dma_start3A_94 = tpu.memref_slice %arg5[%mul3A_93] : memref<10000xi32, #tpu.memory_space<vmem>> -> memref<40xi32, #tpu.memory_space<vmem>>
      %dma_start3A_95 = arith.constant 0 : i32
      %dma_start3A_96 = arith.constant 0 : i32
      %dma_start3A_97 = tpu.memref_slice %arg2[%dma_start3A_95, %dma_start3A_96] : memref<10000x128xf32, #tpu.memory_space<hbm>> -> memref<10000x128xf32, #tpu.memory_space<hbm>>
      tpu.enqueue_indirect_dma source(%dma_start3A_97 : memref<10000x128xf32, #tpu.memory_space<hbm>>) target(%arg6 : memref<40x128xf32, #tpu.memory_space<vmem>>) offsets(%dma_start3A_94 : memref<40xi32, #tpu.memory_space<vmem>>) semaphore(%arg8 : memref<!tpu.dma_semaphore, #tpu.memory_space<semaphore_mem>>)
      %add3A_98 = arith.constant 1 : i32
      %add3A_99 = arith.addi %mul3A_52, %add3A_98 : i32
      %mul3A_100 = arith.constant 40 : i32
      %mul3A_101 = arith.muli %add3A_99, %mul3A_100 : i32
      %add3A_102 = arith.addi %mul3A_2, %mul3A_101 : i32
      %dma_wait3A_103 = arith.constant 0 : i32
      %dma_wait3A_104 = tpu.memref_slice %arg4[%add3A_102, %dma_wait3A_103] : memref<320000x128xf32, #tpu.memory_space<hbm>> -> memref<40x128xf32, #tpu.memory_space<hbm>>
      %dma_wait3A_105 = arith.constant 0 : i32
      %dma_wait3A_106 = tpu.memref_slice %arg4[%add3A_102, %dma_wait3A_105] : memref<320000x128xf32, #tpu.memory_space<hbm>> -> memref<40x128xf32, #tpu.memory_space<hbm>>
      tpu.wait_dma2 semaphore(%arg11 : memref<!tpu.dma_semaphore, #tpu.memory_space<semaphore_mem>>) src(%arg7 : memref<40x128xf32, #tpu.memory_space<vmem>>) dst(%dma_wait3A_106 : memref<40x128xf32, #tpu.memory_space<hbm>>)
      %add3A_107 = arith.constant 3 : i32
      %add3A_108 = arith.addi %mul3A_52, %add3A_107 : i32
      %mul3A_109 = arith.constant 40 : i32
      %mul3A_110 = arith.muli %add3A_108, %mul3A_109 : i32
      %dma_start3A_111 = tpu.memref_slice %arg5[%mul3A_110] : memref<10000xi32, #tpu.memory_space<vmem>> -> memref<40xi32, #tpu.memory_space<vmem>>
      %dma_start3A_112 = arith.constant 0 : i32
      %dma_start3A_113 = arith.constant 0 : i32
      %dma_start3A_114 = tpu.memref_slice %arg2[%dma_start3A_112, %dma_start3A_113] : memref<10000x128xf32, #tpu.memory_space<hbm>> -> memref<10000x128xf32, #tpu.memory_space<hbm>>
      tpu.enqueue_indirect_dma source(%dma_start3A_114 : memref<10000x128xf32, #tpu.memory_space<hbm>>) target(%arg7 : memref<40x128xf32, #tpu.memory_space<vmem>>) offsets(%dma_start3A_111 : memref<40xi32, #tpu.memory_space<vmem>>) semaphore(%arg9 : memref<!tpu.dma_semaphore, #tpu.memory_space<semaphore_mem>>)
    }
    %scan3A_16 = arith.constant 124 : i32
    %dma_wait3A = arith.constant 9920 : i32
    %dma_wait3A_17 = tpu.memref_slice %arg5[%dma_wait3A] : memref<10000xi32, #tpu.memory_space<vmem>> -> memref<40xi32, #tpu.memory_space<vmem>>
    %dma_wait3A_18 = arith.constant 0 : i32
    %dma_wait3A_19 = arith.constant 0 : i32
    %dma_wait3A_20 = tpu.memref_slice %arg2[%dma_wait3A_18, %dma_wait3A_19] : memref<10000x128xf32, #tpu.memory_space<hbm>> -> memref<10000x128xf32, #tpu.memory_space<hbm>>
    tpu.wait_indirect_dma semaphore(%arg8 : memref<!tpu.dma_semaphore, #tpu.memory_space<semaphore_mem>>) src(%dma_wait3A_20 : memref<10000x128xf32, #tpu.memory_space<hbm>>) dst(%arg6 : memref<40x128xf32, #tpu.memory_space<vmem>>)
    %add3A_21 = arith.constant 9920 : i32
    %add3A_22 = arith.addi %mul3A_2, %add3A_21 : i32
    %dma_start3A_23 = arith.constant 0 : i32
    %dma_start3A_24 = tpu.memref_slice %arg4[%add3A_22, %dma_start3A_23] : memref<320000x128xf32, #tpu.memory_space<hbm>> -> memref<40x128xf32, #tpu.memory_space<hbm>>
    %dma_start3A_25 = arith.constant 0 : i32
    %dma_start3A_26 = tpu.memref_slice %arg4[%add3A_22, %dma_start3A_25] : memref<320000x128xf32, #tpu.memory_space<hbm>> -> memref<40x128xf32, #tpu.memory_space<hbm>>
    tpu.enqueue_dma source(%arg6 : memref<40x128xf32, #tpu.memory_space<vmem>>) target(%dma_start3A_26 : memref<40x128xf32, #tpu.memory_space<hbm>>) target_semaphore(%arg10 : memref<!tpu.dma_semaphore, #tpu.memory_space<semaphore_mem>>)
    %dma_wait3A_27 = arith.constant 9960 : i32
    %dma_wait3A_28 = tpu.memref_slice %arg5[%dma_wait3A_27] : memref<10000xi32, #tpu.memory_space<vmem>> -> memref<40xi32, #tpu.memory_space<vmem>>
    %dma_wait3A_29 = arith.constant 0 : i32
    %dma_wait3A_30 = arith.constant 0 : i32
    %dma_wait3A_31 = tpu.memref_slice %arg2[%dma_wait3A_29, %dma_wait3A_30] : memref<10000x128xf32, #tpu.memory_space<hbm>> -> memref<10000x128xf32, #tpu.memory_space<hbm>>
    tpu.wait_indirect_dma semaphore(%arg9 : memref<!tpu.dma_semaphore, #tpu.memory_space<semaphore_mem>>) src(%dma_wait3A_31 : memref<10000x128xf32, #tpu.memory_space<hbm>>) dst(%arg7 : memref<40x128xf32, #tpu.memory_space<vmem>>)
    %add3A_32 = arith.constant 9960 : i32
    %add3A_33 = arith.addi %mul3A_2, %add3A_32 : i32
    %dma_start3A_34 = arith.constant 0 : i32
    %dma_start3A_35 = tpu.memref_slice %arg4[%add3A_33, %dma_start3A_34] : memref<320000x128xf32, #tpu.memory_space<hbm>> -> memref<40x128xf32, #tpu.memory_space<hbm>>
    %dma_start3A_36 = arith.constant 0 : i32
    %dma_start3A_37 = tpu.memref_slice %arg4[%add3A_33, %dma_start3A_36] : memref<320000x128xf32, #tpu.memory_space<hbm>> -> memref<40x128xf32, #tpu.memory_space<hbm>>
    tpu.enqueue_dma source(%arg7 : memref<40x128xf32, #tpu.memory_space<vmem>>) target(%dma_start3A_37 : memref<40x128xf32, #tpu.memory_space<hbm>>) target_semaphore(%arg11 : memref<!tpu.dma_semaphore, #tpu.memory_space<semaphore_mem>>)
    %add3A_38 = arith.constant 9920 : i32
    %add3A_39 = arith.addi %mul3A_2, %add3A_38 : i32
    %dma_wait3A_40 = arith.constant 0 : i32
    %dma_wait3A_41 = tpu.memref_slice %arg4[%add3A_39, %dma_wait3A_40] : memref<320000x128xf32, #tpu.memory_space<hbm>> -> memref<40x128xf32, #tpu.memory_space<hbm>>
    %dma_wait3A_42 = arith.constant 0 : i32
    %dma_wait3A_43 = tpu.memref_slice %arg4[%add3A_39, %dma_wait3A_42] : memref<320000x128xf32, #tpu.memory_space<hbm>> -> memref<40x128xf32, #tpu.memory_space<hbm>>
    tpu.wait_dma2 semaphore(%arg10 : memref<!tpu.dma_semaphore, #tpu.memory_space<semaphore_mem>>) src(%arg6 : memref<40x128xf32, #tpu.memory_space<vmem>>) dst(%dma_wait3A_43 : memref<40x128xf32, #tpu.memory_space<hbm>>)
    %add3A_44 = arith.constant 9960 : i32
    %add3A_45 = arith.addi %mul3A_2, %add3A_44 : i32
    %dma_wait3A_46 = arith.constant 0 : i32
    %dma_wait3A_47 = tpu.memref_slice %arg4[%add3A_45, %dma_wait3A_46] : memref<320000x128xf32, #tpu.memory_space<hbm>> -> memref<40x128xf32, #tpu.memory_space<hbm>>
    %dma_wait3A_48 = arith.constant 0 : i32
    %dma_wait3A_49 = tpu.memref_slice %arg4[%add3A_45, %dma_wait3A_48] : memref<320000x128xf32, #tpu.memory_space<hbm>> -> memref<40x128xf32, #tpu.memory_space<hbm>>
    tpu.wait_dma2 semaphore(%arg11 : memref<!tpu.dma_semaphore, #tpu.memory_space<semaphore_mem>>) src(%arg7 : memref<40x128xf32, #tpu.memory_space<vmem>>) dst(%dma_wait3A_49 : memref<40x128xf32, #tpu.memory_space<hbm>>)
    return
  }
}

#map = affine_map<(d0, d1) -> (0, 0)>
#map1 = affine_map<(d0, d1) -> (0)>
module attributes {stable_mosaic.version = 14 : i64} {
  func.func @gather_k(%arg0: i32, %arg1: i32, %arg2: memref<10000x128xf32, #tpu.memory_space<hbm>>, %arg3: memref<320000xi32, #tpu.memory_space<hbm>>, %arg4: memref<320000x128xf32, #tpu.memory_space<hbm>>, %arg5: memref<10000xi32, #tpu.memory_space<vmem>>, %arg6: memref<40x128xf32, #tpu.memory_space<vmem>>, %arg7: memref<40x128xf32, #tpu.memory_space<vmem>>, %arg8: memref<!tpu.dma_semaphore, #tpu.memory_space<semaphore_mem>>, %arg9: memref<!tpu.dma_semaphore, #tpu.memory_space<semaphore_mem>>, %arg10: memref<!tpu.dma_semaphore, #tpu.memory_space<semaphore_mem>>, %arg11: memref<!tpu.dma_semaphore, #tpu.memory_space<semaphore_mem>>) attributes {dimension_semantics = [#tpu.dimension_semantics<core_parallel>, #tpu.dimension_semantics<subcore_parallel>], iteration_bounds = array<i64: 2, 16>, scalar_prefetch = 0 : i64, scratch_operands = 7 : i64, tpu.core_type = #tpu.core_type<sc_vector_subcore>, window_params = [{transform_indices = #map}, {transform_indices = #map1}, {transform_indices = #map}]} {
    %mul3A = arith.constant 2 : i32
    %mul3A_0 = arith.muli %arg1, %mul3A : i32
    %add3A = arith.addi %mul3A_0, %arg0 : i32
    %mul3A_1 = arith.constant 10000 : i32
    %mul3A_2 = arith.muli %add3A, %mul3A_1 : i32
    "tpu.region"() ({
      %run_scoped3A = tpu.sem_alloc : memref<!tpu.dma_semaphore, #tpu.memory_space<semaphore_mem>>
      %dma_start3A_50 = tpu.memref_slice %arg3[%mul3A_2] : memref<320000xi32, #tpu.memory_space<hbm>> -> memref<10000xi32, #tpu.memory_space<hbm>>
      %dma_start3A_51 = tpu.memref_slice %arg3[%mul3A_2] : memref<320000xi32, #tpu.memory_space<hbm>> -> memref<10000xi32, #tpu.memory_space<hbm>>
      tpu.enqueue_dma source(%dma_start3A_51 : memref<10000xi32, #tpu.memory_space<hbm>>) target(%arg5 : memref<10000xi32, #tpu.memory_space<vmem>>) target_semaphore(%run_scoped3A : memref<!tpu.dma_semaphore, #tpu.memory_space<semaphore_mem>>)
      %dma_wait3A_52 = tpu.memref_slice %arg3[%mul3A_2] : memref<320000xi32, #tpu.memory_space<hbm>> -> memref<10000xi32, #tpu.memory_space<hbm>>
      %dma_wait3A_53 = tpu.memref_slice %arg3[%mul3A_2] : memref<320000xi32, #tpu.memory_space<hbm>> -> memref<10000xi32, #tpu.memory_space<hbm>>
      tpu.wait_dma2 semaphore(%run_scoped3A : memref<!tpu.dma_semaphore, #tpu.memory_space<semaphore_mem>>) src(%dma_wait3A_53 : memref<10000xi32, #tpu.memory_space<hbm>>) dst(%arg5 : memref<10000xi32, #tpu.memory_space<vmem>>)
      tpu.yield
    }) : () -> ()
    %dma_start3A = arith.constant 0 : i32
    %dma_start3A_3 = tpu.memref_slice %arg5[%dma_start3A] : memref<10000xi32, #tpu.memory_space<vmem>> -> memref<40xi32, #tpu.memory_space<vmem>>
    %dma_start3A_4 = arith.constant 0 : i32
    %dma_start3A_5 = arith.constant 0 : i32
    %dma_start3A_6 = tpu.memref_slice %arg2[%dma_start3A_4, %dma_start3A_5] : memref<10000x128xf32, #tpu.memory_space<hbm>> -> memref<10000x128xf32, #tpu.memory_space<hbm>>
    tpu.enqueue_indirect_dma source(%dma_start3A_6 : memref<10000x128xf32, #tpu.memory_space<hbm>>) target(%arg6 : memref<40x128xf32, #tpu.memory_space<vmem>>) offsets(%dma_start3A_3 : memref<40xi32, #tpu.memory_space<vmem>>) semaphore(%arg8 : memref<!tpu.dma_semaphore, #tpu.memory_space<semaphore_mem>>)
    %dma_start3A_7 = arith.constant 40 : i32
    %dma_start3A_8 = tpu.memref_slice %arg5[%dma_start3A_7] : memref<10000xi32, #tpu.memory_space<vmem>> -> memref<40xi32, #tpu.memory_space<vmem>>
    %dma_start3A_9 = arith.constant 0 : i32
    %dma_start3A_10 = arith.constant 0 : i32
    %dma_start3A_11 = tpu.memref_slice %arg2[%dma_start3A_9, %dma_start3A_10] : memref<10000x128xf32, #tpu.memory_space<hbm>> -> memref<10000x128xf32, #tpu.memory_space<hbm>>
    tpu.enqueue_indirect_dma source(%dma_start3A_11 : memref<10000x128xf32, #tpu.memory_space<hbm>>) target(%arg7 : memref<40x128xf32, #tpu.memory_space<vmem>>) offsets(%dma_start3A_8 : memref<40xi32, #tpu.memory_space<vmem>>) semaphore(%arg9 : memref<!tpu.dma_semaphore, #tpu.memory_space<semaphore_mem>>)
    %scan3A = arith.constant 0 : i32
    %scan3A_12 = arith.constant 0 : i32
    %scan3A_13 = arith.constant 124 : i32
    %scan3A_14 = arith.addi %scan3A_12, %scan3A_13 : i32
    %scan3A_15 = arith.constant 1 : i32
    scf.for %scan3A_50 = %scan3A_12 to %scan3A_14 step %scan3A_15  : i32 {
      %mul3A_51 = arith.constant 2 : i32
      %mul3A_52 = arith.muli %scan3A_50, %mul3A_51 : i32
      %mul3A_53 = arith.constant 40 : i32
      %mul3A_54 = arith.muli %mul3A_52, %mul3A_53 : i32
      %dma_wait3A_55 = tpu.memref_slice %arg5[%mul3A_54] : memref<10000xi32, #tpu.memory_space<vmem>> -> memref<40xi32, #tpu.memory_space<vmem>>
      %dma_wait3A_56 = arith.constant 0 : i32
      %dma_wait3A_57 = arith.constant 0 : i32
      %dma_wait3A_58 = tpu.memref_slice %arg2[%dma_wait3A_56, %dma_wait3A_57] : memref<10000x128xf32, #tpu.memory_space<hbm>> -> memref<10000x128xf32, #tpu.memory_space<hbm>>
      tpu.wait_indirect_dma semaphore(%arg8 : memref<!tpu.dma_semaphore, #tpu.memory_space<semaphore_mem>>) src(%dma_wait3A_58 : memref<10000x128xf32, #tpu.memory_space<hbm>>) dst(%arg6 : memref<40x128xf32, #tpu.memory_space<vmem>>)
      %mul3A_59 = arith.constant 40 : i32
      %mul3A_60 = arith.muli %mul3A_52, %mul3A_59 : i32
      %add3A_61 = arith.addi %mul3A_2, %mul3A_60 : i32
      %dma_start3A_62 = arith.constant 0 : i32
      %dma_start3A_63 = tpu.memref_slice %arg4[%add3A_61, %dma_start3A_62] : memref<320000x128xf32, #tpu.memory_space<hbm>> -> memref<40x128xf32, #tpu.memory_space<hbm>>
      %dma_start3A_64 = arith.constant 0 : i32
      %dma_start3A_65 = tpu.memref_slice %arg4[%add3A_61, %dma_start3A_64] : memref<320000x128xf32, #tpu.memory_space<hbm>> -> memref<40x128xf32, #tpu.memory_space<hbm>>
      tpu.enqueue_dma source(%arg6 : memref<40x128xf32, #tpu.memory_space<vmem>>) target(%dma_start3A_65 : memref<40x128xf32, #tpu.memory_space<hbm>>) target_semaphore(%arg10 : memref<!tpu.dma_semaphore, #tpu.memory_space<semaphore_mem>>)
      %add3A_66 = arith.constant 1 : i32
      %add3A_67 = arith.addi %mul3A_52, %add3A_66 : i32
      %mul3A_68 = arith.constant 40 : i32
      %mul3A_69 = arith.muli %add3A_67, %mul3A_68 : i32
      %dma_wait3A_70 = tpu.memref_slice %arg5[%mul3A_69] : memref<10000xi32, #tpu.memory_space<vmem>> -> memref<40xi32, #tpu.memory_space<vmem>>
      %dma_wait3A_71 = arith.constant 0 : i32
      %dma_wait3A_72 = arith.constant 0 : i32
      %dma_wait3A_73 = tpu.memref_slice %arg2[%dma_wait3A_71, %dma_wait3A_72] : memref<10000x128xf32, #tpu.memory_space<hbm>> -> memref<10000x128xf32, #tpu.memory_space<hbm>>
      tpu.wait_indirect_dma semaphore(%arg9 : memref<!tpu.dma_semaphore, #tpu.memory_space<semaphore_mem>>) src(%dma_wait3A_73 : memref<10000x128xf32, #tpu.memory_space<hbm>>) dst(%arg7 : memref<40x128xf32, #tpu.memory_space<vmem>>)
      %add3A_74 = arith.constant 1 : i32
      %add3A_75 = arith.addi %mul3A_52, %add3A_74 : i32
      %mul3A_76 = arith.constant 40 : i32
      %mul3A_77 = arith.muli %add3A_75, %mul3A_76 : i32
      %add3A_78 = arith.addi %mul3A_2, %mul3A_77 : i32
      %dma_start3A_79 = arith.constant 0 : i32
      %dma_start3A_80 = tpu.memref_slice %arg4[%add3A_78, %dma_start3A_79] : memref<320000x128xf32, #tpu.memory_space<hbm>> -> memref<40x128xf32, #tpu.memory_space<hbm>>
      %dma_start3A_81 = arith.constant 0 : i32
      %dma_start3A_82 = tpu.memref_slice %arg4[%add3A_78, %dma_start3A_81] : memref<320000x128xf32, #tpu.memory_space<hbm>> -> memref<40x128xf32, #tpu.memory_space<hbm>>
      tpu.enqueue_dma source(%arg7 : memref<40x128xf32, #tpu.memory_space<vmem>>) target(%dma_start3A_82 : memref<40x128xf32, #tpu.memory_space<hbm>>) target_semaphore(%arg11 : memref<!tpu.dma_semaphore, #tpu.memory_space<semaphore_mem>>)
      %mul3A_83 = arith.constant 40 : i32
      %mul3A_84 = arith.muli %mul3A_52, %mul3A_83 : i32
      %add3A_85 = arith.addi %mul3A_2, %mul3A_84 : i32
      %dma_wait3A_86 = arith.constant 0 : i32
      %dma_wait3A_87 = tpu.memref_slice %arg4[%add3A_85, %dma_wait3A_86] : memref<320000x128xf32, #tpu.memory_space<hbm>> -> memref<40x128xf32, #tpu.memory_space<hbm>>
      %dma_wait3A_88 = arith.constant 0 : i32
      %dma_wait3A_89 = tpu.memref_slice %arg4[%add3A_85, %dma_wait3A_88] : memref<320000x128xf32, #tpu.memory_space<hbm>> -> memref<40x128xf32, #tpu.memory_space<hbm>>
      tpu.wait_dma2 semaphore(%arg10 : memref<!tpu.dma_semaphore, #tpu.memory_space<semaphore_mem>>) src(%arg6 : memref<40x128xf32, #tpu.memory_space<vmem>>) dst(%dma_wait3A_89 : memref<40x128xf32, #tpu.memory_space<hbm>>)
      %add3A_90 = arith.constant 2 : i32
      %add3A_91 = arith.addi %mul3A_52, %add3A_90 : i32
      %mul3A_92 = arith.constant 40 : i32
      %mul3A_93 = arith.muli %add3A_91, %mul3A_92 : i32
      %dma_start3A_94 = tpu.memref_slice %arg5[%mul3A_93] : memref<10000xi32, #tpu.memory_space<vmem>> -> memref<40xi32, #tpu.memory_space<vmem>>
      %dma_start3A_95 = arith.constant 0 : i32
      %dma_start3A_96 = arith.constant 0 : i32
      %dma_start3A_97 = tpu.memref_slice %arg2[%dma_start3A_95, %dma_start3A_96] : memref<10000x128xf32, #tpu.memory_space<hbm>> -> memref<10000x128xf32, #tpu.memory_space<hbm>>
      tpu.enqueue_indirect_dma source(%dma_start3A_97 : memref<10000x128xf32, #tpu.memory_space<hbm>>) target(%arg6 : memref<40x128xf32, #tpu.memory_space<vmem>>) offsets(%dma_start3A_94 : memref<40xi32, #tpu.memory_space<vmem>>) semaphore(%arg8 : memref<!tpu.dma_semaphore, #tpu.memory_space<semaphore_mem>>)
      %add3A_98 = arith.constant 1 : i32
      %add3A_99 = arith.addi %mul3A_52, %add3A_98 : i32
      %mul3A_100 = arith.constant 40 : i32
      %mul3A_101 = arith.muli %add3A_99, %mul3A_100 : i32
      %add3A_102 = arith.addi %mul3A_2, %mul3A_101 : i32
      %dma_wait3A_103 = arith.constant 0 : i32
      %dma_wait3A_104 = tpu.memref_slice %arg4[%add3A_102, %dma_wait3A_103] : memref<320000x128xf32, #tpu.memory_space<hbm>> -> memref<40x128xf32, #tpu.memory_space<hbm>>
      %dma_wait3A_105 = arith.constant 0 : i32
      %dma_wait3A_106 = tpu.memref_slice %arg4[%add3A_102, %dma_wait3A_105] : memref<320000x128xf32, #tpu.memory_space<hbm>> -> memref<40x128xf32, #tpu.memory_space<hbm>>
      tpu.wait_dma2 semaphore(%arg11 : memref<!tpu.dma_semaphore, #tpu.memory_space<semaphore_mem>>) src(%arg7 : memref<40x128xf32, #tpu.memory_space<vmem>>) dst(%dma_wait3A_106 : memref<40x128xf32, #tpu.memory_space<hbm>>)
      %add3A_107 = arith.constant 3 : i32
      %add3A_108 = arith.addi %mul3A_52, %add3A_107 : i32
      %mul3A_109 = arith.constant 40 : i32
      %mul3A_110 = arith.muli %add3A_108, %mul3A_109 : i32
      %dma_start3A_111 = tpu.memref_slice %arg5[%mul3A_110] : memref<10000xi32, #tpu.memory_space<vmem>> -> memref<40xi32, #tpu.memory_space<vmem>>
      %dma_start3A_112 = arith.constant 0 : i32
      %dma_start3A_113 = arith.constant 0 : i32
      %dma_start3A_114 = tpu.memref_slice %arg2[%dma_start3A_112, %dma_start3A_113] : memref<10000x128xf32, #tpu.memory_space<hbm>> -> memref<10000x128xf32, #tpu.memory_space<hbm>>
      tpu.enqueue_indirect_dma source(%dma_start3A_114 : memref<10000x128xf32, #tpu.memory_space<hbm>>) target(%arg7 : memref<40x128xf32, #tpu.memory_space<vmem>>) offsets(%dma_start3A_111 : memref<40xi32, #tpu.memory_space<vmem>>) semaphore(%arg9 : memref<!tpu.dma_semaphore, #tpu.memory_space<semaphore_mem>>)
    }
    %scan3A_16 = arith.constant 124 : i32
    %dma_wait3A = arith.constant 9920 : i32
    %dma_wait3A_17 = tpu.memref_slice %arg5[%dma_wait3A] : memref<10000xi32, #tpu.memory_space<vmem>> -> memref<40xi32, #tpu.memory_space<vmem>>
    %dma_wait3A_18 = arith.constant 0 : i32
    %dma_wait3A_19 = arith.constant 0 : i32
    %dma_wait3A_20 = tpu.memref_slice %arg2[%dma_wait3A_18, %dma_wait3A_19] : memref<10000x128xf32, #tpu.memory_space<hbm>> -> memref<10000x128xf32, #tpu.memory_space<hbm>>
    tpu.wait_indirect_dma semaphore(%arg8 : memref<!tpu.dma_semaphore, #tpu.memory_space<semaphore_mem>>) src(%dma_wait3A_20 : memref<10000x128xf32, #tpu.memory_space<hbm>>) dst(%arg6 : memref<40x128xf32, #tpu.memory_space<vmem>>)
    %add3A_21 = arith.constant 9920 : i32
    %add3A_22 = arith.addi %mul3A_2, %add3A_21 : i32
    %dma_start3A_23 = arith.constant 0 : i32
    %dma_start3A_24 = tpu.memref_slice %arg4[%add3A_22, %dma_start3A_23] : memref<320000x128xf32, #tpu.memory_space<hbm>> -> memref<40x128xf32, #tpu.memory_space<hbm>>
    %dma_start3A_25 = arith.constant 0 : i32
    %dma_start3A_26 = tpu.memref_slice %arg4[%add3A_22, %dma_start3A_25] : memref<320000x128xf32, #tpu.memory_space<hbm>> -> memref<40x128xf32, #tpu.memory_space<hbm>>
    tpu.enqueue_dma source(%arg6 : memref<40x128xf32, #tpu.memory_space<vmem>>) target(%dma_start3A_26 : memref<40x128xf32, #tpu.memory_space<hbm>>) target_semaphore(%arg10 : memref<!tpu.dma_semaphore, #tpu.memory_space<semaphore_mem>>)
    %dma_wait3A_27 = arith.constant 9960 : i32
    %dma_wait3A_28 = tpu.memref_slice %arg5[%dma_wait3A_27] : memref<10000xi32, #tpu.memory_space<vmem>> -> memref<40xi32, #tpu.memory_space<vmem>>
    %dma_wait3A_29 = arith.constant 0 : i32
    %dma_wait3A_30 = arith.constant 0 : i32
    %dma_wait3A_31 = tpu.memref_slice %arg2[%dma_wait3A_29, %dma_wait3A_30] : memref<10000x128xf32, #tpu.memory_space<hbm>> -> memref<10000x128xf32, #tpu.memory_space<hbm>>
    tpu.wait_indirect_dma semaphore(%arg9 : memref<!tpu.dma_semaphore, #tpu.memory_space<semaphore_mem>>) src(%dma_wait3A_31 : memref<10000x128xf32, #tpu.memory_space<hbm>>) dst(%arg7 : memref<40x128xf32, #tpu.memory_space<vmem>>)
    %add3A_32 = arith.constant 9960 : i32
    %add3A_33 = arith.addi %mul3A_2, %add3A_32 : i32
    %dma_start3A_34 = arith.constant 0 : i32
    %dma_start3A_35 = tpu.memref_slice %arg4[%add3A_33, %dma_start3A_34] : memref<320000x128xf32, #tpu.memory_space<hbm>> -> memref<40x128xf32, #tpu.memory_space<hbm>>
    %dma_start3A_36 = arith.constant 0 : i32
    %dma_start3A_37 = tpu.memref_slice %arg4[%add3A_33, %dma_start3A_36] : memref<320000x128xf32, #tpu.memory_space<hbm>> -> memref<40x128xf32, #tpu.memory_space<hbm>>
    tpu.enqueue_dma source(%arg7 : memref<40x128xf32, #tpu.memory_space<vmem>>) target(%dma_start3A_37 : memref<40x128xf32, #tpu.memory_space<hbm>>) target_semaphore(%arg11 : memref<!tpu.dma_semaphore, #tpu.memory_space<semaphore_mem>>)
    %add3A_38 = arith.constant 9920 : i32
    %add3A_39 = arith.addi %mul3A_2, %add3A_38 : i32
    %dma_wait3A_40 = arith.constant 0 : i32
    %dma_wait3A_41 = tpu.memref_slice %arg4[%add3A_39, %dma_wait3A_40] : memref<320000x128xf32, #tpu.memory_space<hbm>> -> memref<40x128xf32, #tpu.memory_space<hbm>>
    %dma_wait3A_42 = arith.constant 0 : i32
    %dma_wait3A_43 = tpu.memref_slice %arg4[%add3A_39, %dma_wait3A_42] : memref<320000x128xf32, #tpu.memory_space<hbm>> -> memref<40x128xf32, #tpu.memory_space<hbm>>
    tpu.wait_dma2 semaphore(%arg10 : memref<!tpu.dma_semaphore, #tpu.memory_space<semaphore_mem>>) src(%arg6 : memref<40x128xf32, #tpu.memory_space<vmem>>) dst(%dma_wait3A_43 : memref<40x128xf32, #tpu.memory_space<hbm>>)
    %add3A_44 = arith.constant 9960 : i32
    %add3A_45 = arith.addi %mul3A_2, %add3A_44 : i32
    %dma_wait3A_46 = arith.constant 0 : i32
    %dma_wait3A_47 = tpu.memref_slice %arg4[%add3A_45, %dma_wait3A_46] : memref<320000x128xf32, #tpu.memory_space<hbm>> -> memref<40x128xf32, #tpu.memory_space<hbm>>
    %dma_wait3A_48 = arith.constant 0 : i32
    %dma_wait3A_49 = tpu.memref_slice %arg4[%add3A_45, %dma_wait3A_48] : memref<320000x128xf32, #tpu.memory_space<hbm>> -> memref<40x128xf32, #tpu.memory_space<hbm>>
    tpu.wait_dma2 semaphore(%arg11 : memref<!tpu.dma_semaphore, #tpu.memory_space<semaphore_mem>>) src(%arg7 : memref<40x128xf32, #tpu.memory_space<vmem>>) dst(%dma_wait3A_49 : memref<40x128xf32, #tpu.memory_space<hbm>>)
    return
  }
}

#map = affine_map<(d0, d1) -> (0, 0)>
#map1 = affine_map<(d0, d1) -> (0)>
module attributes {stable_mosaic.version = 14 : i64} {
  func.func @gather_k(%arg0: i32, %arg1: i32, %arg2: memref<10000x128xf32, #tpu.memory_space<hbm>>, %arg3: memref<320000xi32, #tpu.memory_space<hbm>>, %arg4: memref<320000x128xf32, #tpu.memory_space<hbm>>, %arg5: memref<10000xi32, #tpu.memory_space<vmem>>, %arg6: memref<40x128xf32, #tpu.memory_space<vmem>>, %arg7: memref<40x128xf32, #tpu.memory_space<vmem>>, %arg8: memref<!tpu.dma_semaphore, #tpu.memory_space<semaphore_mem>>, %arg9: memref<!tpu.dma_semaphore, #tpu.memory_space<semaphore_mem>>, %arg10: memref<!tpu.dma_semaphore, #tpu.memory_space<semaphore_mem>>, %arg11: memref<!tpu.dma_semaphore, #tpu.memory_space<semaphore_mem>>) attributes {dimension_semantics = [#tpu.dimension_semantics<core_parallel>, #tpu.dimension_semantics<subcore_parallel>], iteration_bounds = array<i64: 2, 16>, scalar_prefetch = 0 : i64, scratch_operands = 7 : i64, tpu.core_type = #tpu.core_type<sc_vector_subcore>, window_params = [{transform_indices = #map}, {transform_indices = #map1}, {transform_indices = #map}]} {
    %mul3A = arith.constant 2 : i32
    %mul3A_0 = arith.muli %arg1, %mul3A : i32
    %add3A = arith.addi %mul3A_0, %arg0 : i32
    %mul3A_1 = arith.constant 10000 : i32
    %mul3A_2 = arith.muli %add3A, %mul3A_1 : i32
    "tpu.region"() ({
      %run_scoped3A = tpu.sem_alloc : memref<!tpu.dma_semaphore, #tpu.memory_space<semaphore_mem>>
      %dma_start3A_50 = tpu.memref_slice %arg3[%mul3A_2] : memref<320000xi32, #tpu.memory_space<hbm>> -> memref<10000xi32, #tpu.memory_space<hbm>>
      %dma_start3A_51 = tpu.memref_slice %arg3[%mul3A_2] : memref<320000xi32, #tpu.memory_space<hbm>> -> memref<10000xi32, #tpu.memory_space<hbm>>
      tpu.enqueue_dma source(%dma_start3A_51 : memref<10000xi32, #tpu.memory_space<hbm>>) target(%arg5 : memref<10000xi32, #tpu.memory_space<vmem>>) target_semaphore(%run_scoped3A : memref<!tpu.dma_semaphore, #tpu.memory_space<semaphore_mem>>)
      %dma_wait3A_52 = tpu.memref_slice %arg3[%mul3A_2] : memref<320000xi32, #tpu.memory_space<hbm>> -> memref<10000xi32, #tpu.memory_space<hbm>>
      %dma_wait3A_53 = tpu.memref_slice %arg3[%mul3A_2] : memref<320000xi32, #tpu.memory_space<hbm>> -> memref<10000xi32, #tpu.memory_space<hbm>>
      tpu.wait_dma2 semaphore(%run_scoped3A : memref<!tpu.dma_semaphore, #tpu.memory_space<semaphore_mem>>) src(%dma_wait3A_53 : memref<10000xi32, #tpu.memory_space<hbm>>) dst(%arg5 : memref<10000xi32, #tpu.memory_space<vmem>>)
      tpu.yield
    }) : () -> ()
    %dma_start3A = arith.constant 0 : i32
    %dma_start3A_3 = tpu.memref_slice %arg5[%dma_start3A] : memref<10000xi32, #tpu.memory_space<vmem>> -> memref<40xi32, #tpu.memory_space<vmem>>
    %dma_start3A_4 = arith.constant 0 : i32
    %dma_start3A_5 = arith.constant 0 : i32
    %dma_start3A_6 = tpu.memref_slice %arg2[%dma_start3A_4, %dma_start3A_5] : memref<10000x128xf32, #tpu.memory_space<hbm>> -> memref<10000x128xf32, #tpu.memory_space<hbm>>
    tpu.enqueue_indirect_dma source(%dma_start3A_6 : memref<10000x128xf32, #tpu.memory_space<hbm>>) target(%arg6 : memref<40x128xf32, #tpu.memory_space<vmem>>) offsets(%dma_start3A_3 : memref<40xi32, #tpu.memory_space<vmem>>) semaphore(%arg8 : memref<!tpu.dma_semaphore, #tpu.memory_space<semaphore_mem>>)
    %dma_start3A_7 = arith.constant 40 : i32
    %dma_start3A_8 = tpu.memref_slice %arg5[%dma_start3A_7] : memref<10000xi32, #tpu.memory_space<vmem>> -> memref<40xi32, #tpu.memory_space<vmem>>
    %dma_start3A_9 = arith.constant 0 : i32
    %dma_start3A_10 = arith.constant 0 : i32
    %dma_start3A_11 = tpu.memref_slice %arg2[%dma_start3A_9, %dma_start3A_10] : memref<10000x128xf32, #tpu.memory_space<hbm>> -> memref<10000x128xf32, #tpu.memory_space<hbm>>
    tpu.enqueue_indirect_dma source(%dma_start3A_11 : memref<10000x128xf32, #tpu.memory_space<hbm>>) target(%arg7 : memref<40x128xf32, #tpu.memory_space<vmem>>) offsets(%dma_start3A_8 : memref<40xi32, #tpu.memory_space<vmem>>) semaphore(%arg9 : memref<!tpu.dma_semaphore, #tpu.memory_space<semaphore_mem>>)
    %scan3A = arith.constant 0 : i32
    %scan3A_12 = arith.constant 0 : i32
    %scan3A_13 = arith.constant 124 : i32
    %scan3A_14 = arith.addi %scan3A_12, %scan3A_13 : i32
    %scan3A_15 = arith.constant 1 : i32
    scf.for %scan3A_50 = %scan3A_12 to %scan3A_14 step %scan3A_15  : i32 {
      %mul3A_51 = arith.constant 2 : i32
      %mul3A_52 = arith.muli %scan3A_50, %mul3A_51 : i32
      %mul3A_53 = arith.constant 40 : i32
      %mul3A_54 = arith.muli %mul3A_52, %mul3A_53 : i32
      %dma_wait3A_55 = tpu.memref_slice %arg5[%mul3A_54] : memref<10000xi32, #tpu.memory_space<vmem>> -> memref<40xi32, #tpu.memory_space<vmem>>
      %dma_wait3A_56 = arith.constant 0 : i32
      %dma_wait3A_57 = arith.constant 0 : i32
      %dma_wait3A_58 = tpu.memref_slice %arg2[%dma_wait3A_56, %dma_wait3A_57] : memref<10000x128xf32, #tpu.memory_space<hbm>> -> memref<10000x128xf32, #tpu.memory_space<hbm>>
      tpu.wait_indirect_dma semaphore(%arg8 : memref<!tpu.dma_semaphore, #tpu.memory_space<semaphore_mem>>) src(%dma_wait3A_58 : memref<10000x128xf32, #tpu.memory_space<hbm>>) dst(%arg6 : memref<40x128xf32, #tpu.memory_space<vmem>>)
      %mul3A_59 = arith.constant 40 : i32
      %mul3A_60 = arith.muli %mul3A_52, %mul3A_59 : i32
      %add3A_61 = arith.addi %mul3A_2, %mul3A_60 : i32
      %dma_start3A_62 = arith.constant 0 : i32
      %dma_start3A_63 = tpu.memref_slice %arg4[%add3A_61, %dma_start3A_62] : memref<320000x128xf32, #tpu.memory_space<hbm>> -> memref<40x128xf32, #tpu.memory_space<hbm>>
      %dma_start3A_64 = arith.constant 0 : i32
      %dma_start3A_65 = tpu.memref_slice %arg4[%add3A_61, %dma_start3A_64] : memref<320000x128xf32, #tpu.memory_space<hbm>> -> memref<40x128xf32, #tpu.memory_space<hbm>>
      tpu.enqueue_dma source(%arg6 : memref<40x128xf32, #tpu.memory_space<vmem>>) target(%dma_start3A_65 : memref<40x128xf32, #tpu.memory_space<hbm>>) target_semaphore(%arg10 : memref<!tpu.dma_semaphore, #tpu.memory_space<semaphore_mem>>)
      %add3A_66 = arith.constant 1 : i32
      %add3A_67 = arith.addi %mul3A_52, %add3A_66 : i32
      %mul3A_68 = arith.constant 40 : i32
      %mul3A_69 = arith.muli %add3A_67, %mul3A_68 : i32
      %dma_wait3A_70 = tpu.memref_slice %arg5[%mul3A_69] : memref<10000xi32, #tpu.memory_space<vmem>> -> memref<40xi32, #tpu.memory_space<vmem>>
      %dma_wait3A_71 = arith.constant 0 : i32
      %dma_wait3A_72 = arith.constant 0 : i32
      %dma_wait3A_73 = tpu.memref_slice %arg2[%dma_wait3A_71, %dma_wait3A_72] : memref<10000x128xf32, #tpu.memory_space<hbm>> -> memref<10000x128xf32, #tpu.memory_space<hbm>>
      tpu.wait_indirect_dma semaphore(%arg9 : memref<!tpu.dma_semaphore, #tpu.memory_space<semaphore_mem>>) src(%dma_wait3A_73 : memref<10000x128xf32, #tpu.memory_space<hbm>>) dst(%arg7 : memref<40x128xf32, #tpu.memory_space<vmem>>)
      %add3A_74 = arith.constant 1 : i32
      %add3A_75 = arith.addi %mul3A_52, %add3A_74 : i32
      %mul3A_76 = arith.constant 40 : i32
      %mul3A_77 = arith.muli %add3A_75, %mul3A_76 : i32
      %add3A_78 = arith.addi %mul3A_2, %mul3A_77 : i32
      %dma_start3A_79 = arith.constant 0 : i32
      %dma_start3A_80 = tpu.memref_slice %arg4[%add3A_78, %dma_start3A_79] : memref<320000x128xf32, #tpu.memory_space<hbm>> -> memref<40x128xf32, #tpu.memory_space<hbm>>
      %dma_start3A_81 = arith.constant 0 : i32
      %dma_start3A_82 = tpu.memref_slice %arg4[%add3A_78, %dma_start3A_81] : memref<320000x128xf32, #tpu.memory_space<hbm>> -> memref<40x128xf32, #tpu.memory_space<hbm>>
      tpu.enqueue_dma source(%arg7 : memref<40x128xf32, #tpu.memory_space<vmem>>) target(%dma_start3A_82 : memref<40x128xf32, #tpu.memory_space<hbm>>) target_semaphore(%arg11 : memref<!tpu.dma_semaphore, #tpu.memory_space<semaphore_mem>>)
      %mul3A_83 = arith.constant 40 : i32
      %mul3A_84 = arith.muli %mul3A_52, %mul3A_83 : i32
      %add3A_85 = arith.addi %mul3A_2, %mul3A_84 : i32
      %dma_wait3A_86 = arith.constant 0 : i32
      %dma_wait3A_87 = tpu.memref_slice %arg4[%add3A_85, %dma_wait3A_86] : memref<320000x128xf32, #tpu.memory_space<hbm>> -> memref<40x128xf32, #tpu.memory_space<hbm>>
      %dma_wait3A_88 = arith.constant 0 : i32
      %dma_wait3A_89 = tpu.memref_slice %arg4[%add3A_85, %dma_wait3A_88] : memref<320000x128xf32, #tpu.memory_space<hbm>> -> memref<40x128xf32, #tpu.memory_space<hbm>>
      tpu.wait_dma2 semaphore(%arg10 : memref<!tpu.dma_semaphore, #tpu.memory_space<semaphore_mem>>) src(%arg6 : memref<40x128xf32, #tpu.memory_space<vmem>>) dst(%dma_wait3A_89 : memref<40x128xf32, #tpu.memory_space<hbm>>)
      %add3A_90 = arith.constant 2 : i32
      %add3A_91 = arith.addi %mul3A_52, %add3A_90 : i32
      %mul3A_92 = arith.constant 40 : i32
      %mul3A_93 = arith.muli %add3A_91, %mul3A_92 : i32
      %dma_start3A_94 = tpu.memref_slice %arg5[%mul3A_93] : memref<10000xi32, #tpu.memory_space<vmem>> -> memref<40xi32, #tpu.memory_space<vmem>>
      %dma_start3A_95 = arith.constant 0 : i32
      %dma_start3A_96 = arith.constant 0 : i32
      %dma_start3A_97 = tpu.memref_slice %arg2[%dma_start3A_95, %dma_start3A_96] : memref<10000x128xf32, #tpu.memory_space<hbm>> -> memref<10000x128xf32, #tpu.memory_space<hbm>>
      tpu.enqueue_indirect_dma source(%dma_start3A_97 : memref<10000x128xf32, #tpu.memory_space<hbm>>) target(%arg6 : memref<40x128xf32, #tpu.memory_space<vmem>>) offsets(%dma_start3A_94 : memref<40xi32, #tpu.memory_space<vmem>>) semaphore(%arg8 : memref<!tpu.dma_semaphore, #tpu.memory_space<semaphore_mem>>)
      %add3A_98 = arith.constant 1 : i32
      %add3A_99 = arith.addi %mul3A_52, %add3A_98 : i32
      %mul3A_100 = arith.constant 40 : i32
      %mul3A_101 = arith.muli %add3A_99, %mul3A_100 : i32
      %add3A_102 = arith.addi %mul3A_2, %mul3A_101 : i32
      %dma_wait3A_103 = arith.constant 0 : i32
      %dma_wait3A_104 = tpu.memref_slice %arg4[%add3A_102, %dma_wait3A_103] : memref<320000x128xf32, #tpu.memory_space<hbm>> -> memref<40x128xf32, #tpu.memory_space<hbm>>
      %dma_wait3A_105 = arith.constant 0 : i32
      %dma_wait3A_106 = tpu.memref_slice %arg4[%add3A_102, %dma_wait3A_105] : memref<320000x128xf32, #tpu.memory_space<hbm>> -> memref<40x128xf32, #tpu.memory_space<hbm>>
      tpu.wait_dma2 semaphore(%arg11 : memref<!tpu.dma_semaphore, #tpu.memory_space<semaphore_mem>>) src(%arg7 : memref<40x128xf32, #tpu.memory_space<vmem>>) dst(%dma_wait3A_106 : memref<40x128xf32, #tpu.memory_space<hbm>>)
      %add3A_107 = arith.constant 3 : i32
      %add3A_108 = arith.addi %mul3A_52, %add3A_107 : i32
      %mul3A_109 = arith.constant 40 : i32
      %mul3A_110 = arith.muli %add3A_108, %mul3A_109 : i32
      %dma_start3A_111 = tpu.memref_slice %arg5[%mul3A_110] : memref<10000xi32, #tpu.memory_space<vmem>> -> memref<40xi32, #tpu.memory_space<vmem>>
      %dma_start3A_112 = arith.constant 0 : i32
      %dma_start3A_113 = arith.constant 0 : i32
      %dma_start3A_114 = tpu.memref_slice %arg2[%dma_start3A_112, %dma_start3A_113] : memref<10000x128xf32, #tpu.memory_space<hbm>> -> memref<10000x128xf32, #tpu.memory_space<hbm>>
      tpu.enqueue_indirect_dma source(%dma_start3A_114 : memref<10000x128xf32, #tpu.memory_space<hbm>>) target(%arg7 : memref<40x128xf32, #tpu.memory_space<vmem>>) offsets(%dma_start3A_111 : memref<40xi32, #tpu.memory_space<vmem>>) semaphore(%arg9 : memref<!tpu.dma_semaphore, #tpu.memory_space<semaphore_mem>>)
    }
    %scan3A_16 = arith.constant 124 : i32
    %dma_wait3A = arith.constant 9920 : i32
    %dma_wait3A_17 = tpu.memref_slice %arg5[%dma_wait3A] : memref<10000xi32, #tpu.memory_space<vmem>> -> memref<40xi32, #tpu.memory_space<vmem>>
    %dma_wait3A_18 = arith.constant 0 : i32
    %dma_wait3A_19 = arith.constant 0 : i32
    %dma_wait3A_20 = tpu.memref_slice %arg2[%dma_wait3A_18, %dma_wait3A_19] : memref<10000x128xf32, #tpu.memory_space<hbm>> -> memref<10000x128xf32, #tpu.memory_space<hbm>>
    tpu.wait_indirect_dma semaphore(%arg8 : memref<!tpu.dma_semaphore, #tpu.memory_space<semaphore_mem>>) src(%dma_wait3A_20 : memref<10000x128xf32, #tpu.memory_space<hbm>>) dst(%arg6 : memref<40x128xf32, #tpu.memory_space<vmem>>)
    %add3A_21 = arith.constant 9920 : i32
    %add3A_22 = arith.addi %mul3A_2, %add3A_21 : i32
    %dma_start3A_23 = arith.constant 0 : i32
    %dma_start3A_24 = tpu.memref_slice %arg4[%add3A_22, %dma_start3A_23] : memref<320000x128xf32, #tpu.memory_space<hbm>> -> memref<40x128xf32, #tpu.memory_space<hbm>>
    %dma_start3A_25 = arith.constant 0 : i32
    %dma_start3A_26 = tpu.memref_slice %arg4[%add3A_22, %dma_start3A_25] : memref<320000x128xf32, #tpu.memory_space<hbm>> -> memref<40x128xf32, #tpu.memory_space<hbm>>
    tpu.enqueue_dma source(%arg6 : memref<40x128xf32, #tpu.memory_space<vmem>>) target(%dma_start3A_26 : memref<40x128xf32, #tpu.memory_space<hbm>>) target_semaphore(%arg10 : memref<!tpu.dma_semaphore, #tpu.memory_space<semaphore_mem>>)
    %dma_wait3A_27 = arith.constant 9960 : i32
    %dma_wait3A_28 = tpu.memref_slice %arg5[%dma_wait3A_27] : memref<10000xi32, #tpu.memory_space<vmem>> -> memref<40xi32, #tpu.memory_space<vmem>>
    %dma_wait3A_29 = arith.constant 0 : i32
    %dma_wait3A_30 = arith.constant 0 : i32
    %dma_wait3A_31 = tpu.memref_slice %arg2[%dma_wait3A_29, %dma_wait3A_30] : memref<10000x128xf32, #tpu.memory_space<hbm>> -> memref<10000x128xf32, #tpu.memory_space<hbm>>
    tpu.wait_indirect_dma semaphore(%arg9 : memref<!tpu.dma_semaphore, #tpu.memory_space<semaphore_mem>>) src(%dma_wait3A_31 : memref<10000x128xf32, #tpu.memory_space<hbm>>) dst(%arg7 : memref<40x128xf32, #tpu.memory_space<vmem>>)
    %add3A_32 = arith.constant 9960 : i32
    %add3A_33 = arith.addi %mul3A_2, %add3A_32 : i32
    %dma_start3A_34 = arith.constant 0 : i32
    %dma_start3A_35 = tpu.memref_slice %arg4[%add3A_33, %dma_start3A_34] : memref<320000x128xf32, #tpu.memory_space<hbm>> -> memref<40x128xf32, #tpu.memory_space<hbm>>
    %dma_start3A_36 = arith.constant 0 : i32
    %dma_start3A_37 = tpu.memref_slice %arg4[%add3A_33, %dma_start3A_36] : memref<320000x128xf32, #tpu.memory_space<hbm>> -> memref<40x128xf32, #tpu.memory_space<hbm>>
    tpu.enqueue_dma source(%arg7 : memref<40x128xf32, #tpu.memory_space<vmem>>) target(%dma_start3A_37 : memref<40x128xf32, #tpu.memory_space<hbm>>) target_semaphore(%arg11 : memref<!tpu.dma_semaphore, #tpu.memory_space<semaphore_mem>>)
    %add3A_38 = arith.constant 9920 : i32
    %add3A_39 = arith.addi %mul3A_2, %add3A_38 : i32
    %dma_wait3A_40 = arith.constant 0 : i32
    %dma_wait3A_41 = tpu.memref_slice %arg4[%add3A_39, %dma_wait3A_40] : memref<320000x128xf32, #tpu.memory_space<hbm>> -> memref<40x128xf32, #tpu.memory_space<hbm>>
    %dma_wait3A_42 = arith.constant 0 : i32
    %dma_wait3A_43 = tpu.memref_slice %arg4[%add3A_39, %dma_wait3A_42] : memref<320000x128xf32, #tpu.memory_space<hbm>> -> memref<40x128xf32, #tpu.memory_space<hbm>>
    tpu.wait_dma2 semaphore(%arg10 : memref<!tpu.dma_semaphore, #tpu.memory_space<semaphore_mem>>) src(%arg6 : memref<40x128xf32, #tpu.memory_space<vmem>>) dst(%dma_wait3A_43 : memref<40x128xf32, #tpu.memory_space<hbm>>)
    %add3A_44 = arith.constant 9960 : i32
    %add3A_45 = arith.addi %mul3A_2, %add3A_44 : i32
    %dma_wait3A_46 = arith.constant 0 : i32
    %dma_wait3A_47 = tpu.memref_slice %arg4[%add3A_45, %dma_wait3A_46] : memref<320000x128xf32, #tpu.memory_space<hbm>> -> memref<40x128xf32, #tpu.memory_space<hbm>>
    %dma_wait3A_48 = arith.constant 0 : i32
    %dma_wait3A_49 = tpu.memref_slice %arg4[%add3A_45, %dma_wait3A_48] : memref<320000x128xf32, #tpu.memory_space<hbm>> -> memref<40x128xf32, #tpu.memory_space<hbm>>
    tpu.wait_dma2 semaphore(%arg11 : memref<!tpu.dma_semaphore, #tpu.memory_space<semaphore_mem>>) src(%arg7 : memref<40x128xf32, #tpu.memory_space<vmem>>) dst(%dma_wait3A_49 : memref<40x128xf32, #tpu.memory_space<hbm>>)
    return
  }
}

module attributes {stable_mosaic.version = 14 : i64} {
  func.func @body(%arg0: i32, %arg1: memref<32x400x128xf32, #tpu.memory_space<vmem>>, %arg2: memref<400x128xf32, #tpu.memory_space<vmem>>, %arg3: memref<256x512xbf16, #tpu.memory_space<vmem>>, %arg4: memref<1x512xf32, #tpu.memory_space<vmem>>, %arg5: memref<256x128xbf16, #tpu.memory_space<vmem>>, %arg6: memref<1x128xf32, #tpu.memory_space<vmem>>, %arg7: memref<400x128xf32, #tpu.memory_space<vmem>>) attributes {dimension_semantics = [#tpu.dimension_semantics<arbitrary>], iteration_bounds = array<i64: 25>, scalar_prefetch = 0 : i64, scratch_operands = 0 : i64, tpu.core_type = #tpu.core_type<tc>, window_params = [{transform_indices = @transform_0, window_bounds = array<i64: 32, 400, 128>}, {transform_indices = @transform_1, window_bounds = array<i64: 400, 128>}, {pipeline_mode = #tpu.pipeline_mode<synchronous>, transform_indices = @transform_2, window_bounds = array<i64: 256, 512>}, {pipeline_mode = #tpu.pipeline_mode<synchronous>, transform_indices = @transform_3, window_bounds = array<i64: 1, 512>}, {pipeline_mode = #tpu.pipeline_mode<synchronous>, transform_indices = @transform_4, window_bounds = array<i64: 256, 128>}, {pipeline_mode = #tpu.pipeline_mode<synchronous>, transform_indices = @transform_5, window_bounds = array<i64: 1, 128>}, {transform_indices = @transform_6, window_bounds = array<i64: 400, 128>}]} {
    %get3A = arith.constant 0 : index
    %get3A_0 = arith.constant 0 : index
    %get3A_1 = vector.load %arg2[%get3A, %get3A_0] : memref<400x128xf32, #tpu.memory_space<vmem>>, vector<400x128xf32>
    %convert_element_type3A = arith.truncf %get3A_1 : vector<400x128xf32> to vector<400x128xbf16>
    %get3A_2 = arith.constant 0 : index
    %get3A_3 = arith.constant 0 : index
    %get3A_4 = vector.load %arg3[%get3A_2, %get3A_3] : memref<256x512xbf16, #tpu.memory_space<vmem>>, vector<256x512xbf16>
    %get3A_5 = arith.constant 0 : index
    %get3A_6 = arith.constant 0 : index
    %get3A_7 = vector.load %arg4[%get3A_5, %get3A_6] : memref<1x512xf32, #tpu.memory_space<vmem>>, vector<1x512xf32>
    %broadcast_in_dim3A = arith.constant 0.000000e+00 : f32
    %broadcast_in_dim3A_8 = vector.broadcast %broadcast_in_dim3A : f32 to vector<400x128xf32>
    %get3A_9 = arith.constant 0 : index
    %get3A_10 = arith.constant 0 : index
    %get3A_11 = arith.constant 0 : index
    %get3A_12 = vector.load %arg1[%get3A_9, %get3A_10, %get3A_11] : memref<32x400x128xf32, #tpu.memory_space<vmem>>, vector<1x400x128xf32>
    %get3A_13 = vector.shape_cast %get3A_12 : vector<1x400x128xf32> to vector<400x128xf32>
    %convert_element_type3A_14 = arith.truncf %get3A_13 : vector<400x128xf32> to vector<400x128xbf16>
    %convert_element_type3A_15 = arith.truncf %broadcast_in_dim3A_8 : vector<400x128xf32> to vector<400x128xbf16>
    %concatenate3A = tpu.concatenate %convert_element_type3A_14, %convert_element_type3A_15 in 1 : vector<400x128xbf16>, vector<400x128xbf16> -> vector<400x256xbf16>
    %dot_general3A = arith.constant dense<0.000000e+00> : vector<400x512xf32>
    %dot_general3A_16 = tpu.matmul %concatenate3A, %get3A_4, %dot_general3A {dimension_numbers = #tpu.dot_dimension_numbers<[1], [0], [0], [1], [0, 0, 1, 1], [], []>, transpose_lhs_hint = false} : vector<400x256xbf16>, vector<256x512xbf16>, vector<400x512xf32> -> vector<400x512xf32>
    %add3A = vector.broadcast %get3A_7 : vector<1x512xf32> to vector<400x512xf32>
    %add3A_17 = arith.addf %dot_general3A_16, %add3A : vector<400x512xf32>
    %slice3A = vector.extract_strided_slice %add3A_17 {offsets = [0, 0], sizes = [400, 128], strides = [1, 1]} : vector<400x512xf32> to vector<400x128xf32>
    %mul3A = arith.constant 5.000000e-01 : f32
    %mul3A_18 = vector.broadcast %mul3A : f32 to vector<400x128xf32>
    %mul3A_19 = arith.mulf %mul3A_18, %slice3A : vector<400x128xf32>
    %tanh3A = math.tanh %mul3A_19 : vector<400x128xf32>
    %mul3A_20 = arith.constant 5.000000e-01 : f32
    %mul3A_21 = vector.broadcast %mul3A_20 : f32 to vector<400x128xf32>
    %mul3A_22 = arith.mulf %mul3A_21, %tanh3A : vector<400x128xf32>
    %add3A_23 = arith.constant 5.000000e-01 : f32
    %add3A_24 = vector.broadcast %add3A_23 : f32 to vector<400x128xf32>
    %add3A_25 = arith.addf %add3A_24, %mul3A_22 : vector<400x128xf32>
    %slice3A_26 = vector.extract_strided_slice %add3A_17 {offsets = [0, 128], sizes = [400, 128], strides = [1, 1]} : vector<400x512xf32> to vector<400x128xf32>
    %mul3A_27 = arith.constant 5.000000e-01 : f32
    %mul3A_28 = vector.broadcast %mul3A_27 : f32 to vector<400x128xf32>
    %mul3A_29 = arith.mulf %mul3A_28, %slice3A_26 : vector<400x128xf32>
    %tanh3A_30 = math.tanh %mul3A_29 : vector<400x128xf32>
    %mul3A_31 = arith.constant 5.000000e-01 : f32
    %mul3A_32 = vector.broadcast %mul3A_31 : f32 to vector<400x128xf32>
    %mul3A_33 = arith.mulf %mul3A_32, %tanh3A_30 : vector<400x128xf32>
    %add3A_34 = arith.constant 5.000000e-01 : f32
    %add3A_35 = vector.broadcast %add3A_34 : f32 to vector<400x128xf32>
    %add3A_36 = arith.addf %add3A_35, %mul3A_33 : vector<400x128xf32>
    %slice3A_37 = vector.extract_strided_slice %add3A_17 {offsets = [0, 256], sizes = [400, 128], strides = [1, 1]} : vector<400x512xf32> to vector<400x128xf32>
    %tanh3A_38 = math.tanh %slice3A_37 : vector<400x128xf32>
    %slice3A_39 = vector.extract_strided_slice %add3A_17 {offsets = [0, 384], sizes = [400, 128], strides = [1, 1]} : vector<400x512xf32> to vector<400x128xf32>
    %mul3A_40 = arith.constant 5.000000e-01 : f32
    %mul3A_41 = vector.broadcast %mul3A_40 : f32 to vector<400x128xf32>
    %mul3A_42 = arith.mulf %mul3A_41, %slice3A_39 : vector<400x128xf32>
    %tanh3A_43 = math.tanh %mul3A_42 : vector<400x128xf32>
    %mul3A_44 = arith.constant 5.000000e-01 : f32
    %mul3A_45 = vector.broadcast %mul3A_44 : f32 to vector<400x128xf32>
    %mul3A_46 = arith.mulf %mul3A_45, %tanh3A_43 : vector<400x128xf32>
    %add3A_47 = arith.constant 5.000000e-01 : f32
    %add3A_48 = vector.broadcast %add3A_47 : f32 to vector<400x128xf32>
    %add3A_49 = arith.addf %add3A_48, %mul3A_46 : vector<400x128xf32>
    %mul3A_50 = arith.mulf %add3A_36, %broadcast_in_dim3A_8 : vector<400x128xf32>
    %mul3A_51 = arith.mulf %add3A_25, %tanh3A_38 : vector<400x128xf32>
    %add3A_52 = arith.addf %mul3A_50, %mul3A_51 : vector<400x128xf32>
    %tanh3A_53 = math.tanh %add3A_52 : vector<400x128xf32>
    %mul3A_54 = arith.mulf %add3A_49, %tanh3A_53 : vector<400x128xf32>
    %get3A_55 = arith.constant 1 : index
    %get3A_56 = arith.constant 0 : index
    %get3A_57 = arith.constant 0 : index
    %get3A_58 = vector.load %arg1[%get3A_55, %get3A_56, %get3A_57] : memref<32x400x128xf32, #tpu.memory_space<vmem>>, vector<1x400x128xf32>
    %get3A_59 = vector.shape_cast %get3A_58 : vector<1x400x128xf32> to vector<400x128xf32>
    %convert_element_type3A_60 = arith.truncf %get3A_59 : vector<400x128xf32> to vector<400x128xbf16>
    %convert_element_type3A_61 = arith.truncf %mul3A_54 : vector<400x128xf32> to vector<400x128xbf16>
    %concatenate3A_62 = tpu.concatenate %convert_element_type3A_60, %convert_element_type3A_61 in 1 : vector<400x128xbf16>, vector<400x128xbf16> -> vector<400x256xbf16>
    %dot_general3A_63 = arith.constant dense<0.000000e+00> : vector<400x512xf32>
    %dot_general3A_64 = tpu.matmul %concatenate3A_62, %get3A_4, %dot_general3A_63 {dimension_numbers = #tpu.dot_dimension_numbers<[1], [0], [0], [1], [0, 0, 1, 1], [], []>, transpose_lhs_hint = false} : vector<400x256xbf16>, vector<256x512xbf16>, vector<400x512xf32> -> vector<400x512xf32>
    %add3A_65 = vector.broadcast %get3A_7 : vector<1x512xf32> to vector<400x512xf32>
    %add3A_66 = arith.addf %dot_general3A_64, %add3A_65 : vector<400x512xf32>
    %slice3A_67 = vector.extract_strided_slice %add3A_66 {offsets = [0, 0], sizes = [400, 128], strides = [1, 1]} : vector<400x512xf32> to vector<400x128xf32>
    %mul3A_68 = arith.constant 5.000000e-01 : f32
    %mul3A_69 = vector.broadcast %mul3A_68 : f32 to vector<400x128xf32>
    %mul3A_70 = arith.mulf %mul3A_69, %slice3A_67 : vector<400x128xf32>
    %tanh3A_71 = math.tanh %mul3A_70 : vector<400x128xf32>
    %mul3A_72 = arith.constant 5.000000e-01 : f32
    %mul3A_73 = vector.broadcast %mul3A_72 : f32 to vector<400x128xf32>
    %mul3A_74 = arith.mulf %mul3A_73, %tanh3A_71 : vector<400x128xf32>
    %add3A_75 = arith.constant 5.000000e-01 : f32
    %add3A_76 = vector.broadcast %add3A_75 : f32 to vector<400x128xf32>
    %add3A_77 = arith.addf %add3A_76, %mul3A_74 : vector<400x128xf32>
    %slice3A_78 = vector.extract_strided_slice %add3A_66 {offsets = [0, 128], sizes = [400, 128], strides = [1, 1]} : vector<400x512xf32> to vector<400x128xf32>
    %mul3A_79 = arith.constant 5.000000e-01 : f32
    %mul3A_80 = vector.broadcast %mul3A_79 : f32 to vector<400x128xf32>
    %mul3A_81 = arith.mulf %mul3A_80, %slice3A_78 : vector<400x128xf32>
    %tanh3A_82 = math.tanh %mul3A_81 : vector<400x128xf32>
    %mul3A_83 = arith.constant 5.000000e-01 : f32
    %mul3A_84 = vector.broadcast %mul3A_83 : f32 to vector<400x128xf32>
    %mul3A_85 = arith.mulf %mul3A_84, %tanh3A_82 : vector<400x128xf32>
    %add3A_86 = arith.constant 5.000000e-01 : f32
    %add3A_87 = vector.broadcast %add3A_86 : f32 to vector<400x128xf32>
    %add3A_88 = arith.addf %add3A_87, %mul3A_85 : vector<400x128xf32>
    %slice3A_89 = vector.extract_strided_slice %add3A_66 {offsets = [0, 256], sizes = [400, 128], strides = [1, 1]} : vector<400x512xf32> to vector<400x128xf32>
    %tanh3A_90 = math.tanh %slice3A_89 : vector<400x128xf32>
    %slice3A_91 = vector.extract_strided_slice %add3A_66 {offsets = [0, 384], sizes = [400, 128], strides = [1, 1]} : vector<400x512xf32> to vector<400x128xf32>
    %mul3A_92 = arith.constant 5.000000e-01 : f32
    %mul3A_93 = vector.broadcast %mul3A_92 : f32 to vector<400x128xf32>
    %mul3A_94 = arith.mulf %mul3A_93, %slice3A_91 : vector<400x128xf32>
    %tanh3A_95 = math.tanh %mul3A_94 : vector<400x128xf32>
    %mul3A_96 = arith.constant 5.000000e-01 : f32
    %mul3A_97 = vector.broadcast %mul3A_96 : f32 to vector<400x128xf32>
    %mul3A_98 = arith.mulf %mul3A_97, %tanh3A_95 : vector<400x128xf32>
    %add3A_99 = arith.constant 5.000000e-01 : f32
    %add3A_100 = vector.broadcast %add3A_99 : f32 to vector<400x128xf32>
    %add3A_101 = arith.addf %add3A_100, %mul3A_98 : vector<400x128xf32>
    %mul3A_102 = arith.mulf %add3A_88, %add3A_52 : vector<400x128xf32>
    %mul3A_103 = arith.mulf %add3A_77, %tanh3A_90 : vector<400x128xf32>
    %add3A_104 = arith.addf %mul3A_102, %mul3A_103 : vector<400x128xf32>
    %tanh3A_105 = math.tanh %add3A_104 : vector<400x128xf32>
    %mul3A_106 = arith.mulf %add3A_101, %tanh3A_105 : vector<400x128xf32>
    %get3A_107 = arith.constant 2 : index
    %get3A_108 = arith.constant 0 : index
    %get3A_109 = arith.constant 0 : index
    %get3A_110 = vector.load %arg1[%get3A_107, %get3A_108, %get3A_109] : memref<32x400x128xf32, #tpu.memory_space<vmem>>, vector<1x400x128xf32>
    %get3A_111 = vector.shape_cast %get3A_110 : vector<1x400x128xf32> to vector<400x128xf32>
    %convert_element_type3A_112 = arith.truncf %get3A_111 : vector<400x128xf32> to vector<400x128xbf16>
    %convert_element_type3A_113 = arith.truncf %mul3A_106 : vector<400x128xf32> to vector<400x128xbf16>
    %concatenate3A_114 = tpu.concatenate %convert_element_type3A_112, %convert_element_type3A_113 in 1 : vector<400x128xbf16>, vector<400x128xbf16> -> vector<400x256xbf16>
    %dot_general3A_115 = arith.constant dense<0.000000e+00> : vector<400x512xf32>
    %dot_general3A_116 = tpu.matmul %concatenate3A_114, %get3A_4, %dot_general3A_115 {dimension_numbers = #tpu.dot_dimension_numbers<[1], [0], [0], [1], [0, 0, 1, 1], [], []>, transpose_lhs_hint = false} : vector<400x256xbf16>, vector<256x512xbf16>, vector<400x512xf32> -> vector<400x512xf32>
    %add3A_117 = vector.broadcast %get3A_7 : vector<1x512xf32> to vector<400x512xf32>
    %add3A_118 = arith.addf %dot_general3A_116, %add3A_117 : vector<400x512xf32>
    %slice3A_119 = vector.extract_strided_slice %add3A_118 {offsets = [0, 0], sizes = [400, 128], strides = [1, 1]} : vector<400x512xf32> to vector<400x128xf32>
    %mul3A_120 = arith.constant 5.000000e-01 : f32
    %mul3A_121 = vector.broadcast %mul3A_120 : f32 to vector<400x128xf32>
    %mul3A_122 = arith.mulf %mul3A_121, %slice3A_119 : vector<400x128xf32>
    %tanh3A_123 = math.tanh %mul3A_122 : vector<400x128xf32>
    %mul3A_124 = arith.constant 5.000000e-01 : f32
    %mul3A_125 = vector.broadcast %mul3A_124 : f32 to vector<400x128xf32>
    %mul3A_126 = arith.mulf %mul3A_125, %tanh3A_123 : vector<400x128xf32>
    %add3A_127 = arith.constant 5.000000e-01 : f32
    %add3A_128 = vector.broadcast %add3A_127 : f32 to vector<400x128xf32>
    %add3A_129 = arith.addf %add3A_128, %mul3A_126 : vector<400x128xf32>
    %slice3A_130 = vector.extract_strided_slice %add3A_118 {offsets = [0, 128], sizes = [400, 128], strides = [1, 1]} : vector<400x512xf32> to vector<400x128xf32>
    %mul3A_131 = arith.constant 5.000000e-01 : f32
    %mul3A_132 = vector.broadcast %mul3A_131 : f32 to vector<400x128xf32>
    %mul3A_133 = arith.mulf %mul3A_132, %slice3A_130 : vector<400x128xf32>
    %tanh3A_134 = math.tanh %mul3A_133 : vector<400x128xf32>
    %mul3A_135 = arith.constant 5.000000e-01 : f32
    %mul3A_136 = vector.broadcast %mul3A_135 : f32 to vector<400x128xf32>
    %mul3A_137 = arith.mulf %mul3A_136, %tanh3A_134 : vector<400x128xf32>
    %add3A_138 = arith.constant 5.000000e-01 : f32
    %add3A_139 = vector.broadcast %add3A_138 : f32 to vector<400x128xf32>
    %add3A_140 = arith.addf %add3A_139, %mul3A_137 : vector<400x128xf32>
    %slice3A_141 = vector.extract_strided_slice %add3A_118 {offsets = [0, 256], sizes = [400, 128], strides = [1, 1]} : vector<400x512xf32> to vector<400x128xf32>
    %tanh3A_142 = math.tanh %slice3A_141 : vector<400x128xf32>
    %slice3A_143 = vector.extract_strided_slice %add3A_118 {offsets = [0, 384], sizes = [400, 128], strides = [1, 1]} : vector<400x512xf32> to vector<400x128xf32>
    %mul3A_144 = arith.constant 5.000000e-01 : f32
    %mul3A_145 = vector.broadcast %mul3A_144 : f32 to vector<400x128xf32>
    %mul3A_146 = arith.mulf %mul3A_145, %slice3A_143 : vector<400x128xf32>
    %tanh3A_147 = math.tanh %mul3A_146 : vector<400x128xf32>
    %mul3A_148 = arith.constant 5.000000e-01 : f32
    %mul3A_149 = vector.broadcast %mul3A_148 : f32 to vector<400x128xf32>
    %mul3A_150 = arith.mulf %mul3A_149, %tanh3A_147 : vector<400x128xf32>
    %add3A_151 = arith.constant 5.000000e-01 : f32
    %add3A_152 = vector.broadcast %add3A_151 : f32 to vector<400x128xf32>
    %add3A_153 = arith.addf %add3A_152, %mul3A_150 : vector<400x128xf32>
    %mul3A_154 = arith.mulf %add3A_140, %add3A_104 : vector<400x128xf32>
    %mul3A_155 = arith.mulf %add3A_129, %tanh3A_142 : vector<400x128xf32>
    %add3A_156 = arith.addf %mul3A_154, %mul3A_155 : vector<400x128xf32>
    %tanh3A_157 = math.tanh %add3A_156 : vector<400x128xf32>
    %mul3A_158 = arith.mulf %add3A_153, %tanh3A_157 : vector<400x128xf32>
    %get3A_159 = arith.constant 3 : index
    %get3A_160 = arith.constant 0 : index
    %get3A_161 = arith.constant 0 : index
    %get3A_162 = vector.load %arg1[%get3A_159, %get3A_160, %get3A_161] : memref<32x400x128xf32, #tpu.memory_space<vmem>>, vector<1x400x128xf32>
    %get3A_163 = vector.shape_cast %get3A_162 : vector<1x400x128xf32> to vector<400x128xf32>
    %convert_element_type3A_164 = arith.truncf %get3A_163 : vector<400x128xf32> to vector<400x128xbf16>
    %convert_element_type3A_165 = arith.truncf %mul3A_158 : vector<400x128xf32> to vector<400x128xbf16>
    %concatenate3A_166 = tpu.concatenate %convert_element_type3A_164, %convert_element_type3A_165 in 1 : vector<400x128xbf16>, vector<400x128xbf16> -> vector<400x256xbf16>
    %dot_general3A_167 = arith.constant dense<0.000000e+00> : vector<400x512xf32>
    %dot_general3A_168 = tpu.matmul %concatenate3A_166, %get3A_4, %dot_general3A_167 {dimension_numbers = #tpu.dot_dimension_numbers<[1], [0], [0], [1], [0, 0, 1, 1], [], []>, transpose_lhs_hint = false} : vector<400x256xbf16>, vector<256x512xbf16>, vector<400x512xf32> -> vector<400x512xf32>
    %add3A_169 = vector.broadcast %get3A_7 : vector<1x512xf32> to vector<400x512xf32>
    %add3A_170 = arith.addf %dot_general3A_168, %add3A_169 : vector<400x512xf32>
    %slice3A_171 = vector.extract_strided_slice %add3A_170 {offsets = [0, 0], sizes = [400, 128], strides = [1, 1]} : vector<400x512xf32> to vector<400x128xf32>
    %mul3A_172 = arith.constant 5.000000e-01 : f32
    %mul3A_173 = vector.broadcast %mul3A_172 : f32 to vector<400x128xf32>
    %mul3A_174 = arith.mulf %mul3A_173, %slice3A_171 : vector<400x128xf32>
    %tanh3A_175 = math.tanh %mul3A_174 : vector<400x128xf32>
    %mul3A_176 = arith.constant 5.000000e-01 : f32
    %mul3A_177 = vector.broadcast %mul3A_176 : f32 to vector<400x128xf32>
    %mul3A_178 = arith.mulf %mul3A_177, %tanh3A_175 : vector<400x128xf32>
    %add3A_179 = arith.constant 5.000000e-01 : f32
    %add3A_180 = vector.broadcast %add3A_179 : f32 to vector<400x128xf32>
    %add3A_181 = arith.addf %add3A_180, %mul3A_178 : vector<400x128xf32>
    %slice3A_182 = vector.extract_strided_slice %add3A_170 {offsets = [0, 128], sizes = [400, 128], strides = [1, 1]} : vector<400x512xf32> to vector<400x128xf32>
    %mul3A_183 = arith.constant 5.000000e-01 : f32
    %mul3A_184 = vector.broadcast %mul3A_183 : f32 to vector<400x128xf32>
    %mul3A_185 = arith.mulf %mul3A_184, %slice3A_182 : vector<400x128xf32>
    %tanh3A_186 = math.tanh %mul3A_185 : vector<400x128xf32>
    %mul3A_187 = arith.constant 5.000000e-01 : f32
    %mul3A_188 = vector.broadcast %mul3A_187 : f32 to vector<400x128xf32>
    %mul3A_189 = arith.mulf %mul3A_188, %tanh3A_186 : vector<400x128xf32>
    %add3A_190 = arith.constant 5.000000e-01 : f32
    %add3A_191 = vector.broadcast %add3A_190 : f32 to vector<400x128xf32>
    %add3A_192 = arith.addf %add3A_191, %mul3A_189 : vector<400x128xf32>
    %slice3A_193 = vector.extract_strided_slice %add3A_170 {offsets = [0, 256], sizes = [400, 128], strides = [1, 1]} : vector<400x512xf32> to vector<400x128xf32>
    %tanh3A_194 = math.tanh %slice3A_193 : vector<400x128xf32>
    %slice3A_195 = vector.extract_strided_slice %add3A_170 {offsets = [0, 384], sizes = [400, 128], strides = [1, 1]} : vector<400x512xf32> to vector<400x128xf32>
    %mul3A_196 = arith.constant 5.000000e-01 : f32
    %mul3A_197 = vector.broadcast %mul3A_196 : f32 to vector<400x128xf32>
    %mul3A_198 = arith.mulf %mul3A_197, %slice3A_195 : vector<400x128xf32>
    %tanh3A_199 = math.tanh %mul3A_198 : vector<400x128xf32>
    %mul3A_200 = arith.constant 5.000000e-01 : f32
    %mul3A_201 = vector.broadcast %mul3A_200 : f32 to vector<400x128xf32>
    %mul3A_202 = arith.mulf %mul3A_201, %tanh3A_199 : vector<400x128xf32>
    %add3A_203 = arith.constant 5.000000e-01 : f32
    %add3A_204 = vector.broadcast %add3A_203 : f32 to vector<400x128xf32>
    %add3A_205 = arith.addf %add3A_204, %mul3A_202 : vector<400x128xf32>
    %mul3A_206 = arith.mulf %add3A_192, %add3A_156 : vector<400x128xf32>
    %mul3A_207 = arith.mulf %add3A_181, %tanh3A_194 : vector<400x128xf32>
    %add3A_208 = arith.addf %mul3A_206, %mul3A_207 : vector<400x128xf32>
    %tanh3A_209 = math.tanh %add3A_208 : vector<400x128xf32>
    %mul3A_210 = arith.mulf %add3A_205, %tanh3A_209 : vector<400x128xf32>
    %get3A_211 = arith.constant 4 : index
    %get3A_212 = arith.constant 0 : index
    %get3A_213 = arith.constant 0 : index
    %get3A_214 = vector.load %arg1[%get3A_211, %get3A_212, %get3A_213] : memref<32x400x128xf32, #tpu.memory_space<vmem>>, vector<1x400x128xf32>
    %get3A_215 = vector.shape_cast %get3A_214 : vector<1x400x128xf32> to vector<400x128xf32>
    %convert_element_type3A_216 = arith.truncf %get3A_215 : vector<400x128xf32> to vector<400x128xbf16>
    %convert_element_type3A_217 = arith.truncf %mul3A_210 : vector<400x128xf32> to vector<400x128xbf16>
    %concatenate3A_218 = tpu.concatenate %convert_element_type3A_216, %convert_element_type3A_217 in 1 : vector<400x128xbf16>, vector<400x128xbf16> -> vector<400x256xbf16>
    %dot_general3A_219 = arith.constant dense<0.000000e+00> : vector<400x512xf32>
    %dot_general3A_220 = tpu.matmul %concatenate3A_218, %get3A_4, %dot_general3A_219 {dimension_numbers = #tpu.dot_dimension_numbers<[1], [0], [0], [1], [0, 0, 1, 1], [], []>, transpose_lhs_hint = false} : vector<400x256xbf16>, vector<256x512xbf16>, vector<400x512xf32> -> vector<400x512xf32>
    %add3A_221 = vector.broadcast %get3A_7 : vector<1x512xf32> to vector<400x512xf32>
    %add3A_222 = arith.addf %dot_general3A_220, %add3A_221 : vector<400x512xf32>
    %slice3A_223 = vector.extract_strided_slice %add3A_222 {offsets = [0, 0], sizes = [400, 128], strides = [1, 1]} : vector<400x512xf32> to vector<400x128xf32>
    %mul3A_224 = arith.constant 5.000000e-01 : f32
    %mul3A_225 = vector.broadcast %mul3A_224 : f32 to vector<400x128xf32>
    %mul3A_226 = arith.mulf %mul3A_225, %slice3A_223 : vector<400x128xf32>
    %tanh3A_227 = math.tanh %mul3A_226 : vector<400x128xf32>
    %mul3A_228 = arith.constant 5.000000e-01 : f32
    %mul3A_229 = vector.broadcast %mul3A_228 : f32 to vector<400x128xf32>
    %mul3A_230 = arith.mulf %mul3A_229, %tanh3A_227 : vector<400x128xf32>
    %add3A_231 = arith.constant 5.000000e-01 : f32
    %add3A_232 = vector.broadcast %add3A_231 : f32 to vector<400x128xf32>
    %add3A_233 = arith.addf %add3A_232, %mul3A_230 : vector<400x128xf32>
    %slice3A_234 = vector.extract_strided_slice %add3A_222 {offsets = [0, 128], sizes = [400, 128], strides = [1, 1]} : vector<400x512xf32> to vector<400x128xf32>
    %mul3A_235 = arith.constant 5.000000e-01 : f32
    %mul3A_236 = vector.broadcast %mul3A_235 : f32 to vector<400x128xf32>
    %mul3A_237 = arith.mulf %mul3A_236, %slice3A_234 : vector<400x128xf32>
    %tanh3A_238 = math.tanh %mul3A_237 : vector<400x128xf32>
    %mul3A_239 = arith.constant 5.000000e-01 : f32
    %mul3A_240 = vector.broadcast %mul3A_239 : f32 to vector<400x128xf32>
    %mul3A_241 = arith.mulf %mul3A_240, %tanh3A_238 : vector<400x128xf32>
    %add3A_242 = arith.constant 5.000000e-01 : f32
    %add3A_243 = vector.broadcast %add3A_242 : f32 to vector<400x128xf32>
    %add3A_244 = arith.addf %add3A_243, %mul3A_241 : vector<400x128xf32>
    %slice3A_245 = vector.extract_strided_slice %add3A_222 {offsets = [0, 256], sizes = [400, 128], strides = [1, 1]} : vector<400x512xf32> to vector<400x128xf32>
    %tanh3A_246 = math.tanh %slice3A_245 : vector<400x128xf32>
    %slice3A_247 = vector.extract_strided_slice %add3A_222 {offsets = [0, 384], sizes = [400, 128], strides = [1, 1]} : vector<400x512xf32> to vector<400x128xf32>
    %mul3A_248 = arith.constant 5.000000e-01 : f32
    %mul3A_249 = vector.broadcast %mul3A_248 : f32 to vector<400x128xf32>
    %mul3A_250 = arith.mulf %mul3A_249, %slice3A_247 : vector<400x128xf32>
    %tanh3A_251 = math.tanh %mul3A_250 : vector<400x128xf32>
    %mul3A_252 = arith.constant 5.000000e-01 : f32
    %mul3A_253 = vector.broadcast %mul3A_252 : f32 to vector<400x128xf32>
    %mul3A_254 = arith.mulf %mul3A_253, %tanh3A_251 : vector<400x128xf32>
    %add3A_255 = arith.constant 5.000000e-01 : f32
    %add3A_256 = vector.broadcast %add3A_255 : f32 to vector<400x128xf32>
    %add3A_257 = arith.addf %add3A_256, %mul3A_254 : vector<400x128xf32>
    %mul3A_258 = arith.mulf %add3A_244, %add3A_208 : vector<400x128xf32>
    %mul3A_259 = arith.mulf %add3A_233, %tanh3A_246 : vector<400x128xf32>
    %add3A_260 = arith.addf %mul3A_258, %mul3A_259 : vector<400x128xf32>
    %tanh3A_261 = math.tanh %add3A_260 : vector<400x128xf32>
    %mul3A_262 = arith.mulf %add3A_257, %tanh3A_261 : vector<400x128xf32>
    %get3A_263 = arith.constant 5 : index
    %get3A_264 = arith.constant 0 : index
    %get3A_265 = arith.constant 0 : index
    %get3A_266 = vector.load %arg1[%get3A_263, %get3A_264, %get3A_265] : memref<32x400x128xf32, #tpu.memory_space<vmem>>, vector<1x400x128xf32>
    %get3A_267 = vector.shape_cast %get3A_266 : vector<1x400x128xf32> to vector<400x128xf32>
    %convert_element_type3A_268 = arith.truncf %get3A_267 : vector<400x128xf32> to vector<400x128xbf16>
    %convert_element_type3A_269 = arith.truncf %mul3A_262 : vector<400x128xf32> to vector<400x128xbf16>
    %concatenate3A_270 = tpu.concatenate %convert_element_type3A_268, %convert_element_type3A_269 in 1 : vector<400x128xbf16>, vector<400x128xbf16> -> vector<400x256xbf16>
    %dot_general3A_271 = arith.constant dense<0.000000e+00> : vector<400x512xf32>
    %dot_general3A_272 = tpu.matmul %concatenate3A_270, %get3A_4, %dot_general3A_271 {dimension_numbers = #tpu.dot_dimension_numbers<[1], [0], [0], [1], [0, 0, 1, 1], [], []>, transpose_lhs_hint = false} : vector<400x256xbf16>, vector<256x512xbf16>, vector<400x512xf32> -> vector<400x512xf32>
    %add3A_273 = vector.broadcast %get3A_7 : vector<1x512xf32> to vector<400x512xf32>
    %add3A_274 = arith.addf %dot_general3A_272, %add3A_273 : vector<400x512xf32>
    %slice3A_275 = vector.extract_strided_slice %add3A_274 {offsets = [0, 0], sizes = [400, 128], strides = [1, 1]} : vector<400x512xf32> to vector<400x128xf32>
    %mul3A_276 = arith.constant 5.000000e-01 : f32
    %mul3A_277 = vector.broadcast %mul3A_276 : f32 to vector<400x128xf32>
    %mul3A_278 = arith.mulf %mul3A_277, %slice3A_275 : vector<400x128xf32>
    %tanh3A_279 = math.tanh %mul3A_278 : vector<400x128xf32>
    %mul3A_280 = arith.constant 5.000000e-01 : f32
    %mul3A_281 = vector.broadcast %mul3A_280 : f32 to vector<400x128xf32>
    %mul3A_282 = arith.mulf %mul3A_281, %tanh3A_279 : vector<400x128xf32>
    %add3A_283 = arith.constant 5.000000e-01 : f32
    %add3A_284 = vector.broadcast %add3A_283 : f32 to vector<400x128xf32>
    %add3A_285 = arith.addf %add3A_284, %mul3A_282 : vector<400x128xf32>
    %slice3A_286 = vector.extract_strided_slice %add3A_274 {offsets = [0, 128], sizes = [400, 128], strides = [1, 1]} : vector<400x512xf32> to vector<400x128xf32>
    %mul3A_287 = arith.constant 5.000000e-01 : f32
    %mul3A_288 = vector.broadcast %mul3A_287 : f32 to vector<400x128xf32>
    %mul3A_289 = arith.mulf %mul3A_288, %slice3A_286 : vector<400x128xf32>
    %tanh3A_290 = math.tanh %mul3A_289 : vector<400x128xf32>
    %mul3A_291 = arith.constant 5.000000e-01 : f32
    %mul3A_292 = vector.broadcast %mul3A_291 : f32 to vector<400x128xf32>
    %mul3A_293 = arith.mulf %mul3A_292, %tanh3A_290 : vector<400x128xf32>
    %add3A_294 = arith.constant 5.000000e-01 : f32
    %add3A_295 = vector.broadcast %add3A_294 : f32 to vector<400x128xf32>
    %add3A_296 = arith.addf %add3A_295, %mul3A_293 : vector<400x128xf32>
    %slice3A_297 = vector.extract_strided_slice %add3A_274 {offsets = [0, 256], sizes = [400, 128], strides = [1, 1]} : vector<400x512xf32> to vector<400x128xf32>
    %tanh3A_298 = math.tanh %slice3A_297 : vector<400x128xf32>
    %slice3A_299 = vector.extract_strided_slice %add3A_274 {offsets = [0, 384], sizes = [400, 128], strides = [1, 1]} : vector<400x512xf32> to vector<400x128xf32>
    %mul3A_300 = arith.constant 5.000000e-01 : f32
    %mul3A_301 = vector.broadcast %mul3A_300 : f32 to vector<400x128xf32>
    %mul3A_302 = arith.mulf %mul3A_301, %slice3A_299 : vector<400x128xf32>
    %tanh3A_303 = math.tanh %mul3A_302 : vector<400x128xf32>
    %mul3A_304 = arith.constant 5.000000e-01 : f32
    %mul3A_305 = vector.broadcast %mul3A_304 : f32 to vector<400x128xf32>
    %mul3A_306 = arith.mulf %mul3A_305, %tanh3A_303 : vector<400x128xf32>
    %add3A_307 = arith.constant 5.000000e-01 : f32
    %add3A_308 = vector.broadcast %add3A_307 : f32 to vector<400x128xf32>
    %add3A_309 = arith.addf %add3A_308, %mul3A_306 : vector<400x128xf32>
    %mul3A_310 = arith.mulf %add3A_296, %add3A_260 : vector<400x128xf32>
    %mul3A_311 = arith.mulf %add3A_285, %tanh3A_298 : vector<400x128xf32>
    %add3A_312 = arith.addf %mul3A_310, %mul3A_311 : vector<400x128xf32>
    %tanh3A_313 = math.tanh %add3A_312 : vector<400x128xf32>
    %mul3A_314 = arith.mulf %add3A_309, %tanh3A_313 : vector<400x128xf32>
    %get3A_315 = arith.constant 6 : index
    %get3A_316 = arith.constant 0 : index
    %get3A_317 = arith.constant 0 : index
    %get3A_318 = vector.load %arg1[%get3A_315, %get3A_316, %get3A_317] : memref<32x400x128xf32, #tpu.memory_space<vmem>>, vector<1x400x128xf32>
    %get3A_319 = vector.shape_cast %get3A_318 : vector<1x400x128xf32> to vector<400x128xf32>
    %convert_element_type3A_320 = arith.truncf %get3A_319 : vector<400x128xf32> to vector<400x128xbf16>
    %convert_element_type3A_321 = arith.truncf %mul3A_314 : vector<400x128xf32> to vector<400x128xbf16>
    %concatenate3A_322 = tpu.concatenate %convert_element_type3A_320, %convert_element_type3A_321 in 1 : vector<400x128xbf16>, vector<400x128xbf16> -> vector<400x256xbf16>
    %dot_general3A_323 = arith.constant dense<0.000000e+00> : vector<400x512xf32>
    %dot_general3A_324 = tpu.matmul %concatenate3A_322, %get3A_4, %dot_general3A_323 {dimension_numbers = #tpu.dot_dimension_numbers<[1], [0], [0], [1], [0, 0, 1, 1], [], []>, transpose_lhs_hint = false} : vector<400x256xbf16>, vector<256x512xbf16>, vector<400x512xf32> -> vector<400x512xf32>
    %add3A_325 = vector.broadcast %get3A_7 : vector<1x512xf32> to vector<400x512xf32>
    %add3A_326 = arith.addf %dot_general3A_324, %add3A_325 : vector<400x512xf32>
    %slice3A_327 = vector.extract_strided_slice %add3A_326 {offsets = [0, 0], sizes = [400, 128], strides = [1, 1]} : vector<400x512xf32> to vector<400x128xf32>
    %mul3A_328 = arith.constant 5.000000e-01 : f32
    %mul3A_329 = vector.broadcast %mul3A_328 : f32 to vector<400x128xf32>
    %mul3A_330 = arith.mulf %mul3A_329, %slice3A_327 : vector<400x128xf32>
    %tanh3A_331 = math.tanh %mul3A_330 : vector<400x128xf32>
    %mul3A_332 = arith.constant 5.000000e-01 : f32
    %mul3A_333 = vector.broadcast %mul3A_332 : f32 to vector<400x128xf32>
    %mul3A_334 = arith.mulf %mul3A_333, %tanh3A_331 : vector<400x128xf32>
    %add3A_335 = arith.constant 5.000000e-01 : f32
    %add3A_336 = vector.broadcast %add3A_335 : f32 to vector<400x128xf32>
    %add3A_337 = arith.addf %add3A_336, %mul3A_334 : vector<400x128xf32>
    %slice3A_338 = vector.extract_strided_slice %add3A_326 {offsets = [0, 128], sizes = [400, 128], strides = [1, 1]} : vector<400x512xf32> to vector<400x128xf32>
    %mul3A_339 = arith.constant 5.000000e-01 : f32
    %mul3A_340 = vector.broadcast %mul3A_339 : f32 to vector<400x128xf32>
    %mul3A_341 = arith.mulf %mul3A_340, %slice3A_338 : vector<400x128xf32>
    %tanh3A_342 = math.tanh %mul3A_341 : vector<400x128xf32>
    %mul3A_343 = arith.constant 5.000000e-01 : f32
    %mul3A_344 = vector.broadcast %mul3A_343 : f32 to vector<400x128xf32>
    %mul3A_345 = arith.mulf %mul3A_344, %tanh3A_342 : vector<400x128xf32>
    %add3A_346 = arith.constant 5.000000e-01 : f32
    %add3A_347 = vector.broadcast %add3A_346 : f32 to vector<400x128xf32>
    %add3A_348 = arith.addf %add3A_347, %mul3A_345 : vector<400x128xf32>
    %slice3A_349 = vector.extract_strided_slice %add3A_326 {offsets = [0, 256], sizes = [400, 128], strides = [1, 1]} : vector<400x512xf32> to vector<400x128xf32>
    %tanh3A_350 = math.tanh %slice3A_349 : vector<400x128xf32>
    %slice3A_351 = vector.extract_strided_slice %add3A_326 {offsets = [0, 384], sizes = [400, 128], strides = [1, 1]} : vector<400x512xf32> to vector<400x128xf32>
    %mul3A_352 = arith.constant 5.000000e-01 : f32
    %mul3A_353 = vector.broadcast %mul3A_352 : f32 to vector<400x128xf32>
    %mul3A_354 = arith.mulf %mul3A_353, %slice3A_351 : vector<400x128xf32>
    %tanh3A_355 = math.tanh %mul3A_354 : vector<400x128xf32>
    %mul3A_356 = arith.constant 5.000000e-01 : f32
    %mul3A_357 = vector.broadcast %mul3A_356 : f32 to vector<400x128xf32>
    %mul3A_358 = arith.mulf %mul3A_357, %tanh3A_355 : vector<400x128xf32>
    %add3A_359 = arith.constant 5.000000e-01 : f32
    %add3A_360 = vector.broadcast %add3A_359 : f32 to vector<400x128xf32>
    %add3A_361 = arith.addf %add3A_360, %mul3A_358 : vector<400x128xf32>
    %mul3A_362 = arith.mulf %add3A_348, %add3A_312 : vector<400x128xf32>
    %mul3A_363 = arith.mulf %add3A_337, %tanh3A_350 : vector<400x128xf32>
    %add3A_364 = arith.addf %mul3A_362, %mul3A_363 : vector<400x128xf32>
    %tanh3A_365 = math.tanh %add3A_364 : vector<400x128xf32>
    %mul3A_366 = arith.mulf %add3A_361, %tanh3A_365 : vector<400x128xf32>
    %get3A_367 = arith.constant 7 : index
    %get3A_368 = arith.constant 0 : index
    %get3A_369 = arith.constant 0 : index
    %get3A_370 = vector.load %arg1[%get3A_367, %get3A_368, %get3A_369] : memref<32x400x128xf32, #tpu.memory_space<vmem>>, vector<1x400x128xf32>
    %get3A_371 = vector.shape_cast %get3A_370 : vector<1x400x128xf32> to vector<400x128xf32>
    %convert_element_type3A_372 = arith.truncf %get3A_371 : vector<400x128xf32> to vector<400x128xbf16>
    %convert_element_type3A_373 = arith.truncf %mul3A_366 : vector<400x128xf32> to vector<400x128xbf16>
    %concatenate3A_374 = tpu.concatenate %convert_element_type3A_372, %convert_element_type3A_373 in 1 : vector<400x128xbf16>, vector<400x128xbf16> -> vector<400x256xbf16>
    %dot_general3A_375 = arith.constant dense<0.000000e+00> : vector<400x512xf32>
    %dot_general3A_376 = tpu.matmul %concatenate3A_374, %get3A_4, %dot_general3A_375 {dimension_numbers = #tpu.dot_dimension_numbers<[1], [0], [0], [1], [0, 0, 1, 1], [], []>, transpose_lhs_hint = false} : vector<400x256xbf16>, vector<256x512xbf16>, vector<400x512xf32> -> vector<400x512xf32>
    %add3A_377 = vector.broadcast %get3A_7 : vector<1x512xf32> to vector<400x512xf32>
    %add3A_378 = arith.addf %dot_general3A_376, %add3A_377 : vector<400x512xf32>
    %slice3A_379 = vector.extract_strided_slice %add3A_378 {offsets = [0, 0], sizes = [400, 128], strides = [1, 1]} : vector<400x512xf32> to vector<400x128xf32>
    %mul3A_380 = arith.constant 5.000000e-01 : f32
    %mul3A_381 = vector.broadcast %mul3A_380 : f32 to vector<400x128xf32>
    %mul3A_382 = arith.mulf %mul3A_381, %slice3A_379 : vector<400x128xf32>
    %tanh3A_383 = math.tanh %mul3A_382 : vector<400x128xf32>
    %mul3A_384 = arith.constant 5.000000e-01 : f32
    %mul3A_385 = vector.broadcast %mul3A_384 : f32 to vector<400x128xf32>
    %mul3A_386 = arith.mulf %mul3A_385, %tanh3A_383 : vector<400x128xf32>
    %add3A_387 = arith.constant 5.000000e-01 : f32
    %add3A_388 = vector.broadcast %add3A_387 : f32 to vector<400x128xf32>
    %add3A_389 = arith.addf %add3A_388, %mul3A_386 : vector<400x128xf32>
    %slice3A_390 = vector.extract_strided_slice %add3A_378 {offsets = [0, 128], sizes = [400, 128], strides = [1, 1]} : vector<400x512xf32> to vector<400x128xf32>
    %mul3A_391 = arith.constant 5.000000e-01 : f32
    %mul3A_392 = vector.broadcast %mul3A_391 : f32 to vector<400x128xf32>
    %mul3A_393 = arith.mulf %mul3A_392, %slice3A_390 : vector<400x128xf32>
    %tanh3A_394 = math.tanh %mul3A_393 : vector<400x128xf32>
    %mul3A_395 = arith.constant 5.000000e-01 : f32
    %mul3A_396 = vector.broadcast %mul3A_395 : f32 to vector<400x128xf32>
    %mul3A_397 = arith.mulf %mul3A_396, %tanh3A_394 : vector<400x128xf32>
    %add3A_398 = arith.constant 5.000000e-01 : f32
    %add3A_399 = vector.broadcast %add3A_398 : f32 to vector<400x128xf32>
    %add3A_400 = arith.addf %add3A_399, %mul3A_397 : vector<400x128xf32>
    %slice3A_401 = vector.extract_strided_slice %add3A_378 {offsets = [0, 256], sizes = [400, 128], strides = [1, 1]} : vector<400x512xf32> to vector<400x128xf32>
    %tanh3A_402 = math.tanh %slice3A_401 : vector<400x128xf32>
    %slice3A_403 = vector.extract_strided_slice %add3A_378 {offsets = [0, 384], sizes = [400, 128], strides = [1, 1]} : vector<400x512xf32> to vector<400x128xf32>
    %mul3A_404 = arith.constant 5.000000e-01 : f32
    %mul3A_405 = vector.broadcast %mul3A_404 : f32 to vector<400x128xf32>
    %mul3A_406 = arith.mulf %mul3A_405, %slice3A_403 : vector<400x128xf32>
    %tanh3A_407 = math.tanh %mul3A_406 : vector<400x128xf32>
    %mul3A_408 = arith.constant 5.000000e-01 : f32
    %mul3A_409 = vector.broadcast %mul3A_408 : f32 to vector<400x128xf32>
    %mul3A_410 = arith.mulf %mul3A_409, %tanh3A_407 : vector<400x128xf32>
    %add3A_411 = arith.constant 5.000000e-01 : f32
    %add3A_412 = vector.broadcast %add3A_411 : f32 to vector<400x128xf32>
    %add3A_413 = arith.addf %add3A_412, %mul3A_410 : vector<400x128xf32>
    %mul3A_414 = arith.mulf %add3A_400, %add3A_364 : vector<400x128xf32>
    %mul3A_415 = arith.mulf %add3A_389, %tanh3A_402 : vector<400x128xf32>
    %add3A_416 = arith.addf %mul3A_414, %mul3A_415 : vector<400x128xf32>
    %tanh3A_417 = math.tanh %add3A_416 : vector<400x128xf32>
    %mul3A_418 = arith.mulf %add3A_413, %tanh3A_417 : vector<400x128xf32>
    %get3A_419 = arith.constant 8 : index
    %get3A_420 = arith.constant 0 : index
    %get3A_421 = arith.constant 0 : index
    %get3A_422 = vector.load %arg1[%get3A_419, %get3A_420, %get3A_421] : memref<32x400x128xf32, #tpu.memory_space<vmem>>, vector<1x400x128xf32>
    %get3A_423 = vector.shape_cast %get3A_422 : vector<1x400x128xf32> to vector<400x128xf32>
    %convert_element_type3A_424 = arith.truncf %get3A_423 : vector<400x128xf32> to vector<400x128xbf16>
    %convert_element_type3A_425 = arith.truncf %mul3A_418 : vector<400x128xf32> to vector<400x128xbf16>
    %concatenate3A_426 = tpu.concatenate %convert_element_type3A_424, %convert_element_type3A_425 in 1 : vector<400x128xbf16>, vector<400x128xbf16> -> vector<400x256xbf16>
    %dot_general3A_427 = arith.constant dense<0.000000e+00> : vector<400x512xf32>
    %dot_general3A_428 = tpu.matmul %concatenate3A_426, %get3A_4, %dot_general3A_427 {dimension_numbers = #tpu.dot_dimension_numbers<[1], [0], [0], [1], [0, 0, 1, 1], [], []>, transpose_lhs_hint = false} : vector<400x256xbf16>, vector<256x512xbf16>, vector<400x512xf32> -> vector<400x512xf32>
    %add3A_429 = vector.broadcast %get3A_7 : vector<1x512xf32> to vector<400x512xf32>
    %add3A_430 = arith.addf %dot_general3A_428, %add3A_429 : vector<400x512xf32>
    %slice3A_431 = vector.extract_strided_slice %add3A_430 {offsets = [0, 0], sizes = [400, 128], strides = [1, 1]} : vector<400x512xf32> to vector<400x128xf32>
    %mul3A_432 = arith.constant 5.000000e-01 : f32
    %mul3A_433 = vector.broadcast %mul3A_432 : f32 to vector<400x128xf32>
    %mul3A_434 = arith.mulf %mul3A_433, %slice3A_431 : vector<400x128xf32>
    %tanh3A_435 = math.tanh %mul3A_434 : vector<400x128xf32>
    %mul3A_436 = arith.constant 5.000000e-01 : f32
    %mul3A_437 = vector.broadcast %mul3A_436 : f32 to vector<400x128xf32>
    %mul3A_438 = arith.mulf %mul3A_437, %tanh3A_435 : vector<400x128xf32>
    %add3A_439 = arith.constant 5.000000e-01 : f32
    %add3A_440 = vector.broadcast %add3A_439 : f32 to vector<400x128xf32>
    %add3A_441 = arith.addf %add3A_440, %mul3A_438 : vector<400x128xf32>
    %slice3A_442 = vector.extract_strided_slice %add3A_430 {offsets = [0, 128], sizes = [400, 128], strides = [1, 1]} : vector<400x512xf32> to vector<400x128xf32>
    %mul3A_443 = arith.constant 5.000000e-01 : f32
    %mul3A_444 = vector.broadcast %mul3A_443 : f32 to vector<400x128xf32>
    %mul3A_445 = arith.mulf %mul3A_444, %slice3A_442 : vector<400x128xf32>
    %tanh3A_446 = math.tanh %mul3A_445 : vector<400x128xf32>
    %mul3A_447 = arith.constant 5.000000e-01 : f32
    %mul3A_448 = vector.broadcast %mul3A_447 : f32 to vector<400x128xf32>
    %mul3A_449 = arith.mulf %mul3A_448, %tanh3A_446 : vector<400x128xf32>
    %add3A_450 = arith.constant 5.000000e-01 : f32
    %add3A_451 = vector.broadcast %add3A_450 : f32 to vector<400x128xf32>
    %add3A_452 = arith.addf %add3A_451, %mul3A_449 : vector<400x128xf32>
    %slice3A_453 = vector.extract_strided_slice %add3A_430 {offsets = [0, 256], sizes = [400, 128], strides = [1, 1]} : vector<400x512xf32> to vector<400x128xf32>
    %tanh3A_454 = math.tanh %slice3A_453 : vector<400x128xf32>
    %slice3A_455 = vector.extract_strided_slice %add3A_430 {offsets = [0, 384], sizes = [400, 128], strides = [1, 1]} : vector<400x512xf32> to vector<400x128xf32>
    %mul3A_456 = arith.constant 5.000000e-01 : f32
    %mul3A_457 = vector.broadcast %mul3A_456 : f32 to vector<400x128xf32>
    %mul3A_458 = arith.mulf %mul3A_457, %slice3A_455 : vector<400x128xf32>
    %tanh3A_459 = math.tanh %mul3A_458 : vector<400x128xf32>
    %mul3A_460 = arith.constant 5.000000e-01 : f32
    %mul3A_461 = vector.broadcast %mul3A_460 : f32 to vector<400x128xf32>
    %mul3A_462 = arith.mulf %mul3A_461, %tanh3A_459 : vector<400x128xf32>
    %add3A_463 = arith.constant 5.000000e-01 : f32
    %add3A_464 = vector.broadcast %add3A_463 : f32 to vector<400x128xf32>
    %add3A_465 = arith.addf %add3A_464, %mul3A_462 : vector<400x128xf32>
    %mul3A_466 = arith.mulf %add3A_452, %add3A_416 : vector<400x128xf32>
    %mul3A_467 = arith.mulf %add3A_441, %tanh3A_454 : vector<400x128xf32>
    %add3A_468 = arith.addf %mul3A_466, %mul3A_467 : vector<400x128xf32>
    %tanh3A_469 = math.tanh %add3A_468 : vector<400x128xf32>
    %mul3A_470 = arith.mulf %add3A_465, %tanh3A_469 : vector<400x128xf32>
    %get3A_471 = arith.constant 9 : index
    %get3A_472 = arith.constant 0 : index
    %get3A_473 = arith.constant 0 : index
    %get3A_474 = vector.load %arg1[%get3A_471, %get3A_472, %get3A_473] : memref<32x400x128xf32, #tpu.memory_space<vmem>>, vector<1x400x128xf32>
    %get3A_475 = vector.shape_cast %get3A_474 : vector<1x400x128xf32> to vector<400x128xf32>
    %convert_element_type3A_476 = arith.truncf %get3A_475 : vector<400x128xf32> to vector<400x128xbf16>
    %convert_element_type3A_477 = arith.truncf %mul3A_470 : vector<400x128xf32> to vector<400x128xbf16>
    %concatenate3A_478 = tpu.concatenate %convert_element_type3A_476, %convert_element_type3A_477 in 1 : vector<400x128xbf16>, vector<400x128xbf16> -> vector<400x256xbf16>
    %dot_general3A_479 = arith.constant dense<0.000000e+00> : vector<400x512xf32>
    %dot_general3A_480 = tpu.matmul %concatenate3A_478, %get3A_4, %dot_general3A_479 {dimension_numbers = #tpu.dot_dimension_numbers<[1], [0], [0], [1], [0, 0, 1, 1], [], []>, transpose_lhs_hint = false} : vector<400x256xbf16>, vector<256x512xbf16>, vector<400x512xf32> -> vector<400x512xf32>
    %add3A_481 = vector.broadcast %get3A_7 : vector<1x512xf32> to vector<400x512xf32>
    %add3A_482 = arith.addf %dot_general3A_480, %add3A_481 : vector<400x512xf32>
    %slice3A_483 = vector.extract_strided_slice %add3A_482 {offsets = [0, 0], sizes = [400, 128], strides = [1, 1]} : vector<400x512xf32> to vector<400x128xf32>
    %mul3A_484 = arith.constant 5.000000e-01 : f32
    %mul3A_485 = vector.broadcast %mul3A_484 : f32 to vector<400x128xf32>
    %mul3A_486 = arith.mulf %mul3A_485, %slice3A_483 : vector<400x128xf32>
    %tanh3A_487 = math.tanh %mul3A_486 : vector<400x128xf32>
    %mul3A_488 = arith.constant 5.000000e-01 : f32
    %mul3A_489 = vector.broadcast %mul3A_488 : f32 to vector<400x128xf32>
    %mul3A_490 = arith.mulf %mul3A_489, %tanh3A_487 : vector<400x128xf32>
    %add3A_491 = arith.constant 5.000000e-01 : f32
    %add3A_492 = vector.broadcast %add3A_491 : f32 to vector<400x128xf32>
    %add3A_493 = arith.addf %add3A_492, %mul3A_490 : vector<400x128xf32>
    %slice3A_494 = vector.extract_strided_slice %add3A_482 {offsets = [0, 128], sizes = [400, 128], strides = [1, 1]} : vector<400x512xf32> to vector<400x128xf32>
    %mul3A_495 = arith.constant 5.000000e-01 : f32
    %mul3A_496 = vector.broadcast %mul3A_495 : f32 to vector<400x128xf32>
    %mul3A_497 = arith.mulf %mul3A_496, %slice3A_494 : vector<400x128xf32>
    %tanh3A_498 = math.tanh %mul3A_497 : vector<400x128xf32>
    %mul3A_499 = arith.constant 5.000000e-01 : f32
    %mul3A_500 = vector.broadcast %mul3A_499 : f32 to vector<400x128xf32>
    %mul3A_501 = arith.mulf %mul3A_500, %tanh3A_498 : vector<400x128xf32>
    %add3A_502 = arith.constant 5.000000e-01 : f32
    %add3A_503 = vector.broadcast %add3A_502 : f32 to vector<400x128xf32>
    %add3A_504 = arith.addf %add3A_503, %mul3A_501 : vector<400x128xf32>
    %slice3A_505 = vector.extract_strided_slice %add3A_482 {offsets = [0, 256], sizes = [400, 128], strides = [1, 1]} : vector<400x512xf32> to vector<400x128xf32>
    %tanh3A_506 = math.tanh %slice3A_505 : vector<400x128xf32>
    %slice3A_507 = vector.extract_strided_slice %add3A_482 {offsets = [0, 384], sizes = [400, 128], strides = [1, 1]} : vector<400x512xf32> to vector<400x128xf32>
    %mul3A_508 = arith.constant 5.000000e-01 : f32
    %mul3A_509 = vector.broadcast %mul3A_508 : f32 to vector<400x128xf32>
    %mul3A_510 = arith.mulf %mul3A_509, %slice3A_507 : vector<400x128xf32>
    %tanh3A_511 = math.tanh %mul3A_510 : vector<400x128xf32>
    %mul3A_512 = arith.constant 5.000000e-01 : f32
    %mul3A_513 = vector.broadcast %mul3A_512 : f32 to vector<400x128xf32>
    %mul3A_514 = arith.mulf %mul3A_513, %tanh3A_511 : vector<400x128xf32>
    %add3A_515 = arith.constant 5.000000e-01 : f32
    %add3A_516 = vector.broadcast %add3A_515 : f32 to vector<400x128xf32>
    %add3A_517 = arith.addf %add3A_516, %mul3A_514 : vector<400x128xf32>
    %mul3A_518 = arith.mulf %add3A_504, %add3A_468 : vector<400x128xf32>
    %mul3A_519 = arith.mulf %add3A_493, %tanh3A_506 : vector<400x128xf32>
    %add3A_520 = arith.addf %mul3A_518, %mul3A_519 : vector<400x128xf32>
    %tanh3A_521 = math.tanh %add3A_520 : vector<400x128xf32>
    %mul3A_522 = arith.mulf %add3A_517, %tanh3A_521 : vector<400x128xf32>
    %get3A_523 = arith.constant 10 : index
    %get3A_524 = arith.constant 0 : index
    %get3A_525 = arith.constant 0 : index
    %get3A_526 = vector.load %arg1[%get3A_523, %get3A_524, %get3A_525] : memref<32x400x128xf32, #tpu.memory_space<vmem>>, vector<1x400x128xf32>
    %get3A_527 = vector.shape_cast %get3A_526 : vector<1x400x128xf32> to vector<400x128xf32>
    %convert_element_type3A_528 = arith.truncf %get3A_527 : vector<400x128xf32> to vector<400x128xbf16>
    %convert_element_type3A_529 = arith.truncf %mul3A_522 : vector<400x128xf32> to vector<400x128xbf16>
    %concatenate3A_530 = tpu.concatenate %convert_element_type3A_528, %convert_element_type3A_529 in 1 : vector<400x128xbf16>, vector<400x128xbf16> -> vector<400x256xbf16>
    %dot_general3A_531 = arith.constant dense<0.000000e+00> : vector<400x512xf32>
    %dot_general3A_532 = tpu.matmul %concatenate3A_530, %get3A_4, %dot_general3A_531 {dimension_numbers = #tpu.dot_dimension_numbers<[1], [0], [0], [1], [0, 0, 1, 1], [], []>, transpose_lhs_hint = false} : vector<400x256xbf16>, vector<256x512xbf16>, vector<400x512xf32> -> vector<400x512xf32>
    %add3A_533 = vector.broadcast %get3A_7 : vector<1x512xf32> to vector<400x512xf32>
    %add3A_534 = arith.addf %dot_general3A_532, %add3A_533 : vector<400x512xf32>
    %slice3A_535 = vector.extract_strided_slice %add3A_534 {offsets = [0, 0], sizes = [400, 128], strides = [1, 1]} : vector<400x512xf32> to vector<400x128xf32>
    %mul3A_536 = arith.constant 5.000000e-01 : f32
    %mul3A_537 = vector.broadcast %mul3A_536 : f32 to vector<400x128xf32>
    %mul3A_538 = arith.mulf %mul3A_537, %slice3A_535 : vector<400x128xf32>
    %tanh3A_539 = math.tanh %mul3A_538 : vector<400x128xf32>
    %mul3A_540 = arith.constant 5.000000e-01 : f32
    %mul3A_541 = vector.broadcast %mul3A_540 : f32 to vector<400x128xf32>
    %mul3A_542 = arith.mulf %mul3A_541, %tanh3A_539 : vector<400x128xf32>
    %add3A_543 = arith.constant 5.000000e-01 : f32
    %add3A_544 = vector.broadcast %add3A_543 : f32 to vector<400x128xf32>
    %add3A_545 = arith.addf %add3A_544, %mul3A_542 : vector<400x128xf32>
    %slice3A_546 = vector.extract_strided_slice %add3A_534 {offsets = [0, 128], sizes = [400, 128], strides = [1, 1]} : vector<400x512xf32> to vector<400x128xf32>
    %mul3A_547 = arith.constant 5.000000e-01 : f32
    %mul3A_548 = vector.broadcast %mul3A_547 : f32 to vector<400x128xf32>
    %mul3A_549 = arith.mulf %mul3A_548, %slice3A_546 : vector<400x128xf32>
    %tanh3A_550 = math.tanh %mul3A_549 : vector<400x128xf32>
    %mul3A_551 = arith.constant 5.000000e-01 : f32
    %mul3A_552 = vector.broadcast %mul3A_551 : f32 to vector<400x128xf32>
    %mul3A_553 = arith.mulf %mul3A_552, %tanh3A_550 : vector<400x128xf32>
    %add3A_554 = arith.constant 5.000000e-01 : f32
    %add3A_555 = vector.broadcast %add3A_554 : f32 to vector<400x128xf32>
    %add3A_556 = arith.addf %add3A_555, %mul3A_553 : vector<400x128xf32>
    %slice3A_557 = vector.extract_strided_slice %add3A_534 {offsets = [0, 256], sizes = [400, 128], strides = [1, 1]} : vector<400x512xf32> to vector<400x128xf32>
    %tanh3A_558 = math.tanh %slice3A_557 : vector<400x128xf32>
    %slice3A_559 = vector.extract_strided_slice %add3A_534 {offsets = [0, 384], sizes = [400, 128], strides = [1, 1]} : vector<400x512xf32> to vector<400x128xf32>
    %mul3A_560 = arith.constant 5.000000e-01 : f32
    %mul3A_561 = vector.broadcast %mul3A_560 : f32 to vector<400x128xf32>
    %mul3A_562 = arith.mulf %mul3A_561, %slice3A_559 : vector<400x128xf32>
    %tanh3A_563 = math.tanh %mul3A_562 : vector<400x128xf32>
    %mul3A_564 = arith.constant 5.000000e-01 : f32
    %mul3A_565 = vector.broadcast %mul3A_564 : f32 to vector<400x128xf32>
    %mul3A_566 = arith.mulf %mul3A_565, %tanh3A_563 : vector<400x128xf32>
    %add3A_567 = arith.constant 5.000000e-01 : f32
    %add3A_568 = vector.broadcast %add3A_567 : f32 to vector<400x128xf32>
    %add3A_569 = arith.addf %add3A_568, %mul3A_566 : vector<400x128xf32>
    %mul3A_570 = arith.mulf %add3A_556, %add3A_520 : vector<400x128xf32>
    %mul3A_571 = arith.mulf %add3A_545, %tanh3A_558 : vector<400x128xf32>
    %add3A_572 = arith.addf %mul3A_570, %mul3A_571 : vector<400x128xf32>
    %tanh3A_573 = math.tanh %add3A_572 : vector<400x128xf32>
    %mul3A_574 = arith.mulf %add3A_569, %tanh3A_573 : vector<400x128xf32>
    %get3A_575 = arith.constant 11 : index
    %get3A_576 = arith.constant 0 : index
    %get3A_577 = arith.constant 0 : index
    %get3A_578 = vector.load %arg1[%get3A_575, %get3A_576, %get3A_577] : memref<32x400x128xf32, #tpu.memory_space<vmem>>, vector<1x400x128xf32>
    %get3A_579 = vector.shape_cast %get3A_578 : vector<1x400x128xf32> to vector<400x128xf32>
    %convert_element_type3A_580 = arith.truncf %get3A_579 : vector<400x128xf32> to vector<400x128xbf16>
    %convert_element_type3A_581 = arith.truncf %mul3A_574 : vector<400x128xf32> to vector<400x128xbf16>
    %concatenate3A_582 = tpu.concatenate %convert_element_type3A_580, %convert_element_type3A_581 in 1 : vector<400x128xbf16>, vector<400x128xbf16> -> vector<400x256xbf16>
    %dot_general3A_583 = arith.constant dense<0.000000e+00> : vector<400x512xf32>
    %dot_general3A_584 = tpu.matmul %concatenate3A_582, %get3A_4, %dot_general3A_583 {dimension_numbers = #tpu.dot_dimension_numbers<[1], [0], [0], [1], [0, 0, 1, 1], [], []>, transpose_lhs_hint = false} : vector<400x256xbf16>, vector<256x512xbf16>, vector<400x512xf32> -> vector<400x512xf32>
    %add3A_585 = vector.broadcast %get3A_7 : vector<1x512xf32> to vector<400x512xf32>
    %add3A_586 = arith.addf %dot_general3A_584, %add3A_585 : vector<400x512xf32>
    %slice3A_587 = vector.extract_strided_slice %add3A_586 {offsets = [0, 0], sizes = [400, 128], strides = [1, 1]} : vector<400x512xf32> to vector<400x128xf32>
    %mul3A_588 = arith.constant 5.000000e-01 : f32
    %mul3A_589 = vector.broadcast %mul3A_588 : f32 to vector<400x128xf32>
    %mul3A_590 = arith.mulf %mul3A_589, %slice3A_587 : vector<400x128xf32>
    %tanh3A_591 = math.tanh %mul3A_590 : vector<400x128xf32>
    %mul3A_592 = arith.constant 5.000000e-01 : f32
    %mul3A_593 = vector.broadcast %mul3A_592 : f32 to vector<400x128xf32>
    %mul3A_594 = arith.mulf %mul3A_593, %tanh3A_591 : vector<400x128xf32>
    %add3A_595 = arith.constant 5.000000e-01 : f32
    %add3A_596 = vector.broadcast %add3A_595 : f32 to vector<400x128xf32>
    %add3A_597 = arith.addf %add3A_596, %mul3A_594 : vector<400x128xf32>
    %slice3A_598 = vector.extract_strided_slice %add3A_586 {offsets = [0, 128], sizes = [400, 128], strides = [1, 1]} : vector<400x512xf32> to vector<400x128xf32>
    %mul3A_599 = arith.constant 5.000000e-01 : f32
    %mul3A_600 = vector.broadcast %mul3A_599 : f32 to vector<400x128xf32>
    %mul3A_601 = arith.mulf %mul3A_600, %slice3A_598 : vector<400x128xf32>
    %tanh3A_602 = math.tanh %mul3A_601 : vector<400x128xf32>
    %mul3A_603 = arith.constant 5.000000e-01 : f32
    %mul3A_604 = vector.broadcast %mul3A_603 : f32 to vector<400x128xf32>
    %mul3A_605 = arith.mulf %mul3A_604, %tanh3A_602 : vector<400x128xf32>
    %add3A_606 = arith.constant 5.000000e-01 : f32
    %add3A_607 = vector.broadcast %add3A_606 : f32 to vector<400x128xf32>
    %add3A_608 = arith.addf %add3A_607, %mul3A_605 : vector<400x128xf32>
    %slice3A_609 = vector.extract_strided_slice %add3A_586 {offsets = [0, 256], sizes = [400, 128], strides = [1, 1]} : vector<400x512xf32> to vector<400x128xf32>
    %tanh3A_610 = math.tanh %slice3A_609 : vector<400x128xf32>
    %slice3A_611 = vector.extract_strided_slice %add3A_586 {offsets = [0, 384], sizes = [400, 128], strides = [1, 1]} : vector<400x512xf32> to vector<400x128xf32>
    %mul3A_612 = arith.constant 5.000000e-01 : f32
    %mul3A_613 = vector.broadcast %mul3A_612 : f32 to vector<400x128xf32>
    %mul3A_614 = arith.mulf %mul3A_613, %slice3A_611 : vector<400x128xf32>
    %tanh3A_615 = math.tanh %mul3A_614 : vector<400x128xf32>
    %mul3A_616 = arith.constant 5.000000e-01 : f32
    %mul3A_617 = vector.broadcast %mul3A_616 : f32 to vector<400x128xf32>
    %mul3A_618 = arith.mulf %mul3A_617, %tanh3A_615 : vector<400x128xf32>
    %add3A_619 = arith.constant 5.000000e-01 : f32
    %add3A_620 = vector.broadcast %add3A_619 : f32 to vector<400x128xf32>
    %add3A_621 = arith.addf %add3A_620, %mul3A_618 : vector<400x128xf32>
    %mul3A_622 = arith.mulf %add3A_608, %add3A_572 : vector<400x128xf32>
    %mul3A_623 = arith.mulf %add3A_597, %tanh3A_610 : vector<400x128xf32>
    %add3A_624 = arith.addf %mul3A_622, %mul3A_623 : vector<400x128xf32>
    %tanh3A_625 = math.tanh %add3A_624 : vector<400x128xf32>
    %mul3A_626 = arith.mulf %add3A_621, %tanh3A_625 : vector<400x128xf32>
    %get3A_627 = arith.constant 12 : index
    %get3A_628 = arith.constant 0 : index
    %get3A_629 = arith.constant 0 : index
    %get3A_630 = vector.load %arg1[%get3A_627, %get3A_628, %get3A_629] : memref<32x400x128xf32, #tpu.memory_space<vmem>>, vector<1x400x128xf32>
    %get3A_631 = vector.shape_cast %get3A_630 : vector<1x400x128xf32> to vector<400x128xf32>
    %convert_element_type3A_632 = arith.truncf %get3A_631 : vector<400x128xf32> to vector<400x128xbf16>
    %convert_element_type3A_633 = arith.truncf %mul3A_626 : vector<400x128xf32> to vector<400x128xbf16>
    %concatenate3A_634 = tpu.concatenate %convert_element_type3A_632, %convert_element_type3A_633 in 1 : vector<400x128xbf16>, vector<400x128xbf16> -> vector<400x256xbf16>
    %dot_general3A_635 = arith.constant dense<0.000000e+00> : vector<400x512xf32>
    %dot_general3A_636 = tpu.matmul %concatenate3A_634, %get3A_4, %dot_general3A_635 {dimension_numbers = #tpu.dot_dimension_numbers<[1], [0], [0], [1], [0, 0, 1, 1], [], []>, transpose_lhs_hint = false} : vector<400x256xbf16>, vector<256x512xbf16>, vector<400x512xf32> -> vector<400x512xf32>
    %add3A_637 = vector.broadcast %get3A_7 : vector<1x512xf32> to vector<400x512xf32>
    %add3A_638 = arith.addf %dot_general3A_636, %add3A_637 : vector<400x512xf32>
    %slice3A_639 = vector.extract_strided_slice %add3A_638 {offsets = [0, 0], sizes = [400, 128], strides = [1, 1]} : vector<400x512xf32> to vector<400x128xf32>
    %mul3A_640 = arith.constant 5.000000e-01 : f32
    %mul3A_641 = vector.broadcast %mul3A_640 : f32 to vector<400x128xf32>
    %mul3A_642 = arith.mulf %mul3A_641, %slice3A_639 : vector<400x128xf32>
    %tanh3A_643 = math.tanh %mul3A_642 : vector<400x128xf32>
    %mul3A_644 = arith.constant 5.000000e-01 : f32
    %mul3A_645 = vector.broadcast %mul3A_644 : f32 to vector<400x128xf32>
    %mul3A_646 = arith.mulf %mul3A_645, %tanh3A_643 : vector<400x128xf32>
    %add3A_647 = arith.constant 5.000000e-01 : f32
    %add3A_648 = vector.broadcast %add3A_647 : f32 to vector<400x128xf32>
    %add3A_649 = arith.addf %add3A_648, %mul3A_646 : vector<400x128xf32>
    %slice3A_650 = vector.extract_strided_slice %add3A_638 {offsets = [0, 128], sizes = [400, 128], strides = [1, 1]} : vector<400x512xf32> to vector<400x128xf32>
    %mul3A_651 = arith.constant 5.000000e-01 : f32
    %mul3A_652 = vector.broadcast %mul3A_651 : f32 to vector<400x128xf32>
    %mul3A_653 = arith.mulf %mul3A_652, %slice3A_650 : vector<400x128xf32>
    %tanh3A_654 = math.tanh %mul3A_653 : vector<400x128xf32>
    %mul3A_655 = arith.constant 5.000000e-01 : f32
    %mul3A_656 = vector.broadcast %mul3A_655 : f32 to vector<400x128xf32>
    %mul3A_657 = arith.mulf %mul3A_656, %tanh3A_654 : vector<400x128xf32>
    %add3A_658 = arith.constant 5.000000e-01 : f32
    %add3A_659 = vector.broadcast %add3A_658 : f32 to vector<400x128xf32>
    %add3A_660 = arith.addf %add3A_659, %mul3A_657 : vector<400x128xf32>
    %slice3A_661 = vector.extract_strided_slice %add3A_638 {offsets = [0, 256], sizes = [400, 128], strides = [1, 1]} : vector<400x512xf32> to vector<400x128xf32>
    %tanh3A_662 = math.tanh %slice3A_661 : vector<400x128xf32>
    %slice3A_663 = vector.extract_strided_slice %add3A_638 {offsets = [0, 384], sizes = [400, 128], strides = [1, 1]} : vector<400x512xf32> to vector<400x128xf32>
    %mul3A_664 = arith.constant 5.000000e-01 : f32
    %mul3A_665 = vector.broadcast %mul3A_664 : f32 to vector<400x128xf32>
    %mul3A_666 = arith.mulf %mul3A_665, %slice3A_663 : vector<400x128xf32>
    %tanh3A_667 = math.tanh %mul3A_666 : vector<400x128xf32>
    %mul3A_668 = arith.constant 5.000000e-01 : f32
    %mul3A_669 = vector.broadcast %mul3A_668 : f32 to vector<400x128xf32>
    %mul3A_670 = arith.mulf %mul3A_669, %tanh3A_667 : vector<400x128xf32>
    %add3A_671 = arith.constant 5.000000e-01 : f32
    %add3A_672 = vector.broadcast %add3A_671 : f32 to vector<400x128xf32>
    %add3A_673 = arith.addf %add3A_672, %mul3A_670 : vector<400x128xf32>
    %mul3A_674 = arith.mulf %add3A_660, %add3A_624 : vector<400x128xf32>
    %mul3A_675 = arith.mulf %add3A_649, %tanh3A_662 : vector<400x128xf32>
    %add3A_676 = arith.addf %mul3A_674, %mul3A_675 : vector<400x128xf32>
    %tanh3A_677 = math.tanh %add3A_676 : vector<400x128xf32>
    %mul3A_678 = arith.mulf %add3A_673, %tanh3A_677 : vector<400x128xf32>
    %get3A_679 = arith.constant 13 : index
    %get3A_680 = arith.constant 0 : index
    %get3A_681 = arith.constant 0 : index
    %get3A_682 = vector.load %arg1[%get3A_679, %get3A_680, %get3A_681] : memref<32x400x128xf32, #tpu.memory_space<vmem>>, vector<1x400x128xf32>
    %get3A_683 = vector.shape_cast %get3A_682 : vector<1x400x128xf32> to vector<400x128xf32>
    %convert_element_type3A_684 = arith.truncf %get3A_683 : vector<400x128xf32> to vector<400x128xbf16>
    %convert_element_type3A_685 = arith.truncf %mul3A_678 : vector<400x128xf32> to vector<400x128xbf16>
    %concatenate3A_686 = tpu.concatenate %convert_element_type3A_684, %convert_element_type3A_685 in 1 : vector<400x128xbf16>, vector<400x128xbf16> -> vector<400x256xbf16>
    %dot_general3A_687 = arith.constant dense<0.000000e+00> : vector<400x512xf32>
    %dot_general3A_688 = tpu.matmul %concatenate3A_686, %get3A_4, %dot_general3A_687 {dimension_numbers = #tpu.dot_dimension_numbers<[1], [0], [0], [1], [0, 0, 1, 1], [], []>, transpose_lhs_hint = false} : vector<400x256xbf16>, vector<256x512xbf16>, vector<400x512xf32> -> vector<400x512xf32>
    %add3A_689 = vector.broadcast %get3A_7 : vector<1x512xf32> to vector<400x512xf32>
    %add3A_690 = arith.addf %dot_general3A_688, %add3A_689 : vector<400x512xf32>
    %slice3A_691 = vector.extract_strided_slice %add3A_690 {offsets = [0, 0], sizes = [400, 128], strides = [1, 1]} : vector<400x512xf32> to vector<400x128xf32>
    %mul3A_692 = arith.constant 5.000000e-01 : f32
    %mul3A_693 = vector.broadcast %mul3A_692 : f32 to vector<400x128xf32>
    %mul3A_694 = arith.mulf %mul3A_693, %slice3A_691 : vector<400x128xf32>
    %tanh3A_695 = math.tanh %mul3A_694 : vector<400x128xf32>
    %mul3A_696 = arith.constant 5.000000e-01 : f32
    %mul3A_697 = vector.broadcast %mul3A_696 : f32 to vector<400x128xf32>
    %mul3A_698 = arith.mulf %mul3A_697, %tanh3A_695 : vector<400x128xf32>
    %add3A_699 = arith.constant 5.000000e-01 : f32
    %add3A_700 = vector.broadcast %add3A_699 : f32 to vector<400x128xf32>
    %add3A_701 = arith.addf %add3A_700, %mul3A_698 : vector<400x128xf32>
    %slice3A_702 = vector.extract_strided_slice %add3A_690 {offsets = [0, 128], sizes = [400, 128], strides = [1, 1]} : vector<400x512xf32> to vector<400x128xf32>
    %mul3A_703 = arith.constant 5.000000e-01 : f32
    %mul3A_704 = vector.broadcast %mul3A_703 : f32 to vector<400x128xf32>
    %mul3A_705 = arith.mulf %mul3A_704, %slice3A_702 : vector<400x128xf32>
    %tanh3A_706 = math.tanh %mul3A_705 : vector<400x128xf32>
    %mul3A_707 = arith.constant 5.000000e-01 : f32
    %mul3A_708 = vector.broadcast %mul3A_707 : f32 to vector<400x128xf32>
    %mul3A_709 = arith.mulf %mul3A_708, %tanh3A_706 : vector<400x128xf32>
    %add3A_710 = arith.constant 5.000000e-01 : f32
    %add3A_711 = vector.broadcast %add3A_710 : f32 to vector<400x128xf32>
    %add3A_712 = arith.addf %add3A_711, %mul3A_709 : vector<400x128xf32>
    %slice3A_713 = vector.extract_strided_slice %add3A_690 {offsets = [0, 256], sizes = [400, 128], strides = [1, 1]} : vector<400x512xf32> to vector<400x128xf32>
    %tanh3A_714 = math.tanh %slice3A_713 : vector<400x128xf32>
    %slice3A_715 = vector.extract_strided_slice %add3A_690 {offsets = [0, 384], sizes = [400, 128], strides = [1, 1]} : vector<400x512xf32> to vector<400x128xf32>
    %mul3A_716 = arith.constant 5.000000e-01 : f32
    %mul3A_717 = vector.broadcast %mul3A_716 : f32 to vector<400x128xf32>
    %mul3A_718 = arith.mulf %mul3A_717, %slice3A_715 : vector<400x128xf32>
    %tanh3A_719 = math.tanh %mul3A_718 : vector<400x128xf32>
    %mul3A_720 = arith.constant 5.000000e-01 : f32
    %mul3A_721 = vector.broadcast %mul3A_720 : f32 to vector<400x128xf32>
    %mul3A_722 = arith.mulf %mul3A_721, %tanh3A_719 : vector<400x128xf32>
    %add3A_723 = arith.constant 5.000000e-01 : f32
    %add3A_724 = vector.broadcast %add3A_723 : f32 to vector<400x128xf32>
    %add3A_725 = arith.addf %add3A_724, %mul3A_722 : vector<400x128xf32>
    %mul3A_726 = arith.mulf %add3A_712, %add3A_676 : vector<400x128xf32>
    %mul3A_727 = arith.mulf %add3A_701, %tanh3A_714 : vector<400x128xf32>
    %add3A_728 = arith.addf %mul3A_726, %mul3A_727 : vector<400x128xf32>
    %tanh3A_729 = math.tanh %add3A_728 : vector<400x128xf32>
    %mul3A_730 = arith.mulf %add3A_725, %tanh3A_729 : vector<400x128xf32>
    %get3A_731 = arith.constant 14 : index
    %get3A_732 = arith.constant 0 : index
    %get3A_733 = arith.constant 0 : index
    %get3A_734 = vector.load %arg1[%get3A_731, %get3A_732, %get3A_733] : memref<32x400x128xf32, #tpu.memory_space<vmem>>, vector<1x400x128xf32>
    %get3A_735 = vector.shape_cast %get3A_734 : vector<1x400x128xf32> to vector<400x128xf32>
    %convert_element_type3A_736 = arith.truncf %get3A_735 : vector<400x128xf32> to vector<400x128xbf16>
    %convert_element_type3A_737 = arith.truncf %mul3A_730 : vector<400x128xf32> to vector<400x128xbf16>
    %concatenate3A_738 = tpu.concatenate %convert_element_type3A_736, %convert_element_type3A_737 in 1 : vector<400x128xbf16>, vector<400x128xbf16> -> vector<400x256xbf16>
    %dot_general3A_739 = arith.constant dense<0.000000e+00> : vector<400x512xf32>
    %dot_general3A_740 = tpu.matmul %concatenate3A_738, %get3A_4, %dot_general3A_739 {dimension_numbers = #tpu.dot_dimension_numbers<[1], [0], [0], [1], [0, 0, 1, 1], [], []>, transpose_lhs_hint = false} : vector<400x256xbf16>, vector<256x512xbf16>, vector<400x512xf32> -> vector<400x512xf32>
    %add3A_741 = vector.broadcast %get3A_7 : vector<1x512xf32> to vector<400x512xf32>
    %add3A_742 = arith.addf %dot_general3A_740, %add3A_741 : vector<400x512xf32>
    %slice3A_743 = vector.extract_strided_slice %add3A_742 {offsets = [0, 0], sizes = [400, 128], strides = [1, 1]} : vector<400x512xf32> to vector<400x128xf32>
    %mul3A_744 = arith.constant 5.000000e-01 : f32
    %mul3A_745 = vector.broadcast %mul3A_744 : f32 to vector<400x128xf32>
    %mul3A_746 = arith.mulf %mul3A_745, %slice3A_743 : vector<400x128xf32>
    %tanh3A_747 = math.tanh %mul3A_746 : vector<400x128xf32>
    %mul3A_748 = arith.constant 5.000000e-01 : f32
    %mul3A_749 = vector.broadcast %mul3A_748 : f32 to vector<400x128xf32>
    %mul3A_750 = arith.mulf %mul3A_749, %tanh3A_747 : vector<400x128xf32>
    %add3A_751 = arith.constant 5.000000e-01 : f32
    %add3A_752 = vector.broadcast %add3A_751 : f32 to vector<400x128xf32>
    %add3A_753 = arith.addf %add3A_752, %mul3A_750 : vector<400x128xf32>
    %slice3A_754 = vector.extract_strided_slice %add3A_742 {offsets = [0, 128], sizes = [400, 128], strides = [1, 1]} : vector<400x512xf32> to vector<400x128xf32>
    %mul3A_755 = arith.constant 5.000000e-01 : f32
    %mul3A_756 = vector.broadcast %mul3A_755 : f32 to vector<400x128xf32>
    %mul3A_757 = arith.mulf %mul3A_756, %slice3A_754 : vector<400x128xf32>
    %tanh3A_758 = math.tanh %mul3A_757 : vector<400x128xf32>
    %mul3A_759 = arith.constant 5.000000e-01 : f32
    %mul3A_760 = vector.broadcast %mul3A_759 : f32 to vector<400x128xf32>
    %mul3A_761 = arith.mulf %mul3A_760, %tanh3A_758 : vector<400x128xf32>
    %add3A_762 = arith.constant 5.000000e-01 : f32
    %add3A_763 = vector.broadcast %add3A_762 : f32 to vector<400x128xf32>
    %add3A_764 = arith.addf %add3A_763, %mul3A_761 : vector<400x128xf32>
    %slice3A_765 = vector.extract_strided_slice %add3A_742 {offsets = [0, 256], sizes = [400, 128], strides = [1, 1]} : vector<400x512xf32> to vector<400x128xf32>
    %tanh3A_766 = math.tanh %slice3A_765 : vector<400x128xf32>
    %slice3A_767 = vector.extract_strided_slice %add3A_742 {offsets = [0, 384], sizes = [400, 128], strides = [1, 1]} : vector<400x512xf32> to vector<400x128xf32>
    %mul3A_768 = arith.constant 5.000000e-01 : f32
    %mul3A_769 = vector.broadcast %mul3A_768 : f32 to vector<400x128xf32>
    %mul3A_770 = arith.mulf %mul3A_769, %slice3A_767 : vector<400x128xf32>
    %tanh3A_771 = math.tanh %mul3A_770 : vector<400x128xf32>
    %mul3A_772 = arith.constant 5.000000e-01 : f32
    %mul3A_773 = vector.broadcast %mul3A_772 : f32 to vector<400x128xf32>
    %mul3A_774 = arith.mulf %mul3A_773, %tanh3A_771 : vector<400x128xf32>
    %add3A_775 = arith.constant 5.000000e-01 : f32
    %add3A_776 = vector.broadcast %add3A_775 : f32 to vector<400x128xf32>
    %add3A_777 = arith.addf %add3A_776, %mul3A_774 : vector<400x128xf32>
    %mul3A_778 = arith.mulf %add3A_764, %add3A_728 : vector<400x128xf32>
    %mul3A_779 = arith.mulf %add3A_753, %tanh3A_766 : vector<400x128xf32>
    %add3A_780 = arith.addf %mul3A_778, %mul3A_779 : vector<400x128xf32>
    %tanh3A_781 = math.tanh %add3A_780 : vector<400x128xf32>
    %mul3A_782 = arith.mulf %add3A_777, %tanh3A_781 : vector<400x128xf32>
    %get3A_783 = arith.constant 15 : index
    %get3A_784 = arith.constant 0 : index
    %get3A_785 = arith.constant 0 : index
    %get3A_786 = vector.load %arg1[%get3A_783, %get3A_784, %get3A_785] : memref<32x400x128xf32, #tpu.memory_space<vmem>>, vector<1x400x128xf32>
    %get3A_787 = vector.shape_cast %get3A_786 : vector<1x400x128xf32> to vector<400x128xf32>
    %convert_element_type3A_788 = arith.truncf %get3A_787 : vector<400x128xf32> to vector<400x128xbf16>
    %convert_element_type3A_789 = arith.truncf %mul3A_782 : vector<400x128xf32> to vector<400x128xbf16>
    %concatenate3A_790 = tpu.concatenate %convert_element_type3A_788, %convert_element_type3A_789 in 1 : vector<400x128xbf16>, vector<400x128xbf16> -> vector<400x256xbf16>
    %dot_general3A_791 = arith.constant dense<0.000000e+00> : vector<400x512xf32>
    %dot_general3A_792 = tpu.matmul %concatenate3A_790, %get3A_4, %dot_general3A_791 {dimension_numbers = #tpu.dot_dimension_numbers<[1], [0], [0], [1], [0, 0, 1, 1], [], []>, transpose_lhs_hint = false} : vector<400x256xbf16>, vector<256x512xbf16>, vector<400x512xf32> -> vector<400x512xf32>
    %add3A_793 = vector.broadcast %get3A_7 : vector<1x512xf32> to vector<400x512xf32>
    %add3A_794 = arith.addf %dot_general3A_792, %add3A_793 : vector<400x512xf32>
    %slice3A_795 = vector.extract_strided_slice %add3A_794 {offsets = [0, 0], sizes = [400, 128], strides = [1, 1]} : vector<400x512xf32> to vector<400x128xf32>
    %mul3A_796 = arith.constant 5.000000e-01 : f32
    %mul3A_797 = vector.broadcast %mul3A_796 : f32 to vector<400x128xf32>
    %mul3A_798 = arith.mulf %mul3A_797, %slice3A_795 : vector<400x128xf32>
    %tanh3A_799 = math.tanh %mul3A_798 : vector<400x128xf32>
    %mul3A_800 = arith.constant 5.000000e-01 : f32
    %mul3A_801 = vector.broadcast %mul3A_800 : f32 to vector<400x128xf32>
    %mul3A_802 = arith.mulf %mul3A_801, %tanh3A_799 : vector<400x128xf32>
    %add3A_803 = arith.constant 5.000000e-01 : f32
    %add3A_804 = vector.broadcast %add3A_803 : f32 to vector<400x128xf32>
    %add3A_805 = arith.addf %add3A_804, %mul3A_802 : vector<400x128xf32>
    %slice3A_806 = vector.extract_strided_slice %add3A_794 {offsets = [0, 128], sizes = [400, 128], strides = [1, 1]} : vector<400x512xf32> to vector<400x128xf32>
    %mul3A_807 = arith.constant 5.000000e-01 : f32
    %mul3A_808 = vector.broadcast %mul3A_807 : f32 to vector<400x128xf32>
    %mul3A_809 = arith.mulf %mul3A_808, %slice3A_806 : vector<400x128xf32>
    %tanh3A_810 = math.tanh %mul3A_809 : vector<400x128xf32>
    %mul3A_811 = arith.constant 5.000000e-01 : f32
    %mul3A_812 = vector.broadcast %mul3A_811 : f32 to vector<400x128xf32>
    %mul3A_813 = arith.mulf %mul3A_812, %tanh3A_810 : vector<400x128xf32>
    %add3A_814 = arith.constant 5.000000e-01 : f32
    %add3A_815 = vector.broadcast %add3A_814 : f32 to vector<400x128xf32>
    %add3A_816 = arith.addf %add3A_815, %mul3A_813 : vector<400x128xf32>
    %slice3A_817 = vector.extract_strided_slice %add3A_794 {offsets = [0, 256], sizes = [400, 128], strides = [1, 1]} : vector<400x512xf32> to vector<400x128xf32>
    %tanh3A_818 = math.tanh %slice3A_817 : vector<400x128xf32>
    %slice3A_819 = vector.extract_strided_slice %add3A_794 {offsets = [0, 384], sizes = [400, 128], strides = [1, 1]} : vector<400x512xf32> to vector<400x128xf32>
    %mul3A_820 = arith.constant 5.000000e-01 : f32
    %mul3A_821 = vector.broadcast %mul3A_820 : f32 to vector<400x128xf32>
    %mul3A_822 = arith.mulf %mul3A_821, %slice3A_819 : vector<400x128xf32>
    %tanh3A_823 = math.tanh %mul3A_822 : vector<400x128xf32>
    %mul3A_824 = arith.constant 5.000000e-01 : f32
    %mul3A_825 = vector.broadcast %mul3A_824 : f32 to vector<400x128xf32>
    %mul3A_826 = arith.mulf %mul3A_825, %tanh3A_823 : vector<400x128xf32>
    %add3A_827 = arith.constant 5.000000e-01 : f32
    %add3A_828 = vector.broadcast %add3A_827 : f32 to vector<400x128xf32>
    %add3A_829 = arith.addf %add3A_828, %mul3A_826 : vector<400x128xf32>
    %mul3A_830 = arith.mulf %add3A_816, %add3A_780 : vector<400x128xf32>
    %mul3A_831 = arith.mulf %add3A_805, %tanh3A_818 : vector<400x128xf32>
    %add3A_832 = arith.addf %mul3A_830, %mul3A_831 : vector<400x128xf32>
    %tanh3A_833 = math.tanh %add3A_832 : vector<400x128xf32>
    %mul3A_834 = arith.mulf %add3A_829, %tanh3A_833 : vector<400x128xf32>
    %get3A_835 = arith.constant 16 : index
    %get3A_836 = arith.constant 0 : index
    %get3A_837 = arith.constant 0 : index
    %get3A_838 = vector.load %arg1[%get3A_835, %get3A_836, %get3A_837] : memref<32x400x128xf32, #tpu.memory_space<vmem>>, vector<1x400x128xf32>
    %get3A_839 = vector.shape_cast %get3A_838 : vector<1x400x128xf32> to vector<400x128xf32>
    %convert_element_type3A_840 = arith.truncf %get3A_839 : vector<400x128xf32> to vector<400x128xbf16>
    %convert_element_type3A_841 = arith.truncf %mul3A_834 : vector<400x128xf32> to vector<400x128xbf16>
    %concatenate3A_842 = tpu.concatenate %convert_element_type3A_840, %convert_element_type3A_841 in 1 : vector<400x128xbf16>, vector<400x128xbf16> -> vector<400x256xbf16>
    %dot_general3A_843 = arith.constant dense<0.000000e+00> : vector<400x512xf32>
    %dot_general3A_844 = tpu.matmul %concatenate3A_842, %get3A_4, %dot_general3A_843 {dimension_numbers = #tpu.dot_dimension_numbers<[1], [0], [0], [1], [0, 0, 1, 1], [], []>, transpose_lhs_hint = false} : vector<400x256xbf16>, vector<256x512xbf16>, vector<400x512xf32> -> vector<400x512xf32>
    %add3A_845 = vector.broadcast %get3A_7 : vector<1x512xf32> to vector<400x512xf32>
    %add3A_846 = arith.addf %dot_general3A_844, %add3A_845 : vector<400x512xf32>
    %slice3A_847 = vector.extract_strided_slice %add3A_846 {offsets = [0, 0], sizes = [400, 128], strides = [1, 1]} : vector<400x512xf32> to vector<400x128xf32>
    %mul3A_848 = arith.constant 5.000000e-01 : f32
    %mul3A_849 = vector.broadcast %mul3A_848 : f32 to vector<400x128xf32>
    %mul3A_850 = arith.mulf %mul3A_849, %slice3A_847 : vector<400x128xf32>
    %tanh3A_851 = math.tanh %mul3A_850 : vector<400x128xf32>
    %mul3A_852 = arith.constant 5.000000e-01 : f32
    %mul3A_853 = vector.broadcast %mul3A_852 : f32 to vector<400x128xf32>
    %mul3A_854 = arith.mulf %mul3A_853, %tanh3A_851 : vector<400x128xf32>
    %add3A_855 = arith.constant 5.000000e-01 : f32
    %add3A_856 = vector.broadcast %add3A_855 : f32 to vector<400x128xf32>
    %add3A_857 = arith.addf %add3A_856, %mul3A_854 : vector<400x128xf32>
    %slice3A_858 = vector.extract_strided_slice %add3A_846 {offsets = [0, 128], sizes = [400, 128], strides = [1, 1]} : vector<400x512xf32> to vector<400x128xf32>
    %mul3A_859 = arith.constant 5.000000e-01 : f32
    %mul3A_860 = vector.broadcast %mul3A_859 : f32 to vector<400x128xf32>
    %mul3A_861 = arith.mulf %mul3A_860, %slice3A_858 : vector<400x128xf32>
    %tanh3A_862 = math.tanh %mul3A_861 : vector<400x128xf32>
    %mul3A_863 = arith.constant 5.000000e-01 : f32
    %mul3A_864 = vector.broadcast %mul3A_863 : f32 to vector<400x128xf32>
    %mul3A_865 = arith.mulf %mul3A_864, %tanh3A_862 : vector<400x128xf32>
    %add3A_866 = arith.constant 5.000000e-01 : f32
    %add3A_867 = vector.broadcast %add3A_866 : f32 to vector<400x128xf32>
    %add3A_868 = arith.addf %add3A_867, %mul3A_865 : vector<400x128xf32>
    %slice3A_869 = vector.extract_strided_slice %add3A_846 {offsets = [0, 256], sizes = [400, 128], strides = [1, 1]} : vector<400x512xf32> to vector<400x128xf32>
    %tanh3A_870 = math.tanh %slice3A_869 : vector<400x128xf32>
    %slice3A_871 = vector.extract_strided_slice %add3A_846 {offsets = [0, 384], sizes = [400, 128], strides = [1, 1]} : vector<400x512xf32> to vector<400x128xf32>
    %mul3A_872 = arith.constant 5.000000e-01 : f32
    %mul3A_873 = vector.broadcast %mul3A_872 : f32 to vector<400x128xf32>
    %mul3A_874 = arith.mulf %mul3A_873, %slice3A_871 : vector<400x128xf32>
    %tanh3A_875 = math.tanh %mul3A_874 : vector<400x128xf32>
    %mul3A_876 = arith.constant 5.000000e-01 : f32
    %mul3A_877 = vector.broadcast %mul3A_876 : f32 to vector<400x128xf32>
    %mul3A_878 = arith.mulf %mul3A_877, %tanh3A_875 : vector<400x128xf32>
    %add3A_879 = arith.constant 5.000000e-01 : f32
    %add3A_880 = vector.broadcast %add3A_879 : f32 to vector<400x128xf32>
    %add3A_881 = arith.addf %add3A_880, %mul3A_878 : vector<400x128xf32>
    %mul3A_882 = arith.mulf %add3A_868, %add3A_832 : vector<400x128xf32>
    %mul3A_883 = arith.mulf %add3A_857, %tanh3A_870 : vector<400x128xf32>
    %add3A_884 = arith.addf %mul3A_882, %mul3A_883 : vector<400x128xf32>
    %tanh3A_885 = math.tanh %add3A_884 : vector<400x128xf32>
    %mul3A_886 = arith.mulf %add3A_881, %tanh3A_885 : vector<400x128xf32>
    %get3A_887 = arith.constant 17 : index
    %get3A_888 = arith.constant 0 : index
    %get3A_889 = arith.constant 0 : index
    %get3A_890 = vector.load %arg1[%get3A_887, %get3A_888, %get3A_889] : memref<32x400x128xf32, #tpu.memory_space<vmem>>, vector<1x400x128xf32>
    %get3A_891 = vector.shape_cast %get3A_890 : vector<1x400x128xf32> to vector<400x128xf32>
    %convert_element_type3A_892 = arith.truncf %get3A_891 : vector<400x128xf32> to vector<400x128xbf16>
    %convert_element_type3A_893 = arith.truncf %mul3A_886 : vector<400x128xf32> to vector<400x128xbf16>
    %concatenate3A_894 = tpu.concatenate %convert_element_type3A_892, %convert_element_type3A_893 in 1 : vector<400x128xbf16>, vector<400x128xbf16> -> vector<400x256xbf16>
    %dot_general3A_895 = arith.constant dense<0.000000e+00> : vector<400x512xf32>
    %dot_general3A_896 = tpu.matmul %concatenate3A_894, %get3A_4, %dot_general3A_895 {dimension_numbers = #tpu.dot_dimension_numbers<[1], [0], [0], [1], [0, 0, 1, 1], [], []>, transpose_lhs_hint = false} : vector<400x256xbf16>, vector<256x512xbf16>, vector<400x512xf32> -> vector<400x512xf32>
    %add3A_897 = vector.broadcast %get3A_7 : vector<1x512xf32> to vector<400x512xf32>
    %add3A_898 = arith.addf %dot_general3A_896, %add3A_897 : vector<400x512xf32>
    %slice3A_899 = vector.extract_strided_slice %add3A_898 {offsets = [0, 0], sizes = [400, 128], strides = [1, 1]} : vector<400x512xf32> to vector<400x128xf32>
    %mul3A_900 = arith.constant 5.000000e-01 : f32
    %mul3A_901 = vector.broadcast %mul3A_900 : f32 to vector<400x128xf32>
    %mul3A_902 = arith.mulf %mul3A_901, %slice3A_899 : vector<400x128xf32>
    %tanh3A_903 = math.tanh %mul3A_902 : vector<400x128xf32>
    %mul3A_904 = arith.constant 5.000000e-01 : f32
    %mul3A_905 = vector.broadcast %mul3A_904 : f32 to vector<400x128xf32>
    %mul3A_906 = arith.mulf %mul3A_905, %tanh3A_903 : vector<400x128xf32>
    %add3A_907 = arith.constant 5.000000e-01 : f32
    %add3A_908 = vector.broadcast %add3A_907 : f32 to vector<400x128xf32>
    %add3A_909 = arith.addf %add3A_908, %mul3A_906 : vector<400x128xf32>
    %slice3A_910 = vector.extract_strided_slice %add3A_898 {offsets = [0, 128], sizes = [400, 128], strides = [1, 1]} : vector<400x512xf32> to vector<400x128xf32>
    %mul3A_911 = arith.constant 5.000000e-01 : f32
    %mul3A_912 = vector.broadcast %mul3A_911 : f32 to vector<400x128xf32>
    %mul3A_913 = arith.mulf %mul3A_912, %slice3A_910 : vector<400x128xf32>
    %tanh3A_914 = math.tanh %mul3A_913 : vector<400x128xf32>
    %mul3A_915 = arith.constant 5.000000e-01 : f32
    %mul3A_916 = vector.broadcast %mul3A_915 : f32 to vector<400x128xf32>
    %mul3A_917 = arith.mulf %mul3A_916, %tanh3A_914 : vector<400x128xf32>
    %add3A_918 = arith.constant 5.000000e-01 : f32
    %add3A_919 = vector.broadcast %add3A_918 : f32 to vector<400x128xf32>
    %add3A_920 = arith.addf %add3A_919, %mul3A_917 : vector<400x128xf32>
    %slice3A_921 = vector.extract_strided_slice %add3A_898 {offsets = [0, 256], sizes = [400, 128], strides = [1, 1]} : vector<400x512xf32> to vector<400x128xf32>
    %tanh3A_922 = math.tanh %slice3A_921 : vector<400x128xf32>
    %slice3A_923 = vector.extract_strided_slice %add3A_898 {offsets = [0, 384], sizes = [400, 128], strides = [1, 1]} : vector<400x512xf32> to vector<400x128xf32>
    %mul3A_924 = arith.constant 5.000000e-01 : f32
    %mul3A_925 = vector.broadcast %mul3A_924 : f32 to vector<400x128xf32>
    %mul3A_926 = arith.mulf %mul3A_925, %slice3A_923 : vector<400x128xf32>
    %tanh3A_927 = math.tanh %mul3A_926 : vector<400x128xf32>
    %mul3A_928 = arith.constant 5.000000e-01 : f32
    %mul3A_929 = vector.broadcast %mul3A_928 : f32 to vector<400x128xf32>
    %mul3A_930 = arith.mulf %mul3A_929, %tanh3A_927 : vector<400x128xf32>
    %add3A_931 = arith.constant 5.000000e-01 : f32
    %add3A_932 = vector.broadcast %add3A_931 : f32 to vector<400x128xf32>
    %add3A_933 = arith.addf %add3A_932, %mul3A_930 : vector<400x128xf32>
    %mul3A_934 = arith.mulf %add3A_920, %add3A_884 : vector<400x128xf32>
    %mul3A_935 = arith.mulf %add3A_909, %tanh3A_922 : vector<400x128xf32>
    %add3A_936 = arith.addf %mul3A_934, %mul3A_935 : vector<400x128xf32>
    %tanh3A_937 = math.tanh %add3A_936 : vector<400x128xf32>
    %mul3A_938 = arith.mulf %add3A_933, %tanh3A_937 : vector<400x128xf32>
    %get3A_939 = arith.constant 18 : index
    %get3A_940 = arith.constant 0 : index
    %get3A_941 = arith.constant 0 : index
    %get3A_942 = vector.load %arg1[%get3A_939, %get3A_940, %get3A_941] : memref<32x400x128xf32, #tpu.memory_space<vmem>>, vector<1x400x128xf32>
    %get3A_943 = vector.shape_cast %get3A_942 : vector<1x400x128xf32> to vector<400x128xf32>
    %convert_element_type3A_944 = arith.truncf %get3A_943 : vector<400x128xf32> to vector<400x128xbf16>
    %convert_element_type3A_945 = arith.truncf %mul3A_938 : vector<400x128xf32> to vector<400x128xbf16>
    %concatenate3A_946 = tpu.concatenate %convert_element_type3A_944, %convert_element_type3A_945 in 1 : vector<400x128xbf16>, vector<400x128xbf16> -> vector<400x256xbf16>
    %dot_general3A_947 = arith.constant dense<0.000000e+00> : vector<400x512xf32>
    %dot_general3A_948 = tpu.matmul %concatenate3A_946, %get3A_4, %dot_general3A_947 {dimension_numbers = #tpu.dot_dimension_numbers<[1], [0], [0], [1], [0, 0, 1, 1], [], []>, transpose_lhs_hint = false} : vector<400x256xbf16>, vector<256x512xbf16>, vector<400x512xf32> -> vector<400x512xf32>
    %add3A_949 = vector.broadcast %get3A_7 : vector<1x512xf32> to vector<400x512xf32>
    %add3A_950 = arith.addf %dot_general3A_948, %add3A_949 : vector<400x512xf32>
    %slice3A_951 = vector.extract_strided_slice %add3A_950 {offsets = [0, 0], sizes = [400, 128], strides = [1, 1]} : vector<400x512xf32> to vector<400x128xf32>
    %mul3A_952 = arith.constant 5.000000e-01 : f32
    %mul3A_953 = vector.broadcast %mul3A_952 : f32 to vector<400x128xf32>
    %mul3A_954 = arith.mulf %mul3A_953, %slice3A_951 : vector<400x128xf32>
    %tanh3A_955 = math.tanh %mul3A_954 : vector<400x128xf32>
    %mul3A_956 = arith.constant 5.000000e-01 : f32
    %mul3A_957 = vector.broadcast %mul3A_956 : f32 to vector<400x128xf32>
    %mul3A_958 = arith.mulf %mul3A_957, %tanh3A_955 : vector<400x128xf32>
    %add3A_959 = arith.constant 5.000000e-01 : f32
    %add3A_960 = vector.broadcast %add3A_959 : f32 to vector<400x128xf32>
    %add3A_961 = arith.addf %add3A_960, %mul3A_958 : vector<400x128xf32>
    %slice3A_962 = vector.extract_strided_slice %add3A_950 {offsets = [0, 128], sizes = [400, 128], strides = [1, 1]} : vector<400x512xf32> to vector<400x128xf32>
    %mul3A_963 = arith.constant 5.000000e-01 : f32
    %mul3A_964 = vector.broadcast %mul3A_963 : f32 to vector<400x128xf32>
    %mul3A_965 = arith.mulf %mul3A_964, %slice3A_962 : vector<400x128xf32>
    %tanh3A_966 = math.tanh %mul3A_965 : vector<400x128xf32>
    %mul3A_967 = arith.constant 5.000000e-01 : f32
    %mul3A_968 = vector.broadcast %mul3A_967 : f32 to vector<400x128xf32>
    %mul3A_969 = arith.mulf %mul3A_968, %tanh3A_966 : vector<400x128xf32>
    %add3A_970 = arith.constant 5.000000e-01 : f32
    %add3A_971 = vector.broadcast %add3A_970 : f32 to vector<400x128xf32>
    %add3A_972 = arith.addf %add3A_971, %mul3A_969 : vector<400x128xf32>
    %slice3A_973 = vector.extract_strided_slice %add3A_950 {offsets = [0, 256], sizes = [400, 128], strides = [1, 1]} : vector<400x512xf32> to vector<400x128xf32>
    %tanh3A_974 = math.tanh %slice3A_973 : vector<400x128xf32>
    %slice3A_975 = vector.extract_strided_slice %add3A_950 {offsets = [0, 384], sizes = [400, 128], strides = [1, 1]} : vector<400x512xf32> to vector<400x128xf32>
    %mul3A_976 = arith.constant 5.000000e-01 : f32
    %mul3A_977 = vector.broadcast %mul3A_976 : f32 to vector<400x128xf32>
    %mul3A_978 = arith.mulf %mul3A_977, %slice3A_975 : vector<400x128xf32>
    %tanh3A_979 = math.tanh %mul3A_978 : vector<400x128xf32>
    %mul3A_980 = arith.constant 5.000000e-01 : f32
    %mul3A_981 = vector.broadcast %mul3A_980 : f32 to vector<400x128xf32>
    %mul3A_982 = arith.mulf %mul3A_981, %tanh3A_979 : vector<400x128xf32>
    %add3A_983 = arith.constant 5.000000e-01 : f32
    %add3A_984 = vector.broadcast %add3A_983 : f32 to vector<400x128xf32>
    %add3A_985 = arith.addf %add3A_984, %mul3A_982 : vector<400x128xf32>
    %mul3A_986 = arith.mulf %add3A_972, %add3A_936 : vector<400x128xf32>
    %mul3A_987 = arith.mulf %add3A_961, %tanh3A_974 : vector<400x128xf32>
    %add3A_988 = arith.addf %mul3A_986, %mul3A_987 : vector<400x128xf32>
    %tanh3A_989 = math.tanh %add3A_988 : vector<400x128xf32>
    %mul3A_990 = arith.mulf %add3A_985, %tanh3A_989 : vector<400x128xf32>
    %get3A_991 = arith.constant 19 : index
    %get3A_992 = arith.constant 0 : index
    %get3A_993 = arith.constant 0 : index
    %get3A_994 = vector.load %arg1[%get3A_991, %get3A_992, %get3A_993] : memref<32x400x128xf32, #tpu.memory_space<vmem>>, vector<1x400x128xf32>
    %get3A_995 = vector.shape_cast %get3A_994 : vector<1x400x128xf32> to vector<400x128xf32>
    %convert_element_type3A_996 = arith.truncf %get3A_995 : vector<400x128xf32> to vector<400x128xbf16>
    %convert_element_type3A_997 = arith.truncf %mul3A_990 : vector<400x128xf32> to vector<400x128xbf16>
    %concatenate3A_998 = tpu.concatenate %convert_element_type3A_996, %convert_element_type3A_997 in 1 : vector<400x128xbf16>, vector<400x128xbf16> -> vector<400x256xbf16>
    %dot_general3A_999 = arith.constant dense<0.000000e+00> : vector<400x512xf32>
    %dot_general3A_1000 = tpu.matmul %concatenate3A_998, %get3A_4, %dot_general3A_999 {dimension_numbers = #tpu.dot_dimension_numbers<[1], [0], [0], [1], [0, 0, 1, 1], [], []>, transpose_lhs_hint = false} : vector<400x256xbf16>, vector<256x512xbf16>, vector<400x512xf32> -> vector<400x512xf32>
    %add3A_1001 = vector.broadcast %get3A_7 : vector<1x512xf32> to vector<400x512xf32>
    %add3A_1002 = arith.addf %dot_general3A_1000, %add3A_1001 : vector<400x512xf32>
    %slice3A_1003 = vector.extract_strided_slice %add3A_1002 {offsets = [0, 0], sizes = [400, 128], strides = [1, 1]} : vector<400x512xf32> to vector<400x128xf32>
    %mul3A_1004 = arith.constant 5.000000e-01 : f32
    %mul3A_1005 = vector.broadcast %mul3A_1004 : f32 to vector<400x128xf32>
    %mul3A_1006 = arith.mulf %mul3A_1005, %slice3A_1003 : vector<400x128xf32>
    %tanh3A_1007 = math.tanh %mul3A_1006 : vector<400x128xf32>
    %mul3A_1008 = arith.constant 5.000000e-01 : f32
    %mul3A_1009 = vector.broadcast %mul3A_1008 : f32 to vector<400x128xf32>
    %mul3A_1010 = arith.mulf %mul3A_1009, %tanh3A_1007 : vector<400x128xf32>
    %add3A_1011 = arith.constant 5.000000e-01 : f32
    %add3A_1012 = vector.broadcast %add3A_1011 : f32 to vector<400x128xf32>
    %add3A_1013 = arith.addf %add3A_1012, %mul3A_1010 : vector<400x128xf32>
    %slice3A_1014 = vector.extract_strided_slice %add3A_1002 {offsets = [0, 128], sizes = [400, 128], strides = [1, 1]} : vector<400x512xf32> to vector<400x128xf32>
    %mul3A_1015 = arith.constant 5.000000e-01 : f32
    %mul3A_1016 = vector.broadcast %mul3A_1015 : f32 to vector<400x128xf32>
    %mul3A_1017 = arith.mulf %mul3A_1016, %slice3A_1014 : vector<400x128xf32>
    %tanh3A_1018 = math.tanh %mul3A_1017 : vector<400x128xf32>
    %mul3A_1019 = arith.constant 5.000000e-01 : f32
    %mul3A_1020 = vector.broadcast %mul3A_1019 : f32 to vector<400x128xf32>
    %mul3A_1021 = arith.mulf %mul3A_1020, %tanh3A_1018 : vector<400x128xf32>
    %add3A_1022 = arith.constant 5.000000e-01 : f32
    %add3A_1023 = vector.broadcast %add3A_1022 : f32 to vector<400x128xf32>
    %add3A_1024 = arith.addf %add3A_1023, %mul3A_1021 : vector<400x128xf32>
    %slice3A_1025 = vector.extract_strided_slice %add3A_1002 {offsets = [0, 256], sizes = [400, 128], strides = [1, 1]} : vector<400x512xf32> to vector<400x128xf32>
    %tanh3A_1026 = math.tanh %slice3A_1025 : vector<400x128xf32>
    %slice3A_1027 = vector.extract_strided_slice %add3A_1002 {offsets = [0, 384], sizes = [400, 128], strides = [1, 1]} : vector<400x512xf32> to vector<400x128xf32>
    %mul3A_1028 = arith.constant 5.000000e-01 : f32
    %mul3A_1029 = vector.broadcast %mul3A_1028 : f32 to vector<400x128xf32>
    %mul3A_1030 = arith.mulf %mul3A_1029, %slice3A_1027 : vector<400x128xf32>
    %tanh3A_1031 = math.tanh %mul3A_1030 : vector<400x128xf32>
    %mul3A_1032 = arith.constant 5.000000e-01 : f32
    %mul3A_1033 = vector.broadcast %mul3A_1032 : f32 to vector<400x128xf32>
    %mul3A_1034 = arith.mulf %mul3A_1033, %tanh3A_1031 : vector<400x128xf32>
    %add3A_1035 = arith.constant 5.000000e-01 : f32
    %add3A_1036 = vector.broadcast %add3A_1035 : f32 to vector<400x128xf32>
    %add3A_1037 = arith.addf %add3A_1036, %mul3A_1034 : vector<400x128xf32>
    %mul3A_1038 = arith.mulf %add3A_1024, %add3A_988 : vector<400x128xf32>
    %mul3A_1039 = arith.mulf %add3A_1013, %tanh3A_1026 : vector<400x128xf32>
    %add3A_1040 = arith.addf %mul3A_1038, %mul3A_1039 : vector<400x128xf32>
    %tanh3A_1041 = math.tanh %add3A_1040 : vector<400x128xf32>
    %mul3A_1042 = arith.mulf %add3A_1037, %tanh3A_1041 : vector<400x128xf32>
    %get3A_1043 = arith.constant 20 : index
    %get3A_1044 = arith.constant 0 : index
    %get3A_1045 = arith.constant 0 : index
    %get3A_1046 = vector.load %arg1[%get3A_1043, %get3A_1044, %get3A_1045] : memref<32x400x128xf32, #tpu.memory_space<vmem>>, vector<1x400x128xf32>
    %get3A_1047 = vector.shape_cast %get3A_1046 : vector<1x400x128xf32> to vector<400x128xf32>
    %convert_element_type3A_1048 = arith.truncf %get3A_1047 : vector<400x128xf32> to vector<400x128xbf16>
    %convert_element_type3A_1049 = arith.truncf %mul3A_1042 : vector<400x128xf32> to vector<400x128xbf16>
    %concatenate3A_1050 = tpu.concatenate %convert_element_type3A_1048, %convert_element_type3A_1049 in 1 : vector<400x128xbf16>, vector<400x128xbf16> -> vector<400x256xbf16>
    %dot_general3A_1051 = arith.constant dense<0.000000e+00> : vector<400x512xf32>
    %dot_general3A_1052 = tpu.matmul %concatenate3A_1050, %get3A_4, %dot_general3A_1051 {dimension_numbers = #tpu.dot_dimension_numbers<[1], [0], [0], [1], [0, 0, 1, 1], [], []>, transpose_lhs_hint = false} : vector<400x256xbf16>, vector<256x512xbf16>, vector<400x512xf32> -> vector<400x512xf32>
    %add3A_1053 = vector.broadcast %get3A_7 : vector<1x512xf32> to vector<400x512xf32>
    %add3A_1054 = arith.addf %dot_general3A_1052, %add3A_1053 : vector<400x512xf32>
    %slice3A_1055 = vector.extract_strided_slice %add3A_1054 {offsets = [0, 0], sizes = [400, 128], strides = [1, 1]} : vector<400x512xf32> to vector<400x128xf32>
    %mul3A_1056 = arith.constant 5.000000e-01 : f32
    %mul3A_1057 = vector.broadcast %mul3A_1056 : f32 to vector<400x128xf32>
    %mul3A_1058 = arith.mulf %mul3A_1057, %slice3A_1055 : vector<400x128xf32>
    %tanh3A_1059 = math.tanh %mul3A_1058 : vector<400x128xf32>
    %mul3A_1060 = arith.constant 5.000000e-01 : f32
    %mul3A_1061 = vector.broadcast %mul3A_1060 : f32 to vector<400x128xf32>
    %mul3A_1062 = arith.mulf %mul3A_1061, %tanh3A_1059 : vector<400x128xf32>
    %add3A_1063 = arith.constant 5.000000e-01 : f32
    %add3A_1064 = vector.broadcast %add3A_1063 : f32 to vector<400x128xf32>
    %add3A_1065 = arith.addf %add3A_1064, %mul3A_1062 : vector<400x128xf32>
    %slice3A_1066 = vector.extract_strided_slice %add3A_1054 {offsets = [0, 128], sizes = [400, 128], strides = [1, 1]} : vector<400x512xf32> to vector<400x128xf32>
    %mul3A_1067 = arith.constant 5.000000e-01 : f32
    %mul3A_1068 = vector.broadcast %mul3A_1067 : f32 to vector<400x128xf32>
    %mul3A_1069 = arith.mulf %mul3A_1068, %slice3A_1066 : vector<400x128xf32>
    %tanh3A_1070 = math.tanh %mul3A_1069 : vector<400x128xf32>
    %mul3A_1071 = arith.constant 5.000000e-01 : f32
    %mul3A_1072 = vector.broadcast %mul3A_1071 : f32 to vector<400x128xf32>
    %mul3A_1073 = arith.mulf %mul3A_1072, %tanh3A_1070 : vector<400x128xf32>
    %add3A_1074 = arith.constant 5.000000e-01 : f32
    %add3A_1075 = vector.broadcast %add3A_1074 : f32 to vector<400x128xf32>
    %add3A_1076 = arith.addf %add3A_1075, %mul3A_1073 : vector<400x128xf32>
    %slice3A_1077 = vector.extract_strided_slice %add3A_1054 {offsets = [0, 256], sizes = [400, 128], strides = [1, 1]} : vector<400x512xf32> to vector<400x128xf32>
    %tanh3A_1078 = math.tanh %slice3A_1077 : vector<400x128xf32>
    %slice3A_1079 = vector.extract_strided_slice %add3A_1054 {offsets = [0, 384], sizes = [400, 128], strides = [1, 1]} : vector<400x512xf32> to vector<400x128xf32>
    %mul3A_1080 = arith.constant 5.000000e-01 : f32
    %mul3A_1081 = vector.broadcast %mul3A_1080 : f32 to vector<400x128xf32>
    %mul3A_1082 = arith.mulf %mul3A_1081, %slice3A_1079 : vector<400x128xf32>
    %tanh3A_1083 = math.tanh %mul3A_1082 : vector<400x128xf32>
    %mul3A_1084 = arith.constant 5.000000e-01 : f32
    %mul3A_1085 = vector.broadcast %mul3A_1084 : f32 to vector<400x128xf32>
    %mul3A_1086 = arith.mulf %mul3A_1085, %tanh3A_1083 : vector<400x128xf32>
    %add3A_1087 = arith.constant 5.000000e-01 : f32
    %add3A_1088 = vector.broadcast %add3A_1087 : f32 to vector<400x128xf32>
    %add3A_1089 = arith.addf %add3A_1088, %mul3A_1086 : vector<400x128xf32>
    %mul3A_1090 = arith.mulf %add3A_1076, %add3A_1040 : vector<400x128xf32>
    %mul3A_1091 = arith.mulf %add3A_1065, %tanh3A_1078 : vector<400x128xf32>
    %add3A_1092 = arith.addf %mul3A_1090, %mul3A_1091 : vector<400x128xf32>
    %tanh3A_1093 = math.tanh %add3A_1092 : vector<400x128xf32>
    %mul3A_1094 = arith.mulf %add3A_1089, %tanh3A_1093 : vector<400x128xf32>
    %get3A_1095 = arith.constant 21 : index
    %get3A_1096 = arith.constant 0 : index
    %get3A_1097 = arith.constant 0 : index
    %get3A_1098 = vector.load %arg1[%get3A_1095, %get3A_1096, %get3A_1097] : memref<32x400x128xf32, #tpu.memory_space<vmem>>, vector<1x400x128xf32>
    %get3A_1099 = vector.shape_cast %get3A_1098 : vector<1x400x128xf32> to vector<400x128xf32>
    %convert_element_type3A_1100 = arith.truncf %get3A_1099 : vector<400x128xf32> to vector<400x128xbf16>
    %convert_element_type3A_1101 = arith.truncf %mul3A_1094 : vector<400x128xf32> to vector<400x128xbf16>
    %concatenate3A_1102 = tpu.concatenate %convert_element_type3A_1100, %convert_element_type3A_1101 in 1 : vector<400x128xbf16>, vector<400x128xbf16> -> vector<400x256xbf16>
    %dot_general3A_1103 = arith.constant dense<0.000000e+00> : vector<400x512xf32>
    %dot_general3A_1104 = tpu.matmul %concatenate3A_1102, %get3A_4, %dot_general3A_1103 {dimension_numbers = #tpu.dot_dimension_numbers<[1], [0], [0], [1], [0, 0, 1, 1], [], []>, transpose_lhs_hint = false} : vector<400x256xbf16>, vector<256x512xbf16>, vector<400x512xf32> -> vector<400x512xf32>
    %add3A_1105 = vector.broadcast %get3A_7 : vector<1x512xf32> to vector<400x512xf32>
    %add3A_1106 = arith.addf %dot_general3A_1104, %add3A_1105 : vector<400x512xf32>
    %slice3A_1107 = vector.extract_strided_slice %add3A_1106 {offsets = [0, 0], sizes = [400, 128], strides = [1, 1]} : vector<400x512xf32> to vector<400x128xf32>
    %mul3A_1108 = arith.constant 5.000000e-01 : f32
    %mul3A_1109 = vector.broadcast %mul3A_1108 : f32 to vector<400x128xf32>
    %mul3A_1110 = arith.mulf %mul3A_1109, %slice3A_1107 : vector<400x128xf32>
    %tanh3A_1111 = math.tanh %mul3A_1110 : vector<400x128xf32>
    %mul3A_1112 = arith.constant 5.000000e-01 : f32
    %mul3A_1113 = vector.broadcast %mul3A_1112 : f32 to vector<400x128xf32>
    %mul3A_1114 = arith.mulf %mul3A_1113, %tanh3A_1111 : vector<400x128xf32>
    %add3A_1115 = arith.constant 5.000000e-01 : f32
    %add3A_1116 = vector.broadcast %add3A_1115 : f32 to vector<400x128xf32>
    %add3A_1117 = arith.addf %add3A_1116, %mul3A_1114 : vector<400x128xf32>
    %slice3A_1118 = vector.extract_strided_slice %add3A_1106 {offsets = [0, 128], sizes = [400, 128], strides = [1, 1]} : vector<400x512xf32> to vector<400x128xf32>
    %mul3A_1119 = arith.constant 5.000000e-01 : f32
    %mul3A_1120 = vector.broadcast %mul3A_1119 : f32 to vector<400x128xf32>
    %mul3A_1121 = arith.mulf %mul3A_1120, %slice3A_1118 : vector<400x128xf32>
    %tanh3A_1122 = math.tanh %mul3A_1121 : vector<400x128xf32>
    %mul3A_1123 = arith.constant 5.000000e-01 : f32
    %mul3A_1124 = vector.broadcast %mul3A_1123 : f32 to vector<400x128xf32>
    %mul3A_1125 = arith.mulf %mul3A_1124, %tanh3A_1122 : vector<400x128xf32>
    %add3A_1126 = arith.constant 5.000000e-01 : f32
    %add3A_1127 = vector.broadcast %add3A_1126 : f32 to vector<400x128xf32>
    %add3A_1128 = arith.addf %add3A_1127, %mul3A_1125 : vector<400x128xf32>
    %slice3A_1129 = vector.extract_strided_slice %add3A_1106 {offsets = [0, 256], sizes = [400, 128], strides = [1, 1]} : vector<400x512xf32> to vector<400x128xf32>
    %tanh3A_1130 = math.tanh %slice3A_1129 : vector<400x128xf32>
    %slice3A_1131 = vector.extract_strided_slice %add3A_1106 {offsets = [0, 384], sizes = [400, 128], strides = [1, 1]} : vector<400x512xf32> to vector<400x128xf32>
    %mul3A_1132 = arith.constant 5.000000e-01 : f32
    %mul3A_1133 = vector.broadcast %mul3A_1132 : f32 to vector<400x128xf32>
    %mul3A_1134 = arith.mulf %mul3A_1133, %slice3A_1131 : vector<400x128xf32>
    %tanh3A_1135 = math.tanh %mul3A_1134 : vector<400x128xf32>
    %mul3A_1136 = arith.constant 5.000000e-01 : f32
    %mul3A_1137 = vector.broadcast %mul3A_1136 : f32 to vector<400x128xf32>
    %mul3A_1138 = arith.mulf %mul3A_1137, %tanh3A_1135 : vector<400x128xf32>
    %add3A_1139 = arith.constant 5.000000e-01 : f32
    %add3A_1140 = vector.broadcast %add3A_1139 : f32 to vector<400x128xf32>
    %add3A_1141 = arith.addf %add3A_1140, %mul3A_1138 : vector<400x128xf32>
    %mul3A_1142 = arith.mulf %add3A_1128, %add3A_1092 : vector<400x128xf32>
    %mul3A_1143 = arith.mulf %add3A_1117, %tanh3A_1130 : vector<400x128xf32>
    %add3A_1144 = arith.addf %mul3A_1142, %mul3A_1143 : vector<400x128xf32>
    %tanh3A_1145 = math.tanh %add3A_1144 : vector<400x128xf32>
    %mul3A_1146 = arith.mulf %add3A_1141, %tanh3A_1145 : vector<400x128xf32>
    %get3A_1147 = arith.constant 22 : index
    %get3A_1148 = arith.constant 0 : index
    %get3A_1149 = arith.constant 0 : index
    %get3A_1150 = vector.load %arg1[%get3A_1147, %get3A_1148, %get3A_1149] : memref<32x400x128xf32, #tpu.memory_space<vmem>>, vector<1x400x128xf32>
    %get3A_1151 = vector.shape_cast %get3A_1150 : vector<1x400x128xf32> to vector<400x128xf32>
    %convert_element_type3A_1152 = arith.truncf %get3A_1151 : vector<400x128xf32> to vector<400x128xbf16>
    %convert_element_type3A_1153 = arith.truncf %mul3A_1146 : vector<400x128xf32> to vector<400x128xbf16>
    %concatenate3A_1154 = tpu.concatenate %convert_element_type3A_1152, %convert_element_type3A_1153 in 1 : vector<400x128xbf16>, vector<400x128xbf16> -> vector<400x256xbf16>
    %dot_general3A_1155 = arith.constant dense<0.000000e+00> : vector<400x512xf32>
    %dot_general3A_1156 = tpu.matmul %concatenate3A_1154, %get3A_4, %dot_general3A_1155 {dimension_numbers = #tpu.dot_dimension_numbers<[1], [0], [0], [1], [0, 0, 1, 1], [], []>, transpose_lhs_hint = false} : vector<400x256xbf16>, vector<256x512xbf16>, vector<400x512xf32> -> vector<400x512xf32>
    %add3A_1157 = vector.broadcast %get3A_7 : vector<1x512xf32> to vector<400x512xf32>
    %add3A_1158 = arith.addf %dot_general3A_1156, %add3A_1157 : vector<400x512xf32>
    %slice3A_1159 = vector.extract_strided_slice %add3A_1158 {offsets = [0, 0], sizes = [400, 128], strides = [1, 1]} : vector<400x512xf32> to vector<400x128xf32>
    %mul3A_1160 = arith.constant 5.000000e-01 : f32
    %mul3A_1161 = vector.broadcast %mul3A_1160 : f32 to vector<400x128xf32>
    %mul3A_1162 = arith.mulf %mul3A_1161, %slice3A_1159 : vector<400x128xf32>
    %tanh3A_1163 = math.tanh %mul3A_1162 : vector<400x128xf32>
    %mul3A_1164 = arith.constant 5.000000e-01 : f32
    %mul3A_1165 = vector.broadcast %mul3A_1164 : f32 to vector<400x128xf32>
    %mul3A_1166 = arith.mulf %mul3A_1165, %tanh3A_1163 : vector<400x128xf32>
    %add3A_1167 = arith.constant 5.000000e-01 : f32
    %add3A_1168 = vector.broadcast %add3A_1167 : f32 to vector<400x128xf32>
    %add3A_1169 = arith.addf %add3A_1168, %mul3A_1166 : vector<400x128xf32>
    %slice3A_1170 = vector.extract_strided_slice %add3A_1158 {offsets = [0, 128], sizes = [400, 128], strides = [1, 1]} : vector<400x512xf32> to vector<400x128xf32>
    %mul3A_1171 = arith.constant 5.000000e-01 : f32
    %mul3A_1172 = vector.broadcast %mul3A_1171 : f32 to vector<400x128xf32>
    %mul3A_1173 = arith.mulf %mul3A_1172, %slice3A_1170 : vector<400x128xf32>
    %tanh3A_1174 = math.tanh %mul3A_1173 : vector<400x128xf32>
    %mul3A_1175 = arith.constant 5.000000e-01 : f32
    %mul3A_1176 = vector.broadcast %mul3A_1175 : f32 to vector<400x128xf32>
    %mul3A_1177 = arith.mulf %mul3A_1176, %tanh3A_1174 : vector<400x128xf32>
    %add3A_1178 = arith.constant 5.000000e-01 : f32
    %add3A_1179 = vector.broadcast %add3A_1178 : f32 to vector<400x128xf32>
    %add3A_1180 = arith.addf %add3A_1179, %mul3A_1177 : vector<400x128xf32>
    %slice3A_1181 = vector.extract_strided_slice %add3A_1158 {offsets = [0, 256], sizes = [400, 128], strides = [1, 1]} : vector<400x512xf32> to vector<400x128xf32>
    %tanh3A_1182 = math.tanh %slice3A_1181 : vector<400x128xf32>
    %slice3A_1183 = vector.extract_strided_slice %add3A_1158 {offsets = [0, 384], sizes = [400, 128], strides = [1, 1]} : vector<400x512xf32> to vector<400x128xf32>
    %mul3A_1184 = arith.constant 5.000000e-01 : f32
    %mul3A_1185 = vector.broadcast %mul3A_1184 : f32 to vector<400x128xf32>
    %mul3A_1186 = arith.mulf %mul3A_1185, %slice3A_1183 : vector<400x128xf32>
    %tanh3A_1187 = math.tanh %mul3A_1186 : vector<400x128xf32>
    %mul3A_1188 = arith.constant 5.000000e-01 : f32
    %mul3A_1189 = vector.broadcast %mul3A_1188 : f32 to vector<400x128xf32>
    %mul3A_1190 = arith.mulf %mul3A_1189, %tanh3A_1187 : vector<400x128xf32>
    %add3A_1191 = arith.constant 5.000000e-01 : f32
    %add3A_1192 = vector.broadcast %add3A_1191 : f32 to vector<400x128xf32>
    %add3A_1193 = arith.addf %add3A_1192, %mul3A_1190 : vector<400x128xf32>
    %mul3A_1194 = arith.mulf %add3A_1180, %add3A_1144 : vector<400x128xf32>
    %mul3A_1195 = arith.mulf %add3A_1169, %tanh3A_1182 : vector<400x128xf32>
    %add3A_1196 = arith.addf %mul3A_1194, %mul3A_1195 : vector<400x128xf32>
    %tanh3A_1197 = math.tanh %add3A_1196 : vector<400x128xf32>
    %mul3A_1198 = arith.mulf %add3A_1193, %tanh3A_1197 : vector<400x128xf32>
    %get3A_1199 = arith.constant 23 : index
    %get3A_1200 = arith.constant 0 : index
    %get3A_1201 = arith.constant 0 : index
    %get3A_1202 = vector.load %arg1[%get3A_1199, %get3A_1200, %get3A_1201] : memref<32x400x128xf32, #tpu.memory_space<vmem>>, vector<1x400x128xf32>
    %get3A_1203 = vector.shape_cast %get3A_1202 : vector<1x400x128xf32> to vector<400x128xf32>
    %convert_element_type3A_1204 = arith.truncf %get3A_1203 : vector<400x128xf32> to vector<400x128xbf16>
    %convert_element_type3A_1205 = arith.truncf %mul3A_1198 : vector<400x128xf32> to vector<400x128xbf16>
    %concatenate3A_1206 = tpu.concatenate %convert_element_type3A_1204, %convert_element_type3A_1205 in 1 : vector<400x128xbf16>, vector<400x128xbf16> -> vector<400x256xbf16>
    %dot_general3A_1207 = arith.constant dense<0.000000e+00> : vector<400x512xf32>
    %dot_general3A_1208 = tpu.matmul %concatenate3A_1206, %get3A_4, %dot_general3A_1207 {dimension_numbers = #tpu.dot_dimension_numbers<[1], [0], [0], [1], [0, 0, 1, 1], [], []>, transpose_lhs_hint = false} : vector<400x256xbf16>, vector<256x512xbf16>, vector<400x512xf32> -> vector<400x512xf32>
    %add3A_1209 = vector.broadcast %get3A_7 : vector<1x512xf32> to vector<400x512xf32>
    %add3A_1210 = arith.addf %dot_general3A_1208, %add3A_1209 : vector<400x512xf32>
    %slice3A_1211 = vector.extract_strided_slice %add3A_1210 {offsets = [0, 0], sizes = [400, 128], strides = [1, 1]} : vector<400x512xf32> to vector<400x128xf32>
    %mul3A_1212 = arith.constant 5.000000e-01 : f32
    %mul3A_1213 = vector.broadcast %mul3A_1212 : f32 to vector<400x128xf32>
    %mul3A_1214 = arith.mulf %mul3A_1213, %slice3A_1211 : vector<400x128xf32>
    %tanh3A_1215 = math.tanh %mul3A_1214 : vector<400x128xf32>
    %mul3A_1216 = arith.constant 5.000000e-01 : f32
    %mul3A_1217 = vector.broadcast %mul3A_1216 : f32 to vector<400x128xf32>
    %mul3A_1218 = arith.mulf %mul3A_1217, %tanh3A_1215 : vector<400x128xf32>
    %add3A_1219 = arith.constant 5.000000e-01 : f32
    %add3A_1220 = vector.broadcast %add3A_1219 : f32 to vector<400x128xf32>
    %add3A_1221 = arith.addf %add3A_1220, %mul3A_1218 : vector<400x128xf32>
    %slice3A_1222 = vector.extract_strided_slice %add3A_1210 {offsets = [0, 128], sizes = [400, 128], strides = [1, 1]} : vector<400x512xf32> to vector<400x128xf32>
    %mul3A_1223 = arith.constant 5.000000e-01 : f32
    %mul3A_1224 = vector.broadcast %mul3A_1223 : f32 to vector<400x128xf32>
    %mul3A_1225 = arith.mulf %mul3A_1224, %slice3A_1222 : vector<400x128xf32>
    %tanh3A_1226 = math.tanh %mul3A_1225 : vector<400x128xf32>
    %mul3A_1227 = arith.constant 5.000000e-01 : f32
    %mul3A_1228 = vector.broadcast %mul3A_1227 : f32 to vector<400x128xf32>
    %mul3A_1229 = arith.mulf %mul3A_1228, %tanh3A_1226 : vector<400x128xf32>
    %add3A_1230 = arith.constant 5.000000e-01 : f32
    %add3A_1231 = vector.broadcast %add3A_1230 : f32 to vector<400x128xf32>
    %add3A_1232 = arith.addf %add3A_1231, %mul3A_1229 : vector<400x128xf32>
    %slice3A_1233 = vector.extract_strided_slice %add3A_1210 {offsets = [0, 256], sizes = [400, 128], strides = [1, 1]} : vector<400x512xf32> to vector<400x128xf32>
    %tanh3A_1234 = math.tanh %slice3A_1233 : vector<400x128xf32>
    %slice3A_1235 = vector.extract_strided_slice %add3A_1210 {offsets = [0, 384], sizes = [400, 128], strides = [1, 1]} : vector<400x512xf32> to vector<400x128xf32>
    %mul3A_1236 = arith.constant 5.000000e-01 : f32
    %mul3A_1237 = vector.broadcast %mul3A_1236 : f32 to vector<400x128xf32>
    %mul3A_1238 = arith.mulf %mul3A_1237, %slice3A_1235 : vector<400x128xf32>
    %tanh3A_1239 = math.tanh %mul3A_1238 : vector<400x128xf32>
    %mul3A_1240 = arith.constant 5.000000e-01 : f32
    %mul3A_1241 = vector.broadcast %mul3A_1240 : f32 to vector<400x128xf32>
    %mul3A_1242 = arith.mulf %mul3A_1241, %tanh3A_1239 : vector<400x128xf32>
    %add3A_1243 = arith.constant 5.000000e-01 : f32
    %add3A_1244 = vector.broadcast %add3A_1243 : f32 to vector<400x128xf32>
    %add3A_1245 = arith.addf %add3A_1244, %mul3A_1242 : vector<400x128xf32>
    %mul3A_1246 = arith.mulf %add3A_1232, %add3A_1196 : vector<400x128xf32>
    %mul3A_1247 = arith.mulf %add3A_1221, %tanh3A_1234 : vector<400x128xf32>
    %add3A_1248 = arith.addf %mul3A_1246, %mul3A_1247 : vector<400x128xf32>
    %tanh3A_1249 = math.tanh %add3A_1248 : vector<400x128xf32>
    %mul3A_1250 = arith.mulf %add3A_1245, %tanh3A_1249 : vector<400x128xf32>
    %get3A_1251 = arith.constant 24 : index
    %get3A_1252 = arith.constant 0 : index
    %get3A_1253 = arith.constant 0 : index
    %get3A_1254 = vector.load %arg1[%get3A_1251, %get3A_1252, %get3A_1253] : memref<32x400x128xf32, #tpu.memory_space<vmem>>, vector<1x400x128xf32>
    %get3A_1255 = vector.shape_cast %get3A_1254 : vector<1x400x128xf32> to vector<400x128xf32>
    %convert_element_type3A_1256 = arith.truncf %get3A_1255 : vector<400x128xf32> to vector<400x128xbf16>
    %convert_element_type3A_1257 = arith.truncf %mul3A_1250 : vector<400x128xf32> to vector<400x128xbf16>
    %concatenate3A_1258 = tpu.concatenate %convert_element_type3A_1256, %convert_element_type3A_1257 in 1 : vector<400x128xbf16>, vector<400x128xbf16> -> vector<400x256xbf16>
    %dot_general3A_1259 = arith.constant dense<0.000000e+00> : vector<400x512xf32>
    %dot_general3A_1260 = tpu.matmul %concatenate3A_1258, %get3A_4, %dot_general3A_1259 {dimension_numbers = #tpu.dot_dimension_numbers<[1], [0], [0], [1], [0, 0, 1, 1], [], []>, transpose_lhs_hint = false} : vector<400x256xbf16>, vector<256x512xbf16>, vector<400x512xf32> -> vector<400x512xf32>
    %add3A_1261 = vector.broadcast %get3A_7 : vector<1x512xf32> to vector<400x512xf32>
    %add3A_1262 = arith.addf %dot_general3A_1260, %add3A_1261 : vector<400x512xf32>
    %slice3A_1263 = vector.extract_strided_slice %add3A_1262 {offsets = [0, 0], sizes = [400, 128], strides = [1, 1]} : vector<400x512xf32> to vector<400x128xf32>
    %mul3A_1264 = arith.constant 5.000000e-01 : f32
    %mul3A_1265 = vector.broadcast %mul3A_1264 : f32 to vector<400x128xf32>
    %mul3A_1266 = arith.mulf %mul3A_1265, %slice3A_1263 : vector<400x128xf32>
    %tanh3A_1267 = math.tanh %mul3A_1266 : vector<400x128xf32>
    %mul3A_1268 = arith.constant 5.000000e-01 : f32
    %mul3A_1269 = vector.broadcast %mul3A_1268 : f32 to vector<400x128xf32>
    %mul3A_1270 = arith.mulf %mul3A_1269, %tanh3A_1267 : vector<400x128xf32>
    %add3A_1271 = arith.constant 5.000000e-01 : f32
    %add3A_1272 = vector.broadcast %add3A_1271 : f32 to vector<400x128xf32>
    %add3A_1273 = arith.addf %add3A_1272, %mul3A_1270 : vector<400x128xf32>
    %slice3A_1274 = vector.extract_strided_slice %add3A_1262 {offsets = [0, 128], sizes = [400, 128], strides = [1, 1]} : vector<400x512xf32> to vector<400x128xf32>
    %mul3A_1275 = arith.constant 5.000000e-01 : f32
    %mul3A_1276 = vector.broadcast %mul3A_1275 : f32 to vector<400x128xf32>
    %mul3A_1277 = arith.mulf %mul3A_1276, %slice3A_1274 : vector<400x128xf32>
    %tanh3A_1278 = math.tanh %mul3A_1277 : vector<400x128xf32>
    %mul3A_1279 = arith.constant 5.000000e-01 : f32
    %mul3A_1280 = vector.broadcast %mul3A_1279 : f32 to vector<400x128xf32>
    %mul3A_1281 = arith.mulf %mul3A_1280, %tanh3A_1278 : vector<400x128xf32>
    %add3A_1282 = arith.constant 5.000000e-01 : f32
    %add3A_1283 = vector.broadcast %add3A_1282 : f32 to vector<400x128xf32>
    %add3A_1284 = arith.addf %add3A_1283, %mul3A_1281 : vector<400x128xf32>
    %slice3A_1285 = vector.extract_strided_slice %add3A_1262 {offsets = [0, 256], sizes = [400, 128], strides = [1, 1]} : vector<400x512xf32> to vector<400x128xf32>
    %tanh3A_1286 = math.tanh %slice3A_1285 : vector<400x128xf32>
    %slice3A_1287 = vector.extract_strided_slice %add3A_1262 {offsets = [0, 384], sizes = [400, 128], strides = [1, 1]} : vector<400x512xf32> to vector<400x128xf32>
    %mul3A_1288 = arith.constant 5.000000e-01 : f32
    %mul3A_1289 = vector.broadcast %mul3A_1288 : f32 to vector<400x128xf32>
    %mul3A_1290 = arith.mulf %mul3A_1289, %slice3A_1287 : vector<400x128xf32>
    %tanh3A_1291 = math.tanh %mul3A_1290 : vector<400x128xf32>
    %mul3A_1292 = arith.constant 5.000000e-01 : f32
    %mul3A_1293 = vector.broadcast %mul3A_1292 : f32 to vector<400x128xf32>
    %mul3A_1294 = arith.mulf %mul3A_1293, %tanh3A_1291 : vector<400x128xf32>
    %add3A_1295 = arith.constant 5.000000e-01 : f32
    %add3A_1296 = vector.broadcast %add3A_1295 : f32 to vector<400x128xf32>
    %add3A_1297 = arith.addf %add3A_1296, %mul3A_1294 : vector<400x128xf32>
    %mul3A_1298 = arith.mulf %add3A_1284, %add3A_1248 : vector<400x128xf32>
    %mul3A_1299 = arith.mulf %add3A_1273, %tanh3A_1286 : vector<400x128xf32>
    %add3A_1300 = arith.addf %mul3A_1298, %mul3A_1299 : vector<400x128xf32>
    %tanh3A_1301 = math.tanh %add3A_1300 : vector<400x128xf32>
    %mul3A_1302 = arith.mulf %add3A_1297, %tanh3A_1301 : vector<400x128xf32>
    %get3A_1303 = arith.constant 25 : index
    %get3A_1304 = arith.constant 0 : index
    %get3A_1305 = arith.constant 0 : index
    %get3A_1306 = vector.load %arg1[%get3A_1303, %get3A_1304, %get3A_1305] : memref<32x400x128xf32, #tpu.memory_space<vmem>>, vector<1x400x128xf32>
    %get3A_1307 = vector.shape_cast %get3A_1306 : vector<1x400x128xf32> to vector<400x128xf32>
    %convert_element_type3A_1308 = arith.truncf %get3A_1307 : vector<400x128xf32> to vector<400x128xbf16>
    %convert_element_type3A_1309 = arith.truncf %mul3A_1302 : vector<400x128xf32> to vector<400x128xbf16>
    %concatenate3A_1310 = tpu.concatenate %convert_element_type3A_1308, %convert_element_type3A_1309 in 1 : vector<400x128xbf16>, vector<400x128xbf16> -> vector<400x256xbf16>
    %dot_general3A_1311 = arith.constant dense<0.000000e+00> : vector<400x512xf32>
    %dot_general3A_1312 = tpu.matmul %concatenate3A_1310, %get3A_4, %dot_general3A_1311 {dimension_numbers = #tpu.dot_dimension_numbers<[1], [0], [0], [1], [0, 0, 1, 1], [], []>, transpose_lhs_hint = false} : vector<400x256xbf16>, vector<256x512xbf16>, vector<400x512xf32> -> vector<400x512xf32>
    %add3A_1313 = vector.broadcast %get3A_7 : vector<1x512xf32> to vector<400x512xf32>
    %add3A_1314 = arith.addf %dot_general3A_1312, %add3A_1313 : vector<400x512xf32>
    %slice3A_1315 = vector.extract_strided_slice %add3A_1314 {offsets = [0, 0], sizes = [400, 128], strides = [1, 1]} : vector<400x512xf32> to vector<400x128xf32>
    %mul3A_1316 = arith.constant 5.000000e-01 : f32
    %mul3A_1317 = vector.broadcast %mul3A_1316 : f32 to vector<400x128xf32>
    %mul3A_1318 = arith.mulf %mul3A_1317, %slice3A_1315 : vector<400x128xf32>
    %tanh3A_1319 = math.tanh %mul3A_1318 : vector<400x128xf32>
    %mul3A_1320 = arith.constant 5.000000e-01 : f32
    %mul3A_1321 = vector.broadcast %mul3A_1320 : f32 to vector<400x128xf32>
    %mul3A_1322 = arith.mulf %mul3A_1321, %tanh3A_1319 : vector<400x128xf32>
    %add3A_1323 = arith.constant 5.000000e-01 : f32
    %add3A_1324 = vector.broadcast %add3A_1323 : f32 to vector<400x128xf32>
    %add3A_1325 = arith.addf %add3A_1324, %mul3A_1322 : vector<400x128xf32>
    %slice3A_1326 = vector.extract_strided_slice %add3A_1314 {offsets = [0, 128], sizes = [400, 128], strides = [1, 1]} : vector<400x512xf32> to vector<400x128xf32>
    %mul3A_1327 = arith.constant 5.000000e-01 : f32
    %mul3A_1328 = vector.broadcast %mul3A_1327 : f32 to vector<400x128xf32>
    %mul3A_1329 = arith.mulf %mul3A_1328, %slice3A_1326 : vector<400x128xf32>
    %tanh3A_1330 = math.tanh %mul3A_1329 : vector<400x128xf32>
    %mul3A_1331 = arith.constant 5.000000e-01 : f32
    %mul3A_1332 = vector.broadcast %mul3A_1331 : f32 to vector<400x128xf32>
    %mul3A_1333 = arith.mulf %mul3A_1332, %tanh3A_1330 : vector<400x128xf32>
    %add3A_1334 = arith.constant 5.000000e-01 : f32
    %add3A_1335 = vector.broadcast %add3A_1334 : f32 to vector<400x128xf32>
    %add3A_1336 = arith.addf %add3A_1335, %mul3A_1333 : vector<400x128xf32>
    %slice3A_1337 = vector.extract_strided_slice %add3A_1314 {offsets = [0, 256], sizes = [400, 128], strides = [1, 1]} : vector<400x512xf32> to vector<400x128xf32>
    %tanh3A_1338 = math.tanh %slice3A_1337 : vector<400x128xf32>
    %slice3A_1339 = vector.extract_strided_slice %add3A_1314 {offsets = [0, 384], sizes = [400, 128], strides = [1, 1]} : vector<400x512xf32> to vector<400x128xf32>
    %mul3A_1340 = arith.constant 5.000000e-01 : f32
    %mul3A_1341 = vector.broadcast %mul3A_1340 : f32 to vector<400x128xf32>
    %mul3A_1342 = arith.mulf %mul3A_1341, %slice3A_1339 : vector<400x128xf32>
    %tanh3A_1343 = math.tanh %mul3A_1342 : vector<400x128xf32>
    %mul3A_1344 = arith.constant 5.000000e-01 : f32
    %mul3A_1345 = vector.broadcast %mul3A_1344 : f32 to vector<400x128xf32>
    %mul3A_1346 = arith.mulf %mul3A_1345, %tanh3A_1343 : vector<400x128xf32>
    %add3A_1347 = arith.constant 5.000000e-01 : f32
    %add3A_1348 = vector.broadcast %add3A_1347 : f32 to vector<400x128xf32>
    %add3A_1349 = arith.addf %add3A_1348, %mul3A_1346 : vector<400x128xf32>
    %mul3A_1350 = arith.mulf %add3A_1336, %add3A_1300 : vector<400x128xf32>
    %mul3A_1351 = arith.mulf %add3A_1325, %tanh3A_1338 : vector<400x128xf32>
    %add3A_1352 = arith.addf %mul3A_1350, %mul3A_1351 : vector<400x128xf32>
    %tanh3A_1353 = math.tanh %add3A_1352 : vector<400x128xf32>
    %mul3A_1354 = arith.mulf %add3A_1349, %tanh3A_1353 : vector<400x128xf32>
    %get3A_1355 = arith.constant 26 : index
    %get3A_1356 = arith.constant 0 : index
    %get3A_1357 = arith.constant 0 : index
    %get3A_1358 = vector.load %arg1[%get3A_1355, %get3A_1356, %get3A_1357] : memref<32x400x128xf32, #tpu.memory_space<vmem>>, vector<1x400x128xf32>
    %get3A_1359 = vector.shape_cast %get3A_1358 : vector<1x400x128xf32> to vector<400x128xf32>
    %convert_element_type3A_1360 = arith.truncf %get3A_1359 : vector<400x128xf32> to vector<400x128xbf16>
    %convert_element_type3A_1361 = arith.truncf %mul3A_1354 : vector<400x128xf32> to vector<400x128xbf16>
    %concatenate3A_1362 = tpu.concatenate %convert_element_type3A_1360, %convert_element_type3A_1361 in 1 : vector<400x128xbf16>, vector<400x128xbf16> -> vector<400x256xbf16>
    %dot_general3A_1363 = arith.constant dense<0.000000e+00> : vector<400x512xf32>
    %dot_general3A_1364 = tpu.matmul %concatenate3A_1362, %get3A_4, %dot_general3A_1363 {dimension_numbers = #tpu.dot_dimension_numbers<[1], [0], [0], [1], [0, 0, 1, 1], [], []>, transpose_lhs_hint = false} : vector<400x256xbf16>, vector<256x512xbf16>, vector<400x512xf32> -> vector<400x512xf32>
    %add3A_1365 = vector.broadcast %get3A_7 : vector<1x512xf32> to vector<400x512xf32>
    %add3A_1366 = arith.addf %dot_general3A_1364, %add3A_1365 : vector<400x512xf32>
    %slice3A_1367 = vector.extract_strided_slice %add3A_1366 {offsets = [0, 0], sizes = [400, 128], strides = [1, 1]} : vector<400x512xf32> to vector<400x128xf32>
    %mul3A_1368 = arith.constant 5.000000e-01 : f32
    %mul3A_1369 = vector.broadcast %mul3A_1368 : f32 to vector<400x128xf32>
    %mul3A_1370 = arith.mulf %mul3A_1369, %slice3A_1367 : vector<400x128xf32>
    %tanh3A_1371 = math.tanh %mul3A_1370 : vector<400x128xf32>
    %mul3A_1372 = arith.constant 5.000000e-01 : f32
    %mul3A_1373 = vector.broadcast %mul3A_1372 : f32 to vector<400x128xf32>
    %mul3A_1374 = arith.mulf %mul3A_1373, %tanh3A_1371 : vector<400x128xf32>
    %add3A_1375 = arith.constant 5.000000e-01 : f32
    %add3A_1376 = vector.broadcast %add3A_1375 : f32 to vector<400x128xf32>
    %add3A_1377 = arith.addf %add3A_1376, %mul3A_1374 : vector<400x128xf32>
    %slice3A_1378 = vector.extract_strided_slice %add3A_1366 {offsets = [0, 128], sizes = [400, 128], strides = [1, 1]} : vector<400x512xf32> to vector<400x128xf32>
    %mul3A_1379 = arith.constant 5.000000e-01 : f32
    %mul3A_1380 = vector.broadcast %mul3A_1379 : f32 to vector<400x128xf32>
    %mul3A_1381 = arith.mulf %mul3A_1380, %slice3A_1378 : vector<400x128xf32>
    %tanh3A_1382 = math.tanh %mul3A_1381 : vector<400x128xf32>
    %mul3A_1383 = arith.constant 5.000000e-01 : f32
    %mul3A_1384 = vector.broadcast %mul3A_1383 : f32 to vector<400x128xf32>
    %mul3A_1385 = arith.mulf %mul3A_1384, %tanh3A_1382 : vector<400x128xf32>
    %add3A_1386 = arith.constant 5.000000e-01 : f32
    %add3A_1387 = vector.broadcast %add3A_1386 : f32 to vector<400x128xf32>
    %add3A_1388 = arith.addf %add3A_1387, %mul3A_1385 : vector<400x128xf32>
    %slice3A_1389 = vector.extract_strided_slice %add3A_1366 {offsets = [0, 256], sizes = [400, 128], strides = [1, 1]} : vector<400x512xf32> to vector<400x128xf32>
    %tanh3A_1390 = math.tanh %slice3A_1389 : vector<400x128xf32>
    %slice3A_1391 = vector.extract_strided_slice %add3A_1366 {offsets = [0, 384], sizes = [400, 128], strides = [1, 1]} : vector<400x512xf32> to vector<400x128xf32>
    %mul3A_1392 = arith.constant 5.000000e-01 : f32
    %mul3A_1393 = vector.broadcast %mul3A_1392 : f32 to vector<400x128xf32>
    %mul3A_1394 = arith.mulf %mul3A_1393, %slice3A_1391 : vector<400x128xf32>
    %tanh3A_1395 = math.tanh %mul3A_1394 : vector<400x128xf32>
    %mul3A_1396 = arith.constant 5.000000e-01 : f32
    %mul3A_1397 = vector.broadcast %mul3A_1396 : f32 to vector<400x128xf32>
    %mul3A_1398 = arith.mulf %mul3A_1397, %tanh3A_1395 : vector<400x128xf32>
    %add3A_1399 = arith.constant 5.000000e-01 : f32
    %add3A_1400 = vector.broadcast %add3A_1399 : f32 to vector<400x128xf32>
    %add3A_1401 = arith.addf %add3A_1400, %mul3A_1398 : vector<400x128xf32>
    %mul3A_1402 = arith.mulf %add3A_1388, %add3A_1352 : vector<400x128xf32>
    %mul3A_1403 = arith.mulf %add3A_1377, %tanh3A_1390 : vector<400x128xf32>
    %add3A_1404 = arith.addf %mul3A_1402, %mul3A_1403 : vector<400x128xf32>
    %tanh3A_1405 = math.tanh %add3A_1404 : vector<400x128xf32>
    %mul3A_1406 = arith.mulf %add3A_1401, %tanh3A_1405 : vector<400x128xf32>
    %get3A_1407 = arith.constant 27 : index
    %get3A_1408 = arith.constant 0 : index
    %get3A_1409 = arith.constant 0 : index
    %get3A_1410 = vector.load %arg1[%get3A_1407, %get3A_1408, %get3A_1409] : memref<32x400x128xf32, #tpu.memory_space<vmem>>, vector<1x400x128xf32>
    %get3A_1411 = vector.shape_cast %get3A_1410 : vector<1x400x128xf32> to vector<400x128xf32>
    %convert_element_type3A_1412 = arith.truncf %get3A_1411 : vector<400x128xf32> to vector<400x128xbf16>
    %convert_element_type3A_1413 = arith.truncf %mul3A_1406 : vector<400x128xf32> to vector<400x128xbf16>
    %concatenate3A_1414 = tpu.concatenate %convert_element_type3A_1412, %convert_element_type3A_1413 in 1 : vector<400x128xbf16>, vector<400x128xbf16> -> vector<400x256xbf16>
    %dot_general3A_1415 = arith.constant dense<0.000000e+00> : vector<400x512xf32>
    %dot_general3A_1416 = tpu.matmul %concatenate3A_1414, %get3A_4, %dot_general3A_1415 {dimension_numbers = #tpu.dot_dimension_numbers<[1], [0], [0], [1], [0, 0, 1, 1], [], []>, transpose_lhs_hint = false} : vector<400x256xbf16>, vector<256x512xbf16>, vector<400x512xf32> -> vector<400x512xf32>
    %add3A_1417 = vector.broadcast %get3A_7 : vector<1x512xf32> to vector<400x512xf32>
    %add3A_1418 = arith.addf %dot_general3A_1416, %add3A_1417 : vector<400x512xf32>
    %slice3A_1419 = vector.extract_strided_slice %add3A_1418 {offsets = [0, 0], sizes = [400, 128], strides = [1, 1]} : vector<400x512xf32> to vector<400x128xf32>
    %mul3A_1420 = arith.constant 5.000000e-01 : f32
    %mul3A_1421 = vector.broadcast %mul3A_1420 : f32 to vector<400x128xf32>
    %mul3A_1422 = arith.mulf %mul3A_1421, %slice3A_1419 : vector<400x128xf32>
    %tanh3A_1423 = math.tanh %mul3A_1422 : vector<400x128xf32>
    %mul3A_1424 = arith.constant 5.000000e-01 : f32
    %mul3A_1425 = vector.broadcast %mul3A_1424 : f32 to vector<400x128xf32>
    %mul3A_1426 = arith.mulf %mul3A_1425, %tanh3A_1423 : vector<400x128xf32>
    %add3A_1427 = arith.constant 5.000000e-01 : f32
    %add3A_1428 = vector.broadcast %add3A_1427 : f32 to vector<400x128xf32>
    %add3A_1429 = arith.addf %add3A_1428, %mul3A_1426 : vector<400x128xf32>
    %slice3A_1430 = vector.extract_strided_slice %add3A_1418 {offsets = [0, 128], sizes = [400, 128], strides = [1, 1]} : vector<400x512xf32> to vector<400x128xf32>
    %mul3A_1431 = arith.constant 5.000000e-01 : f32
    %mul3A_1432 = vector.broadcast %mul3A_1431 : f32 to vector<400x128xf32>
    %mul3A_1433 = arith.mulf %mul3A_1432, %slice3A_1430 : vector<400x128xf32>
    %tanh3A_1434 = math.tanh %mul3A_1433 : vector<400x128xf32>
    %mul3A_1435 = arith.constant 5.000000e-01 : f32
    %mul3A_1436 = vector.broadcast %mul3A_1435 : f32 to vector<400x128xf32>
    %mul3A_1437 = arith.mulf %mul3A_1436, %tanh3A_1434 : vector<400x128xf32>
    %add3A_1438 = arith.constant 5.000000e-01 : f32
    %add3A_1439 = vector.broadcast %add3A_1438 : f32 to vector<400x128xf32>
    %add3A_1440 = arith.addf %add3A_1439, %mul3A_1437 : vector<400x128xf32>
    %slice3A_1441 = vector.extract_strided_slice %add3A_1418 {offsets = [0, 256], sizes = [400, 128], strides = [1, 1]} : vector<400x512xf32> to vector<400x128xf32>
    %tanh3A_1442 = math.tanh %slice3A_1441 : vector<400x128xf32>
    %slice3A_1443 = vector.extract_strided_slice %add3A_1418 {offsets = [0, 384], sizes = [400, 128], strides = [1, 1]} : vector<400x512xf32> to vector<400x128xf32>
    %mul3A_1444 = arith.constant 5.000000e-01 : f32
    %mul3A_1445 = vector.broadcast %mul3A_1444 : f32 to vector<400x128xf32>
    %mul3A_1446 = arith.mulf %mul3A_1445, %slice3A_1443 : vector<400x128xf32>
    %tanh3A_1447 = math.tanh %mul3A_1446 : vector<400x128xf32>
    %mul3A_1448 = arith.constant 5.000000e-01 : f32
    %mul3A_1449 = vector.broadcast %mul3A_1448 : f32 to vector<400x128xf32>
    %mul3A_1450 = arith.mulf %mul3A_1449, %tanh3A_1447 : vector<400x128xf32>
    %add3A_1451 = arith.constant 5.000000e-01 : f32
    %add3A_1452 = vector.broadcast %add3A_1451 : f32 to vector<400x128xf32>
    %add3A_1453 = arith.addf %add3A_1452, %mul3A_1450 : vector<400x128xf32>
    %mul3A_1454 = arith.mulf %add3A_1440, %add3A_1404 : vector<400x128xf32>
    %mul3A_1455 = arith.mulf %add3A_1429, %tanh3A_1442 : vector<400x128xf32>
    %add3A_1456 = arith.addf %mul3A_1454, %mul3A_1455 : vector<400x128xf32>
    %tanh3A_1457 = math.tanh %add3A_1456 : vector<400x128xf32>
    %mul3A_1458 = arith.mulf %add3A_1453, %tanh3A_1457 : vector<400x128xf32>
    %get3A_1459 = arith.constant 28 : index
    %get3A_1460 = arith.constant 0 : index
    %get3A_1461 = arith.constant 0 : index
    %get3A_1462 = vector.load %arg1[%get3A_1459, %get3A_1460, %get3A_1461] : memref<32x400x128xf32, #tpu.memory_space<vmem>>, vector<1x400x128xf32>
    %get3A_1463 = vector.shape_cast %get3A_1462 : vector<1x400x128xf32> to vector<400x128xf32>
    %convert_element_type3A_1464 = arith.truncf %get3A_1463 : vector<400x128xf32> to vector<400x128xbf16>
    %convert_element_type3A_1465 = arith.truncf %mul3A_1458 : vector<400x128xf32> to vector<400x128xbf16>
    %concatenate3A_1466 = tpu.concatenate %convert_element_type3A_1464, %convert_element_type3A_1465 in 1 : vector<400x128xbf16>, vector<400x128xbf16> -> vector<400x256xbf16>
    %dot_general3A_1467 = arith.constant dense<0.000000e+00> : vector<400x512xf32>
    %dot_general3A_1468 = tpu.matmul %concatenate3A_1466, %get3A_4, %dot_general3A_1467 {dimension_numbers = #tpu.dot_dimension_numbers<[1], [0], [0], [1], [0, 0, 1, 1], [], []>, transpose_lhs_hint = false} : vector<400x256xbf16>, vector<256x512xbf16>, vector<400x512xf32> -> vector<400x512xf32>
    %add3A_1469 = vector.broadcast %get3A_7 : vector<1x512xf32> to vector<400x512xf32>
    %add3A_1470 = arith.addf %dot_general3A_1468, %add3A_1469 : vector<400x512xf32>
    %slice3A_1471 = vector.extract_strided_slice %add3A_1470 {offsets = [0, 0], sizes = [400, 128], strides = [1, 1]} : vector<400x512xf32> to vector<400x128xf32>
    %mul3A_1472 = arith.constant 5.000000e-01 : f32
    %mul3A_1473 = vector.broadcast %mul3A_1472 : f32 to vector<400x128xf32>
    %mul3A_1474 = arith.mulf %mul3A_1473, %slice3A_1471 : vector<400x128xf32>
    %tanh3A_1475 = math.tanh %mul3A_1474 : vector<400x128xf32>
    %mul3A_1476 = arith.constant 5.000000e-01 : f32
    %mul3A_1477 = vector.broadcast %mul3A_1476 : f32 to vector<400x128xf32>
    %mul3A_1478 = arith.mulf %mul3A_1477, %tanh3A_1475 : vector<400x128xf32>
    %add3A_1479 = arith.constant 5.000000e-01 : f32
    %add3A_1480 = vector.broadcast %add3A_1479 : f32 to vector<400x128xf32>
    %add3A_1481 = arith.addf %add3A_1480, %mul3A_1478 : vector<400x128xf32>
    %slice3A_1482 = vector.extract_strided_slice %add3A_1470 {offsets = [0, 128], sizes = [400, 128], strides = [1, 1]} : vector<400x512xf32> to vector<400x128xf32>
    %mul3A_1483 = arith.constant 5.000000e-01 : f32
    %mul3A_1484 = vector.broadcast %mul3A_1483 : f32 to vector<400x128xf32>
    %mul3A_1485 = arith.mulf %mul3A_1484, %slice3A_1482 : vector<400x128xf32>
    %tanh3A_1486 = math.tanh %mul3A_1485 : vector<400x128xf32>
    %mul3A_1487 = arith.constant 5.000000e-01 : f32
    %mul3A_1488 = vector.broadcast %mul3A_1487 : f32 to vector<400x128xf32>
    %mul3A_1489 = arith.mulf %mul3A_1488, %tanh3A_1486 : vector<400x128xf32>
    %add3A_1490 = arith.constant 5.000000e-01 : f32
    %add3A_1491 = vector.broadcast %add3A_1490 : f32 to vector<400x128xf32>
    %add3A_1492 = arith.addf %add3A_1491, %mul3A_1489 : vector<400x128xf32>
    %slice3A_1493 = vector.extract_strided_slice %add3A_1470 {offsets = [0, 256], sizes = [400, 128], strides = [1, 1]} : vector<400x512xf32> to vector<400x128xf32>
    %tanh3A_1494 = math.tanh %slice3A_1493 : vector<400x128xf32>
    %slice3A_1495 = vector.extract_strided_slice %add3A_1470 {offsets = [0, 384], sizes = [400, 128], strides = [1, 1]} : vector<400x512xf32> to vector<400x128xf32>
    %mul3A_1496 = arith.constant 5.000000e-01 : f32
    %mul3A_1497 = vector.broadcast %mul3A_1496 : f32 to vector<400x128xf32>
    %mul3A_1498 = arith.mulf %mul3A_1497, %slice3A_1495 : vector<400x128xf32>
    %tanh3A_1499 = math.tanh %mul3A_1498 : vector<400x128xf32>
    %mul3A_1500 = arith.constant 5.000000e-01 : f32
    %mul3A_1501 = vector.broadcast %mul3A_1500 : f32 to vector<400x128xf32>
    %mul3A_1502 = arith.mulf %mul3A_1501, %tanh3A_1499 : vector<400x128xf32>
    %add3A_1503 = arith.constant 5.000000e-01 : f32
    %add3A_1504 = vector.broadcast %add3A_1503 : f32 to vector<400x128xf32>
    %add3A_1505 = arith.addf %add3A_1504, %mul3A_1502 : vector<400x128xf32>
    %mul3A_1506 = arith.mulf %add3A_1492, %add3A_1456 : vector<400x128xf32>
    %mul3A_1507 = arith.mulf %add3A_1481, %tanh3A_1494 : vector<400x128xf32>
    %add3A_1508 = arith.addf %mul3A_1506, %mul3A_1507 : vector<400x128xf32>
    %tanh3A_1509 = math.tanh %add3A_1508 : vector<400x128xf32>
    %mul3A_1510 = arith.mulf %add3A_1505, %tanh3A_1509 : vector<400x128xf32>
    %get3A_1511 = arith.constant 29 : index
    %get3A_1512 = arith.constant 0 : index
    %get3A_1513 = arith.constant 0 : index
    %get3A_1514 = vector.load %arg1[%get3A_1511, %get3A_1512, %get3A_1513] : memref<32x400x128xf32, #tpu.memory_space<vmem>>, vector<1x400x128xf32>
    %get3A_1515 = vector.shape_cast %get3A_1514 : vector<1x400x128xf32> to vector<400x128xf32>
    %convert_element_type3A_1516 = arith.truncf %get3A_1515 : vector<400x128xf32> to vector<400x128xbf16>
    %convert_element_type3A_1517 = arith.truncf %mul3A_1510 : vector<400x128xf32> to vector<400x128xbf16>
    %concatenate3A_1518 = tpu.concatenate %convert_element_type3A_1516, %convert_element_type3A_1517 in 1 : vector<400x128xbf16>, vector<400x128xbf16> -> vector<400x256xbf16>
    %dot_general3A_1519 = arith.constant dense<0.000000e+00> : vector<400x512xf32>
    %dot_general3A_1520 = tpu.matmul %concatenate3A_1518, %get3A_4, %dot_general3A_1519 {dimension_numbers = #tpu.dot_dimension_numbers<[1], [0], [0], [1], [0, 0, 1, 1], [], []>, transpose_lhs_hint = false} : vector<400x256xbf16>, vector<256x512xbf16>, vector<400x512xf32> -> vector<400x512xf32>
    %add3A_1521 = vector.broadcast %get3A_7 : vector<1x512xf32> to vector<400x512xf32>
    %add3A_1522 = arith.addf %dot_general3A_1520, %add3A_1521 : vector<400x512xf32>
    %slice3A_1523 = vector.extract_strided_slice %add3A_1522 {offsets = [0, 0], sizes = [400, 128], strides = [1, 1]} : vector<400x512xf32> to vector<400x128xf32>
    %mul3A_1524 = arith.constant 5.000000e-01 : f32
    %mul3A_1525 = vector.broadcast %mul3A_1524 : f32 to vector<400x128xf32>
    %mul3A_1526 = arith.mulf %mul3A_1525, %slice3A_1523 : vector<400x128xf32>
    %tanh3A_1527 = math.tanh %mul3A_1526 : vector<400x128xf32>
    %mul3A_1528 = arith.constant 5.000000e-01 : f32
    %mul3A_1529 = vector.broadcast %mul3A_1528 : f32 to vector<400x128xf32>
    %mul3A_1530 = arith.mulf %mul3A_1529, %tanh3A_1527 : vector<400x128xf32>
    %add3A_1531 = arith.constant 5.000000e-01 : f32
    %add3A_1532 = vector.broadcast %add3A_1531 : f32 to vector<400x128xf32>
    %add3A_1533 = arith.addf %add3A_1532, %mul3A_1530 : vector<400x128xf32>
    %slice3A_1534 = vector.extract_strided_slice %add3A_1522 {offsets = [0, 128], sizes = [400, 128], strides = [1, 1]} : vector<400x512xf32> to vector<400x128xf32>
    %mul3A_1535 = arith.constant 5.000000e-01 : f32
    %mul3A_1536 = vector.broadcast %mul3A_1535 : f32 to vector<400x128xf32>
    %mul3A_1537 = arith.mulf %mul3A_1536, %slice3A_1534 : vector<400x128xf32>
    %tanh3A_1538 = math.tanh %mul3A_1537 : vector<400x128xf32>
    %mul3A_1539 = arith.constant 5.000000e-01 : f32
    %mul3A_1540 = vector.broadcast %mul3A_1539 : f32 to vector<400x128xf32>
    %mul3A_1541 = arith.mulf %mul3A_1540, %tanh3A_1538 : vector<400x128xf32>
    %add3A_1542 = arith.constant 5.000000e-01 : f32
    %add3A_1543 = vector.broadcast %add3A_1542 : f32 to vector<400x128xf32>
    %add3A_1544 = arith.addf %add3A_1543, %mul3A_1541 : vector<400x128xf32>
    %slice3A_1545 = vector.extract_strided_slice %add3A_1522 {offsets = [0, 256], sizes = [400, 128], strides = [1, 1]} : vector<400x512xf32> to vector<400x128xf32>
    %tanh3A_1546 = math.tanh %slice3A_1545 : vector<400x128xf32>
    %slice3A_1547 = vector.extract_strided_slice %add3A_1522 {offsets = [0, 384], sizes = [400, 128], strides = [1, 1]} : vector<400x512xf32> to vector<400x128xf32>
    %mul3A_1548 = arith.constant 5.000000e-01 : f32
    %mul3A_1549 = vector.broadcast %mul3A_1548 : f32 to vector<400x128xf32>
    %mul3A_1550 = arith.mulf %mul3A_1549, %slice3A_1547 : vector<400x128xf32>
    %tanh3A_1551 = math.tanh %mul3A_1550 : vector<400x128xf32>
    %mul3A_1552 = arith.constant 5.000000e-01 : f32
    %mul3A_1553 = vector.broadcast %mul3A_1552 : f32 to vector<400x128xf32>
    %mul3A_1554 = arith.mulf %mul3A_1553, %tanh3A_1551 : vector<400x128xf32>
    %add3A_1555 = arith.constant 5.000000e-01 : f32
    %add3A_1556 = vector.broadcast %add3A_1555 : f32 to vector<400x128xf32>
    %add3A_1557 = arith.addf %add3A_1556, %mul3A_1554 : vector<400x128xf32>
    %mul3A_1558 = arith.mulf %add3A_1544, %add3A_1508 : vector<400x128xf32>
    %mul3A_1559 = arith.mulf %add3A_1533, %tanh3A_1546 : vector<400x128xf32>
    %add3A_1560 = arith.addf %mul3A_1558, %mul3A_1559 : vector<400x128xf32>
    %tanh3A_1561 = math.tanh %add3A_1560 : vector<400x128xf32>
    %mul3A_1562 = arith.mulf %add3A_1557, %tanh3A_1561 : vector<400x128xf32>
    %get3A_1563 = arith.constant 30 : index
    %get3A_1564 = arith.constant 0 : index
    %get3A_1565 = arith.constant 0 : index
    %get3A_1566 = vector.load %arg1[%get3A_1563, %get3A_1564, %get3A_1565] : memref<32x400x128xf32, #tpu.memory_space<vmem>>, vector<1x400x128xf32>
    %get3A_1567 = vector.shape_cast %get3A_1566 : vector<1x400x128xf32> to vector<400x128xf32>
    %convert_element_type3A_1568 = arith.truncf %get3A_1567 : vector<400x128xf32> to vector<400x128xbf16>
    %convert_element_type3A_1569 = arith.truncf %mul3A_1562 : vector<400x128xf32> to vector<400x128xbf16>
    %concatenate3A_1570 = tpu.concatenate %convert_element_type3A_1568, %convert_element_type3A_1569 in 1 : vector<400x128xbf16>, vector<400x128xbf16> -> vector<400x256xbf16>
    %dot_general3A_1571 = arith.constant dense<0.000000e+00> : vector<400x512xf32>
    %dot_general3A_1572 = tpu.matmul %concatenate3A_1570, %get3A_4, %dot_general3A_1571 {dimension_numbers = #tpu.dot_dimension_numbers<[1], [0], [0], [1], [0, 0, 1, 1], [], []>, transpose_lhs_hint = false} : vector<400x256xbf16>, vector<256x512xbf16>, vector<400x512xf32> -> vector<400x512xf32>
    %add3A_1573 = vector.broadcast %get3A_7 : vector<1x512xf32> to vector<400x512xf32>
    %add3A_1574 = arith.addf %dot_general3A_1572, %add3A_1573 : vector<400x512xf32>
    %slice3A_1575 = vector.extract_strided_slice %add3A_1574 {offsets = [0, 0], sizes = [400, 128], strides = [1, 1]} : vector<400x512xf32> to vector<400x128xf32>
    %mul3A_1576 = arith.constant 5.000000e-01 : f32
    %mul3A_1577 = vector.broadcast %mul3A_1576 : f32 to vector<400x128xf32>
    %mul3A_1578 = arith.mulf %mul3A_1577, %slice3A_1575 : vector<400x128xf32>
    %tanh3A_1579 = math.tanh %mul3A_1578 : vector<400x128xf32>
    %mul3A_1580 = arith.constant 5.000000e-01 : f32
    %mul3A_1581 = vector.broadcast %mul3A_1580 : f32 to vector<400x128xf32>
    %mul3A_1582 = arith.mulf %mul3A_1581, %tanh3A_1579 : vector<400x128xf32>
    %add3A_1583 = arith.constant 5.000000e-01 : f32
    %add3A_1584 = vector.broadcast %add3A_1583 : f32 to vector<400x128xf32>
    %add3A_1585 = arith.addf %add3A_1584, %mul3A_1582 : vector<400x128xf32>
    %slice3A_1586 = vector.extract_strided_slice %add3A_1574 {offsets = [0, 128], sizes = [400, 128], strides = [1, 1]} : vector<400x512xf32> to vector<400x128xf32>
    %mul3A_1587 = arith.constant 5.000000e-01 : f32
    %mul3A_1588 = vector.broadcast %mul3A_1587 : f32 to vector<400x128xf32>
    %mul3A_1589 = arith.mulf %mul3A_1588, %slice3A_1586 : vector<400x128xf32>
    %tanh3A_1590 = math.tanh %mul3A_1589 : vector<400x128xf32>
    %mul3A_1591 = arith.constant 5.000000e-01 : f32
    %mul3A_1592 = vector.broadcast %mul3A_1591 : f32 to vector<400x128xf32>
    %mul3A_1593 = arith.mulf %mul3A_1592, %tanh3A_1590 : vector<400x128xf32>
    %add3A_1594 = arith.constant 5.000000e-01 : f32
    %add3A_1595 = vector.broadcast %add3A_1594 : f32 to vector<400x128xf32>
    %add3A_1596 = arith.addf %add3A_1595, %mul3A_1593 : vector<400x128xf32>
    %slice3A_1597 = vector.extract_strided_slice %add3A_1574 {offsets = [0, 256], sizes = [400, 128], strides = [1, 1]} : vector<400x512xf32> to vector<400x128xf32>
    %tanh3A_1598 = math.tanh %slice3A_1597 : vector<400x128xf32>
    %slice3A_1599 = vector.extract_strided_slice %add3A_1574 {offsets = [0, 384], sizes = [400, 128], strides = [1, 1]} : vector<400x512xf32> to vector<400x128xf32>
    %mul3A_1600 = arith.constant 5.000000e-01 : f32
    %mul3A_1601 = vector.broadcast %mul3A_1600 : f32 to vector<400x128xf32>
    %mul3A_1602 = arith.mulf %mul3A_1601, %slice3A_1599 : vector<400x128xf32>
    %tanh3A_1603 = math.tanh %mul3A_1602 : vector<400x128xf32>
    %mul3A_1604 = arith.constant 5.000000e-01 : f32
    %mul3A_1605 = vector.broadcast %mul3A_1604 : f32 to vector<400x128xf32>
    %mul3A_1606 = arith.mulf %mul3A_1605, %tanh3A_1603 : vector<400x128xf32>
    %add3A_1607 = arith.constant 5.000000e-01 : f32
    %add3A_1608 = vector.broadcast %add3A_1607 : f32 to vector<400x128xf32>
    %add3A_1609 = arith.addf %add3A_1608, %mul3A_1606 : vector<400x128xf32>
    %mul3A_1610 = arith.mulf %add3A_1596, %add3A_1560 : vector<400x128xf32>
    %mul3A_1611 = arith.mulf %add3A_1585, %tanh3A_1598 : vector<400x128xf32>
    %add3A_1612 = arith.addf %mul3A_1610, %mul3A_1611 : vector<400x128xf32>
    %tanh3A_1613 = math.tanh %add3A_1612 : vector<400x128xf32>
    %mul3A_1614 = arith.mulf %add3A_1609, %tanh3A_1613 : vector<400x128xf32>
    %get3A_1615 = arith.constant 31 : index
    %get3A_1616 = arith.constant 0 : index
    %get3A_1617 = arith.constant 0 : index
    %get3A_1618 = vector.load %arg1[%get3A_1615, %get3A_1616, %get3A_1617] : memref<32x400x128xf32, #tpu.memory_space<vmem>>, vector<1x400x128xf32>
    %get3A_1619 = vector.shape_cast %get3A_1618 : vector<1x400x128xf32> to vector<400x128xf32>
    %convert_element_type3A_1620 = arith.truncf %get3A_1619 : vector<400x128xf32> to vector<400x128xbf16>
    %convert_element_type3A_1621 = arith.truncf %mul3A_1614 : vector<400x128xf32> to vector<400x128xbf16>
    %concatenate3A_1622 = tpu.concatenate %convert_element_type3A_1620, %convert_element_type3A_1621 in 1 : vector<400x128xbf16>, vector<400x128xbf16> -> vector<400x256xbf16>
    %dot_general3A_1623 = arith.constant dense<0.000000e+00> : vector<400x512xf32>
    %dot_general3A_1624 = tpu.matmul %concatenate3A_1622, %get3A_4, %dot_general3A_1623 {dimension_numbers = #tpu.dot_dimension_numbers<[1], [0], [0], [1], [0, 0, 1, 1], [], []>, transpose_lhs_hint = false} : vector<400x256xbf16>, vector<256x512xbf16>, vector<400x512xf32> -> vector<400x512xf32>
    %add3A_1625 = vector.broadcast %get3A_7 : vector<1x512xf32> to vector<400x512xf32>
    %add3A_1626 = arith.addf %dot_general3A_1624, %add3A_1625 : vector<400x512xf32>
    %slice3A_1627 = vector.extract_strided_slice %add3A_1626 {offsets = [0, 0], sizes = [400, 128], strides = [1, 1]} : vector<400x512xf32> to vector<400x128xf32>
    %mul3A_1628 = arith.constant 5.000000e-01 : f32
    %mul3A_1629 = vector.broadcast %mul3A_1628 : f32 to vector<400x128xf32>
    %mul3A_1630 = arith.mulf %mul3A_1629, %slice3A_1627 : vector<400x128xf32>
    %tanh3A_1631 = math.tanh %mul3A_1630 : vector<400x128xf32>
    %mul3A_1632 = arith.constant 5.000000e-01 : f32
    %mul3A_1633 = vector.broadcast %mul3A_1632 : f32 to vector<400x128xf32>
    %mul3A_1634 = arith.mulf %mul3A_1633, %tanh3A_1631 : vector<400x128xf32>
    %add3A_1635 = arith.constant 5.000000e-01 : f32
    %add3A_1636 = vector.broadcast %add3A_1635 : f32 to vector<400x128xf32>
    %add3A_1637 = arith.addf %add3A_1636, %mul3A_1634 : vector<400x128xf32>
    %slice3A_1638 = vector.extract_strided_slice %add3A_1626 {offsets = [0, 128], sizes = [400, 128], strides = [1, 1]} : vector<400x512xf32> to vector<400x128xf32>
    %mul3A_1639 = arith.constant 5.000000e-01 : f32
    %mul3A_1640 = vector.broadcast %mul3A_1639 : f32 to vector<400x128xf32>
    %mul3A_1641 = arith.mulf %mul3A_1640, %slice3A_1638 : vector<400x128xf32>
    %tanh3A_1642 = math.tanh %mul3A_1641 : vector<400x128xf32>
    %mul3A_1643 = arith.constant 5.000000e-01 : f32
    %mul3A_1644 = vector.broadcast %mul3A_1643 : f32 to vector<400x128xf32>
    %mul3A_1645 = arith.mulf %mul3A_1644, %tanh3A_1642 : vector<400x128xf32>
    %add3A_1646 = arith.constant 5.000000e-01 : f32
    %add3A_1647 = vector.broadcast %add3A_1646 : f32 to vector<400x128xf32>
    %add3A_1648 = arith.addf %add3A_1647, %mul3A_1645 : vector<400x128xf32>
    %slice3A_1649 = vector.extract_strided_slice %add3A_1626 {offsets = [0, 256], sizes = [400, 128], strides = [1, 1]} : vector<400x512xf32> to vector<400x128xf32>
    %tanh3A_1650 = math.tanh %slice3A_1649 : vector<400x128xf32>
    %slice3A_1651 = vector.extract_strided_slice %add3A_1626 {offsets = [0, 384], sizes = [400, 128], strides = [1, 1]} : vector<400x512xf32> to vector<400x128xf32>
    %mul3A_1652 = arith.constant 5.000000e-01 : f32
    %mul3A_1653 = vector.broadcast %mul3A_1652 : f32 to vector<400x128xf32>
    %mul3A_1654 = arith.mulf %mul3A_1653, %slice3A_1651 : vector<400x128xf32>
    %tanh3A_1655 = math.tanh %mul3A_1654 : vector<400x128xf32>
    %mul3A_1656 = arith.constant 5.000000e-01 : f32
    %mul3A_1657 = vector.broadcast %mul3A_1656 : f32 to vector<400x128xf32>
    %mul3A_1658 = arith.mulf %mul3A_1657, %tanh3A_1655 : vector<400x128xf32>
    %add3A_1659 = arith.constant 5.000000e-01 : f32
    %add3A_1660 = vector.broadcast %add3A_1659 : f32 to vector<400x128xf32>
    %add3A_1661 = arith.addf %add3A_1660, %mul3A_1658 : vector<400x128xf32>
    %mul3A_1662 = arith.mulf %add3A_1648, %add3A_1612 : vector<400x128xf32>
    %mul3A_1663 = arith.mulf %add3A_1637, %tanh3A_1650 : vector<400x128xf32>
    %add3A_1664 = arith.addf %mul3A_1662, %mul3A_1663 : vector<400x128xf32>
    %tanh3A_1665 = math.tanh %add3A_1664 : vector<400x128xf32>
    %mul3A_1666 = arith.mulf %add3A_1661, %tanh3A_1665 : vector<400x128xf32>
    %convert_element_type3A_1667 = arith.truncf %mul3A_1666 : vector<400x128xf32> to vector<400x128xbf16>
    %concatenate3A_1668 = tpu.concatenate %convert_element_type3A, %convert_element_type3A_1667 in 1 : vector<400x128xbf16>, vector<400x128xbf16> -> vector<400x256xbf16>
    %get3A_1669 = arith.constant 0 : index
    %get3A_1670 = arith.constant 0 : index
    %get3A_1671 = vector.load %arg5[%get3A_1669, %get3A_1670] : memref<256x128xbf16, #tpu.memory_space<vmem>>, vector<256x128xbf16>
    %dot_general3A_1672 = arith.constant dense<0.000000e+00> : vector<400x128xf32>
    %dot_general3A_1673 = tpu.matmul %concatenate3A_1668, %get3A_1671, %dot_general3A_1672 {dimension_numbers = #tpu.dot_dimension_numbers<[1], [0], [0], [1], [0, 0, 1, 1], [], []>, transpose_lhs_hint = false} : vector<400x256xbf16>, vector<256x128xbf16>, vector<400x128xf32> -> vector<400x128xf32>
    %get3A_1674 = arith.constant 0 : index
    %get3A_1675 = arith.constant 0 : index
    %get3A_1676 = vector.load %arg6[%get3A_1674, %get3A_1675] : memref<1x128xf32, #tpu.memory_space<vmem>>, vector<1x128xf32>
    %add3A_1677 = vector.broadcast %get3A_1676 : vector<1x128xf32> to vector<400x128xf32>
    %add3A_1678 = arith.addf %dot_general3A_1673, %add3A_1677 : vector<400x128xf32>
    %max3A = arith.constant 0.000000e+00 : f32
    %max3A_1679 = vector.broadcast %max3A : f32 to vector<400x128xf32>
    %max3A_1680 = arith.maximumf %add3A_1678, %max3A_1679 : vector<400x128xf32>
    %swap3A = arith.constant 0 : index
    %swap3A_1681 = arith.constant 0 : index
    %swap3A_1682 = vector.load %arg7[%swap3A, %swap3A_1681] : memref<400x128xf32, #tpu.memory_space<vmem>>, vector<400x128xf32>
    tpu.vector_store %arg7[%swap3A, %swap3A_1681], %max3A_1680 {strides = array<i32>} : memref<400x128xf32, #tpu.memory_space<vmem>>, vector<400x128xf32>,
    return
  }
  func.func @transform_0(%arg0: i32) -> (i32, i32, i32) {
    %c0_i32 = arith.constant 0 : i32
    %c0_i32_0 = arith.constant 0 : i32
    %c0_i32_1 = arith.constant 0 : i32
    return %c0_i32, %arg0, %c0_i32_0 : i32, i32, i32
  }
  func.func @transform_1(%arg0: i32) -> (i32, i32) {
    %c0_i32 = arith.constant 0 : i32
    %c0_i32_0 = arith.constant 0 : i32
    return %arg0, %c0_i32 : i32, i32
  }
  func.func @transform_2(%arg0: i32) -> (i32, i32) {
    %c0_i32 = arith.constant 0 : i32
    %c0_i32_0 = arith.constant 0 : i32
    %c0_i32_1 = arith.constant 0 : i32
    return %c0_i32, %c0_i32_0 : i32, i32
  }
  func.func @transform_3(%arg0: i32) -> (i32, i32) {
    %c0_i32 = arith.constant 0 : i32
    %c0_i32_0 = arith.constant 0 : i32
    %c0_i32_1 = arith.constant 0 : i32
    return %c0_i32, %c0_i32_0 : i32, i32
  }
  func.func @transform_4(%arg0: i32) -> (i32, i32) {
    %c0_i32 = arith.constant 0 : i32
    %c0_i32_0 = arith.constant 0 : i32
    %c0_i32_1 = arith.constant 0 : i32
    return %c0_i32, %c0_i32_0 : i32, i32
  }
  func.func @transform_5(%arg0: i32) -> (i32, i32) {
    %c0_i32 = arith.constant 0 : i32
    %c0_i32_0 = arith.constant 0 : i32
    %c0_i32_1 = arith.constant 0 : i32
    return %c0_i32, %c0_i32_0 : i32, i32
  }
  func.func @transform_6(%arg0: i32) -> (i32, i32) {
    %c0_i32 = arith.constant 0 : i32
    %c0_i32_0 = arith.constant 0 : i32
    return %arg0, %c0_i32 : i32, i32
  }
}

module attributes {stable_mosaic.version = 14 : i64} {
  func.func @body(%arg0: i32, %arg1: memref<32x400x128xf32, #tpu.memory_space<vmem>>, %arg2: memref<400x128xf32, #tpu.memory_space<vmem>>, %arg3: memref<256x512xbf16, #tpu.memory_space<vmem>>, %arg4: memref<1x512xf32, #tpu.memory_space<vmem>>, %arg5: memref<256x64xbf16, #tpu.memory_space<vmem>>, %arg6: memref<1x64xf32, #tpu.memory_space<vmem>>, %arg7: memref<400x64xf32, #tpu.memory_space<vmem>>) attributes {dimension_semantics = [#tpu.dimension_semantics<arbitrary>], iteration_bounds = array<i64: 25>, scalar_prefetch = 0 : i64, scratch_operands = 0 : i64, tpu.core_type = #tpu.core_type<tc>, window_params = [{transform_indices = @transform_0, window_bounds = array<i64: 32, 400, 128>}, {transform_indices = @transform_1, window_bounds = array<i64: 400, 128>}, {pipeline_mode = #tpu.pipeline_mode<synchronous>, transform_indices = @transform_2, window_bounds = array<i64: 256, 512>}, {pipeline_mode = #tpu.pipeline_mode<synchronous>, transform_indices = @transform_3, window_bounds = array<i64: 1, 512>}, {pipeline_mode = #tpu.pipeline_mode<synchronous>, transform_indices = @transform_4, window_bounds = array<i64: 256, 64>}, {pipeline_mode = #tpu.pipeline_mode<synchronous>, transform_indices = @transform_5, window_bounds = array<i64: 1, 64>}, {transform_indices = @transform_6, window_bounds = array<i64: 400, 64>}]} {
    %get3A = arith.constant 0 : index
    %get3A_0 = arith.constant 0 : index
    %get3A_1 = vector.load %arg2[%get3A, %get3A_0] : memref<400x128xf32, #tpu.memory_space<vmem>>, vector<400x128xf32>
    %convert_element_type3A = arith.truncf %get3A_1 : vector<400x128xf32> to vector<400x128xbf16>
    %get3A_2 = arith.constant 0 : index
    %get3A_3 = arith.constant 0 : index
    %get3A_4 = vector.load %arg3[%get3A_2, %get3A_3] : memref<256x512xbf16, #tpu.memory_space<vmem>>, vector<256x512xbf16>
    %get3A_5 = arith.constant 0 : index
    %get3A_6 = arith.constant 0 : index
    %get3A_7 = vector.load %arg4[%get3A_5, %get3A_6] : memref<1x512xf32, #tpu.memory_space<vmem>>, vector<1x512xf32>
    %broadcast_in_dim3A = arith.constant 0.000000e+00 : f32
    %broadcast_in_dim3A_8 = vector.broadcast %broadcast_in_dim3A : f32 to vector<400x128xf32>
    %get3A_9 = arith.constant 0 : index
    %get3A_10 = arith.constant 0 : index
    %get3A_11 = arith.constant 0 : index
    %get3A_12 = vector.load %arg1[%get3A_9, %get3A_10, %get3A_11] : memref<32x400x128xf32, #tpu.memory_space<vmem>>, vector<1x400x128xf32>
    %get3A_13 = vector.shape_cast %get3A_12 : vector<1x400x128xf32> to vector<400x128xf32>
    %convert_element_type3A_14 = arith.truncf %get3A_13 : vector<400x128xf32> to vector<400x128xbf16>
    %convert_element_type3A_15 = arith.truncf %broadcast_in_dim3A_8 : vector<400x128xf32> to vector<400x128xbf16>
    %concatenate3A = tpu.concatenate %convert_element_type3A_14, %convert_element_type3A_15 in 1 : vector<400x128xbf16>, vector<400x128xbf16> -> vector<400x256xbf16>
    %dot_general3A = arith.constant dense<0.000000e+00> : vector<400x512xf32>
    %dot_general3A_16 = tpu.matmul %concatenate3A, %get3A_4, %dot_general3A {dimension_numbers = #tpu.dot_dimension_numbers<[1], [0], [0], [1], [0, 0, 1, 1], [], []>, transpose_lhs_hint = false} : vector<400x256xbf16>, vector<256x512xbf16>, vector<400x512xf32> -> vector<400x512xf32>
    %add3A = vector.broadcast %get3A_7 : vector<1x512xf32> to vector<400x512xf32>
    %add3A_17 = arith.addf %dot_general3A_16, %add3A : vector<400x512xf32>
    %slice3A = vector.extract_strided_slice %add3A_17 {offsets = [0, 0], sizes = [400, 128], strides = [1, 1]} : vector<400x512xf32> to vector<400x128xf32>
    %mul3A = arith.constant 5.000000e-01 : f32
    %mul3A_18 = vector.broadcast %mul3A : f32 to vector<400x128xf32>
    %mul3A_19 = arith.mulf %mul3A_18, %slice3A : vector<400x128xf32>
    %tanh3A = math.tanh %mul3A_19 : vector<400x128xf32>
    %mul3A_20 = arith.constant 5.000000e-01 : f32
    %mul3A_21 = vector.broadcast %mul3A_20 : f32 to vector<400x128xf32>
    %mul3A_22 = arith.mulf %mul3A_21, %tanh3A : vector<400x128xf32>
    %add3A_23 = arith.constant 5.000000e-01 : f32
    %add3A_24 = vector.broadcast %add3A_23 : f32 to vector<400x128xf32>
    %add3A_25 = arith.addf %add3A_24, %mul3A_22 : vector<400x128xf32>
    %slice3A_26 = vector.extract_strided_slice %add3A_17 {offsets = [0, 128], sizes = [400, 128], strides = [1, 1]} : vector<400x512xf32> to vector<400x128xf32>
    %mul3A_27 = arith.constant 5.000000e-01 : f32
    %mul3A_28 = vector.broadcast %mul3A_27 : f32 to vector<400x128xf32>
    %mul3A_29 = arith.mulf %mul3A_28, %slice3A_26 : vector<400x128xf32>
    %tanh3A_30 = math.tanh %mul3A_29 : vector<400x128xf32>
    %mul3A_31 = arith.constant 5.000000e-01 : f32
    %mul3A_32 = vector.broadcast %mul3A_31 : f32 to vector<400x128xf32>
    %mul3A_33 = arith.mulf %mul3A_32, %tanh3A_30 : vector<400x128xf32>
    %add3A_34 = arith.constant 5.000000e-01 : f32
    %add3A_35 = vector.broadcast %add3A_34 : f32 to vector<400x128xf32>
    %add3A_36 = arith.addf %add3A_35, %mul3A_33 : vector<400x128xf32>
    %slice3A_37 = vector.extract_strided_slice %add3A_17 {offsets = [0, 256], sizes = [400, 128], strides = [1, 1]} : vector<400x512xf32> to vector<400x128xf32>
    %tanh3A_38 = math.tanh %slice3A_37 : vector<400x128xf32>
    %slice3A_39 = vector.extract_strided_slice %add3A_17 {offsets = [0, 384], sizes = [400, 128], strides = [1, 1]} : vector<400x512xf32> to vector<400x128xf32>
    %mul3A_40 = arith.constant 5.000000e-01 : f32
    %mul3A_41 = vector.broadcast %mul3A_40 : f32 to vector<400x128xf32>
    %mul3A_42 = arith.mulf %mul3A_41, %slice3A_39 : vector<400x128xf32>
    %tanh3A_43 = math.tanh %mul3A_42 : vector<400x128xf32>
    %mul3A_44 = arith.constant 5.000000e-01 : f32
    %mul3A_45 = vector.broadcast %mul3A_44 : f32 to vector<400x128xf32>
    %mul3A_46 = arith.mulf %mul3A_45, %tanh3A_43 : vector<400x128xf32>
    %add3A_47 = arith.constant 5.000000e-01 : f32
    %add3A_48 = vector.broadcast %add3A_47 : f32 to vector<400x128xf32>
    %add3A_49 = arith.addf %add3A_48, %mul3A_46 : vector<400x128xf32>
    %mul3A_50 = arith.mulf %add3A_36, %broadcast_in_dim3A_8 : vector<400x128xf32>
    %mul3A_51 = arith.mulf %add3A_25, %tanh3A_38 : vector<400x128xf32>
    %add3A_52 = arith.addf %mul3A_50, %mul3A_51 : vector<400x128xf32>
    %tanh3A_53 = math.tanh %add3A_52 : vector<400x128xf32>
    %mul3A_54 = arith.mulf %add3A_49, %tanh3A_53 : vector<400x128xf32>
    %get3A_55 = arith.constant 1 : index
    %get3A_56 = arith.constant 0 : index
    %get3A_57 = arith.constant 0 : index
    %get3A_58 = vector.load %arg1[%get3A_55, %get3A_56, %get3A_57] : memref<32x400x128xf32, #tpu.memory_space<vmem>>, vector<1x400x128xf32>
    %get3A_59 = vector.shape_cast %get3A_58 : vector<1x400x128xf32> to vector<400x128xf32>
    %convert_element_type3A_60 = arith.truncf %get3A_59 : vector<400x128xf32> to vector<400x128xbf16>
    %convert_element_type3A_61 = arith.truncf %mul3A_54 : vector<400x128xf32> to vector<400x128xbf16>
    %concatenate3A_62 = tpu.concatenate %convert_element_type3A_60, %convert_element_type3A_61 in 1 : vector<400x128xbf16>, vector<400x128xbf16> -> vector<400x256xbf16>
    %dot_general3A_63 = arith.constant dense<0.000000e+00> : vector<400x512xf32>
    %dot_general3A_64 = tpu.matmul %concatenate3A_62, %get3A_4, %dot_general3A_63 {dimension_numbers = #tpu.dot_dimension_numbers<[1], [0], [0], [1], [0, 0, 1, 1], [], []>, transpose_lhs_hint = false} : vector<400x256xbf16>, vector<256x512xbf16>, vector<400x512xf32> -> vector<400x512xf32>
    %add3A_65 = vector.broadcast %get3A_7 : vector<1x512xf32> to vector<400x512xf32>
    %add3A_66 = arith.addf %dot_general3A_64, %add3A_65 : vector<400x512xf32>
    %slice3A_67 = vector.extract_strided_slice %add3A_66 {offsets = [0, 0], sizes = [400, 128], strides = [1, 1]} : vector<400x512xf32> to vector<400x128xf32>
    %mul3A_68 = arith.constant 5.000000e-01 : f32
    %mul3A_69 = vector.broadcast %mul3A_68 : f32 to vector<400x128xf32>
    %mul3A_70 = arith.mulf %mul3A_69, %slice3A_67 : vector<400x128xf32>
    %tanh3A_71 = math.tanh %mul3A_70 : vector<400x128xf32>
    %mul3A_72 = arith.constant 5.000000e-01 : f32
    %mul3A_73 = vector.broadcast %mul3A_72 : f32 to vector<400x128xf32>
    %mul3A_74 = arith.mulf %mul3A_73, %tanh3A_71 : vector<400x128xf32>
    %add3A_75 = arith.constant 5.000000e-01 : f32
    %add3A_76 = vector.broadcast %add3A_75 : f32 to vector<400x128xf32>
    %add3A_77 = arith.addf %add3A_76, %mul3A_74 : vector<400x128xf32>
    %slice3A_78 = vector.extract_strided_slice %add3A_66 {offsets = [0, 128], sizes = [400, 128], strides = [1, 1]} : vector<400x512xf32> to vector<400x128xf32>
    %mul3A_79 = arith.constant 5.000000e-01 : f32
    %mul3A_80 = vector.broadcast %mul3A_79 : f32 to vector<400x128xf32>
    %mul3A_81 = arith.mulf %mul3A_80, %slice3A_78 : vector<400x128xf32>
    %tanh3A_82 = math.tanh %mul3A_81 : vector<400x128xf32>
    %mul3A_83 = arith.constant 5.000000e-01 : f32
    %mul3A_84 = vector.broadcast %mul3A_83 : f32 to vector<400x128xf32>
    %mul3A_85 = arith.mulf %mul3A_84, %tanh3A_82 : vector<400x128xf32>
    %add3A_86 = arith.constant 5.000000e-01 : f32
    %add3A_87 = vector.broadcast %add3A_86 : f32 to vector<400x128xf32>
    %add3A_88 = arith.addf %add3A_87, %mul3A_85 : vector<400x128xf32>
    %slice3A_89 = vector.extract_strided_slice %add3A_66 {offsets = [0, 256], sizes = [400, 128], strides = [1, 1]} : vector<400x512xf32> to vector<400x128xf32>
    %tanh3A_90 = math.tanh %slice3A_89 : vector<400x128xf32>
    %slice3A_91 = vector.extract_strided_slice %add3A_66 {offsets = [0, 384], sizes = [400, 128], strides = [1, 1]} : vector<400x512xf32> to vector<400x128xf32>
    %mul3A_92 = arith.constant 5.000000e-01 : f32
    %mul3A_93 = vector.broadcast %mul3A_92 : f32 to vector<400x128xf32>
    %mul3A_94 = arith.mulf %mul3A_93, %slice3A_91 : vector<400x128xf32>
    %tanh3A_95 = math.tanh %mul3A_94 : vector<400x128xf32>
    %mul3A_96 = arith.constant 5.000000e-01 : f32
    %mul3A_97 = vector.broadcast %mul3A_96 : f32 to vector<400x128xf32>
    %mul3A_98 = arith.mulf %mul3A_97, %tanh3A_95 : vector<400x128xf32>
    %add3A_99 = arith.constant 5.000000e-01 : f32
    %add3A_100 = vector.broadcast %add3A_99 : f32 to vector<400x128xf32>
    %add3A_101 = arith.addf %add3A_100, %mul3A_98 : vector<400x128xf32>
    %mul3A_102 = arith.mulf %add3A_88, %add3A_52 : vector<400x128xf32>
    %mul3A_103 = arith.mulf %add3A_77, %tanh3A_90 : vector<400x128xf32>
    %add3A_104 = arith.addf %mul3A_102, %mul3A_103 : vector<400x128xf32>
    %tanh3A_105 = math.tanh %add3A_104 : vector<400x128xf32>
    %mul3A_106 = arith.mulf %add3A_101, %tanh3A_105 : vector<400x128xf32>
    %get3A_107 = arith.constant 2 : index
    %get3A_108 = arith.constant 0 : index
    %get3A_109 = arith.constant 0 : index
    %get3A_110 = vector.load %arg1[%get3A_107, %get3A_108, %get3A_109] : memref<32x400x128xf32, #tpu.memory_space<vmem>>, vector<1x400x128xf32>
    %get3A_111 = vector.shape_cast %get3A_110 : vector<1x400x128xf32> to vector<400x128xf32>
    %convert_element_type3A_112 = arith.truncf %get3A_111 : vector<400x128xf32> to vector<400x128xbf16>
    %convert_element_type3A_113 = arith.truncf %mul3A_106 : vector<400x128xf32> to vector<400x128xbf16>
    %concatenate3A_114 = tpu.concatenate %convert_element_type3A_112, %convert_element_type3A_113 in 1 : vector<400x128xbf16>, vector<400x128xbf16> -> vector<400x256xbf16>
    %dot_general3A_115 = arith.constant dense<0.000000e+00> : vector<400x512xf32>
    %dot_general3A_116 = tpu.matmul %concatenate3A_114, %get3A_4, %dot_general3A_115 {dimension_numbers = #tpu.dot_dimension_numbers<[1], [0], [0], [1], [0, 0, 1, 1], [], []>, transpose_lhs_hint = false} : vector<400x256xbf16>, vector<256x512xbf16>, vector<400x512xf32> -> vector<400x512xf32>
    %add3A_117 = vector.broadcast %get3A_7 : vector<1x512xf32> to vector<400x512xf32>
    %add3A_118 = arith.addf %dot_general3A_116, %add3A_117 : vector<400x512xf32>
    %slice3A_119 = vector.extract_strided_slice %add3A_118 {offsets = [0, 0], sizes = [400, 128], strides = [1, 1]} : vector<400x512xf32> to vector<400x128xf32>
    %mul3A_120 = arith.constant 5.000000e-01 : f32
    %mul3A_121 = vector.broadcast %mul3A_120 : f32 to vector<400x128xf32>
    %mul3A_122 = arith.mulf %mul3A_121, %slice3A_119 : vector<400x128xf32>
    %tanh3A_123 = math.tanh %mul3A_122 : vector<400x128xf32>
    %mul3A_124 = arith.constant 5.000000e-01 : f32
    %mul3A_125 = vector.broadcast %mul3A_124 : f32 to vector<400x128xf32>
    %mul3A_126 = arith.mulf %mul3A_125, %tanh3A_123 : vector<400x128xf32>
    %add3A_127 = arith.constant 5.000000e-01 : f32
    %add3A_128 = vector.broadcast %add3A_127 : f32 to vector<400x128xf32>
    %add3A_129 = arith.addf %add3A_128, %mul3A_126 : vector<400x128xf32>
    %slice3A_130 = vector.extract_strided_slice %add3A_118 {offsets = [0, 128], sizes = [400, 128], strides = [1, 1]} : vector<400x512xf32> to vector<400x128xf32>
    %mul3A_131 = arith.constant 5.000000e-01 : f32
    %mul3A_132 = vector.broadcast %mul3A_131 : f32 to vector<400x128xf32>
    %mul3A_133 = arith.mulf %mul3A_132, %slice3A_130 : vector<400x128xf32>
    %tanh3A_134 = math.tanh %mul3A_133 : vector<400x128xf32>
    %mul3A_135 = arith.constant 5.000000e-01 : f32
    %mul3A_136 = vector.broadcast %mul3A_135 : f32 to vector<400x128xf32>
    %mul3A_137 = arith.mulf %mul3A_136, %tanh3A_134 : vector<400x128xf32>
    %add3A_138 = arith.constant 5.000000e-01 : f32
    %add3A_139 = vector.broadcast %add3A_138 : f32 to vector<400x128xf32>
    %add3A_140 = arith.addf %add3A_139, %mul3A_137 : vector<400x128xf32>
    %slice3A_141 = vector.extract_strided_slice %add3A_118 {offsets = [0, 256], sizes = [400, 128], strides = [1, 1]} : vector<400x512xf32> to vector<400x128xf32>
    %tanh3A_142 = math.tanh %slice3A_141 : vector<400x128xf32>
    %slice3A_143 = vector.extract_strided_slice %add3A_118 {offsets = [0, 384], sizes = [400, 128], strides = [1, 1]} : vector<400x512xf32> to vector<400x128xf32>
    %mul3A_144 = arith.constant 5.000000e-01 : f32
    %mul3A_145 = vector.broadcast %mul3A_144 : f32 to vector<400x128xf32>
    %mul3A_146 = arith.mulf %mul3A_145, %slice3A_143 : vector<400x128xf32>
    %tanh3A_147 = math.tanh %mul3A_146 : vector<400x128xf32>
    %mul3A_148 = arith.constant 5.000000e-01 : f32
    %mul3A_149 = vector.broadcast %mul3A_148 : f32 to vector<400x128xf32>
    %mul3A_150 = arith.mulf %mul3A_149, %tanh3A_147 : vector<400x128xf32>
    %add3A_151 = arith.constant 5.000000e-01 : f32
    %add3A_152 = vector.broadcast %add3A_151 : f32 to vector<400x128xf32>
    %add3A_153 = arith.addf %add3A_152, %mul3A_150 : vector<400x128xf32>
    %mul3A_154 = arith.mulf %add3A_140, %add3A_104 : vector<400x128xf32>
    %mul3A_155 = arith.mulf %add3A_129, %tanh3A_142 : vector<400x128xf32>
    %add3A_156 = arith.addf %mul3A_154, %mul3A_155 : vector<400x128xf32>
    %tanh3A_157 = math.tanh %add3A_156 : vector<400x128xf32>
    %mul3A_158 = arith.mulf %add3A_153, %tanh3A_157 : vector<400x128xf32>
    %get3A_159 = arith.constant 3 : index
    %get3A_160 = arith.constant 0 : index
    %get3A_161 = arith.constant 0 : index
    %get3A_162 = vector.load %arg1[%get3A_159, %get3A_160, %get3A_161] : memref<32x400x128xf32, #tpu.memory_space<vmem>>, vector<1x400x128xf32>
    %get3A_163 = vector.shape_cast %get3A_162 : vector<1x400x128xf32> to vector<400x128xf32>
    %convert_element_type3A_164 = arith.truncf %get3A_163 : vector<400x128xf32> to vector<400x128xbf16>
    %convert_element_type3A_165 = arith.truncf %mul3A_158 : vector<400x128xf32> to vector<400x128xbf16>
    %concatenate3A_166 = tpu.concatenate %convert_element_type3A_164, %convert_element_type3A_165 in 1 : vector<400x128xbf16>, vector<400x128xbf16> -> vector<400x256xbf16>
    %dot_general3A_167 = arith.constant dense<0.000000e+00> : vector<400x512xf32>
    %dot_general3A_168 = tpu.matmul %concatenate3A_166, %get3A_4, %dot_general3A_167 {dimension_numbers = #tpu.dot_dimension_numbers<[1], [0], [0], [1], [0, 0, 1, 1], [], []>, transpose_lhs_hint = false} : vector<400x256xbf16>, vector<256x512xbf16>, vector<400x512xf32> -> vector<400x512xf32>
    %add3A_169 = vector.broadcast %get3A_7 : vector<1x512xf32> to vector<400x512xf32>
    %add3A_170 = arith.addf %dot_general3A_168, %add3A_169 : vector<400x512xf32>
    %slice3A_171 = vector.extract_strided_slice %add3A_170 {offsets = [0, 0], sizes = [400, 128], strides = [1, 1]} : vector<400x512xf32> to vector<400x128xf32>
    %mul3A_172 = arith.constant 5.000000e-01 : f32
    %mul3A_173 = vector.broadcast %mul3A_172 : f32 to vector<400x128xf32>
    %mul3A_174 = arith.mulf %mul3A_173, %slice3A_171 : vector<400x128xf32>
    %tanh3A_175 = math.tanh %mul3A_174 : vector<400x128xf32>
    %mul3A_176 = arith.constant 5.000000e-01 : f32
    %mul3A_177 = vector.broadcast %mul3A_176 : f32 to vector<400x128xf32>
    %mul3A_178 = arith.mulf %mul3A_177, %tanh3A_175 : vector<400x128xf32>
    %add3A_179 = arith.constant 5.000000e-01 : f32
    %add3A_180 = vector.broadcast %add3A_179 : f32 to vector<400x128xf32>
    %add3A_181 = arith.addf %add3A_180, %mul3A_178 : vector<400x128xf32>
    %slice3A_182 = vector.extract_strided_slice %add3A_170 {offsets = [0, 128], sizes = [400, 128], strides = [1, 1]} : vector<400x512xf32> to vector<400x128xf32>
    %mul3A_183 = arith.constant 5.000000e-01 : f32
    %mul3A_184 = vector.broadcast %mul3A_183 : f32 to vector<400x128xf32>
    %mul3A_185 = arith.mulf %mul3A_184, %slice3A_182 : vector<400x128xf32>
    %tanh3A_186 = math.tanh %mul3A_185 : vector<400x128xf32>
    %mul3A_187 = arith.constant 5.000000e-01 : f32
    %mul3A_188 = vector.broadcast %mul3A_187 : f32 to vector<400x128xf32>
    %mul3A_189 = arith.mulf %mul3A_188, %tanh3A_186 : vector<400x128xf32>
    %add3A_190 = arith.constant 5.000000e-01 : f32
    %add3A_191 = vector.broadcast %add3A_190 : f32 to vector<400x128xf32>
    %add3A_192 = arith.addf %add3A_191, %mul3A_189 : vector<400x128xf32>
    %slice3A_193 = vector.extract_strided_slice %add3A_170 {offsets = [0, 256], sizes = [400, 128], strides = [1, 1]} : vector<400x512xf32> to vector<400x128xf32>
    %tanh3A_194 = math.tanh %slice3A_193 : vector<400x128xf32>
    %slice3A_195 = vector.extract_strided_slice %add3A_170 {offsets = [0, 384], sizes = [400, 128], strides = [1, 1]} : vector<400x512xf32> to vector<400x128xf32>
    %mul3A_196 = arith.constant 5.000000e-01 : f32
    %mul3A_197 = vector.broadcast %mul3A_196 : f32 to vector<400x128xf32>
    %mul3A_198 = arith.mulf %mul3A_197, %slice3A_195 : vector<400x128xf32>
    %tanh3A_199 = math.tanh %mul3A_198 : vector<400x128xf32>
    %mul3A_200 = arith.constant 5.000000e-01 : f32
    %mul3A_201 = vector.broadcast %mul3A_200 : f32 to vector<400x128xf32>
    %mul3A_202 = arith.mulf %mul3A_201, %tanh3A_199 : vector<400x128xf32>
    %add3A_203 = arith.constant 5.000000e-01 : f32
    %add3A_204 = vector.broadcast %add3A_203 : f32 to vector<400x128xf32>
    %add3A_205 = arith.addf %add3A_204, %mul3A_202 : vector<400x128xf32>
    %mul3A_206 = arith.mulf %add3A_192, %add3A_156 : vector<400x128xf32>
    %mul3A_207 = arith.mulf %add3A_181, %tanh3A_194 : vector<400x128xf32>
    %add3A_208 = arith.addf %mul3A_206, %mul3A_207 : vector<400x128xf32>
    %tanh3A_209 = math.tanh %add3A_208 : vector<400x128xf32>
    %mul3A_210 = arith.mulf %add3A_205, %tanh3A_209 : vector<400x128xf32>
    %get3A_211 = arith.constant 4 : index
    %get3A_212 = arith.constant 0 : index
    %get3A_213 = arith.constant 0 : index
    %get3A_214 = vector.load %arg1[%get3A_211, %get3A_212, %get3A_213] : memref<32x400x128xf32, #tpu.memory_space<vmem>>, vector<1x400x128xf32>
    %get3A_215 = vector.shape_cast %get3A_214 : vector<1x400x128xf32> to vector<400x128xf32>
    %convert_element_type3A_216 = arith.truncf %get3A_215 : vector<400x128xf32> to vector<400x128xbf16>
    %convert_element_type3A_217 = arith.truncf %mul3A_210 : vector<400x128xf32> to vector<400x128xbf16>
    %concatenate3A_218 = tpu.concatenate %convert_element_type3A_216, %convert_element_type3A_217 in 1 : vector<400x128xbf16>, vector<400x128xbf16> -> vector<400x256xbf16>
    %dot_general3A_219 = arith.constant dense<0.000000e+00> : vector<400x512xf32>
    %dot_general3A_220 = tpu.matmul %concatenate3A_218, %get3A_4, %dot_general3A_219 {dimension_numbers = #tpu.dot_dimension_numbers<[1], [0], [0], [1], [0, 0, 1, 1], [], []>, transpose_lhs_hint = false} : vector<400x256xbf16>, vector<256x512xbf16>, vector<400x512xf32> -> vector<400x512xf32>
    %add3A_221 = vector.broadcast %get3A_7 : vector<1x512xf32> to vector<400x512xf32>
    %add3A_222 = arith.addf %dot_general3A_220, %add3A_221 : vector<400x512xf32>
    %slice3A_223 = vector.extract_strided_slice %add3A_222 {offsets = [0, 0], sizes = [400, 128], strides = [1, 1]} : vector<400x512xf32> to vector<400x128xf32>
    %mul3A_224 = arith.constant 5.000000e-01 : f32
    %mul3A_225 = vector.broadcast %mul3A_224 : f32 to vector<400x128xf32>
    %mul3A_226 = arith.mulf %mul3A_225, %slice3A_223 : vector<400x128xf32>
    %tanh3A_227 = math.tanh %mul3A_226 : vector<400x128xf32>
    %mul3A_228 = arith.constant 5.000000e-01 : f32
    %mul3A_229 = vector.broadcast %mul3A_228 : f32 to vector<400x128xf32>
    %mul3A_230 = arith.mulf %mul3A_229, %tanh3A_227 : vector<400x128xf32>
    %add3A_231 = arith.constant 5.000000e-01 : f32
    %add3A_232 = vector.broadcast %add3A_231 : f32 to vector<400x128xf32>
    %add3A_233 = arith.addf %add3A_232, %mul3A_230 : vector<400x128xf32>
    %slice3A_234 = vector.extract_strided_slice %add3A_222 {offsets = [0, 128], sizes = [400, 128], strides = [1, 1]} : vector<400x512xf32> to vector<400x128xf32>
    %mul3A_235 = arith.constant 5.000000e-01 : f32
    %mul3A_236 = vector.broadcast %mul3A_235 : f32 to vector<400x128xf32>
    %mul3A_237 = arith.mulf %mul3A_236, %slice3A_234 : vector<400x128xf32>
    %tanh3A_238 = math.tanh %mul3A_237 : vector<400x128xf32>
    %mul3A_239 = arith.constant 5.000000e-01 : f32
    %mul3A_240 = vector.broadcast %mul3A_239 : f32 to vector<400x128xf32>
    %mul3A_241 = arith.mulf %mul3A_240, %tanh3A_238 : vector<400x128xf32>
    %add3A_242 = arith.constant 5.000000e-01 : f32
    %add3A_243 = vector.broadcast %add3A_242 : f32 to vector<400x128xf32>
    %add3A_244 = arith.addf %add3A_243, %mul3A_241 : vector<400x128xf32>
    %slice3A_245 = vector.extract_strided_slice %add3A_222 {offsets = [0, 256], sizes = [400, 128], strides = [1, 1]} : vector<400x512xf32> to vector<400x128xf32>
    %tanh3A_246 = math.tanh %slice3A_245 : vector<400x128xf32>
    %slice3A_247 = vector.extract_strided_slice %add3A_222 {offsets = [0, 384], sizes = [400, 128], strides = [1, 1]} : vector<400x512xf32> to vector<400x128xf32>
    %mul3A_248 = arith.constant 5.000000e-01 : f32
    %mul3A_249 = vector.broadcast %mul3A_248 : f32 to vector<400x128xf32>
    %mul3A_250 = arith.mulf %mul3A_249, %slice3A_247 : vector<400x128xf32>
    %tanh3A_251 = math.tanh %mul3A_250 : vector<400x128xf32>
    %mul3A_252 = arith.constant 5.000000e-01 : f32
    %mul3A_253 = vector.broadcast %mul3A_252 : f32 to vector<400x128xf32>
    %mul3A_254 = arith.mulf %mul3A_253, %tanh3A_251 : vector<400x128xf32>
    %add3A_255 = arith.constant 5.000000e-01 : f32
    %add3A_256 = vector.broadcast %add3A_255 : f32 to vector<400x128xf32>
    %add3A_257 = arith.addf %add3A_256, %mul3A_254 : vector<400x128xf32>
    %mul3A_258 = arith.mulf %add3A_244, %add3A_208 : vector<400x128xf32>
    %mul3A_259 = arith.mulf %add3A_233, %tanh3A_246 : vector<400x128xf32>
    %add3A_260 = arith.addf %mul3A_258, %mul3A_259 : vector<400x128xf32>
    %tanh3A_261 = math.tanh %add3A_260 : vector<400x128xf32>
    %mul3A_262 = arith.mulf %add3A_257, %tanh3A_261 : vector<400x128xf32>
    %get3A_263 = arith.constant 5 : index
    %get3A_264 = arith.constant 0 : index
    %get3A_265 = arith.constant 0 : index
    %get3A_266 = vector.load %arg1[%get3A_263, %get3A_264, %get3A_265] : memref<32x400x128xf32, #tpu.memory_space<vmem>>, vector<1x400x128xf32>
    %get3A_267 = vector.shape_cast %get3A_266 : vector<1x400x128xf32> to vector<400x128xf32>
    %convert_element_type3A_268 = arith.truncf %get3A_267 : vector<400x128xf32> to vector<400x128xbf16>
    %convert_element_type3A_269 = arith.truncf %mul3A_262 : vector<400x128xf32> to vector<400x128xbf16>
    %concatenate3A_270 = tpu.concatenate %convert_element_type3A_268, %convert_element_type3A_269 in 1 : vector<400x128xbf16>, vector<400x128xbf16> -> vector<400x256xbf16>
    %dot_general3A_271 = arith.constant dense<0.000000e+00> : vector<400x512xf32>
    %dot_general3A_272 = tpu.matmul %concatenate3A_270, %get3A_4, %dot_general3A_271 {dimension_numbers = #tpu.dot_dimension_numbers<[1], [0], [0], [1], [0, 0, 1, 1], [], []>, transpose_lhs_hint = false} : vector<400x256xbf16>, vector<256x512xbf16>, vector<400x512xf32> -> vector<400x512xf32>
    %add3A_273 = vector.broadcast %get3A_7 : vector<1x512xf32> to vector<400x512xf32>
    %add3A_274 = arith.addf %dot_general3A_272, %add3A_273 : vector<400x512xf32>
    %slice3A_275 = vector.extract_strided_slice %add3A_274 {offsets = [0, 0], sizes = [400, 128], strides = [1, 1]} : vector<400x512xf32> to vector<400x128xf32>
    %mul3A_276 = arith.constant 5.000000e-01 : f32
    %mul3A_277 = vector.broadcast %mul3A_276 : f32 to vector<400x128xf32>
    %mul3A_278 = arith.mulf %mul3A_277, %slice3A_275 : vector<400x128xf32>
    %tanh3A_279 = math.tanh %mul3A_278 : vector<400x128xf32>
    %mul3A_280 = arith.constant 5.000000e-01 : f32
    %mul3A_281 = vector.broadcast %mul3A_280 : f32 to vector<400x128xf32>
    %mul3A_282 = arith.mulf %mul3A_281, %tanh3A_279 : vector<400x128xf32>
    %add3A_283 = arith.constant 5.000000e-01 : f32
    %add3A_284 = vector.broadcast %add3A_283 : f32 to vector<400x128xf32>
    %add3A_285 = arith.addf %add3A_284, %mul3A_282 : vector<400x128xf32>
    %slice3A_286 = vector.extract_strided_slice %add3A_274 {offsets = [0, 128], sizes = [400, 128], strides = [1, 1]} : vector<400x512xf32> to vector<400x128xf32>
    %mul3A_287 = arith.constant 5.000000e-01 : f32
    %mul3A_288 = vector.broadcast %mul3A_287 : f32 to vector<400x128xf32>
    %mul3A_289 = arith.mulf %mul3A_288, %slice3A_286 : vector<400x128xf32>
    %tanh3A_290 = math.tanh %mul3A_289 : vector<400x128xf32>
    %mul3A_291 = arith.constant 5.000000e-01 : f32
    %mul3A_292 = vector.broadcast %mul3A_291 : f32 to vector<400x128xf32>
    %mul3A_293 = arith.mulf %mul3A_292, %tanh3A_290 : vector<400x128xf32>
    %add3A_294 = arith.constant 5.000000e-01 : f32
    %add3A_295 = vector.broadcast %add3A_294 : f32 to vector<400x128xf32>
    %add3A_296 = arith.addf %add3A_295, %mul3A_293 : vector<400x128xf32>
    %slice3A_297 = vector.extract_strided_slice %add3A_274 {offsets = [0, 256], sizes = [400, 128], strides = [1, 1]} : vector<400x512xf32> to vector<400x128xf32>
    %tanh3A_298 = math.tanh %slice3A_297 : vector<400x128xf32>
    %slice3A_299 = vector.extract_strided_slice %add3A_274 {offsets = [0, 384], sizes = [400, 128], strides = [1, 1]} : vector<400x512xf32> to vector<400x128xf32>
    %mul3A_300 = arith.constant 5.000000e-01 : f32
    %mul3A_301 = vector.broadcast %mul3A_300 : f32 to vector<400x128xf32>
    %mul3A_302 = arith.mulf %mul3A_301, %slice3A_299 : vector<400x128xf32>
    %tanh3A_303 = math.tanh %mul3A_302 : vector<400x128xf32>
    %mul3A_304 = arith.constant 5.000000e-01 : f32
    %mul3A_305 = vector.broadcast %mul3A_304 : f32 to vector<400x128xf32>
    %mul3A_306 = arith.mulf %mul3A_305, %tanh3A_303 : vector<400x128xf32>
    %add3A_307 = arith.constant 5.000000e-01 : f32
    %add3A_308 = vector.broadcast %add3A_307 : f32 to vector<400x128xf32>
    %add3A_309 = arith.addf %add3A_308, %mul3A_306 : vector<400x128xf32>
    %mul3A_310 = arith.mulf %add3A_296, %add3A_260 : vector<400x128xf32>
    %mul3A_311 = arith.mulf %add3A_285, %tanh3A_298 : vector<400x128xf32>
    %add3A_312 = arith.addf %mul3A_310, %mul3A_311 : vector<400x128xf32>
    %tanh3A_313 = math.tanh %add3A_312 : vector<400x128xf32>
    %mul3A_314 = arith.mulf %add3A_309, %tanh3A_313 : vector<400x128xf32>
    %get3A_315 = arith.constant 6 : index
    %get3A_316 = arith.constant 0 : index
    %get3A_317 = arith.constant 0 : index
    %get3A_318 = vector.load %arg1[%get3A_315, %get3A_316, %get3A_317] : memref<32x400x128xf32, #tpu.memory_space<vmem>>, vector<1x400x128xf32>
    %get3A_319 = vector.shape_cast %get3A_318 : vector<1x400x128xf32> to vector<400x128xf32>
    %convert_element_type3A_320 = arith.truncf %get3A_319 : vector<400x128xf32> to vector<400x128xbf16>
    %convert_element_type3A_321 = arith.truncf %mul3A_314 : vector<400x128xf32> to vector<400x128xbf16>
    %concatenate3A_322 = tpu.concatenate %convert_element_type3A_320, %convert_element_type3A_321 in 1 : vector<400x128xbf16>, vector<400x128xbf16> -> vector<400x256xbf16>
    %dot_general3A_323 = arith.constant dense<0.000000e+00> : vector<400x512xf32>
    %dot_general3A_324 = tpu.matmul %concatenate3A_322, %get3A_4, %dot_general3A_323 {dimension_numbers = #tpu.dot_dimension_numbers<[1], [0], [0], [1], [0, 0, 1, 1], [], []>, transpose_lhs_hint = false} : vector<400x256xbf16>, vector<256x512xbf16>, vector<400x512xf32> -> vector<400x512xf32>
    %add3A_325 = vector.broadcast %get3A_7 : vector<1x512xf32> to vector<400x512xf32>
    %add3A_326 = arith.addf %dot_general3A_324, %add3A_325 : vector<400x512xf32>
    %slice3A_327 = vector.extract_strided_slice %add3A_326 {offsets = [0, 0], sizes = [400, 128], strides = [1, 1]} : vector<400x512xf32> to vector<400x128xf32>
    %mul3A_328 = arith.constant 5.000000e-01 : f32
    %mul3A_329 = vector.broadcast %mul3A_328 : f32 to vector<400x128xf32>
    %mul3A_330 = arith.mulf %mul3A_329, %slice3A_327 : vector<400x128xf32>
    %tanh3A_331 = math.tanh %mul3A_330 : vector<400x128xf32>
    %mul3A_332 = arith.constant 5.000000e-01 : f32
    %mul3A_333 = vector.broadcast %mul3A_332 : f32 to vector<400x128xf32>
    %mul3A_334 = arith.mulf %mul3A_333, %tanh3A_331 : vector<400x128xf32>
    %add3A_335 = arith.constant 5.000000e-01 : f32
    %add3A_336 = vector.broadcast %add3A_335 : f32 to vector<400x128xf32>
    %add3A_337 = arith.addf %add3A_336, %mul3A_334 : vector<400x128xf32>
    %slice3A_338 = vector.extract_strided_slice %add3A_326 {offsets = [0, 128], sizes = [400, 128], strides = [1, 1]} : vector<400x512xf32> to vector<400x128xf32>
    %mul3A_339 = arith.constant 5.000000e-01 : f32
    %mul3A_340 = vector.broadcast %mul3A_339 : f32 to vector<400x128xf32>
    %mul3A_341 = arith.mulf %mul3A_340, %slice3A_338 : vector<400x128xf32>
    %tanh3A_342 = math.tanh %mul3A_341 : vector<400x128xf32>
    %mul3A_343 = arith.constant 5.000000e-01 : f32
    %mul3A_344 = vector.broadcast %mul3A_343 : f32 to vector<400x128xf32>
    %mul3A_345 = arith.mulf %mul3A_344, %tanh3A_342 : vector<400x128xf32>
    %add3A_346 = arith.constant 5.000000e-01 : f32
    %add3A_347 = vector.broadcast %add3A_346 : f32 to vector<400x128xf32>
    %add3A_348 = arith.addf %add3A_347, %mul3A_345 : vector<400x128xf32>
    %slice3A_349 = vector.extract_strided_slice %add3A_326 {offsets = [0, 256], sizes = [400, 128], strides = [1, 1]} : vector<400x512xf32> to vector<400x128xf32>
    %tanh3A_350 = math.tanh %slice3A_349 : vector<400x128xf32>
    %slice3A_351 = vector.extract_strided_slice %add3A_326 {offsets = [0, 384], sizes = [400, 128], strides = [1, 1]} : vector<400x512xf32> to vector<400x128xf32>
    %mul3A_352 = arith.constant 5.000000e-01 : f32
    %mul3A_353 = vector.broadcast %mul3A_352 : f32 to vector<400x128xf32>
    %mul3A_354 = arith.mulf %mul3A_353, %slice3A_351 : vector<400x128xf32>
    %tanh3A_355 = math.tanh %mul3A_354 : vector<400x128xf32>
    %mul3A_356 = arith.constant 5.000000e-01 : f32
    %mul3A_357 = vector.broadcast %mul3A_356 : f32 to vector<400x128xf32>
    %mul3A_358 = arith.mulf %mul3A_357, %tanh3A_355 : vector<400x128xf32>
    %add3A_359 = arith.constant 5.000000e-01 : f32
    %add3A_360 = vector.broadcast %add3A_359 : f32 to vector<400x128xf32>
    %add3A_361 = arith.addf %add3A_360, %mul3A_358 : vector<400x128xf32>
    %mul3A_362 = arith.mulf %add3A_348, %add3A_312 : vector<400x128xf32>
    %mul3A_363 = arith.mulf %add3A_337, %tanh3A_350 : vector<400x128xf32>
    %add3A_364 = arith.addf %mul3A_362, %mul3A_363 : vector<400x128xf32>
    %tanh3A_365 = math.tanh %add3A_364 : vector<400x128xf32>
    %mul3A_366 = arith.mulf %add3A_361, %tanh3A_365 : vector<400x128xf32>
    %get3A_367 = arith.constant 7 : index
    %get3A_368 = arith.constant 0 : index
    %get3A_369 = arith.constant 0 : index
    %get3A_370 = vector.load %arg1[%get3A_367, %get3A_368, %get3A_369] : memref<32x400x128xf32, #tpu.memory_space<vmem>>, vector<1x400x128xf32>
    %get3A_371 = vector.shape_cast %get3A_370 : vector<1x400x128xf32> to vector<400x128xf32>
    %convert_element_type3A_372 = arith.truncf %get3A_371 : vector<400x128xf32> to vector<400x128xbf16>
    %convert_element_type3A_373 = arith.truncf %mul3A_366 : vector<400x128xf32> to vector<400x128xbf16>
    %concatenate3A_374 = tpu.concatenate %convert_element_type3A_372, %convert_element_type3A_373 in 1 : vector<400x128xbf16>, vector<400x128xbf16> -> vector<400x256xbf16>
    %dot_general3A_375 = arith.constant dense<0.000000e+00> : vector<400x512xf32>
    %dot_general3A_376 = tpu.matmul %concatenate3A_374, %get3A_4, %dot_general3A_375 {dimension_numbers = #tpu.dot_dimension_numbers<[1], [0], [0], [1], [0, 0, 1, 1], [], []>, transpose_lhs_hint = false} : vector<400x256xbf16>, vector<256x512xbf16>, vector<400x512xf32> -> vector<400x512xf32>
    %add3A_377 = vector.broadcast %get3A_7 : vector<1x512xf32> to vector<400x512xf32>
    %add3A_378 = arith.addf %dot_general3A_376, %add3A_377 : vector<400x512xf32>
    %slice3A_379 = vector.extract_strided_slice %add3A_378 {offsets = [0, 0], sizes = [400, 128], strides = [1, 1]} : vector<400x512xf32> to vector<400x128xf32>
    %mul3A_380 = arith.constant 5.000000e-01 : f32
    %mul3A_381 = vector.broadcast %mul3A_380 : f32 to vector<400x128xf32>
    %mul3A_382 = arith.mulf %mul3A_381, %slice3A_379 : vector<400x128xf32>
    %tanh3A_383 = math.tanh %mul3A_382 : vector<400x128xf32>
    %mul3A_384 = arith.constant 5.000000e-01 : f32
    %mul3A_385 = vector.broadcast %mul3A_384 : f32 to vector<400x128xf32>
    %mul3A_386 = arith.mulf %mul3A_385, %tanh3A_383 : vector<400x128xf32>
    %add3A_387 = arith.constant 5.000000e-01 : f32
    %add3A_388 = vector.broadcast %add3A_387 : f32 to vector<400x128xf32>
    %add3A_389 = arith.addf %add3A_388, %mul3A_386 : vector<400x128xf32>
    %slice3A_390 = vector.extract_strided_slice %add3A_378 {offsets = [0, 128], sizes = [400, 128], strides = [1, 1]} : vector<400x512xf32> to vector<400x128xf32>
    %mul3A_391 = arith.constant 5.000000e-01 : f32
    %mul3A_392 = vector.broadcast %mul3A_391 : f32 to vector<400x128xf32>
    %mul3A_393 = arith.mulf %mul3A_392, %slice3A_390 : vector<400x128xf32>
    %tanh3A_394 = math.tanh %mul3A_393 : vector<400x128xf32>
    %mul3A_395 = arith.constant 5.000000e-01 : f32
    %mul3A_396 = vector.broadcast %mul3A_395 : f32 to vector<400x128xf32>
    %mul3A_397 = arith.mulf %mul3A_396, %tanh3A_394 : vector<400x128xf32>
    %add3A_398 = arith.constant 5.000000e-01 : f32
    %add3A_399 = vector.broadcast %add3A_398 : f32 to vector<400x128xf32>
    %add3A_400 = arith.addf %add3A_399, %mul3A_397 : vector<400x128xf32>
    %slice3A_401 = vector.extract_strided_slice %add3A_378 {offsets = [0, 256], sizes = [400, 128], strides = [1, 1]} : vector<400x512xf32> to vector<400x128xf32>
    %tanh3A_402 = math.tanh %slice3A_401 : vector<400x128xf32>
    %slice3A_403 = vector.extract_strided_slice %add3A_378 {offsets = [0, 384], sizes = [400, 128], strides = [1, 1]} : vector<400x512xf32> to vector<400x128xf32>
    %mul3A_404 = arith.constant 5.000000e-01 : f32
    %mul3A_405 = vector.broadcast %mul3A_404 : f32 to vector<400x128xf32>
    %mul3A_406 = arith.mulf %mul3A_405, %slice3A_403 : vector<400x128xf32>
    %tanh3A_407 = math.tanh %mul3A_406 : vector<400x128xf32>
    %mul3A_408 = arith.constant 5.000000e-01 : f32
    %mul3A_409 = vector.broadcast %mul3A_408 : f32 to vector<400x128xf32>
    %mul3A_410 = arith.mulf %mul3A_409, %tanh3A_407 : vector<400x128xf32>
    %add3A_411 = arith.constant 5.000000e-01 : f32
    %add3A_412 = vector.broadcast %add3A_411 : f32 to vector<400x128xf32>
    %add3A_413 = arith.addf %add3A_412, %mul3A_410 : vector<400x128xf32>
    %mul3A_414 = arith.mulf %add3A_400, %add3A_364 : vector<400x128xf32>
    %mul3A_415 = arith.mulf %add3A_389, %tanh3A_402 : vector<400x128xf32>
    %add3A_416 = arith.addf %mul3A_414, %mul3A_415 : vector<400x128xf32>
    %tanh3A_417 = math.tanh %add3A_416 : vector<400x128xf32>
    %mul3A_418 = arith.mulf %add3A_413, %tanh3A_417 : vector<400x128xf32>
    %get3A_419 = arith.constant 8 : index
    %get3A_420 = arith.constant 0 : index
    %get3A_421 = arith.constant 0 : index
    %get3A_422 = vector.load %arg1[%get3A_419, %get3A_420, %get3A_421] : memref<32x400x128xf32, #tpu.memory_space<vmem>>, vector<1x400x128xf32>
    %get3A_423 = vector.shape_cast %get3A_422 : vector<1x400x128xf32> to vector<400x128xf32>
    %convert_element_type3A_424 = arith.truncf %get3A_423 : vector<400x128xf32> to vector<400x128xbf16>
    %convert_element_type3A_425 = arith.truncf %mul3A_418 : vector<400x128xf32> to vector<400x128xbf16>
    %concatenate3A_426 = tpu.concatenate %convert_element_type3A_424, %convert_element_type3A_425 in 1 : vector<400x128xbf16>, vector<400x128xbf16> -> vector<400x256xbf16>
    %dot_general3A_427 = arith.constant dense<0.000000e+00> : vector<400x512xf32>
    %dot_general3A_428 = tpu.matmul %concatenate3A_426, %get3A_4, %dot_general3A_427 {dimension_numbers = #tpu.dot_dimension_numbers<[1], [0], [0], [1], [0, 0, 1, 1], [], []>, transpose_lhs_hint = false} : vector<400x256xbf16>, vector<256x512xbf16>, vector<400x512xf32> -> vector<400x512xf32>
    %add3A_429 = vector.broadcast %get3A_7 : vector<1x512xf32> to vector<400x512xf32>
    %add3A_430 = arith.addf %dot_general3A_428, %add3A_429 : vector<400x512xf32>
    %slice3A_431 = vector.extract_strided_slice %add3A_430 {offsets = [0, 0], sizes = [400, 128], strides = [1, 1]} : vector<400x512xf32> to vector<400x128xf32>
    %mul3A_432 = arith.constant 5.000000e-01 : f32
    %mul3A_433 = vector.broadcast %mul3A_432 : f32 to vector<400x128xf32>
    %mul3A_434 = arith.mulf %mul3A_433, %slice3A_431 : vector<400x128xf32>
    %tanh3A_435 = math.tanh %mul3A_434 : vector<400x128xf32>
    %mul3A_436 = arith.constant 5.000000e-01 : f32
    %mul3A_437 = vector.broadcast %mul3A_436 : f32 to vector<400x128xf32>
    %mul3A_438 = arith.mulf %mul3A_437, %tanh3A_435 : vector<400x128xf32>
    %add3A_439 = arith.constant 5.000000e-01 : f32
    %add3A_440 = vector.broadcast %add3A_439 : f32 to vector<400x128xf32>
    %add3A_441 = arith.addf %add3A_440, %mul3A_438 : vector<400x128xf32>
    %slice3A_442 = vector.extract_strided_slice %add3A_430 {offsets = [0, 128], sizes = [400, 128], strides = [1, 1]} : vector<400x512xf32> to vector<400x128xf32>
    %mul3A_443 = arith.constant 5.000000e-01 : f32
    %mul3A_444 = vector.broadcast %mul3A_443 : f32 to vector<400x128xf32>
    %mul3A_445 = arith.mulf %mul3A_444, %slice3A_442 : vector<400x128xf32>
    %tanh3A_446 = math.tanh %mul3A_445 : vector<400x128xf32>
    %mul3A_447 = arith.constant 5.000000e-01 : f32
    %mul3A_448 = vector.broadcast %mul3A_447 : f32 to vector<400x128xf32>
    %mul3A_449 = arith.mulf %mul3A_448, %tanh3A_446 : vector<400x128xf32>
    %add3A_450 = arith.constant 5.000000e-01 : f32
    %add3A_451 = vector.broadcast %add3A_450 : f32 to vector<400x128xf32>
    %add3A_452 = arith.addf %add3A_451, %mul3A_449 : vector<400x128xf32>
    %slice3A_453 = vector.extract_strided_slice %add3A_430 {offsets = [0, 256], sizes = [400, 128], strides = [1, 1]} : vector<400x512xf32> to vector<400x128xf32>
    %tanh3A_454 = math.tanh %slice3A_453 : vector<400x128xf32>
    %slice3A_455 = vector.extract_strided_slice %add3A_430 {offsets = [0, 384], sizes = [400, 128], strides = [1, 1]} : vector<400x512xf32> to vector<400x128xf32>
    %mul3A_456 = arith.constant 5.000000e-01 : f32
    %mul3A_457 = vector.broadcast %mul3A_456 : f32 to vector<400x128xf32>
    %mul3A_458 = arith.mulf %mul3A_457, %slice3A_455 : vector<400x128xf32>
    %tanh3A_459 = math.tanh %mul3A_458 : vector<400x128xf32>
    %mul3A_460 = arith.constant 5.000000e-01 : f32
    %mul3A_461 = vector.broadcast %mul3A_460 : f32 to vector<400x128xf32>
    %mul3A_462 = arith.mulf %mul3A_461, %tanh3A_459 : vector<400x128xf32>
    %add3A_463 = arith.constant 5.000000e-01 : f32
    %add3A_464 = vector.broadcast %add3A_463 : f32 to vector<400x128xf32>
    %add3A_465 = arith.addf %add3A_464, %mul3A_462 : vector<400x128xf32>
    %mul3A_466 = arith.mulf %add3A_452, %add3A_416 : vector<400x128xf32>
    %mul3A_467 = arith.mulf %add3A_441, %tanh3A_454 : vector<400x128xf32>
    %add3A_468 = arith.addf %mul3A_466, %mul3A_467 : vector<400x128xf32>
    %tanh3A_469 = math.tanh %add3A_468 : vector<400x128xf32>
    %mul3A_470 = arith.mulf %add3A_465, %tanh3A_469 : vector<400x128xf32>
    %get3A_471 = arith.constant 9 : index
    %get3A_472 = arith.constant 0 : index
    %get3A_473 = arith.constant 0 : index
    %get3A_474 = vector.load %arg1[%get3A_471, %get3A_472, %get3A_473] : memref<32x400x128xf32, #tpu.memory_space<vmem>>, vector<1x400x128xf32>
    %get3A_475 = vector.shape_cast %get3A_474 : vector<1x400x128xf32> to vector<400x128xf32>
    %convert_element_type3A_476 = arith.truncf %get3A_475 : vector<400x128xf32> to vector<400x128xbf16>
    %convert_element_type3A_477 = arith.truncf %mul3A_470 : vector<400x128xf32> to vector<400x128xbf16>
    %concatenate3A_478 = tpu.concatenate %convert_element_type3A_476, %convert_element_type3A_477 in 1 : vector<400x128xbf16>, vector<400x128xbf16> -> vector<400x256xbf16>
    %dot_general3A_479 = arith.constant dense<0.000000e+00> : vector<400x512xf32>
    %dot_general3A_480 = tpu.matmul %concatenate3A_478, %get3A_4, %dot_general3A_479 {dimension_numbers = #tpu.dot_dimension_numbers<[1], [0], [0], [1], [0, 0, 1, 1], [], []>, transpose_lhs_hint = false} : vector<400x256xbf16>, vector<256x512xbf16>, vector<400x512xf32> -> vector<400x512xf32>
    %add3A_481 = vector.broadcast %get3A_7 : vector<1x512xf32> to vector<400x512xf32>
    %add3A_482 = arith.addf %dot_general3A_480, %add3A_481 : vector<400x512xf32>
    %slice3A_483 = vector.extract_strided_slice %add3A_482 {offsets = [0, 0], sizes = [400, 128], strides = [1, 1]} : vector<400x512xf32> to vector<400x128xf32>
    %mul3A_484 = arith.constant 5.000000e-01 : f32
    %mul3A_485 = vector.broadcast %mul3A_484 : f32 to vector<400x128xf32>
    %mul3A_486 = arith.mulf %mul3A_485, %slice3A_483 : vector<400x128xf32>
    %tanh3A_487 = math.tanh %mul3A_486 : vector<400x128xf32>
    %mul3A_488 = arith.constant 5.000000e-01 : f32
    %mul3A_489 = vector.broadcast %mul3A_488 : f32 to vector<400x128xf32>
    %mul3A_490 = arith.mulf %mul3A_489, %tanh3A_487 : vector<400x128xf32>
    %add3A_491 = arith.constant 5.000000e-01 : f32
    %add3A_492 = vector.broadcast %add3A_491 : f32 to vector<400x128xf32>
    %add3A_493 = arith.addf %add3A_492, %mul3A_490 : vector<400x128xf32>
    %slice3A_494 = vector.extract_strided_slice %add3A_482 {offsets = [0, 128], sizes = [400, 128], strides = [1, 1]} : vector<400x512xf32> to vector<400x128xf32>
    %mul3A_495 = arith.constant 5.000000e-01 : f32
    %mul3A_496 = vector.broadcast %mul3A_495 : f32 to vector<400x128xf32>
    %mul3A_497 = arith.mulf %mul3A_496, %slice3A_494 : vector<400x128xf32>
    %tanh3A_498 = math.tanh %mul3A_497 : vector<400x128xf32>
    %mul3A_499 = arith.constant 5.000000e-01 : f32
    %mul3A_500 = vector.broadcast %mul3A_499 : f32 to vector<400x128xf32>
    %mul3A_501 = arith.mulf %mul3A_500, %tanh3A_498 : vector<400x128xf32>
    %add3A_502 = arith.constant 5.000000e-01 : f32
    %add3A_503 = vector.broadcast %add3A_502 : f32 to vector<400x128xf32>
    %add3A_504 = arith.addf %add3A_503, %mul3A_501 : vector<400x128xf32>
    %slice3A_505 = vector.extract_strided_slice %add3A_482 {offsets = [0, 256], sizes = [400, 128], strides = [1, 1]} : vector<400x512xf32> to vector<400x128xf32>
    %tanh3A_506 = math.tanh %slice3A_505 : vector<400x128xf32>
    %slice3A_507 = vector.extract_strided_slice %add3A_482 {offsets = [0, 384], sizes = [400, 128], strides = [1, 1]} : vector<400x512xf32> to vector<400x128xf32>
    %mul3A_508 = arith.constant 5.000000e-01 : f32
    %mul3A_509 = vector.broadcast %mul3A_508 : f32 to vector<400x128xf32>
    %mul3A_510 = arith.mulf %mul3A_509, %slice3A_507 : vector<400x128xf32>
    %tanh3A_511 = math.tanh %mul3A_510 : vector<400x128xf32>
    %mul3A_512 = arith.constant 5.000000e-01 : f32
    %mul3A_513 = vector.broadcast %mul3A_512 : f32 to vector<400x128xf32>
    %mul3A_514 = arith.mulf %mul3A_513, %tanh3A_511 : vector<400x128xf32>
    %add3A_515 = arith.constant 5.000000e-01 : f32
    %add3A_516 = vector.broadcast %add3A_515 : f32 to vector<400x128xf32>
    %add3A_517 = arith.addf %add3A_516, %mul3A_514 : vector<400x128xf32>
    %mul3A_518 = arith.mulf %add3A_504, %add3A_468 : vector<400x128xf32>
    %mul3A_519 = arith.mulf %add3A_493, %tanh3A_506 : vector<400x128xf32>
    %add3A_520 = arith.addf %mul3A_518, %mul3A_519 : vector<400x128xf32>
    %tanh3A_521 = math.tanh %add3A_520 : vector<400x128xf32>
    %mul3A_522 = arith.mulf %add3A_517, %tanh3A_521 : vector<400x128xf32>
    %get3A_523 = arith.constant 10 : index
    %get3A_524 = arith.constant 0 : index
    %get3A_525 = arith.constant 0 : index
    %get3A_526 = vector.load %arg1[%get3A_523, %get3A_524, %get3A_525] : memref<32x400x128xf32, #tpu.memory_space<vmem>>, vector<1x400x128xf32>
    %get3A_527 = vector.shape_cast %get3A_526 : vector<1x400x128xf32> to vector<400x128xf32>
    %convert_element_type3A_528 = arith.truncf %get3A_527 : vector<400x128xf32> to vector<400x128xbf16>
    %convert_element_type3A_529 = arith.truncf %mul3A_522 : vector<400x128xf32> to vector<400x128xbf16>
    %concatenate3A_530 = tpu.concatenate %convert_element_type3A_528, %convert_element_type3A_529 in 1 : vector<400x128xbf16>, vector<400x128xbf16> -> vector<400x256xbf16>
    %dot_general3A_531 = arith.constant dense<0.000000e+00> : vector<400x512xf32>
    %dot_general3A_532 = tpu.matmul %concatenate3A_530, %get3A_4, %dot_general3A_531 {dimension_numbers = #tpu.dot_dimension_numbers<[1], [0], [0], [1], [0, 0, 1, 1], [], []>, transpose_lhs_hint = false} : vector<400x256xbf16>, vector<256x512xbf16>, vector<400x512xf32> -> vector<400x512xf32>
    %add3A_533 = vector.broadcast %get3A_7 : vector<1x512xf32> to vector<400x512xf32>
    %add3A_534 = arith.addf %dot_general3A_532, %add3A_533 : vector<400x512xf32>
    %slice3A_535 = vector.extract_strided_slice %add3A_534 {offsets = [0, 0], sizes = [400, 128], strides = [1, 1]} : vector<400x512xf32> to vector<400x128xf32>
    %mul3A_536 = arith.constant 5.000000e-01 : f32
    %mul3A_537 = vector.broadcast %mul3A_536 : f32 to vector<400x128xf32>
    %mul3A_538 = arith.mulf %mul3A_537, %slice3A_535 : vector<400x128xf32>
    %tanh3A_539 = math.tanh %mul3A_538 : vector<400x128xf32>
    %mul3A_540 = arith.constant 5.000000e-01 : f32
    %mul3A_541 = vector.broadcast %mul3A_540 : f32 to vector<400x128xf32>
    %mul3A_542 = arith.mulf %mul3A_541, %tanh3A_539 : vector<400x128xf32>
    %add3A_543 = arith.constant 5.000000e-01 : f32
    %add3A_544 = vector.broadcast %add3A_543 : f32 to vector<400x128xf32>
    %add3A_545 = arith.addf %add3A_544, %mul3A_542 : vector<400x128xf32>
    %slice3A_546 = vector.extract_strided_slice %add3A_534 {offsets = [0, 128], sizes = [400, 128], strides = [1, 1]} : vector<400x512xf32> to vector<400x128xf32>
    %mul3A_547 = arith.constant 5.000000e-01 : f32
    %mul3A_548 = vector.broadcast %mul3A_547 : f32 to vector<400x128xf32>
    %mul3A_549 = arith.mulf %mul3A_548, %slice3A_546 : vector<400x128xf32>
    %tanh3A_550 = math.tanh %mul3A_549 : vector<400x128xf32>
    %mul3A_551 = arith.constant 5.000000e-01 : f32
    %mul3A_552 = vector.broadcast %mul3A_551 : f32 to vector<400x128xf32>
    %mul3A_553 = arith.mulf %mul3A_552, %tanh3A_550 : vector<400x128xf32>
    %add3A_554 = arith.constant 5.000000e-01 : f32
    %add3A_555 = vector.broadcast %add3A_554 : f32 to vector<400x128xf32>
    %add3A_556 = arith.addf %add3A_555, %mul3A_553 : vector<400x128xf32>
    %slice3A_557 = vector.extract_strided_slice %add3A_534 {offsets = [0, 256], sizes = [400, 128], strides = [1, 1]} : vector<400x512xf32> to vector<400x128xf32>
    %tanh3A_558 = math.tanh %slice3A_557 : vector<400x128xf32>
    %slice3A_559 = vector.extract_strided_slice %add3A_534 {offsets = [0, 384], sizes = [400, 128], strides = [1, 1]} : vector<400x512xf32> to vector<400x128xf32>
    %mul3A_560 = arith.constant 5.000000e-01 : f32
    %mul3A_561 = vector.broadcast %mul3A_560 : f32 to vector<400x128xf32>
    %mul3A_562 = arith.mulf %mul3A_561, %slice3A_559 : vector<400x128xf32>
    %tanh3A_563 = math.tanh %mul3A_562 : vector<400x128xf32>
    %mul3A_564 = arith.constant 5.000000e-01 : f32
    %mul3A_565 = vector.broadcast %mul3A_564 : f32 to vector<400x128xf32>
    %mul3A_566 = arith.mulf %mul3A_565, %tanh3A_563 : vector<400x128xf32>
    %add3A_567 = arith.constant 5.000000e-01 : f32
    %add3A_568 = vector.broadcast %add3A_567 : f32 to vector<400x128xf32>
    %add3A_569 = arith.addf %add3A_568, %mul3A_566 : vector<400x128xf32>
    %mul3A_570 = arith.mulf %add3A_556, %add3A_520 : vector<400x128xf32>
    %mul3A_571 = arith.mulf %add3A_545, %tanh3A_558 : vector<400x128xf32>
    %add3A_572 = arith.addf %mul3A_570, %mul3A_571 : vector<400x128xf32>
    %tanh3A_573 = math.tanh %add3A_572 : vector<400x128xf32>
    %mul3A_574 = arith.mulf %add3A_569, %tanh3A_573 : vector<400x128xf32>
    %get3A_575 = arith.constant 11 : index
    %get3A_576 = arith.constant 0 : index
    %get3A_577 = arith.constant 0 : index
    %get3A_578 = vector.load %arg1[%get3A_575, %get3A_576, %get3A_577] : memref<32x400x128xf32, #tpu.memory_space<vmem>>, vector<1x400x128xf32>
    %get3A_579 = vector.shape_cast %get3A_578 : vector<1x400x128xf32> to vector<400x128xf32>
    %convert_element_type3A_580 = arith.truncf %get3A_579 : vector<400x128xf32> to vector<400x128xbf16>
    %convert_element_type3A_581 = arith.truncf %mul3A_574 : vector<400x128xf32> to vector<400x128xbf16>
    %concatenate3A_582 = tpu.concatenate %convert_element_type3A_580, %convert_element_type3A_581 in 1 : vector<400x128xbf16>, vector<400x128xbf16> -> vector<400x256xbf16>
    %dot_general3A_583 = arith.constant dense<0.000000e+00> : vector<400x512xf32>
    %dot_general3A_584 = tpu.matmul %concatenate3A_582, %get3A_4, %dot_general3A_583 {dimension_numbers = #tpu.dot_dimension_numbers<[1], [0], [0], [1], [0, 0, 1, 1], [], []>, transpose_lhs_hint = false} : vector<400x256xbf16>, vector<256x512xbf16>, vector<400x512xf32> -> vector<400x512xf32>
    %add3A_585 = vector.broadcast %get3A_7 : vector<1x512xf32> to vector<400x512xf32>
    %add3A_586 = arith.addf %dot_general3A_584, %add3A_585 : vector<400x512xf32>
    %slice3A_587 = vector.extract_strided_slice %add3A_586 {offsets = [0, 0], sizes = [400, 128], strides = [1, 1]} : vector<400x512xf32> to vector<400x128xf32>
    %mul3A_588 = arith.constant 5.000000e-01 : f32
    %mul3A_589 = vector.broadcast %mul3A_588 : f32 to vector<400x128xf32>
    %mul3A_590 = arith.mulf %mul3A_589, %slice3A_587 : vector<400x128xf32>
    %tanh3A_591 = math.tanh %mul3A_590 : vector<400x128xf32>
    %mul3A_592 = arith.constant 5.000000e-01 : f32
    %mul3A_593 = vector.broadcast %mul3A_592 : f32 to vector<400x128xf32>
    %mul3A_594 = arith.mulf %mul3A_593, %tanh3A_591 : vector<400x128xf32>
    %add3A_595 = arith.constant 5.000000e-01 : f32
    %add3A_596 = vector.broadcast %add3A_595 : f32 to vector<400x128xf32>
    %add3A_597 = arith.addf %add3A_596, %mul3A_594 : vector<400x128xf32>
    %slice3A_598 = vector.extract_strided_slice %add3A_586 {offsets = [0, 128], sizes = [400, 128], strides = [1, 1]} : vector<400x512xf32> to vector<400x128xf32>
    %mul3A_599 = arith.constant 5.000000e-01 : f32
    %mul3A_600 = vector.broadcast %mul3A_599 : f32 to vector<400x128xf32>
    %mul3A_601 = arith.mulf %mul3A_600, %slice3A_598 : vector<400x128xf32>
    %tanh3A_602 = math.tanh %mul3A_601 : vector<400x128xf32>
    %mul3A_603 = arith.constant 5.000000e-01 : f32
    %mul3A_604 = vector.broadcast %mul3A_603 : f32 to vector<400x128xf32>
    %mul3A_605 = arith.mulf %mul3A_604, %tanh3A_602 : vector<400x128xf32>
    %add3A_606 = arith.constant 5.000000e-01 : f32
    %add3A_607 = vector.broadcast %add3A_606 : f32 to vector<400x128xf32>
    %add3A_608 = arith.addf %add3A_607, %mul3A_605 : vector<400x128xf32>
    %slice3A_609 = vector.extract_strided_slice %add3A_586 {offsets = [0, 256], sizes = [400, 128], strides = [1, 1]} : vector<400x512xf32> to vector<400x128xf32>
    %tanh3A_610 = math.tanh %slice3A_609 : vector<400x128xf32>
    %slice3A_611 = vector.extract_strided_slice %add3A_586 {offsets = [0, 384], sizes = [400, 128], strides = [1, 1]} : vector<400x512xf32> to vector<400x128xf32>
    %mul3A_612 = arith.constant 5.000000e-01 : f32
    %mul3A_613 = vector.broadcast %mul3A_612 : f32 to vector<400x128xf32>
    %mul3A_614 = arith.mulf %mul3A_613, %slice3A_611 : vector<400x128xf32>
    %tanh3A_615 = math.tanh %mul3A_614 : vector<400x128xf32>
    %mul3A_616 = arith.constant 5.000000e-01 : f32
    %mul3A_617 = vector.broadcast %mul3A_616 : f32 to vector<400x128xf32>
    %mul3A_618 = arith.mulf %mul3A_617, %tanh3A_615 : vector<400x128xf32>
    %add3A_619 = arith.constant 5.000000e-01 : f32
    %add3A_620 = vector.broadcast %add3A_619 : f32 to vector<400x128xf32>
    %add3A_621 = arith.addf %add3A_620, %mul3A_618 : vector<400x128xf32>
    %mul3A_622 = arith.mulf %add3A_608, %add3A_572 : vector<400x128xf32>
    %mul3A_623 = arith.mulf %add3A_597, %tanh3A_610 : vector<400x128xf32>
    %add3A_624 = arith.addf %mul3A_622, %mul3A_623 : vector<400x128xf32>
    %tanh3A_625 = math.tanh %add3A_624 : vector<400x128xf32>
    %mul3A_626 = arith.mulf %add3A_621, %tanh3A_625 : vector<400x128xf32>
    %get3A_627 = arith.constant 12 : index
    %get3A_628 = arith.constant 0 : index
    %get3A_629 = arith.constant 0 : index
    %get3A_630 = vector.load %arg1[%get3A_627, %get3A_628, %get3A_629] : memref<32x400x128xf32, #tpu.memory_space<vmem>>, vector<1x400x128xf32>
    %get3A_631 = vector.shape_cast %get3A_630 : vector<1x400x128xf32> to vector<400x128xf32>
    %convert_element_type3A_632 = arith.truncf %get3A_631 : vector<400x128xf32> to vector<400x128xbf16>
    %convert_element_type3A_633 = arith.truncf %mul3A_626 : vector<400x128xf32> to vector<400x128xbf16>
    %concatenate3A_634 = tpu.concatenate %convert_element_type3A_632, %convert_element_type3A_633 in 1 : vector<400x128xbf16>, vector<400x128xbf16> -> vector<400x256xbf16>
    %dot_general3A_635 = arith.constant dense<0.000000e+00> : vector<400x512xf32>
    %dot_general3A_636 = tpu.matmul %concatenate3A_634, %get3A_4, %dot_general3A_635 {dimension_numbers = #tpu.dot_dimension_numbers<[1], [0], [0], [1], [0, 0, 1, 1], [], []>, transpose_lhs_hint = false} : vector<400x256xbf16>, vector<256x512xbf16>, vector<400x512xf32> -> vector<400x512xf32>
    %add3A_637 = vector.broadcast %get3A_7 : vector<1x512xf32> to vector<400x512xf32>
    %add3A_638 = arith.addf %dot_general3A_636, %add3A_637 : vector<400x512xf32>
    %slice3A_639 = vector.extract_strided_slice %add3A_638 {offsets = [0, 0], sizes = [400, 128], strides = [1, 1]} : vector<400x512xf32> to vector<400x128xf32>
    %mul3A_640 = arith.constant 5.000000e-01 : f32
    %mul3A_641 = vector.broadcast %mul3A_640 : f32 to vector<400x128xf32>
    %mul3A_642 = arith.mulf %mul3A_641, %slice3A_639 : vector<400x128xf32>
    %tanh3A_643 = math.tanh %mul3A_642 : vector<400x128xf32>
    %mul3A_644 = arith.constant 5.000000e-01 : f32
    %mul3A_645 = vector.broadcast %mul3A_644 : f32 to vector<400x128xf32>
    %mul3A_646 = arith.mulf %mul3A_645, %tanh3A_643 : vector<400x128xf32>
    %add3A_647 = arith.constant 5.000000e-01 : f32
    %add3A_648 = vector.broadcast %add3A_647 : f32 to vector<400x128xf32>
    %add3A_649 = arith.addf %add3A_648, %mul3A_646 : vector<400x128xf32>
    %slice3A_650 = vector.extract_strided_slice %add3A_638 {offsets = [0, 128], sizes = [400, 128], strides = [1, 1]} : vector<400x512xf32> to vector<400x128xf32>
    %mul3A_651 = arith.constant 5.000000e-01 : f32
    %mul3A_652 = vector.broadcast %mul3A_651 : f32 to vector<400x128xf32>
    %mul3A_653 = arith.mulf %mul3A_652, %slice3A_650 : vector<400x128xf32>
    %tanh3A_654 = math.tanh %mul3A_653 : vector<400x128xf32>
    %mul3A_655 = arith.constant 5.000000e-01 : f32
    %mul3A_656 = vector.broadcast %mul3A_655 : f32 to vector<400x128xf32>
    %mul3A_657 = arith.mulf %mul3A_656, %tanh3A_654 : vector<400x128xf32>
    %add3A_658 = arith.constant 5.000000e-01 : f32
    %add3A_659 = vector.broadcast %add3A_658 : f32 to vector<400x128xf32>
    %add3A_660 = arith.addf %add3A_659, %mul3A_657 : vector<400x128xf32>
    %slice3A_661 = vector.extract_strided_slice %add3A_638 {offsets = [0, 256], sizes = [400, 128], strides = [1, 1]} : vector<400x512xf32> to vector<400x128xf32>
    %tanh3A_662 = math.tanh %slice3A_661 : vector<400x128xf32>
    %slice3A_663 = vector.extract_strided_slice %add3A_638 {offsets = [0, 384], sizes = [400, 128], strides = [1, 1]} : vector<400x512xf32> to vector<400x128xf32>
    %mul3A_664 = arith.constant 5.000000e-01 : f32
    %mul3A_665 = vector.broadcast %mul3A_664 : f32 to vector<400x128xf32>
    %mul3A_666 = arith.mulf %mul3A_665, %slice3A_663 : vector<400x128xf32>
    %tanh3A_667 = math.tanh %mul3A_666 : vector<400x128xf32>
    %mul3A_668 = arith.constant 5.000000e-01 : f32
    %mul3A_669 = vector.broadcast %mul3A_668 : f32 to vector<400x128xf32>
    %mul3A_670 = arith.mulf %mul3A_669, %tanh3A_667 : vector<400x128xf32>
    %add3A_671 = arith.constant 5.000000e-01 : f32
    %add3A_672 = vector.broadcast %add3A_671 : f32 to vector<400x128xf32>
    %add3A_673 = arith.addf %add3A_672, %mul3A_670 : vector<400x128xf32>
    %mul3A_674 = arith.mulf %add3A_660, %add3A_624 : vector<400x128xf32>
    %mul3A_675 = arith.mulf %add3A_649, %tanh3A_662 : vector<400x128xf32>
    %add3A_676 = arith.addf %mul3A_674, %mul3A_675 : vector<400x128xf32>
    %tanh3A_677 = math.tanh %add3A_676 : vector<400x128xf32>
    %mul3A_678 = arith.mulf %add3A_673, %tanh3A_677 : vector<400x128xf32>
    %get3A_679 = arith.constant 13 : index
    %get3A_680 = arith.constant 0 : index
    %get3A_681 = arith.constant 0 : index
    %get3A_682 = vector.load %arg1[%get3A_679, %get3A_680, %get3A_681] : memref<32x400x128xf32, #tpu.memory_space<vmem>>, vector<1x400x128xf32>
    %get3A_683 = vector.shape_cast %get3A_682 : vector<1x400x128xf32> to vector<400x128xf32>
    %convert_element_type3A_684 = arith.truncf %get3A_683 : vector<400x128xf32> to vector<400x128xbf16>
    %convert_element_type3A_685 = arith.truncf %mul3A_678 : vector<400x128xf32> to vector<400x128xbf16>
    %concatenate3A_686 = tpu.concatenate %convert_element_type3A_684, %convert_element_type3A_685 in 1 : vector<400x128xbf16>, vector<400x128xbf16> -> vector<400x256xbf16>
    %dot_general3A_687 = arith.constant dense<0.000000e+00> : vector<400x512xf32>
    %dot_general3A_688 = tpu.matmul %concatenate3A_686, %get3A_4, %dot_general3A_687 {dimension_numbers = #tpu.dot_dimension_numbers<[1], [0], [0], [1], [0, 0, 1, 1], [], []>, transpose_lhs_hint = false} : vector<400x256xbf16>, vector<256x512xbf16>, vector<400x512xf32> -> vector<400x512xf32>
    %add3A_689 = vector.broadcast %get3A_7 : vector<1x512xf32> to vector<400x512xf32>
    %add3A_690 = arith.addf %dot_general3A_688, %add3A_689 : vector<400x512xf32>
    %slice3A_691 = vector.extract_strided_slice %add3A_690 {offsets = [0, 0], sizes = [400, 128], strides = [1, 1]} : vector<400x512xf32> to vector<400x128xf32>
    %mul3A_692 = arith.constant 5.000000e-01 : f32
    %mul3A_693 = vector.broadcast %mul3A_692 : f32 to vector<400x128xf32>
    %mul3A_694 = arith.mulf %mul3A_693, %slice3A_691 : vector<400x128xf32>
    %tanh3A_695 = math.tanh %mul3A_694 : vector<400x128xf32>
    %mul3A_696 = arith.constant 5.000000e-01 : f32
    %mul3A_697 = vector.broadcast %mul3A_696 : f32 to vector<400x128xf32>
    %mul3A_698 = arith.mulf %mul3A_697, %tanh3A_695 : vector<400x128xf32>
    %add3A_699 = arith.constant 5.000000e-01 : f32
    %add3A_700 = vector.broadcast %add3A_699 : f32 to vector<400x128xf32>
    %add3A_701 = arith.addf %add3A_700, %mul3A_698 : vector<400x128xf32>
    %slice3A_702 = vector.extract_strided_slice %add3A_690 {offsets = [0, 128], sizes = [400, 128], strides = [1, 1]} : vector<400x512xf32> to vector<400x128xf32>
    %mul3A_703 = arith.constant 5.000000e-01 : f32
    %mul3A_704 = vector.broadcast %mul3A_703 : f32 to vector<400x128xf32>
    %mul3A_705 = arith.mulf %mul3A_704, %slice3A_702 : vector<400x128xf32>
    %tanh3A_706 = math.tanh %mul3A_705 : vector<400x128xf32>
    %mul3A_707 = arith.constant 5.000000e-01 : f32
    %mul3A_708 = vector.broadcast %mul3A_707 : f32 to vector<400x128xf32>
    %mul3A_709 = arith.mulf %mul3A_708, %tanh3A_706 : vector<400x128xf32>
    %add3A_710 = arith.constant 5.000000e-01 : f32
    %add3A_711 = vector.broadcast %add3A_710 : f32 to vector<400x128xf32>
    %add3A_712 = arith.addf %add3A_711, %mul3A_709 : vector<400x128xf32>
    %slice3A_713 = vector.extract_strided_slice %add3A_690 {offsets = [0, 256], sizes = [400, 128], strides = [1, 1]} : vector<400x512xf32> to vector<400x128xf32>
    %tanh3A_714 = math.tanh %slice3A_713 : vector<400x128xf32>
    %slice3A_715 = vector.extract_strided_slice %add3A_690 {offsets = [0, 384], sizes = [400, 128], strides = [1, 1]} : vector<400x512xf32> to vector<400x128xf32>
    %mul3A_716 = arith.constant 5.000000e-01 : f32
    %mul3A_717 = vector.broadcast %mul3A_716 : f32 to vector<400x128xf32>
    %mul3A_718 = arith.mulf %mul3A_717, %slice3A_715 : vector<400x128xf32>
    %tanh3A_719 = math.tanh %mul3A_718 : vector<400x128xf32>
    %mul3A_720 = arith.constant 5.000000e-01 : f32
    %mul3A_721 = vector.broadcast %mul3A_720 : f32 to vector<400x128xf32>
    %mul3A_722 = arith.mulf %mul3A_721, %tanh3A_719 : vector<400x128xf32>
    %add3A_723 = arith.constant 5.000000e-01 : f32
    %add3A_724 = vector.broadcast %add3A_723 : f32 to vector<400x128xf32>
    %add3A_725 = arith.addf %add3A_724, %mul3A_722 : vector<400x128xf32>
    %mul3A_726 = arith.mulf %add3A_712, %add3A_676 : vector<400x128xf32>
    %mul3A_727 = arith.mulf %add3A_701, %tanh3A_714 : vector<400x128xf32>
    %add3A_728 = arith.addf %mul3A_726, %mul3A_727 : vector<400x128xf32>
    %tanh3A_729 = math.tanh %add3A_728 : vector<400x128xf32>
    %mul3A_730 = arith.mulf %add3A_725, %tanh3A_729 : vector<400x128xf32>
    %get3A_731 = arith.constant 14 : index
    %get3A_732 = arith.constant 0 : index
    %get3A_733 = arith.constant 0 : index
    %get3A_734 = vector.load %arg1[%get3A_731, %get3A_732, %get3A_733] : memref<32x400x128xf32, #tpu.memory_space<vmem>>, vector<1x400x128xf32>
    %get3A_735 = vector.shape_cast %get3A_734 : vector<1x400x128xf32> to vector<400x128xf32>
    %convert_element_type3A_736 = arith.truncf %get3A_735 : vector<400x128xf32> to vector<400x128xbf16>
    %convert_element_type3A_737 = arith.truncf %mul3A_730 : vector<400x128xf32> to vector<400x128xbf16>
    %concatenate3A_738 = tpu.concatenate %convert_element_type3A_736, %convert_element_type3A_737 in 1 : vector<400x128xbf16>, vector<400x128xbf16> -> vector<400x256xbf16>
    %dot_general3A_739 = arith.constant dense<0.000000e+00> : vector<400x512xf32>
    %dot_general3A_740 = tpu.matmul %concatenate3A_738, %get3A_4, %dot_general3A_739 {dimension_numbers = #tpu.dot_dimension_numbers<[1], [0], [0], [1], [0, 0, 1, 1], [], []>, transpose_lhs_hint = false} : vector<400x256xbf16>, vector<256x512xbf16>, vector<400x512xf32> -> vector<400x512xf32>
    %add3A_741 = vector.broadcast %get3A_7 : vector<1x512xf32> to vector<400x512xf32>
    %add3A_742 = arith.addf %dot_general3A_740, %add3A_741 : vector<400x512xf32>
    %slice3A_743 = vector.extract_strided_slice %add3A_742 {offsets = [0, 0], sizes = [400, 128], strides = [1, 1]} : vector<400x512xf32> to vector<400x128xf32>
    %mul3A_744 = arith.constant 5.000000e-01 : f32
    %mul3A_745 = vector.broadcast %mul3A_744 : f32 to vector<400x128xf32>
    %mul3A_746 = arith.mulf %mul3A_745, %slice3A_743 : vector<400x128xf32>
    %tanh3A_747 = math.tanh %mul3A_746 : vector<400x128xf32>
    %mul3A_748 = arith.constant 5.000000e-01 : f32
    %mul3A_749 = vector.broadcast %mul3A_748 : f32 to vector<400x128xf32>
    %mul3A_750 = arith.mulf %mul3A_749, %tanh3A_747 : vector<400x128xf32>
    %add3A_751 = arith.constant 5.000000e-01 : f32
    %add3A_752 = vector.broadcast %add3A_751 : f32 to vector<400x128xf32>
    %add3A_753 = arith.addf %add3A_752, %mul3A_750 : vector<400x128xf32>
    %slice3A_754 = vector.extract_strided_slice %add3A_742 {offsets = [0, 128], sizes = [400, 128], strides = [1, 1]} : vector<400x512xf32> to vector<400x128xf32>
    %mul3A_755 = arith.constant 5.000000e-01 : f32
    %mul3A_756 = vector.broadcast %mul3A_755 : f32 to vector<400x128xf32>
    %mul3A_757 = arith.mulf %mul3A_756, %slice3A_754 : vector<400x128xf32>
    %tanh3A_758 = math.tanh %mul3A_757 : vector<400x128xf32>
    %mul3A_759 = arith.constant 5.000000e-01 : f32
    %mul3A_760 = vector.broadcast %mul3A_759 : f32 to vector<400x128xf32>
    %mul3A_761 = arith.mulf %mul3A_760, %tanh3A_758 : vector<400x128xf32>
    %add3A_762 = arith.constant 5.000000e-01 : f32
    %add3A_763 = vector.broadcast %add3A_762 : f32 to vector<400x128xf32>
    %add3A_764 = arith.addf %add3A_763, %mul3A_761 : vector<400x128xf32>
    %slice3A_765 = vector.extract_strided_slice %add3A_742 {offsets = [0, 256], sizes = [400, 128], strides = [1, 1]} : vector<400x512xf32> to vector<400x128xf32>
    %tanh3A_766 = math.tanh %slice3A_765 : vector<400x128xf32>
    %slice3A_767 = vector.extract_strided_slice %add3A_742 {offsets = [0, 384], sizes = [400, 128], strides = [1, 1]} : vector<400x512xf32> to vector<400x128xf32>
    %mul3A_768 = arith.constant 5.000000e-01 : f32
    %mul3A_769 = vector.broadcast %mul3A_768 : f32 to vector<400x128xf32>
    %mul3A_770 = arith.mulf %mul3A_769, %slice3A_767 : vector<400x128xf32>
    %tanh3A_771 = math.tanh %mul3A_770 : vector<400x128xf32>
    %mul3A_772 = arith.constant 5.000000e-01 : f32
    %mul3A_773 = vector.broadcast %mul3A_772 : f32 to vector<400x128xf32>
    %mul3A_774 = arith.mulf %mul3A_773, %tanh3A_771 : vector<400x128xf32>
    %add3A_775 = arith.constant 5.000000e-01 : f32
    %add3A_776 = vector.broadcast %add3A_775 : f32 to vector<400x128xf32>
    %add3A_777 = arith.addf %add3A_776, %mul3A_774 : vector<400x128xf32>
    %mul3A_778 = arith.mulf %add3A_764, %add3A_728 : vector<400x128xf32>
    %mul3A_779 = arith.mulf %add3A_753, %tanh3A_766 : vector<400x128xf32>
    %add3A_780 = arith.addf %mul3A_778, %mul3A_779 : vector<400x128xf32>
    %tanh3A_781 = math.tanh %add3A_780 : vector<400x128xf32>
    %mul3A_782 = arith.mulf %add3A_777, %tanh3A_781 : vector<400x128xf32>
    %get3A_783 = arith.constant 15 : index
    %get3A_784 = arith.constant 0 : index
    %get3A_785 = arith.constant 0 : index
    %get3A_786 = vector.load %arg1[%get3A_783, %get3A_784, %get3A_785] : memref<32x400x128xf32, #tpu.memory_space<vmem>>, vector<1x400x128xf32>
    %get3A_787 = vector.shape_cast %get3A_786 : vector<1x400x128xf32> to vector<400x128xf32>
    %convert_element_type3A_788 = arith.truncf %get3A_787 : vector<400x128xf32> to vector<400x128xbf16>
    %convert_element_type3A_789 = arith.truncf %mul3A_782 : vector<400x128xf32> to vector<400x128xbf16>
    %concatenate3A_790 = tpu.concatenate %convert_element_type3A_788, %convert_element_type3A_789 in 1 : vector<400x128xbf16>, vector<400x128xbf16> -> vector<400x256xbf16>
    %dot_general3A_791 = arith.constant dense<0.000000e+00> : vector<400x512xf32>
    %dot_general3A_792 = tpu.matmul %concatenate3A_790, %get3A_4, %dot_general3A_791 {dimension_numbers = #tpu.dot_dimension_numbers<[1], [0], [0], [1], [0, 0, 1, 1], [], []>, transpose_lhs_hint = false} : vector<400x256xbf16>, vector<256x512xbf16>, vector<400x512xf32> -> vector<400x512xf32>
    %add3A_793 = vector.broadcast %get3A_7 : vector<1x512xf32> to vector<400x512xf32>
    %add3A_794 = arith.addf %dot_general3A_792, %add3A_793 : vector<400x512xf32>
    %slice3A_795 = vector.extract_strided_slice %add3A_794 {offsets = [0, 0], sizes = [400, 128], strides = [1, 1]} : vector<400x512xf32> to vector<400x128xf32>
    %mul3A_796 = arith.constant 5.000000e-01 : f32
    %mul3A_797 = vector.broadcast %mul3A_796 : f32 to vector<400x128xf32>
    %mul3A_798 = arith.mulf %mul3A_797, %slice3A_795 : vector<400x128xf32>
    %tanh3A_799 = math.tanh %mul3A_798 : vector<400x128xf32>
    %mul3A_800 = arith.constant 5.000000e-01 : f32
    %mul3A_801 = vector.broadcast %mul3A_800 : f32 to vector<400x128xf32>
    %mul3A_802 = arith.mulf %mul3A_801, %tanh3A_799 : vector<400x128xf32>
    %add3A_803 = arith.constant 5.000000e-01 : f32
    %add3A_804 = vector.broadcast %add3A_803 : f32 to vector<400x128xf32>
    %add3A_805 = arith.addf %add3A_804, %mul3A_802 : vector<400x128xf32>
    %slice3A_806 = vector.extract_strided_slice %add3A_794 {offsets = [0, 128], sizes = [400, 128], strides = [1, 1]} : vector<400x512xf32> to vector<400x128xf32>
    %mul3A_807 = arith.constant 5.000000e-01 : f32
    %mul3A_808 = vector.broadcast %mul3A_807 : f32 to vector<400x128xf32>
    %mul3A_809 = arith.mulf %mul3A_808, %slice3A_806 : vector<400x128xf32>
    %tanh3A_810 = math.tanh %mul3A_809 : vector<400x128xf32>
    %mul3A_811 = arith.constant 5.000000e-01 : f32
    %mul3A_812 = vector.broadcast %mul3A_811 : f32 to vector<400x128xf32>
    %mul3A_813 = arith.mulf %mul3A_812, %tanh3A_810 : vector<400x128xf32>
    %add3A_814 = arith.constant 5.000000e-01 : f32
    %add3A_815 = vector.broadcast %add3A_814 : f32 to vector<400x128xf32>
    %add3A_816 = arith.addf %add3A_815, %mul3A_813 : vector<400x128xf32>
    %slice3A_817 = vector.extract_strided_slice %add3A_794 {offsets = [0, 256], sizes = [400, 128], strides = [1, 1]} : vector<400x512xf32> to vector<400x128xf32>
    %tanh3A_818 = math.tanh %slice3A_817 : vector<400x128xf32>
    %slice3A_819 = vector.extract_strided_slice %add3A_794 {offsets = [0, 384], sizes = [400, 128], strides = [1, 1]} : vector<400x512xf32> to vector<400x128xf32>
    %mul3A_820 = arith.constant 5.000000e-01 : f32
    %mul3A_821 = vector.broadcast %mul3A_820 : f32 to vector<400x128xf32>
    %mul3A_822 = arith.mulf %mul3A_821, %slice3A_819 : vector<400x128xf32>
    %tanh3A_823 = math.tanh %mul3A_822 : vector<400x128xf32>
    %mul3A_824 = arith.constant 5.000000e-01 : f32
    %mul3A_825 = vector.broadcast %mul3A_824 : f32 to vector<400x128xf32>
    %mul3A_826 = arith.mulf %mul3A_825, %tanh3A_823 : vector<400x128xf32>
    %add3A_827 = arith.constant 5.000000e-01 : f32
    %add3A_828 = vector.broadcast %add3A_827 : f32 to vector<400x128xf32>
    %add3A_829 = arith.addf %add3A_828, %mul3A_826 : vector<400x128xf32>
    %mul3A_830 = arith.mulf %add3A_816, %add3A_780 : vector<400x128xf32>
    %mul3A_831 = arith.mulf %add3A_805, %tanh3A_818 : vector<400x128xf32>
    %add3A_832 = arith.addf %mul3A_830, %mul3A_831 : vector<400x128xf32>
    %tanh3A_833 = math.tanh %add3A_832 : vector<400x128xf32>
    %mul3A_834 = arith.mulf %add3A_829, %tanh3A_833 : vector<400x128xf32>
    %get3A_835 = arith.constant 16 : index
    %get3A_836 = arith.constant 0 : index
    %get3A_837 = arith.constant 0 : index
    %get3A_838 = vector.load %arg1[%get3A_835, %get3A_836, %get3A_837] : memref<32x400x128xf32, #tpu.memory_space<vmem>>, vector<1x400x128xf32>
    %get3A_839 = vector.shape_cast %get3A_838 : vector<1x400x128xf32> to vector<400x128xf32>
    %convert_element_type3A_840 = arith.truncf %get3A_839 : vector<400x128xf32> to vector<400x128xbf16>
    %convert_element_type3A_841 = arith.truncf %mul3A_834 : vector<400x128xf32> to vector<400x128xbf16>
    %concatenate3A_842 = tpu.concatenate %convert_element_type3A_840, %convert_element_type3A_841 in 1 : vector<400x128xbf16>, vector<400x128xbf16> -> vector<400x256xbf16>
    %dot_general3A_843 = arith.constant dense<0.000000e+00> : vector<400x512xf32>
    %dot_general3A_844 = tpu.matmul %concatenate3A_842, %get3A_4, %dot_general3A_843 {dimension_numbers = #tpu.dot_dimension_numbers<[1], [0], [0], [1], [0, 0, 1, 1], [], []>, transpose_lhs_hint = false} : vector<400x256xbf16>, vector<256x512xbf16>, vector<400x512xf32> -> vector<400x512xf32>
    %add3A_845 = vector.broadcast %get3A_7 : vector<1x512xf32> to vector<400x512xf32>
    %add3A_846 = arith.addf %dot_general3A_844, %add3A_845 : vector<400x512xf32>
    %slice3A_847 = vector.extract_strided_slice %add3A_846 {offsets = [0, 0], sizes = [400, 128], strides = [1, 1]} : vector<400x512xf32> to vector<400x128xf32>
    %mul3A_848 = arith.constant 5.000000e-01 : f32
    %mul3A_849 = vector.broadcast %mul3A_848 : f32 to vector<400x128xf32>
    %mul3A_850 = arith.mulf %mul3A_849, %slice3A_847 : vector<400x128xf32>
    %tanh3A_851 = math.tanh %mul3A_850 : vector<400x128xf32>
    %mul3A_852 = arith.constant 5.000000e-01 : f32
    %mul3A_853 = vector.broadcast %mul3A_852 : f32 to vector<400x128xf32>
    %mul3A_854 = arith.mulf %mul3A_853, %tanh3A_851 : vector<400x128xf32>
    %add3A_855 = arith.constant 5.000000e-01 : f32
    %add3A_856 = vector.broadcast %add3A_855 : f32 to vector<400x128xf32>
    %add3A_857 = arith.addf %add3A_856, %mul3A_854 : vector<400x128xf32>
    %slice3A_858 = vector.extract_strided_slice %add3A_846 {offsets = [0, 128], sizes = [400, 128], strides = [1, 1]} : vector<400x512xf32> to vector<400x128xf32>
    %mul3A_859 = arith.constant 5.000000e-01 : f32
    %mul3A_860 = vector.broadcast %mul3A_859 : f32 to vector<400x128xf32>
    %mul3A_861 = arith.mulf %mul3A_860, %slice3A_858 : vector<400x128xf32>
    %tanh3A_862 = math.tanh %mul3A_861 : vector<400x128xf32>
    %mul3A_863 = arith.constant 5.000000e-01 : f32
    %mul3A_864 = vector.broadcast %mul3A_863 : f32 to vector<400x128xf32>
    %mul3A_865 = arith.mulf %mul3A_864, %tanh3A_862 : vector<400x128xf32>
    %add3A_866 = arith.constant 5.000000e-01 : f32
    %add3A_867 = vector.broadcast %add3A_866 : f32 to vector<400x128xf32>
    %add3A_868 = arith.addf %add3A_867, %mul3A_865 : vector<400x128xf32>
    %slice3A_869 = vector.extract_strided_slice %add3A_846 {offsets = [0, 256], sizes = [400, 128], strides = [1, 1]} : vector<400x512xf32> to vector<400x128xf32>
    %tanh3A_870 = math.tanh %slice3A_869 : vector<400x128xf32>
    %slice3A_871 = vector.extract_strided_slice %add3A_846 {offsets = [0, 384], sizes = [400, 128], strides = [1, 1]} : vector<400x512xf32> to vector<400x128xf32>
    %mul3A_872 = arith.constant 5.000000e-01 : f32
    %mul3A_873 = vector.broadcast %mul3A_872 : f32 to vector<400x128xf32>
    %mul3A_874 = arith.mulf %mul3A_873, %slice3A_871 : vector<400x128xf32>
    %tanh3A_875 = math.tanh %mul3A_874 : vector<400x128xf32>
    %mul3A_876 = arith.constant 5.000000e-01 : f32
    %mul3A_877 = vector.broadcast %mul3A_876 : f32 to vector<400x128xf32>
    %mul3A_878 = arith.mulf %mul3A_877, %tanh3A_875 : vector<400x128xf32>
    %add3A_879 = arith.constant 5.000000e-01 : f32
    %add3A_880 = vector.broadcast %add3A_879 : f32 to vector<400x128xf32>
    %add3A_881 = arith.addf %add3A_880, %mul3A_878 : vector<400x128xf32>
    %mul3A_882 = arith.mulf %add3A_868, %add3A_832 : vector<400x128xf32>
    %mul3A_883 = arith.mulf %add3A_857, %tanh3A_870 : vector<400x128xf32>
    %add3A_884 = arith.addf %mul3A_882, %mul3A_883 : vector<400x128xf32>
    %tanh3A_885 = math.tanh %add3A_884 : vector<400x128xf32>
    %mul3A_886 = arith.mulf %add3A_881, %tanh3A_885 : vector<400x128xf32>
    %get3A_887 = arith.constant 17 : index
    %get3A_888 = arith.constant 0 : index
    %get3A_889 = arith.constant 0 : index
    %get3A_890 = vector.load %arg1[%get3A_887, %get3A_888, %get3A_889] : memref<32x400x128xf32, #tpu.memory_space<vmem>>, vector<1x400x128xf32>
    %get3A_891 = vector.shape_cast %get3A_890 : vector<1x400x128xf32> to vector<400x128xf32>
    %convert_element_type3A_892 = arith.truncf %get3A_891 : vector<400x128xf32> to vector<400x128xbf16>
    %convert_element_type3A_893 = arith.truncf %mul3A_886 : vector<400x128xf32> to vector<400x128xbf16>
    %concatenate3A_894 = tpu.concatenate %convert_element_type3A_892, %convert_element_type3A_893 in 1 : vector<400x128xbf16>, vector<400x128xbf16> -> vector<400x256xbf16>
    %dot_general3A_895 = arith.constant dense<0.000000e+00> : vector<400x512xf32>
    %dot_general3A_896 = tpu.matmul %concatenate3A_894, %get3A_4, %dot_general3A_895 {dimension_numbers = #tpu.dot_dimension_numbers<[1], [0], [0], [1], [0, 0, 1, 1], [], []>, transpose_lhs_hint = false} : vector<400x256xbf16>, vector<256x512xbf16>, vector<400x512xf32> -> vector<400x512xf32>
    %add3A_897 = vector.broadcast %get3A_7 : vector<1x512xf32> to vector<400x512xf32>
    %add3A_898 = arith.addf %dot_general3A_896, %add3A_897 : vector<400x512xf32>
    %slice3A_899 = vector.extract_strided_slice %add3A_898 {offsets = [0, 0], sizes = [400, 128], strides = [1, 1]} : vector<400x512xf32> to vector<400x128xf32>
    %mul3A_900 = arith.constant 5.000000e-01 : f32
    %mul3A_901 = vector.broadcast %mul3A_900 : f32 to vector<400x128xf32>
    %mul3A_902 = arith.mulf %mul3A_901, %slice3A_899 : vector<400x128xf32>
    %tanh3A_903 = math.tanh %mul3A_902 : vector<400x128xf32>
    %mul3A_904 = arith.constant 5.000000e-01 : f32
    %mul3A_905 = vector.broadcast %mul3A_904 : f32 to vector<400x128xf32>
    %mul3A_906 = arith.mulf %mul3A_905, %tanh3A_903 : vector<400x128xf32>
    %add3A_907 = arith.constant 5.000000e-01 : f32
    %add3A_908 = vector.broadcast %add3A_907 : f32 to vector<400x128xf32>
    %add3A_909 = arith.addf %add3A_908, %mul3A_906 : vector<400x128xf32>
    %slice3A_910 = vector.extract_strided_slice %add3A_898 {offsets = [0, 128], sizes = [400, 128], strides = [1, 1]} : vector<400x512xf32> to vector<400x128xf32>
    %mul3A_911 = arith.constant 5.000000e-01 : f32
    %mul3A_912 = vector.broadcast %mul3A_911 : f32 to vector<400x128xf32>
    %mul3A_913 = arith.mulf %mul3A_912, %slice3A_910 : vector<400x128xf32>
    %tanh3A_914 = math.tanh %mul3A_913 : vector<400x128xf32>
    %mul3A_915 = arith.constant 5.000000e-01 : f32
    %mul3A_916 = vector.broadcast %mul3A_915 : f32 to vector<400x128xf32>
    %mul3A_917 = arith.mulf %mul3A_916, %tanh3A_914 : vector<400x128xf32>
    %add3A_918 = arith.constant 5.000000e-01 : f32
    %add3A_919 = vector.broadcast %add3A_918 : f32 to vector<400x128xf32>
    %add3A_920 = arith.addf %add3A_919, %mul3A_917 : vector<400x128xf32>
    %slice3A_921 = vector.extract_strided_slice %add3A_898 {offsets = [0, 256], sizes = [400, 128], strides = [1, 1]} : vector<400x512xf32> to vector<400x128xf32>
    %tanh3A_922 = math.tanh %slice3A_921 : vector<400x128xf32>
    %slice3A_923 = vector.extract_strided_slice %add3A_898 {offsets = [0, 384], sizes = [400, 128], strides = [1, 1]} : vector<400x512xf32> to vector<400x128xf32>
    %mul3A_924 = arith.constant 5.000000e-01 : f32
    %mul3A_925 = vector.broadcast %mul3A_924 : f32 to vector<400x128xf32>
    %mul3A_926 = arith.mulf %mul3A_925, %slice3A_923 : vector<400x128xf32>
    %tanh3A_927 = math.tanh %mul3A_926 : vector<400x128xf32>
    %mul3A_928 = arith.constant 5.000000e-01 : f32
    %mul3A_929 = vector.broadcast %mul3A_928 : f32 to vector<400x128xf32>
    %mul3A_930 = arith.mulf %mul3A_929, %tanh3A_927 : vector<400x128xf32>
    %add3A_931 = arith.constant 5.000000e-01 : f32
    %add3A_932 = vector.broadcast %add3A_931 : f32 to vector<400x128xf32>
    %add3A_933 = arith.addf %add3A_932, %mul3A_930 : vector<400x128xf32>
    %mul3A_934 = arith.mulf %add3A_920, %add3A_884 : vector<400x128xf32>
    %mul3A_935 = arith.mulf %add3A_909, %tanh3A_922 : vector<400x128xf32>
    %add3A_936 = arith.addf %mul3A_934, %mul3A_935 : vector<400x128xf32>
    %tanh3A_937 = math.tanh %add3A_936 : vector<400x128xf32>
    %mul3A_938 = arith.mulf %add3A_933, %tanh3A_937 : vector<400x128xf32>
    %get3A_939 = arith.constant 18 : index
    %get3A_940 = arith.constant 0 : index
    %get3A_941 = arith.constant 0 : index
    %get3A_942 = vector.load %arg1[%get3A_939, %get3A_940, %get3A_941] : memref<32x400x128xf32, #tpu.memory_space<vmem>>, vector<1x400x128xf32>
    %get3A_943 = vector.shape_cast %get3A_942 : vector<1x400x128xf32> to vector<400x128xf32>
    %convert_element_type3A_944 = arith.truncf %get3A_943 : vector<400x128xf32> to vector<400x128xbf16>
    %convert_element_type3A_945 = arith.truncf %mul3A_938 : vector<400x128xf32> to vector<400x128xbf16>
    %concatenate3A_946 = tpu.concatenate %convert_element_type3A_944, %convert_element_type3A_945 in 1 : vector<400x128xbf16>, vector<400x128xbf16> -> vector<400x256xbf16>
    %dot_general3A_947 = arith.constant dense<0.000000e+00> : vector<400x512xf32>
    %dot_general3A_948 = tpu.matmul %concatenate3A_946, %get3A_4, %dot_general3A_947 {dimension_numbers = #tpu.dot_dimension_numbers<[1], [0], [0], [1], [0, 0, 1, 1], [], []>, transpose_lhs_hint = false} : vector<400x256xbf16>, vector<256x512xbf16>, vector<400x512xf32> -> vector<400x512xf32>
    %add3A_949 = vector.broadcast %get3A_7 : vector<1x512xf32> to vector<400x512xf32>
    %add3A_950 = arith.addf %dot_general3A_948, %add3A_949 : vector<400x512xf32>
    %slice3A_951 = vector.extract_strided_slice %add3A_950 {offsets = [0, 0], sizes = [400, 128], strides = [1, 1]} : vector<400x512xf32> to vector<400x128xf32>
    %mul3A_952 = arith.constant 5.000000e-01 : f32
    %mul3A_953 = vector.broadcast %mul3A_952 : f32 to vector<400x128xf32>
    %mul3A_954 = arith.mulf %mul3A_953, %slice3A_951 : vector<400x128xf32>
    %tanh3A_955 = math.tanh %mul3A_954 : vector<400x128xf32>
    %mul3A_956 = arith.constant 5.000000e-01 : f32
    %mul3A_957 = vector.broadcast %mul3A_956 : f32 to vector<400x128xf32>
    %mul3A_958 = arith.mulf %mul3A_957, %tanh3A_955 : vector<400x128xf32>
    %add3A_959 = arith.constant 5.000000e-01 : f32
    %add3A_960 = vector.broadcast %add3A_959 : f32 to vector<400x128xf32>
    %add3A_961 = arith.addf %add3A_960, %mul3A_958 : vector<400x128xf32>
    %slice3A_962 = vector.extract_strided_slice %add3A_950 {offsets = [0, 128], sizes = [400, 128], strides = [1, 1]} : vector<400x512xf32> to vector<400x128xf32>
    %mul3A_963 = arith.constant 5.000000e-01 : f32
    %mul3A_964 = vector.broadcast %mul3A_963 : f32 to vector<400x128xf32>
    %mul3A_965 = arith.mulf %mul3A_964, %slice3A_962 : vector<400x128xf32>
    %tanh3A_966 = math.tanh %mul3A_965 : vector<400x128xf32>
    %mul3A_967 = arith.constant 5.000000e-01 : f32
    %mul3A_968 = vector.broadcast %mul3A_967 : f32 to vector<400x128xf32>
    %mul3A_969 = arith.mulf %mul3A_968, %tanh3A_966 : vector<400x128xf32>
    %add3A_970 = arith.constant 5.000000e-01 : f32
    %add3A_971 = vector.broadcast %add3A_970 : f32 to vector<400x128xf32>
    %add3A_972 = arith.addf %add3A_971, %mul3A_969 : vector<400x128xf32>
    %slice3A_973 = vector.extract_strided_slice %add3A_950 {offsets = [0, 256], sizes = [400, 128], strides = [1, 1]} : vector<400x512xf32> to vector<400x128xf32>
    %tanh3A_974 = math.tanh %slice3A_973 : vector<400x128xf32>
    %slice3A_975 = vector.extract_strided_slice %add3A_950 {offsets = [0, 384], sizes = [400, 128], strides = [1, 1]} : vector<400x512xf32> to vector<400x128xf32>
    %mul3A_976 = arith.constant 5.000000e-01 : f32
    %mul3A_977 = vector.broadcast %mul3A_976 : f32 to vector<400x128xf32>
    %mul3A_978 = arith.mulf %mul3A_977, %slice3A_975 : vector<400x128xf32>
    %tanh3A_979 = math.tanh %mul3A_978 : vector<400x128xf32>
    %mul3A_980 = arith.constant 5.000000e-01 : f32
    %mul3A_981 = vector.broadcast %mul3A_980 : f32 to vector<400x128xf32>
    %mul3A_982 = arith.mulf %mul3A_981, %tanh3A_979 : vector<400x128xf32>
    %add3A_983 = arith.constant 5.000000e-01 : f32
    %add3A_984 = vector.broadcast %add3A_983 : f32 to vector<400x128xf32>
    %add3A_985 = arith.addf %add3A_984, %mul3A_982 : vector<400x128xf32>
    %mul3A_986 = arith.mulf %add3A_972, %add3A_936 : vector<400x128xf32>
    %mul3A_987 = arith.mulf %add3A_961, %tanh3A_974 : vector<400x128xf32>
    %add3A_988 = arith.addf %mul3A_986, %mul3A_987 : vector<400x128xf32>
    %tanh3A_989 = math.tanh %add3A_988 : vector<400x128xf32>
    %mul3A_990 = arith.mulf %add3A_985, %tanh3A_989 : vector<400x128xf32>
    %get3A_991 = arith.constant 19 : index
    %get3A_992 = arith.constant 0 : index
    %get3A_993 = arith.constant 0 : index
    %get3A_994 = vector.load %arg1[%get3A_991, %get3A_992, %get3A_993] : memref<32x400x128xf32, #tpu.memory_space<vmem>>, vector<1x400x128xf32>
    %get3A_995 = vector.shape_cast %get3A_994 : vector<1x400x128xf32> to vector<400x128xf32>
    %convert_element_type3A_996 = arith.truncf %get3A_995 : vector<400x128xf32> to vector<400x128xbf16>
    %convert_element_type3A_997 = arith.truncf %mul3A_990 : vector<400x128xf32> to vector<400x128xbf16>
    %concatenate3A_998 = tpu.concatenate %convert_element_type3A_996, %convert_element_type3A_997 in 1 : vector<400x128xbf16>, vector<400x128xbf16> -> vector<400x256xbf16>
    %dot_general3A_999 = arith.constant dense<0.000000e+00> : vector<400x512xf32>
    %dot_general3A_1000 = tpu.matmul %concatenate3A_998, %get3A_4, %dot_general3A_999 {dimension_numbers = #tpu.dot_dimension_numbers<[1], [0], [0], [1], [0, 0, 1, 1], [], []>, transpose_lhs_hint = false} : vector<400x256xbf16>, vector<256x512xbf16>, vector<400x512xf32> -> vector<400x512xf32>
    %add3A_1001 = vector.broadcast %get3A_7 : vector<1x512xf32> to vector<400x512xf32>
    %add3A_1002 = arith.addf %dot_general3A_1000, %add3A_1001 : vector<400x512xf32>
    %slice3A_1003 = vector.extract_strided_slice %add3A_1002 {offsets = [0, 0], sizes = [400, 128], strides = [1, 1]} : vector<400x512xf32> to vector<400x128xf32>
    %mul3A_1004 = arith.constant 5.000000e-01 : f32
    %mul3A_1005 = vector.broadcast %mul3A_1004 : f32 to vector<400x128xf32>
    %mul3A_1006 = arith.mulf %mul3A_1005, %slice3A_1003 : vector<400x128xf32>
    %tanh3A_1007 = math.tanh %mul3A_1006 : vector<400x128xf32>
    %mul3A_1008 = arith.constant 5.000000e-01 : f32
    %mul3A_1009 = vector.broadcast %mul3A_1008 : f32 to vector<400x128xf32>
    %mul3A_1010 = arith.mulf %mul3A_1009, %tanh3A_1007 : vector<400x128xf32>
    %add3A_1011 = arith.constant 5.000000e-01 : f32
    %add3A_1012 = vector.broadcast %add3A_1011 : f32 to vector<400x128xf32>
    %add3A_1013 = arith.addf %add3A_1012, %mul3A_1010 : vector<400x128xf32>
    %slice3A_1014 = vector.extract_strided_slice %add3A_1002 {offsets = [0, 128], sizes = [400, 128], strides = [1, 1]} : vector<400x512xf32> to vector<400x128xf32>
    %mul3A_1015 = arith.constant 5.000000e-01 : f32
    %mul3A_1016 = vector.broadcast %mul3A_1015 : f32 to vector<400x128xf32>
    %mul3A_1017 = arith.mulf %mul3A_1016, %slice3A_1014 : vector<400x128xf32>
    %tanh3A_1018 = math.tanh %mul3A_1017 : vector<400x128xf32>
    %mul3A_1019 = arith.constant 5.000000e-01 : f32
    %mul3A_1020 = vector.broadcast %mul3A_1019 : f32 to vector<400x128xf32>
    %mul3A_1021 = arith.mulf %mul3A_1020, %tanh3A_1018 : vector<400x128xf32>
    %add3A_1022 = arith.constant 5.000000e-01 : f32
    %add3A_1023 = vector.broadcast %add3A_1022 : f32 to vector<400x128xf32>
    %add3A_1024 = arith.addf %add3A_1023, %mul3A_1021 : vector<400x128xf32>
    %slice3A_1025 = vector.extract_strided_slice %add3A_1002 {offsets = [0, 256], sizes = [400, 128], strides = [1, 1]} : vector<400x512xf32> to vector<400x128xf32>
    %tanh3A_1026 = math.tanh %slice3A_1025 : vector<400x128xf32>
    %slice3A_1027 = vector.extract_strided_slice %add3A_1002 {offsets = [0, 384], sizes = [400, 128], strides = [1, 1]} : vector<400x512xf32> to vector<400x128xf32>
    %mul3A_1028 = arith.constant 5.000000e-01 : f32
    %mul3A_1029 = vector.broadcast %mul3A_1028 : f32 to vector<400x128xf32>
    %mul3A_1030 = arith.mulf %mul3A_1029, %slice3A_1027 : vector<400x128xf32>
    %tanh3A_1031 = math.tanh %mul3A_1030 : vector<400x128xf32>
    %mul3A_1032 = arith.constant 5.000000e-01 : f32
    %mul3A_1033 = vector.broadcast %mul3A_1032 : f32 to vector<400x128xf32>
    %mul3A_1034 = arith.mulf %mul3A_1033, %tanh3A_1031 : vector<400x128xf32>
    %add3A_1035 = arith.constant 5.000000e-01 : f32
    %add3A_1036 = vector.broadcast %add3A_1035 : f32 to vector<400x128xf32>
    %add3A_1037 = arith.addf %add3A_1036, %mul3A_1034 : vector<400x128xf32>
    %mul3A_1038 = arith.mulf %add3A_1024, %add3A_988 : vector<400x128xf32>
    %mul3A_1039 = arith.mulf %add3A_1013, %tanh3A_1026 : vector<400x128xf32>
    %add3A_1040 = arith.addf %mul3A_1038, %mul3A_1039 : vector<400x128xf32>
    %tanh3A_1041 = math.tanh %add3A_1040 : vector<400x128xf32>
    %mul3A_1042 = arith.mulf %add3A_1037, %tanh3A_1041 : vector<400x128xf32>
    %get3A_1043 = arith.constant 20 : index
    %get3A_1044 = arith.constant 0 : index
    %get3A_1045 = arith.constant 0 : index
    %get3A_1046 = vector.load %arg1[%get3A_1043, %get3A_1044, %get3A_1045] : memref<32x400x128xf32, #tpu.memory_space<vmem>>, vector<1x400x128xf32>
    %get3A_1047 = vector.shape_cast %get3A_1046 : vector<1x400x128xf32> to vector<400x128xf32>
    %convert_element_type3A_1048 = arith.truncf %get3A_1047 : vector<400x128xf32> to vector<400x128xbf16>
    %convert_element_type3A_1049 = arith.truncf %mul3A_1042 : vector<400x128xf32> to vector<400x128xbf16>
    %concatenate3A_1050 = tpu.concatenate %convert_element_type3A_1048, %convert_element_type3A_1049 in 1 : vector<400x128xbf16>, vector<400x128xbf16> -> vector<400x256xbf16>
    %dot_general3A_1051 = arith.constant dense<0.000000e+00> : vector<400x512xf32>
    %dot_general3A_1052 = tpu.matmul %concatenate3A_1050, %get3A_4, %dot_general3A_1051 {dimension_numbers = #tpu.dot_dimension_numbers<[1], [0], [0], [1], [0, 0, 1, 1], [], []>, transpose_lhs_hint = false} : vector<400x256xbf16>, vector<256x512xbf16>, vector<400x512xf32> -> vector<400x512xf32>
    %add3A_1053 = vector.broadcast %get3A_7 : vector<1x512xf32> to vector<400x512xf32>
    %add3A_1054 = arith.addf %dot_general3A_1052, %add3A_1053 : vector<400x512xf32>
    %slice3A_1055 = vector.extract_strided_slice %add3A_1054 {offsets = [0, 0], sizes = [400, 128], strides = [1, 1]} : vector<400x512xf32> to vector<400x128xf32>
    %mul3A_1056 = arith.constant 5.000000e-01 : f32
    %mul3A_1057 = vector.broadcast %mul3A_1056 : f32 to vector<400x128xf32>
    %mul3A_1058 = arith.mulf %mul3A_1057, %slice3A_1055 : vector<400x128xf32>
    %tanh3A_1059 = math.tanh %mul3A_1058 : vector<400x128xf32>
    %mul3A_1060 = arith.constant 5.000000e-01 : f32
    %mul3A_1061 = vector.broadcast %mul3A_1060 : f32 to vector<400x128xf32>
    %mul3A_1062 = arith.mulf %mul3A_1061, %tanh3A_1059 : vector<400x128xf32>
    %add3A_1063 = arith.constant 5.000000e-01 : f32
    %add3A_1064 = vector.broadcast %add3A_1063 : f32 to vector<400x128xf32>
    %add3A_1065 = arith.addf %add3A_1064, %mul3A_1062 : vector<400x128xf32>
    %slice3A_1066 = vector.extract_strided_slice %add3A_1054 {offsets = [0, 128], sizes = [400, 128], strides = [1, 1]} : vector<400x512xf32> to vector<400x128xf32>
    %mul3A_1067 = arith.constant 5.000000e-01 : f32
    %mul3A_1068 = vector.broadcast %mul3A_1067 : f32 to vector<400x128xf32>
    %mul3A_1069 = arith.mulf %mul3A_1068, %slice3A_1066 : vector<400x128xf32>
    %tanh3A_1070 = math.tanh %mul3A_1069 : vector<400x128xf32>
    %mul3A_1071 = arith.constant 5.000000e-01 : f32
    %mul3A_1072 = vector.broadcast %mul3A_1071 : f32 to vector<400x128xf32>
    %mul3A_1073 = arith.mulf %mul3A_1072, %tanh3A_1070 : vector<400x128xf32>
    %add3A_1074 = arith.constant 5.000000e-01 : f32
    %add3A_1075 = vector.broadcast %add3A_1074 : f32 to vector<400x128xf32>
    %add3A_1076 = arith.addf %add3A_1075, %mul3A_1073 : vector<400x128xf32>
    %slice3A_1077 = vector.extract_strided_slice %add3A_1054 {offsets = [0, 256], sizes = [400, 128], strides = [1, 1]} : vector<400x512xf32> to vector<400x128xf32>
    %tanh3A_1078 = math.tanh %slice3A_1077 : vector<400x128xf32>
    %slice3A_1079 = vector.extract_strided_slice %add3A_1054 {offsets = [0, 384], sizes = [400, 128], strides = [1, 1]} : vector<400x512xf32> to vector<400x128xf32>
    %mul3A_1080 = arith.constant 5.000000e-01 : f32
    %mul3A_1081 = vector.broadcast %mul3A_1080 : f32 to vector<400x128xf32>
    %mul3A_1082 = arith.mulf %mul3A_1081, %slice3A_1079 : vector<400x128xf32>
    %tanh3A_1083 = math.tanh %mul3A_1082 : vector<400x128xf32>
    %mul3A_1084 = arith.constant 5.000000e-01 : f32
    %mul3A_1085 = vector.broadcast %mul3A_1084 : f32 to vector<400x128xf32>
    %mul3A_1086 = arith.mulf %mul3A_1085, %tanh3A_1083 : vector<400x128xf32>
    %add3A_1087 = arith.constant 5.000000e-01 : f32
    %add3A_1088 = vector.broadcast %add3A_1087 : f32 to vector<400x128xf32>
    %add3A_1089 = arith.addf %add3A_1088, %mul3A_1086 : vector<400x128xf32>
    %mul3A_1090 = arith.mulf %add3A_1076, %add3A_1040 : vector<400x128xf32>
    %mul3A_1091 = arith.mulf %add3A_1065, %tanh3A_1078 : vector<400x128xf32>
    %add3A_1092 = arith.addf %mul3A_1090, %mul3A_1091 : vector<400x128xf32>
    %tanh3A_1093 = math.tanh %add3A_1092 : vector<400x128xf32>
    %mul3A_1094 = arith.mulf %add3A_1089, %tanh3A_1093 : vector<400x128xf32>
    %get3A_1095 = arith.constant 21 : index
    %get3A_1096 = arith.constant 0 : index
    %get3A_1097 = arith.constant 0 : index
    %get3A_1098 = vector.load %arg1[%get3A_1095, %get3A_1096, %get3A_1097] : memref<32x400x128xf32, #tpu.memory_space<vmem>>, vector<1x400x128xf32>
    %get3A_1099 = vector.shape_cast %get3A_1098 : vector<1x400x128xf32> to vector<400x128xf32>
    %convert_element_type3A_1100 = arith.truncf %get3A_1099 : vector<400x128xf32> to vector<400x128xbf16>
    %convert_element_type3A_1101 = arith.truncf %mul3A_1094 : vector<400x128xf32> to vector<400x128xbf16>
    %concatenate3A_1102 = tpu.concatenate %convert_element_type3A_1100, %convert_element_type3A_1101 in 1 : vector<400x128xbf16>, vector<400x128xbf16> -> vector<400x256xbf16>
    %dot_general3A_1103 = arith.constant dense<0.000000e+00> : vector<400x512xf32>
    %dot_general3A_1104 = tpu.matmul %concatenate3A_1102, %get3A_4, %dot_general3A_1103 {dimension_numbers = #tpu.dot_dimension_numbers<[1], [0], [0], [1], [0, 0, 1, 1], [], []>, transpose_lhs_hint = false} : vector<400x256xbf16>, vector<256x512xbf16>, vector<400x512xf32> -> vector<400x512xf32>
    %add3A_1105 = vector.broadcast %get3A_7 : vector<1x512xf32> to vector<400x512xf32>
    %add3A_1106 = arith.addf %dot_general3A_1104, %add3A_1105 : vector<400x512xf32>
    %slice3A_1107 = vector.extract_strided_slice %add3A_1106 {offsets = [0, 0], sizes = [400, 128], strides = [1, 1]} : vector<400x512xf32> to vector<400x128xf32>
    %mul3A_1108 = arith.constant 5.000000e-01 : f32
    %mul3A_1109 = vector.broadcast %mul3A_1108 : f32 to vector<400x128xf32>
    %mul3A_1110 = arith.mulf %mul3A_1109, %slice3A_1107 : vector<400x128xf32>
    %tanh3A_1111 = math.tanh %mul3A_1110 : vector<400x128xf32>
    %mul3A_1112 = arith.constant 5.000000e-01 : f32
    %mul3A_1113 = vector.broadcast %mul3A_1112 : f32 to vector<400x128xf32>
    %mul3A_1114 = arith.mulf %mul3A_1113, %tanh3A_1111 : vector<400x128xf32>
    %add3A_1115 = arith.constant 5.000000e-01 : f32
    %add3A_1116 = vector.broadcast %add3A_1115 : f32 to vector<400x128xf32>
    %add3A_1117 = arith.addf %add3A_1116, %mul3A_1114 : vector<400x128xf32>
    %slice3A_1118 = vector.extract_strided_slice %add3A_1106 {offsets = [0, 128], sizes = [400, 128], strides = [1, 1]} : vector<400x512xf32> to vector<400x128xf32>
    %mul3A_1119 = arith.constant 5.000000e-01 : f32
    %mul3A_1120 = vector.broadcast %mul3A_1119 : f32 to vector<400x128xf32>
    %mul3A_1121 = arith.mulf %mul3A_1120, %slice3A_1118 : vector<400x128xf32>
    %tanh3A_1122 = math.tanh %mul3A_1121 : vector<400x128xf32>
    %mul3A_1123 = arith.constant 5.000000e-01 : f32
    %mul3A_1124 = vector.broadcast %mul3A_1123 : f32 to vector<400x128xf32>
    %mul3A_1125 = arith.mulf %mul3A_1124, %tanh3A_1122 : vector<400x128xf32>
    %add3A_1126 = arith.constant 5.000000e-01 : f32
    %add3A_1127 = vector.broadcast %add3A_1126 : f32 to vector<400x128xf32>
    %add3A_1128 = arith.addf %add3A_1127, %mul3A_1125 : vector<400x128xf32>
    %slice3A_1129 = vector.extract_strided_slice %add3A_1106 {offsets = [0, 256], sizes = [400, 128], strides = [1, 1]} : vector<400x512xf32> to vector<400x128xf32>
    %tanh3A_1130 = math.tanh %slice3A_1129 : vector<400x128xf32>
    %slice3A_1131 = vector.extract_strided_slice %add3A_1106 {offsets = [0, 384], sizes = [400, 128], strides = [1, 1]} : vector<400x512xf32> to vector<400x128xf32>
    %mul3A_1132 = arith.constant 5.000000e-01 : f32
    %mul3A_1133 = vector.broadcast %mul3A_1132 : f32 to vector<400x128xf32>
    %mul3A_1134 = arith.mulf %mul3A_1133, %slice3A_1131 : vector<400x128xf32>
    %tanh3A_1135 = math.tanh %mul3A_1134 : vector<400x128xf32>
    %mul3A_1136 = arith.constant 5.000000e-01 : f32
    %mul3A_1137 = vector.broadcast %mul3A_1136 : f32 to vector<400x128xf32>
    %mul3A_1138 = arith.mulf %mul3A_1137, %tanh3A_1135 : vector<400x128xf32>
    %add3A_1139 = arith.constant 5.000000e-01 : f32
    %add3A_1140 = vector.broadcast %add3A_1139 : f32 to vector<400x128xf32>
    %add3A_1141 = arith.addf %add3A_1140, %mul3A_1138 : vector<400x128xf32>
    %mul3A_1142 = arith.mulf %add3A_1128, %add3A_1092 : vector<400x128xf32>
    %mul3A_1143 = arith.mulf %add3A_1117, %tanh3A_1130 : vector<400x128xf32>
    %add3A_1144 = arith.addf %mul3A_1142, %mul3A_1143 : vector<400x128xf32>
    %tanh3A_1145 = math.tanh %add3A_1144 : vector<400x128xf32>
    %mul3A_1146 = arith.mulf %add3A_1141, %tanh3A_1145 : vector<400x128xf32>
    %get3A_1147 = arith.constant 22 : index
    %get3A_1148 = arith.constant 0 : index
    %get3A_1149 = arith.constant 0 : index
    %get3A_1150 = vector.load %arg1[%get3A_1147, %get3A_1148, %get3A_1149] : memref<32x400x128xf32, #tpu.memory_space<vmem>>, vector<1x400x128xf32>
    %get3A_1151 = vector.shape_cast %get3A_1150 : vector<1x400x128xf32> to vector<400x128xf32>
    %convert_element_type3A_1152 = arith.truncf %get3A_1151 : vector<400x128xf32> to vector<400x128xbf16>
    %convert_element_type3A_1153 = arith.truncf %mul3A_1146 : vector<400x128xf32> to vector<400x128xbf16>
    %concatenate3A_1154 = tpu.concatenate %convert_element_type3A_1152, %convert_element_type3A_1153 in 1 : vector<400x128xbf16>, vector<400x128xbf16> -> vector<400x256xbf16>
    %dot_general3A_1155 = arith.constant dense<0.000000e+00> : vector<400x512xf32>
    %dot_general3A_1156 = tpu.matmul %concatenate3A_1154, %get3A_4, %dot_general3A_1155 {dimension_numbers = #tpu.dot_dimension_numbers<[1], [0], [0], [1], [0, 0, 1, 1], [], []>, transpose_lhs_hint = false} : vector<400x256xbf16>, vector<256x512xbf16>, vector<400x512xf32> -> vector<400x512xf32>
    %add3A_1157 = vector.broadcast %get3A_7 : vector<1x512xf32> to vector<400x512xf32>
    %add3A_1158 = arith.addf %dot_general3A_1156, %add3A_1157 : vector<400x512xf32>
    %slice3A_1159 = vector.extract_strided_slice %add3A_1158 {offsets = [0, 0], sizes = [400, 128], strides = [1, 1]} : vector<400x512xf32> to vector<400x128xf32>
    %mul3A_1160 = arith.constant 5.000000e-01 : f32
    %mul3A_1161 = vector.broadcast %mul3A_1160 : f32 to vector<400x128xf32>
    %mul3A_1162 = arith.mulf %mul3A_1161, %slice3A_1159 : vector<400x128xf32>
    %tanh3A_1163 = math.tanh %mul3A_1162 : vector<400x128xf32>
    %mul3A_1164 = arith.constant 5.000000e-01 : f32
    %mul3A_1165 = vector.broadcast %mul3A_1164 : f32 to vector<400x128xf32>
    %mul3A_1166 = arith.mulf %mul3A_1165, %tanh3A_1163 : vector<400x128xf32>
    %add3A_1167 = arith.constant 5.000000e-01 : f32
    %add3A_1168 = vector.broadcast %add3A_1167 : f32 to vector<400x128xf32>
    %add3A_1169 = arith.addf %add3A_1168, %mul3A_1166 : vector<400x128xf32>
    %slice3A_1170 = vector.extract_strided_slice %add3A_1158 {offsets = [0, 128], sizes = [400, 128], strides = [1, 1]} : vector<400x512xf32> to vector<400x128xf32>
    %mul3A_1171 = arith.constant 5.000000e-01 : f32
    %mul3A_1172 = vector.broadcast %mul3A_1171 : f32 to vector<400x128xf32>
    %mul3A_1173 = arith.mulf %mul3A_1172, %slice3A_1170 : vector<400x128xf32>
    %tanh3A_1174 = math.tanh %mul3A_1173 : vector<400x128xf32>
    %mul3A_1175 = arith.constant 5.000000e-01 : f32
    %mul3A_1176 = vector.broadcast %mul3A_1175 : f32 to vector<400x128xf32>
    %mul3A_1177 = arith.mulf %mul3A_1176, %tanh3A_1174 : vector<400x128xf32>
    %add3A_1178 = arith.constant 5.000000e-01 : f32
    %add3A_1179 = vector.broadcast %add3A_1178 : f32 to vector<400x128xf32>
    %add3A_1180 = arith.addf %add3A_1179, %mul3A_1177 : vector<400x128xf32>
    %slice3A_1181 = vector.extract_strided_slice %add3A_1158 {offsets = [0, 256], sizes = [400, 128], strides = [1, 1]} : vector<400x512xf32> to vector<400x128xf32>
    %tanh3A_1182 = math.tanh %slice3A_1181 : vector<400x128xf32>
    %slice3A_1183 = vector.extract_strided_slice %add3A_1158 {offsets = [0, 384], sizes = [400, 128], strides = [1, 1]} : vector<400x512xf32> to vector<400x128xf32>
    %mul3A_1184 = arith.constant 5.000000e-01 : f32
    %mul3A_1185 = vector.broadcast %mul3A_1184 : f32 to vector<400x128xf32>
    %mul3A_1186 = arith.mulf %mul3A_1185, %slice3A_1183 : vector<400x128xf32>
    %tanh3A_1187 = math.tanh %mul3A_1186 : vector<400x128xf32>
    %mul3A_1188 = arith.constant 5.000000e-01 : f32
    %mul3A_1189 = vector.broadcast %mul3A_1188 : f32 to vector<400x128xf32>
    %mul3A_1190 = arith.mulf %mul3A_1189, %tanh3A_1187 : vector<400x128xf32>
    %add3A_1191 = arith.constant 5.000000e-01 : f32
    %add3A_1192 = vector.broadcast %add3A_1191 : f32 to vector<400x128xf32>
    %add3A_1193 = arith.addf %add3A_1192, %mul3A_1190 : vector<400x128xf32>
    %mul3A_1194 = arith.mulf %add3A_1180, %add3A_1144 : vector<400x128xf32>
    %mul3A_1195 = arith.mulf %add3A_1169, %tanh3A_1182 : vector<400x128xf32>
    %add3A_1196 = arith.addf %mul3A_1194, %mul3A_1195 : vector<400x128xf32>
    %tanh3A_1197 = math.tanh %add3A_1196 : vector<400x128xf32>
    %mul3A_1198 = arith.mulf %add3A_1193, %tanh3A_1197 : vector<400x128xf32>
    %get3A_1199 = arith.constant 23 : index
    %get3A_1200 = arith.constant 0 : index
    %get3A_1201 = arith.constant 0 : index
    %get3A_1202 = vector.load %arg1[%get3A_1199, %get3A_1200, %get3A_1201] : memref<32x400x128xf32, #tpu.memory_space<vmem>>, vector<1x400x128xf32>
    %get3A_1203 = vector.shape_cast %get3A_1202 : vector<1x400x128xf32> to vector<400x128xf32>
    %convert_element_type3A_1204 = arith.truncf %get3A_1203 : vector<400x128xf32> to vector<400x128xbf16>
    %convert_element_type3A_1205 = arith.truncf %mul3A_1198 : vector<400x128xf32> to vector<400x128xbf16>
    %concatenate3A_1206 = tpu.concatenate %convert_element_type3A_1204, %convert_element_type3A_1205 in 1 : vector<400x128xbf16>, vector<400x128xbf16> -> vector<400x256xbf16>
    %dot_general3A_1207 = arith.constant dense<0.000000e+00> : vector<400x512xf32>
    %dot_general3A_1208 = tpu.matmul %concatenate3A_1206, %get3A_4, %dot_general3A_1207 {dimension_numbers = #tpu.dot_dimension_numbers<[1], [0], [0], [1], [0, 0, 1, 1], [], []>, transpose_lhs_hint = false} : vector<400x256xbf16>, vector<256x512xbf16>, vector<400x512xf32> -> vector<400x512xf32>
    %add3A_1209 = vector.broadcast %get3A_7 : vector<1x512xf32> to vector<400x512xf32>
    %add3A_1210 = arith.addf %dot_general3A_1208, %add3A_1209 : vector<400x512xf32>
    %slice3A_1211 = vector.extract_strided_slice %add3A_1210 {offsets = [0, 0], sizes = [400, 128], strides = [1, 1]} : vector<400x512xf32> to vector<400x128xf32>
    %mul3A_1212 = arith.constant 5.000000e-01 : f32
    %mul3A_1213 = vector.broadcast %mul3A_1212 : f32 to vector<400x128xf32>
    %mul3A_1214 = arith.mulf %mul3A_1213, %slice3A_1211 : vector<400x128xf32>
    %tanh3A_1215 = math.tanh %mul3A_1214 : vector<400x128xf32>
    %mul3A_1216 = arith.constant 5.000000e-01 : f32
    %mul3A_1217 = vector.broadcast %mul3A_1216 : f32 to vector<400x128xf32>
    %mul3A_1218 = arith.mulf %mul3A_1217, %tanh3A_1215 : vector<400x128xf32>
    %add3A_1219 = arith.constant 5.000000e-01 : f32
    %add3A_1220 = vector.broadcast %add3A_1219 : f32 to vector<400x128xf32>
    %add3A_1221 = arith.addf %add3A_1220, %mul3A_1218 : vector<400x128xf32>
    %slice3A_1222 = vector.extract_strided_slice %add3A_1210 {offsets = [0, 128], sizes = [400, 128], strides = [1, 1]} : vector<400x512xf32> to vector<400x128xf32>
    %mul3A_1223 = arith.constant 5.000000e-01 : f32
    %mul3A_1224 = vector.broadcast %mul3A_1223 : f32 to vector<400x128xf32>
    %mul3A_1225 = arith.mulf %mul3A_1224, %slice3A_1222 : vector<400x128xf32>
    %tanh3A_1226 = math.tanh %mul3A_1225 : vector<400x128xf32>
    %mul3A_1227 = arith.constant 5.000000e-01 : f32
    %mul3A_1228 = vector.broadcast %mul3A_1227 : f32 to vector<400x128xf32>
    %mul3A_1229 = arith.mulf %mul3A_1228, %tanh3A_1226 : vector<400x128xf32>
    %add3A_1230 = arith.constant 5.000000e-01 : f32
    %add3A_1231 = vector.broadcast %add3A_1230 : f32 to vector<400x128xf32>
    %add3A_1232 = arith.addf %add3A_1231, %mul3A_1229 : vector<400x128xf32>
    %slice3A_1233 = vector.extract_strided_slice %add3A_1210 {offsets = [0, 256], sizes = [400, 128], strides = [1, 1]} : vector<400x512xf32> to vector<400x128xf32>
    %tanh3A_1234 = math.tanh %slice3A_1233 : vector<400x128xf32>
    %slice3A_1235 = vector.extract_strided_slice %add3A_1210 {offsets = [0, 384], sizes = [400, 128], strides = [1, 1]} : vector<400x512xf32> to vector<400x128xf32>
    %mul3A_1236 = arith.constant 5.000000e-01 : f32
    %mul3A_1237 = vector.broadcast %mul3A_1236 : f32 to vector<400x128xf32>
    %mul3A_1238 = arith.mulf %mul3A_1237, %slice3A_1235 : vector<400x128xf32>
    %tanh3A_1239 = math.tanh %mul3A_1238 : vector<400x128xf32>
    %mul3A_1240 = arith.constant 5.000000e-01 : f32
    %mul3A_1241 = vector.broadcast %mul3A_1240 : f32 to vector<400x128xf32>
    %mul3A_1242 = arith.mulf %mul3A_1241, %tanh3A_1239 : vector<400x128xf32>
    %add3A_1243 = arith.constant 5.000000e-01 : f32
    %add3A_1244 = vector.broadcast %add3A_1243 : f32 to vector<400x128xf32>
    %add3A_1245 = arith.addf %add3A_1244, %mul3A_1242 : vector<400x128xf32>
    %mul3A_1246 = arith.mulf %add3A_1232, %add3A_1196 : vector<400x128xf32>
    %mul3A_1247 = arith.mulf %add3A_1221, %tanh3A_1234 : vector<400x128xf32>
    %add3A_1248 = arith.addf %mul3A_1246, %mul3A_1247 : vector<400x128xf32>
    %tanh3A_1249 = math.tanh %add3A_1248 : vector<400x128xf32>
    %mul3A_1250 = arith.mulf %add3A_1245, %tanh3A_1249 : vector<400x128xf32>
    %get3A_1251 = arith.constant 24 : index
    %get3A_1252 = arith.constant 0 : index
    %get3A_1253 = arith.constant 0 : index
    %get3A_1254 = vector.load %arg1[%get3A_1251, %get3A_1252, %get3A_1253] : memref<32x400x128xf32, #tpu.memory_space<vmem>>, vector<1x400x128xf32>
    %get3A_1255 = vector.shape_cast %get3A_1254 : vector<1x400x128xf32> to vector<400x128xf32>
    %convert_element_type3A_1256 = arith.truncf %get3A_1255 : vector<400x128xf32> to vector<400x128xbf16>
    %convert_element_type3A_1257 = arith.truncf %mul3A_1250 : vector<400x128xf32> to vector<400x128xbf16>
    %concatenate3A_1258 = tpu.concatenate %convert_element_type3A_1256, %convert_element_type3A_1257 in 1 : vector<400x128xbf16>, vector<400x128xbf16> -> vector<400x256xbf16>
    %dot_general3A_1259 = arith.constant dense<0.000000e+00> : vector<400x512xf32>
    %dot_general3A_1260 = tpu.matmul %concatenate3A_1258, %get3A_4, %dot_general3A_1259 {dimension_numbers = #tpu.dot_dimension_numbers<[1], [0], [0], [1], [0, 0, 1, 1], [], []>, transpose_lhs_hint = false} : vector<400x256xbf16>, vector<256x512xbf16>, vector<400x512xf32> -> vector<400x512xf32>
    %add3A_1261 = vector.broadcast %get3A_7 : vector<1x512xf32> to vector<400x512xf32>
    %add3A_1262 = arith.addf %dot_general3A_1260, %add3A_1261 : vector<400x512xf32>
    %slice3A_1263 = vector.extract_strided_slice %add3A_1262 {offsets = [0, 0], sizes = [400, 128], strides = [1, 1]} : vector<400x512xf32> to vector<400x128xf32>
    %mul3A_1264 = arith.constant 5.000000e-01 : f32
    %mul3A_1265 = vector.broadcast %mul3A_1264 : f32 to vector<400x128xf32>
    %mul3A_1266 = arith.mulf %mul3A_1265, %slice3A_1263 : vector<400x128xf32>
    %tanh3A_1267 = math.tanh %mul3A_1266 : vector<400x128xf32>
    %mul3A_1268 = arith.constant 5.000000e-01 : f32
    %mul3A_1269 = vector.broadcast %mul3A_1268 : f32 to vector<400x128xf32>
    %mul3A_1270 = arith.mulf %mul3A_1269, %tanh3A_1267 : vector<400x128xf32>
    %add3A_1271 = arith.constant 5.000000e-01 : f32
    %add3A_1272 = vector.broadcast %add3A_1271 : f32 to vector<400x128xf32>
    %add3A_1273 = arith.addf %add3A_1272, %mul3A_1270 : vector<400x128xf32>
    %slice3A_1274 = vector.extract_strided_slice %add3A_1262 {offsets = [0, 128], sizes = [400, 128], strides = [1, 1]} : vector<400x512xf32> to vector<400x128xf32>
    %mul3A_1275 = arith.constant 5.000000e-01 : f32
    %mul3A_1276 = vector.broadcast %mul3A_1275 : f32 to vector<400x128xf32>
    %mul3A_1277 = arith.mulf %mul3A_1276, %slice3A_1274 : vector<400x128xf32>
    %tanh3A_1278 = math.tanh %mul3A_1277 : vector<400x128xf32>
    %mul3A_1279 = arith.constant 5.000000e-01 : f32
    %mul3A_1280 = vector.broadcast %mul3A_1279 : f32 to vector<400x128xf32>
    %mul3A_1281 = arith.mulf %mul3A_1280, %tanh3A_1278 : vector<400x128xf32>
    %add3A_1282 = arith.constant 5.000000e-01 : f32
    %add3A_1283 = vector.broadcast %add3A_1282 : f32 to vector<400x128xf32>
    %add3A_1284 = arith.addf %add3A_1283, %mul3A_1281 : vector<400x128xf32>
    %slice3A_1285 = vector.extract_strided_slice %add3A_1262 {offsets = [0, 256], sizes = [400, 128], strides = [1, 1]} : vector<400x512xf32> to vector<400x128xf32>
    %tanh3A_1286 = math.tanh %slice3A_1285 : vector<400x128xf32>
    %slice3A_1287 = vector.extract_strided_slice %add3A_1262 {offsets = [0, 384], sizes = [400, 128], strides = [1, 1]} : vector<400x512xf32> to vector<400x128xf32>
    %mul3A_1288 = arith.constant 5.000000e-01 : f32
    %mul3A_1289 = vector.broadcast %mul3A_1288 : f32 to vector<400x128xf32>
    %mul3A_1290 = arith.mulf %mul3A_1289, %slice3A_1287 : vector<400x128xf32>
    %tanh3A_1291 = math.tanh %mul3A_1290 : vector<400x128xf32>
    %mul3A_1292 = arith.constant 5.000000e-01 : f32
    %mul3A_1293 = vector.broadcast %mul3A_1292 : f32 to vector<400x128xf32>
    %mul3A_1294 = arith.mulf %mul3A_1293, %tanh3A_1291 : vector<400x128xf32>
    %add3A_1295 = arith.constant 5.000000e-01 : f32
    %add3A_1296 = vector.broadcast %add3A_1295 : f32 to vector<400x128xf32>
    %add3A_1297 = arith.addf %add3A_1296, %mul3A_1294 : vector<400x128xf32>
    %mul3A_1298 = arith.mulf %add3A_1284, %add3A_1248 : vector<400x128xf32>
    %mul3A_1299 = arith.mulf %add3A_1273, %tanh3A_1286 : vector<400x128xf32>
    %add3A_1300 = arith.addf %mul3A_1298, %mul3A_1299 : vector<400x128xf32>
    %tanh3A_1301 = math.tanh %add3A_1300 : vector<400x128xf32>
    %mul3A_1302 = arith.mulf %add3A_1297, %tanh3A_1301 : vector<400x128xf32>
    %get3A_1303 = arith.constant 25 : index
    %get3A_1304 = arith.constant 0 : index
    %get3A_1305 = arith.constant 0 : index
    %get3A_1306 = vector.load %arg1[%get3A_1303, %get3A_1304, %get3A_1305] : memref<32x400x128xf32, #tpu.memory_space<vmem>>, vector<1x400x128xf32>
    %get3A_1307 = vector.shape_cast %get3A_1306 : vector<1x400x128xf32> to vector<400x128xf32>
    %convert_element_type3A_1308 = arith.truncf %get3A_1307 : vector<400x128xf32> to vector<400x128xbf16>
    %convert_element_type3A_1309 = arith.truncf %mul3A_1302 : vector<400x128xf32> to vector<400x128xbf16>
    %concatenate3A_1310 = tpu.concatenate %convert_element_type3A_1308, %convert_element_type3A_1309 in 1 : vector<400x128xbf16>, vector<400x128xbf16> -> vector<400x256xbf16>
    %dot_general3A_1311 = arith.constant dense<0.000000e+00> : vector<400x512xf32>
    %dot_general3A_1312 = tpu.matmul %concatenate3A_1310, %get3A_4, %dot_general3A_1311 {dimension_numbers = #tpu.dot_dimension_numbers<[1], [0], [0], [1], [0, 0, 1, 1], [], []>, transpose_lhs_hint = false} : vector<400x256xbf16>, vector<256x512xbf16>, vector<400x512xf32> -> vector<400x512xf32>
    %add3A_1313 = vector.broadcast %get3A_7 : vector<1x512xf32> to vector<400x512xf32>
    %add3A_1314 = arith.addf %dot_general3A_1312, %add3A_1313 : vector<400x512xf32>
    %slice3A_1315 = vector.extract_strided_slice %add3A_1314 {offsets = [0, 0], sizes = [400, 128], strides = [1, 1]} : vector<400x512xf32> to vector<400x128xf32>
    %mul3A_1316 = arith.constant 5.000000e-01 : f32
    %mul3A_1317 = vector.broadcast %mul3A_1316 : f32 to vector<400x128xf32>
    %mul3A_1318 = arith.mulf %mul3A_1317, %slice3A_1315 : vector<400x128xf32>
    %tanh3A_1319 = math.tanh %mul3A_1318 : vector<400x128xf32>
    %mul3A_1320 = arith.constant 5.000000e-01 : f32
    %mul3A_1321 = vector.broadcast %mul3A_1320 : f32 to vector<400x128xf32>
    %mul3A_1322 = arith.mulf %mul3A_1321, %tanh3A_1319 : vector<400x128xf32>
    %add3A_1323 = arith.constant 5.000000e-01 : f32
    %add3A_1324 = vector.broadcast %add3A_1323 : f32 to vector<400x128xf32>
    %add3A_1325 = arith.addf %add3A_1324, %mul3A_1322 : vector<400x128xf32>
    %slice3A_1326 = vector.extract_strided_slice %add3A_1314 {offsets = [0, 128], sizes = [400, 128], strides = [1, 1]} : vector<400x512xf32> to vector<400x128xf32>
    %mul3A_1327 = arith.constant 5.000000e-01 : f32
    %mul3A_1328 = vector.broadcast %mul3A_1327 : f32 to vector<400x128xf32>
    %mul3A_1329 = arith.mulf %mul3A_1328, %slice3A_1326 : vector<400x128xf32>
    %tanh3A_1330 = math.tanh %mul3A_1329 : vector<400x128xf32>
    %mul3A_1331 = arith.constant 5.000000e-01 : f32
    %mul3A_1332 = vector.broadcast %mul3A_1331 : f32 to vector<400x128xf32>
    %mul3A_1333 = arith.mulf %mul3A_1332, %tanh3A_1330 : vector<400x128xf32>
    %add3A_1334 = arith.constant 5.000000e-01 : f32
    %add3A_1335 = vector.broadcast %add3A_1334 : f32 to vector<400x128xf32>
    %add3A_1336 = arith.addf %add3A_1335, %mul3A_1333 : vector<400x128xf32>
    %slice3A_1337 = vector.extract_strided_slice %add3A_1314 {offsets = [0, 256], sizes = [400, 128], strides = [1, 1]} : vector<400x512xf32> to vector<400x128xf32>
    %tanh3A_1338 = math.tanh %slice3A_1337 : vector<400x128xf32>
    %slice3A_1339 = vector.extract_strided_slice %add3A_1314 {offsets = [0, 384], sizes = [400, 128], strides = [1, 1]} : vector<400x512xf32> to vector<400x128xf32>
    %mul3A_1340 = arith.constant 5.000000e-01 : f32
    %mul3A_1341 = vector.broadcast %mul3A_1340 : f32 to vector<400x128xf32>
    %mul3A_1342 = arith.mulf %mul3A_1341, %slice3A_1339 : vector<400x128xf32>
    %tanh3A_1343 = math.tanh %mul3A_1342 : vector<400x128xf32>
    %mul3A_1344 = arith.constant 5.000000e-01 : f32
    %mul3A_1345 = vector.broadcast %mul3A_1344 : f32 to vector<400x128xf32>
    %mul3A_1346 = arith.mulf %mul3A_1345, %tanh3A_1343 : vector<400x128xf32>
    %add3A_1347 = arith.constant 5.000000e-01 : f32
    %add3A_1348 = vector.broadcast %add3A_1347 : f32 to vector<400x128xf32>
    %add3A_1349 = arith.addf %add3A_1348, %mul3A_1346 : vector<400x128xf32>
    %mul3A_1350 = arith.mulf %add3A_1336, %add3A_1300 : vector<400x128xf32>
    %mul3A_1351 = arith.mulf %add3A_1325, %tanh3A_1338 : vector<400x128xf32>
    %add3A_1352 = arith.addf %mul3A_1350, %mul3A_1351 : vector<400x128xf32>
    %tanh3A_1353 = math.tanh %add3A_1352 : vector<400x128xf32>
    %mul3A_1354 = arith.mulf %add3A_1349, %tanh3A_1353 : vector<400x128xf32>
    %get3A_1355 = arith.constant 26 : index
    %get3A_1356 = arith.constant 0 : index
    %get3A_1357 = arith.constant 0 : index
    %get3A_1358 = vector.load %arg1[%get3A_1355, %get3A_1356, %get3A_1357] : memref<32x400x128xf32, #tpu.memory_space<vmem>>, vector<1x400x128xf32>
    %get3A_1359 = vector.shape_cast %get3A_1358 : vector<1x400x128xf32> to vector<400x128xf32>
    %convert_element_type3A_1360 = arith.truncf %get3A_1359 : vector<400x128xf32> to vector<400x128xbf16>
    %convert_element_type3A_1361 = arith.truncf %mul3A_1354 : vector<400x128xf32> to vector<400x128xbf16>
    %concatenate3A_1362 = tpu.concatenate %convert_element_type3A_1360, %convert_element_type3A_1361 in 1 : vector<400x128xbf16>, vector<400x128xbf16> -> vector<400x256xbf16>
    %dot_general3A_1363 = arith.constant dense<0.000000e+00> : vector<400x512xf32>
    %dot_general3A_1364 = tpu.matmul %concatenate3A_1362, %get3A_4, %dot_general3A_1363 {dimension_numbers = #tpu.dot_dimension_numbers<[1], [0], [0], [1], [0, 0, 1, 1], [], []>, transpose_lhs_hint = false} : vector<400x256xbf16>, vector<256x512xbf16>, vector<400x512xf32> -> vector<400x512xf32>
    %add3A_1365 = vector.broadcast %get3A_7 : vector<1x512xf32> to vector<400x512xf32>
    %add3A_1366 = arith.addf %dot_general3A_1364, %add3A_1365 : vector<400x512xf32>
    %slice3A_1367 = vector.extract_strided_slice %add3A_1366 {offsets = [0, 0], sizes = [400, 128], strides = [1, 1]} : vector<400x512xf32> to vector<400x128xf32>
    %mul3A_1368 = arith.constant 5.000000e-01 : f32
    %mul3A_1369 = vector.broadcast %mul3A_1368 : f32 to vector<400x128xf32>
    %mul3A_1370 = arith.mulf %mul3A_1369, %slice3A_1367 : vector<400x128xf32>
    %tanh3A_1371 = math.tanh %mul3A_1370 : vector<400x128xf32>
    %mul3A_1372 = arith.constant 5.000000e-01 : f32
    %mul3A_1373 = vector.broadcast %mul3A_1372 : f32 to vector<400x128xf32>
    %mul3A_1374 = arith.mulf %mul3A_1373, %tanh3A_1371 : vector<400x128xf32>
    %add3A_1375 = arith.constant 5.000000e-01 : f32
    %add3A_1376 = vector.broadcast %add3A_1375 : f32 to vector<400x128xf32>
    %add3A_1377 = arith.addf %add3A_1376, %mul3A_1374 : vector<400x128xf32>
    %slice3A_1378 = vector.extract_strided_slice %add3A_1366 {offsets = [0, 128], sizes = [400, 128], strides = [1, 1]} : vector<400x512xf32> to vector<400x128xf32>
    %mul3A_1379 = arith.constant 5.000000e-01 : f32
    %mul3A_1380 = vector.broadcast %mul3A_1379 : f32 to vector<400x128xf32>
    %mul3A_1381 = arith.mulf %mul3A_1380, %slice3A_1378 : vector<400x128xf32>
    %tanh3A_1382 = math.tanh %mul3A_1381 : vector<400x128xf32>
    %mul3A_1383 = arith.constant 5.000000e-01 : f32
    %mul3A_1384 = vector.broadcast %mul3A_1383 : f32 to vector<400x128xf32>
    %mul3A_1385 = arith.mulf %mul3A_1384, %tanh3A_1382 : vector<400x128xf32>
    %add3A_1386 = arith.constant 5.000000e-01 : f32
    %add3A_1387 = vector.broadcast %add3A_1386 : f32 to vector<400x128xf32>
    %add3A_1388 = arith.addf %add3A_1387, %mul3A_1385 : vector<400x128xf32>
    %slice3A_1389 = vector.extract_strided_slice %add3A_1366 {offsets = [0, 256], sizes = [400, 128], strides = [1, 1]} : vector<400x512xf32> to vector<400x128xf32>
    %tanh3A_1390 = math.tanh %slice3A_1389 : vector<400x128xf32>
    %slice3A_1391 = vector.extract_strided_slice %add3A_1366 {offsets = [0, 384], sizes = [400, 128], strides = [1, 1]} : vector<400x512xf32> to vector<400x128xf32>
    %mul3A_1392 = arith.constant 5.000000e-01 : f32
    %mul3A_1393 = vector.broadcast %mul3A_1392 : f32 to vector<400x128xf32>
    %mul3A_1394 = arith.mulf %mul3A_1393, %slice3A_1391 : vector<400x128xf32>
    %tanh3A_1395 = math.tanh %mul3A_1394 : vector<400x128xf32>
    %mul3A_1396 = arith.constant 5.000000e-01 : f32
    %mul3A_1397 = vector.broadcast %mul3A_1396 : f32 to vector<400x128xf32>
    %mul3A_1398 = arith.mulf %mul3A_1397, %tanh3A_1395 : vector<400x128xf32>
    %add3A_1399 = arith.constant 5.000000e-01 : f32
    %add3A_1400 = vector.broadcast %add3A_1399 : f32 to vector<400x128xf32>
    %add3A_1401 = arith.addf %add3A_1400, %mul3A_1398 : vector<400x128xf32>
    %mul3A_1402 = arith.mulf %add3A_1388, %add3A_1352 : vector<400x128xf32>
    %mul3A_1403 = arith.mulf %add3A_1377, %tanh3A_1390 : vector<400x128xf32>
    %add3A_1404 = arith.addf %mul3A_1402, %mul3A_1403 : vector<400x128xf32>
    %tanh3A_1405 = math.tanh %add3A_1404 : vector<400x128xf32>
    %mul3A_1406 = arith.mulf %add3A_1401, %tanh3A_1405 : vector<400x128xf32>
    %get3A_1407 = arith.constant 27 : index
    %get3A_1408 = arith.constant 0 : index
    %get3A_1409 = arith.constant 0 : index
    %get3A_1410 = vector.load %arg1[%get3A_1407, %get3A_1408, %get3A_1409] : memref<32x400x128xf32, #tpu.memory_space<vmem>>, vector<1x400x128xf32>
    %get3A_1411 = vector.shape_cast %get3A_1410 : vector<1x400x128xf32> to vector<400x128xf32>
    %convert_element_type3A_1412 = arith.truncf %get3A_1411 : vector<400x128xf32> to vector<400x128xbf16>
    %convert_element_type3A_1413 = arith.truncf %mul3A_1406 : vector<400x128xf32> to vector<400x128xbf16>
    %concatenate3A_1414 = tpu.concatenate %convert_element_type3A_1412, %convert_element_type3A_1413 in 1 : vector<400x128xbf16>, vector<400x128xbf16> -> vector<400x256xbf16>
    %dot_general3A_1415 = arith.constant dense<0.000000e+00> : vector<400x512xf32>
    %dot_general3A_1416 = tpu.matmul %concatenate3A_1414, %get3A_4, %dot_general3A_1415 {dimension_numbers = #tpu.dot_dimension_numbers<[1], [0], [0], [1], [0, 0, 1, 1], [], []>, transpose_lhs_hint = false} : vector<400x256xbf16>, vector<256x512xbf16>, vector<400x512xf32> -> vector<400x512xf32>
    %add3A_1417 = vector.broadcast %get3A_7 : vector<1x512xf32> to vector<400x512xf32>
    %add3A_1418 = arith.addf %dot_general3A_1416, %add3A_1417 : vector<400x512xf32>
    %slice3A_1419 = vector.extract_strided_slice %add3A_1418 {offsets = [0, 0], sizes = [400, 128], strides = [1, 1]} : vector<400x512xf32> to vector<400x128xf32>
    %mul3A_1420 = arith.constant 5.000000e-01 : f32
    %mul3A_1421 = vector.broadcast %mul3A_1420 : f32 to vector<400x128xf32>
    %mul3A_1422 = arith.mulf %mul3A_1421, %slice3A_1419 : vector<400x128xf32>
    %tanh3A_1423 = math.tanh %mul3A_1422 : vector<400x128xf32>
    %mul3A_1424 = arith.constant 5.000000e-01 : f32
    %mul3A_1425 = vector.broadcast %mul3A_1424 : f32 to vector<400x128xf32>
    %mul3A_1426 = arith.mulf %mul3A_1425, %tanh3A_1423 : vector<400x128xf32>
    %add3A_1427 = arith.constant 5.000000e-01 : f32
    %add3A_1428 = vector.broadcast %add3A_1427 : f32 to vector<400x128xf32>
    %add3A_1429 = arith.addf %add3A_1428, %mul3A_1426 : vector<400x128xf32>
    %slice3A_1430 = vector.extract_strided_slice %add3A_1418 {offsets = [0, 128], sizes = [400, 128], strides = [1, 1]} : vector<400x512xf32> to vector<400x128xf32>
    %mul3A_1431 = arith.constant 5.000000e-01 : f32
    %mul3A_1432 = vector.broadcast %mul3A_1431 : f32 to vector<400x128xf32>
    %mul3A_1433 = arith.mulf %mul3A_1432, %slice3A_1430 : vector<400x128xf32>
    %tanh3A_1434 = math.tanh %mul3A_1433 : vector<400x128xf32>
    %mul3A_1435 = arith.constant 5.000000e-01 : f32
    %mul3A_1436 = vector.broadcast %mul3A_1435 : f32 to vector<400x128xf32>
    %mul3A_1437 = arith.mulf %mul3A_1436, %tanh3A_1434 : vector<400x128xf32>
    %add3A_1438 = arith.constant 5.000000e-01 : f32
    %add3A_1439 = vector.broadcast %add3A_1438 : f32 to vector<400x128xf32>
    %add3A_1440 = arith.addf %add3A_1439, %mul3A_1437 : vector<400x128xf32>
    %slice3A_1441 = vector.extract_strided_slice %add3A_1418 {offsets = [0, 256], sizes = [400, 128], strides = [1, 1]} : vector<400x512xf32> to vector<400x128xf32>
    %tanh3A_1442 = math.tanh %slice3A_1441 : vector<400x128xf32>
    %slice3A_1443 = vector.extract_strided_slice %add3A_1418 {offsets = [0, 384], sizes = [400, 128], strides = [1, 1]} : vector<400x512xf32> to vector<400x128xf32>
    %mul3A_1444 = arith.constant 5.000000e-01 : f32
    %mul3A_1445 = vector.broadcast %mul3A_1444 : f32 to vector<400x128xf32>
    %mul3A_1446 = arith.mulf %mul3A_1445, %slice3A_1443 : vector<400x128xf32>
    %tanh3A_1447 = math.tanh %mul3A_1446 : vector<400x128xf32>
    %mul3A_1448 = arith.constant 5.000000e-01 : f32
    %mul3A_1449 = vector.broadcast %mul3A_1448 : f32 to vector<400x128xf32>
    %mul3A_1450 = arith.mulf %mul3A_1449, %tanh3A_1447 : vector<400x128xf32>
    %add3A_1451 = arith.constant 5.000000e-01 : f32
    %add3A_1452 = vector.broadcast %add3A_1451 : f32 to vector<400x128xf32>
    %add3A_1453 = arith.addf %add3A_1452, %mul3A_1450 : vector<400x128xf32>
    %mul3A_1454 = arith.mulf %add3A_1440, %add3A_1404 : vector<400x128xf32>
    %mul3A_1455 = arith.mulf %add3A_1429, %tanh3A_1442 : vector<400x128xf32>
    %add3A_1456 = arith.addf %mul3A_1454, %mul3A_1455 : vector<400x128xf32>
    %tanh3A_1457 = math.tanh %add3A_1456 : vector<400x128xf32>
    %mul3A_1458 = arith.mulf %add3A_1453, %tanh3A_1457 : vector<400x128xf32>
    %get3A_1459 = arith.constant 28 : index
    %get3A_1460 = arith.constant 0 : index
    %get3A_1461 = arith.constant 0 : index
    %get3A_1462 = vector.load %arg1[%get3A_1459, %get3A_1460, %get3A_1461] : memref<32x400x128xf32, #tpu.memory_space<vmem>>, vector<1x400x128xf32>
    %get3A_1463 = vector.shape_cast %get3A_1462 : vector<1x400x128xf32> to vector<400x128xf32>
    %convert_element_type3A_1464 = arith.truncf %get3A_1463 : vector<400x128xf32> to vector<400x128xbf16>
    %convert_element_type3A_1465 = arith.truncf %mul3A_1458 : vector<400x128xf32> to vector<400x128xbf16>
    %concatenate3A_1466 = tpu.concatenate %convert_element_type3A_1464, %convert_element_type3A_1465 in 1 : vector<400x128xbf16>, vector<400x128xbf16> -> vector<400x256xbf16>
    %dot_general3A_1467 = arith.constant dense<0.000000e+00> : vector<400x512xf32>
    %dot_general3A_1468 = tpu.matmul %concatenate3A_1466, %get3A_4, %dot_general3A_1467 {dimension_numbers = #tpu.dot_dimension_numbers<[1], [0], [0], [1], [0, 0, 1, 1], [], []>, transpose_lhs_hint = false} : vector<400x256xbf16>, vector<256x512xbf16>, vector<400x512xf32> -> vector<400x512xf32>
    %add3A_1469 = vector.broadcast %get3A_7 : vector<1x512xf32> to vector<400x512xf32>
    %add3A_1470 = arith.addf %dot_general3A_1468, %add3A_1469 : vector<400x512xf32>
    %slice3A_1471 = vector.extract_strided_slice %add3A_1470 {offsets = [0, 0], sizes = [400, 128], strides = [1, 1]} : vector<400x512xf32> to vector<400x128xf32>
    %mul3A_1472 = arith.constant 5.000000e-01 : f32
    %mul3A_1473 = vector.broadcast %mul3A_1472 : f32 to vector<400x128xf32>
    %mul3A_1474 = arith.mulf %mul3A_1473, %slice3A_1471 : vector<400x128xf32>
    %tanh3A_1475 = math.tanh %mul3A_1474 : vector<400x128xf32>
    %mul3A_1476 = arith.constant 5.000000e-01 : f32
    %mul3A_1477 = vector.broadcast %mul3A_1476 : f32 to vector<400x128xf32>
    %mul3A_1478 = arith.mulf %mul3A_1477, %tanh3A_1475 : vector<400x128xf32>
    %add3A_1479 = arith.constant 5.000000e-01 : f32
    %add3A_1480 = vector.broadcast %add3A_1479 : f32 to vector<400x128xf32>
    %add3A_1481 = arith.addf %add3A_1480, %mul3A_1478 : vector<400x128xf32>
    %slice3A_1482 = vector.extract_strided_slice %add3A_1470 {offsets = [0, 128], sizes = [400, 128], strides = [1, 1]} : vector<400x512xf32> to vector<400x128xf32>
    %mul3A_1483 = arith.constant 5.000000e-01 : f32
    %mul3A_1484 = vector.broadcast %mul3A_1483 : f32 to vector<400x128xf32>
    %mul3A_1485 = arith.mulf %mul3A_1484, %slice3A_1482 : vector<400x128xf32>
    %tanh3A_1486 = math.tanh %mul3A_1485 : vector<400x128xf32>
    %mul3A_1487 = arith.constant 5.000000e-01 : f32
    %mul3A_1488 = vector.broadcast %mul3A_1487 : f32 to vector<400x128xf32>
    %mul3A_1489 = arith.mulf %mul3A_1488, %tanh3A_1486 : vector<400x128xf32>
    %add3A_1490 = arith.constant 5.000000e-01 : f32
    %add3A_1491 = vector.broadcast %add3A_1490 : f32 to vector<400x128xf32>
    %add3A_1492 = arith.addf %add3A_1491, %mul3A_1489 : vector<400x128xf32>
    %slice3A_1493 = vector.extract_strided_slice %add3A_1470 {offsets = [0, 256], sizes = [400, 128], strides = [1, 1]} : vector<400x512xf32> to vector<400x128xf32>
    %tanh3A_1494 = math.tanh %slice3A_1493 : vector<400x128xf32>
    %slice3A_1495 = vector.extract_strided_slice %add3A_1470 {offsets = [0, 384], sizes = [400, 128], strides = [1, 1]} : vector<400x512xf32> to vector<400x128xf32>
    %mul3A_1496 = arith.constant 5.000000e-01 : f32
    %mul3A_1497 = vector.broadcast %mul3A_1496 : f32 to vector<400x128xf32>
    %mul3A_1498 = arith.mulf %mul3A_1497, %slice3A_1495 : vector<400x128xf32>
    %tanh3A_1499 = math.tanh %mul3A_1498 : vector<400x128xf32>
    %mul3A_1500 = arith.constant 5.000000e-01 : f32
    %mul3A_1501 = vector.broadcast %mul3A_1500 : f32 to vector<400x128xf32>
    %mul3A_1502 = arith.mulf %mul3A_1501, %tanh3A_1499 : vector<400x128xf32>
    %add3A_1503 = arith.constant 5.000000e-01 : f32
    %add3A_1504 = vector.broadcast %add3A_1503 : f32 to vector<400x128xf32>
    %add3A_1505 = arith.addf %add3A_1504, %mul3A_1502 : vector<400x128xf32>
    %mul3A_1506 = arith.mulf %add3A_1492, %add3A_1456 : vector<400x128xf32>
    %mul3A_1507 = arith.mulf %add3A_1481, %tanh3A_1494 : vector<400x128xf32>
    %add3A_1508 = arith.addf %mul3A_1506, %mul3A_1507 : vector<400x128xf32>
    %tanh3A_1509 = math.tanh %add3A_1508 : vector<400x128xf32>
    %mul3A_1510 = arith.mulf %add3A_1505, %tanh3A_1509 : vector<400x128xf32>
    %get3A_1511 = arith.constant 29 : index
    %get3A_1512 = arith.constant 0 : index
    %get3A_1513 = arith.constant 0 : index
    %get3A_1514 = vector.load %arg1[%get3A_1511, %get3A_1512, %get3A_1513] : memref<32x400x128xf32, #tpu.memory_space<vmem>>, vector<1x400x128xf32>
    %get3A_1515 = vector.shape_cast %get3A_1514 : vector<1x400x128xf32> to vector<400x128xf32>
    %convert_element_type3A_1516 = arith.truncf %get3A_1515 : vector<400x128xf32> to vector<400x128xbf16>
    %convert_element_type3A_1517 = arith.truncf %mul3A_1510 : vector<400x128xf32> to vector<400x128xbf16>
    %concatenate3A_1518 = tpu.concatenate %convert_element_type3A_1516, %convert_element_type3A_1517 in 1 : vector<400x128xbf16>, vector<400x128xbf16> -> vector<400x256xbf16>
    %dot_general3A_1519 = arith.constant dense<0.000000e+00> : vector<400x512xf32>
    %dot_general3A_1520 = tpu.matmul %concatenate3A_1518, %get3A_4, %dot_general3A_1519 {dimension_numbers = #tpu.dot_dimension_numbers<[1], [0], [0], [1], [0, 0, 1, 1], [], []>, transpose_lhs_hint = false} : vector<400x256xbf16>, vector<256x512xbf16>, vector<400x512xf32> -> vector<400x512xf32>
    %add3A_1521 = vector.broadcast %get3A_7 : vector<1x512xf32> to vector<400x512xf32>
    %add3A_1522 = arith.addf %dot_general3A_1520, %add3A_1521 : vector<400x512xf32>
    %slice3A_1523 = vector.extract_strided_slice %add3A_1522 {offsets = [0, 0], sizes = [400, 128], strides = [1, 1]} : vector<400x512xf32> to vector<400x128xf32>
    %mul3A_1524 = arith.constant 5.000000e-01 : f32
    %mul3A_1525 = vector.broadcast %mul3A_1524 : f32 to vector<400x128xf32>
    %mul3A_1526 = arith.mulf %mul3A_1525, %slice3A_1523 : vector<400x128xf32>
    %tanh3A_1527 = math.tanh %mul3A_1526 : vector<400x128xf32>
    %mul3A_1528 = arith.constant 5.000000e-01 : f32
    %mul3A_1529 = vector.broadcast %mul3A_1528 : f32 to vector<400x128xf32>
    %mul3A_1530 = arith.mulf %mul3A_1529, %tanh3A_1527 : vector<400x128xf32>
    %add3A_1531 = arith.constant 5.000000e-01 : f32
    %add3A_1532 = vector.broadcast %add3A_1531 : f32 to vector<400x128xf32>
    %add3A_1533 = arith.addf %add3A_1532, %mul3A_1530 : vector<400x128xf32>
    %slice3A_1534 = vector.extract_strided_slice %add3A_1522 {offsets = [0, 128], sizes = [400, 128], strides = [1, 1]} : vector<400x512xf32> to vector<400x128xf32>
    %mul3A_1535 = arith.constant 5.000000e-01 : f32
    %mul3A_1536 = vector.broadcast %mul3A_1535 : f32 to vector<400x128xf32>
    %mul3A_1537 = arith.mulf %mul3A_1536, %slice3A_1534 : vector<400x128xf32>
    %tanh3A_1538 = math.tanh %mul3A_1537 : vector<400x128xf32>
    %mul3A_1539 = arith.constant 5.000000e-01 : f32
    %mul3A_1540 = vector.broadcast %mul3A_1539 : f32 to vector<400x128xf32>
    %mul3A_1541 = arith.mulf %mul3A_1540, %tanh3A_1538 : vector<400x128xf32>
    %add3A_1542 = arith.constant 5.000000e-01 : f32
    %add3A_1543 = vector.broadcast %add3A_1542 : f32 to vector<400x128xf32>
    %add3A_1544 = arith.addf %add3A_1543, %mul3A_1541 : vector<400x128xf32>
    %slice3A_1545 = vector.extract_strided_slice %add3A_1522 {offsets = [0, 256], sizes = [400, 128], strides = [1, 1]} : vector<400x512xf32> to vector<400x128xf32>
    %tanh3A_1546 = math.tanh %slice3A_1545 : vector<400x128xf32>
    %slice3A_1547 = vector.extract_strided_slice %add3A_1522 {offsets = [0, 384], sizes = [400, 128], strides = [1, 1]} : vector<400x512xf32> to vector<400x128xf32>
    %mul3A_1548 = arith.constant 5.000000e-01 : f32
    %mul3A_1549 = vector.broadcast %mul3A_1548 : f32 to vector<400x128xf32>
    %mul3A_1550 = arith.mulf %mul3A_1549, %slice3A_1547 : vector<400x128xf32>
    %tanh3A_1551 = math.tanh %mul3A_1550 : vector<400x128xf32>
    %mul3A_1552 = arith.constant 5.000000e-01 : f32
    %mul3A_1553 = vector.broadcast %mul3A_1552 : f32 to vector<400x128xf32>
    %mul3A_1554 = arith.mulf %mul3A_1553, %tanh3A_1551 : vector<400x128xf32>
    %add3A_1555 = arith.constant 5.000000e-01 : f32
    %add3A_1556 = vector.broadcast %add3A_1555 : f32 to vector<400x128xf32>
    %add3A_1557 = arith.addf %add3A_1556, %mul3A_1554 : vector<400x128xf32>
    %mul3A_1558 = arith.mulf %add3A_1544, %add3A_1508 : vector<400x128xf32>
    %mul3A_1559 = arith.mulf %add3A_1533, %tanh3A_1546 : vector<400x128xf32>
    %add3A_1560 = arith.addf %mul3A_1558, %mul3A_1559 : vector<400x128xf32>
    %tanh3A_1561 = math.tanh %add3A_1560 : vector<400x128xf32>
    %mul3A_1562 = arith.mulf %add3A_1557, %tanh3A_1561 : vector<400x128xf32>
    %get3A_1563 = arith.constant 30 : index
    %get3A_1564 = arith.constant 0 : index
    %get3A_1565 = arith.constant 0 : index
    %get3A_1566 = vector.load %arg1[%get3A_1563, %get3A_1564, %get3A_1565] : memref<32x400x128xf32, #tpu.memory_space<vmem>>, vector<1x400x128xf32>
    %get3A_1567 = vector.shape_cast %get3A_1566 : vector<1x400x128xf32> to vector<400x128xf32>
    %convert_element_type3A_1568 = arith.truncf %get3A_1567 : vector<400x128xf32> to vector<400x128xbf16>
    %convert_element_type3A_1569 = arith.truncf %mul3A_1562 : vector<400x128xf32> to vector<400x128xbf16>
    %concatenate3A_1570 = tpu.concatenate %convert_element_type3A_1568, %convert_element_type3A_1569 in 1 : vector<400x128xbf16>, vector<400x128xbf16> -> vector<400x256xbf16>
    %dot_general3A_1571 = arith.constant dense<0.000000e+00> : vector<400x512xf32>
    %dot_general3A_1572 = tpu.matmul %concatenate3A_1570, %get3A_4, %dot_general3A_1571 {dimension_numbers = #tpu.dot_dimension_numbers<[1], [0], [0], [1], [0, 0, 1, 1], [], []>, transpose_lhs_hint = false} : vector<400x256xbf16>, vector<256x512xbf16>, vector<400x512xf32> -> vector<400x512xf32>
    %add3A_1573 = vector.broadcast %get3A_7 : vector<1x512xf32> to vector<400x512xf32>
    %add3A_1574 = arith.addf %dot_general3A_1572, %add3A_1573 : vector<400x512xf32>
    %slice3A_1575 = vector.extract_strided_slice %add3A_1574 {offsets = [0, 0], sizes = [400, 128], strides = [1, 1]} : vector<400x512xf32> to vector<400x128xf32>
    %mul3A_1576 = arith.constant 5.000000e-01 : f32
    %mul3A_1577 = vector.broadcast %mul3A_1576 : f32 to vector<400x128xf32>
    %mul3A_1578 = arith.mulf %mul3A_1577, %slice3A_1575 : vector<400x128xf32>
    %tanh3A_1579 = math.tanh %mul3A_1578 : vector<400x128xf32>
    %mul3A_1580 = arith.constant 5.000000e-01 : f32
    %mul3A_1581 = vector.broadcast %mul3A_1580 : f32 to vector<400x128xf32>
    %mul3A_1582 = arith.mulf %mul3A_1581, %tanh3A_1579 : vector<400x128xf32>
    %add3A_1583 = arith.constant 5.000000e-01 : f32
    %add3A_1584 = vector.broadcast %add3A_1583 : f32 to vector<400x128xf32>
    %add3A_1585 = arith.addf %add3A_1584, %mul3A_1582 : vector<400x128xf32>
    %slice3A_1586 = vector.extract_strided_slice %add3A_1574 {offsets = [0, 128], sizes = [400, 128], strides = [1, 1]} : vector<400x512xf32> to vector<400x128xf32>
    %mul3A_1587 = arith.constant 5.000000e-01 : f32
    %mul3A_1588 = vector.broadcast %mul3A_1587 : f32 to vector<400x128xf32>
    %mul3A_1589 = arith.mulf %mul3A_1588, %slice3A_1586 : vector<400x128xf32>
    %tanh3A_1590 = math.tanh %mul3A_1589 : vector<400x128xf32>
    %mul3A_1591 = arith.constant 5.000000e-01 : f32
    %mul3A_1592 = vector.broadcast %mul3A_1591 : f32 to vector<400x128xf32>
    %mul3A_1593 = arith.mulf %mul3A_1592, %tanh3A_1590 : vector<400x128xf32>
    %add3A_1594 = arith.constant 5.000000e-01 : f32
    %add3A_1595 = vector.broadcast %add3A_1594 : f32 to vector<400x128xf32>
    %add3A_1596 = arith.addf %add3A_1595, %mul3A_1593 : vector<400x128xf32>
    %slice3A_1597 = vector.extract_strided_slice %add3A_1574 {offsets = [0, 256], sizes = [400, 128], strides = [1, 1]} : vector<400x512xf32> to vector<400x128xf32>
    %tanh3A_1598 = math.tanh %slice3A_1597 : vector<400x128xf32>
    %slice3A_1599 = vector.extract_strided_slice %add3A_1574 {offsets = [0, 384], sizes = [400, 128], strides = [1, 1]} : vector<400x512xf32> to vector<400x128xf32>
    %mul3A_1600 = arith.constant 5.000000e-01 : f32
    %mul3A_1601 = vector.broadcast %mul3A_1600 : f32 to vector<400x128xf32>
    %mul3A_1602 = arith.mulf %mul3A_1601, %slice3A_1599 : vector<400x128xf32>
    %tanh3A_1603 = math.tanh %mul3A_1602 : vector<400x128xf32>
    %mul3A_1604 = arith.constant 5.000000e-01 : f32
    %mul3A_1605 = vector.broadcast %mul3A_1604 : f32 to vector<400x128xf32>
    %mul3A_1606 = arith.mulf %mul3A_1605, %tanh3A_1603 : vector<400x128xf32>
    %add3A_1607 = arith.constant 5.000000e-01 : f32
    %add3A_1608 = vector.broadcast %add3A_1607 : f32 to vector<400x128xf32>
    %add3A_1609 = arith.addf %add3A_1608, %mul3A_1606 : vector<400x128xf32>
    %mul3A_1610 = arith.mulf %add3A_1596, %add3A_1560 : vector<400x128xf32>
    %mul3A_1611 = arith.mulf %add3A_1585, %tanh3A_1598 : vector<400x128xf32>
    %add3A_1612 = arith.addf %mul3A_1610, %mul3A_1611 : vector<400x128xf32>
    %tanh3A_1613 = math.tanh %add3A_1612 : vector<400x128xf32>
    %mul3A_1614 = arith.mulf %add3A_1609, %tanh3A_1613 : vector<400x128xf32>
    %get3A_1615 = arith.constant 31 : index
    %get3A_1616 = arith.constant 0 : index
    %get3A_1617 = arith.constant 0 : index
    %get3A_1618 = vector.load %arg1[%get3A_1615, %get3A_1616, %get3A_1617] : memref<32x400x128xf32, #tpu.memory_space<vmem>>, vector<1x400x128xf32>
    %get3A_1619 = vector.shape_cast %get3A_1618 : vector<1x400x128xf32> to vector<400x128xf32>
    %convert_element_type3A_1620 = arith.truncf %get3A_1619 : vector<400x128xf32> to vector<400x128xbf16>
    %convert_element_type3A_1621 = arith.truncf %mul3A_1614 : vector<400x128xf32> to vector<400x128xbf16>
    %concatenate3A_1622 = tpu.concatenate %convert_element_type3A_1620, %convert_element_type3A_1621 in 1 : vector<400x128xbf16>, vector<400x128xbf16> -> vector<400x256xbf16>
    %dot_general3A_1623 = arith.constant dense<0.000000e+00> : vector<400x512xf32>
    %dot_general3A_1624 = tpu.matmul %concatenate3A_1622, %get3A_4, %dot_general3A_1623 {dimension_numbers = #tpu.dot_dimension_numbers<[1], [0], [0], [1], [0, 0, 1, 1], [], []>, transpose_lhs_hint = false} : vector<400x256xbf16>, vector<256x512xbf16>, vector<400x512xf32> -> vector<400x512xf32>
    %add3A_1625 = vector.broadcast %get3A_7 : vector<1x512xf32> to vector<400x512xf32>
    %add3A_1626 = arith.addf %dot_general3A_1624, %add3A_1625 : vector<400x512xf32>
    %slice3A_1627 = vector.extract_strided_slice %add3A_1626 {offsets = [0, 0], sizes = [400, 128], strides = [1, 1]} : vector<400x512xf32> to vector<400x128xf32>
    %mul3A_1628 = arith.constant 5.000000e-01 : f32
    %mul3A_1629 = vector.broadcast %mul3A_1628 : f32 to vector<400x128xf32>
    %mul3A_1630 = arith.mulf %mul3A_1629, %slice3A_1627 : vector<400x128xf32>
    %tanh3A_1631 = math.tanh %mul3A_1630 : vector<400x128xf32>
    %mul3A_1632 = arith.constant 5.000000e-01 : f32
    %mul3A_1633 = vector.broadcast %mul3A_1632 : f32 to vector<400x128xf32>
    %mul3A_1634 = arith.mulf %mul3A_1633, %tanh3A_1631 : vector<400x128xf32>
    %add3A_1635 = arith.constant 5.000000e-01 : f32
    %add3A_1636 = vector.broadcast %add3A_1635 : f32 to vector<400x128xf32>
    %add3A_1637 = arith.addf %add3A_1636, %mul3A_1634 : vector<400x128xf32>
    %slice3A_1638 = vector.extract_strided_slice %add3A_1626 {offsets = [0, 128], sizes = [400, 128], strides = [1, 1]} : vector<400x512xf32> to vector<400x128xf32>
    %mul3A_1639 = arith.constant 5.000000e-01 : f32
    %mul3A_1640 = vector.broadcast %mul3A_1639 : f32 to vector<400x128xf32>
    %mul3A_1641 = arith.mulf %mul3A_1640, %slice3A_1638 : vector<400x128xf32>
    %tanh3A_1642 = math.tanh %mul3A_1641 : vector<400x128xf32>
    %mul3A_1643 = arith.constant 5.000000e-01 : f32
    %mul3A_1644 = vector.broadcast %mul3A_1643 : f32 to vector<400x128xf32>
    %mul3A_1645 = arith.mulf %mul3A_1644, %tanh3A_1642 : vector<400x128xf32>
    %add3A_1646 = arith.constant 5.000000e-01 : f32
    %add3A_1647 = vector.broadcast %add3A_1646 : f32 to vector<400x128xf32>
    %add3A_1648 = arith.addf %add3A_1647, %mul3A_1645 : vector<400x128xf32>
    %slice3A_1649 = vector.extract_strided_slice %add3A_1626 {offsets = [0, 256], sizes = [400, 128], strides = [1, 1]} : vector<400x512xf32> to vector<400x128xf32>
    %tanh3A_1650 = math.tanh %slice3A_1649 : vector<400x128xf32>
    %slice3A_1651 = vector.extract_strided_slice %add3A_1626 {offsets = [0, 384], sizes = [400, 128], strides = [1, 1]} : vector<400x512xf32> to vector<400x128xf32>
    %mul3A_1652 = arith.constant 5.000000e-01 : f32
    %mul3A_1653 = vector.broadcast %mul3A_1652 : f32 to vector<400x128xf32>
    %mul3A_1654 = arith.mulf %mul3A_1653, %slice3A_1651 : vector<400x128xf32>
    %tanh3A_1655 = math.tanh %mul3A_1654 : vector<400x128xf32>
    %mul3A_1656 = arith.constant 5.000000e-01 : f32
    %mul3A_1657 = vector.broadcast %mul3A_1656 : f32 to vector<400x128xf32>
    %mul3A_1658 = arith.mulf %mul3A_1657, %tanh3A_1655 : vector<400x128xf32>
    %add3A_1659 = arith.constant 5.000000e-01 : f32
    %add3A_1660 = vector.broadcast %add3A_1659 : f32 to vector<400x128xf32>
    %add3A_1661 = arith.addf %add3A_1660, %mul3A_1658 : vector<400x128xf32>
    %mul3A_1662 = arith.mulf %add3A_1648, %add3A_1612 : vector<400x128xf32>
    %mul3A_1663 = arith.mulf %add3A_1637, %tanh3A_1650 : vector<400x128xf32>
    %add3A_1664 = arith.addf %mul3A_1662, %mul3A_1663 : vector<400x128xf32>
    %tanh3A_1665 = math.tanh %add3A_1664 : vector<400x128xf32>
    %mul3A_1666 = arith.mulf %add3A_1661, %tanh3A_1665 : vector<400x128xf32>
    %convert_element_type3A_1667 = arith.truncf %mul3A_1666 : vector<400x128xf32> to vector<400x128xbf16>
    %concatenate3A_1668 = tpu.concatenate %convert_element_type3A, %convert_element_type3A_1667 in 1 : vector<400x128xbf16>, vector<400x128xbf16> -> vector<400x256xbf16>
    %get3A_1669 = arith.constant 0 : index
    %get3A_1670 = arith.constant 0 : index
    %get3A_1671 = vector.load %arg5[%get3A_1669, %get3A_1670] : memref<256x64xbf16, #tpu.memory_space<vmem>>, vector<256x64xbf16>
    %dot_general3A_1672 = arith.constant dense<0.000000e+00> : vector<400x64xf32>
    %dot_general3A_1673 = tpu.matmul %concatenate3A_1668, %get3A_1671, %dot_general3A_1672 {dimension_numbers = #tpu.dot_dimension_numbers<[1], [0], [0], [1], [0, 0, 1, 1], [], []>, transpose_lhs_hint = false} : vector<400x256xbf16>, vector<256x64xbf16>, vector<400x64xf32> -> vector<400x64xf32>
    %get3A_1674 = arith.constant 0 : index
    %get3A_1675 = arith.constant 0 : index
    %get3A_1676 = vector.load %arg6[%get3A_1674, %get3A_1675] : memref<1x64xf32, #tpu.memory_space<vmem>>, vector<1x64xf32>
    %add3A_1677 = vector.broadcast %get3A_1676 : vector<1x64xf32> to vector<400x64xf32>
    %add3A_1678 = arith.addf %dot_general3A_1673, %add3A_1677 : vector<400x64xf32>
    %swap3A = arith.constant 0 : index
    %swap3A_1679 = arith.constant 0 : index
    %swap3A_1680 = vector.load %arg7[%swap3A, %swap3A_1679] : memref<400x64xf32, #tpu.memory_space<vmem>>, vector<400x64xf32>
    tpu.vector_store %arg7[%swap3A, %swap3A_1679], %add3A_1678 {strides = array<i32>} : memref<400x64xf32, #tpu.memory_space<vmem>>, vector<400x64xf32>,
    return
  }
  func.func @transform_0(%arg0: i32) -> (i32, i32, i32) {
    %c0_i32 = arith.constant 0 : i32
    %c0_i32_0 = arith.constant 0 : i32
    %c0_i32_1 = arith.constant 0 : i32
    return %c0_i32, %arg0, %c0_i32_0 : i32, i32, i32
  }
  func.func @transform_1(%arg0: i32) -> (i32, i32) {
    %c0_i32 = arith.constant 0 : i32
    %c0_i32_0 = arith.constant 0 : i32
    return %arg0, %c0_i32 : i32, i32
  }
  func.func @transform_2(%arg0: i32) -> (i32, i32) {
    %c0_i32 = arith.constant 0 : i32
    %c0_i32_0 = arith.constant 0 : i32
    %c0_i32_1 = arith.constant 0 : i32
    return %c0_i32, %c0_i32_0 : i32, i32
  }
  func.func @transform_3(%arg0: i32) -> (i32, i32) {
    %c0_i32 = arith.constant 0 : i32
    %c0_i32_0 = arith.constant 0 : i32
    %c0_i32_1 = arith.constant 0 : i32
    return %c0_i32, %c0_i32_0 : i32, i32
  }
  func.func @transform_4(%arg0: i32) -> (i32, i32) {
    %c0_i32 = arith.constant 0 : i32
    %c0_i32_0 = arith.constant 0 : i32
    %c0_i32_1 = arith.constant 0 : i32
    return %c0_i32, %c0_i32_0 : i32, i32
  }
  func.func @transform_5(%arg0: i32) -> (i32, i32) {
    %c0_i32 = arith.constant 0 : i32
    %c0_i32_0 = arith.constant 0 : i32
    %c0_i32_1 = arith.constant 0 : i32
    return %c0_i32, %c0_i32_0 : i32, i32
  }
  func.func @transform_6(%arg0: i32) -> (i32, i32) {
    %c0_i32 = arith.constant 0 : i32
    %c0_i32_0 = arith.constant 0 : i32
    return %arg0, %c0_i32 : i32, i32
  }
}

</mosaic_0001>

<sc_bundles>
// kernel: kernel.11.cloned.1.call-start
scs
__scs_entry_jumppad:
0x0: {  	(pc) =	sbr.rel $0x88, $3  }
0x1: {  	(tag) =	ssettag $0x0;
	lr =	simm.s32 $0x1  }
0x2: {  	[smem:$0x3F8A] =	sst lr;
	_ =	strace $0xD0000000  }
0x3: {  	_ = 	snop  }
0x4: {  	_ = 	snop  }
0x5: {  	_ = 	snop  }
0x6: {  	_ = 	snop  }
0x7: {  	_ = 	snop  }
__scs_overlays_trampoline_lowered:
0x8: {  	[smem:$0x3F99] =	sst s0  }
0x9: {  	[smem:$0x3F9A] =	sst s1  }
0xa: {  	[smem:$0x3F9B] =	sst s2  }
0xb: {  	[smem:$0x3F9C] =	sst s3  }
0xc: {  	[smem:$0x3F9D] =	sst s4  }
0xd: {  	[smem:$0x3F9E] =	sst s5  }
0xe: {  	[smem:$0x3F9F] =	sst s6  }
0xf: {  	[smem:$0x3FA0] =	sst s7  }
0x10: {  	[smem:$0x3FA1] =	sst s8  }
0x11: {  	[smem:$0x3FA2] =	sst s9;
	s0 =	simm.s32 @!p0 $0x0  }
0x12: {  	s1 =	sld [smem:$0x3F88];
	s0 =	simm.s32 @p0 $0x1  }
0x13: {  	[smem:$0x3FA3] =	sst s0;
	s0 =	simm.s32 @!p1 $0x0  }
0x14: {  	s2 =	sld [smem:$0x3F87];
	s0 =	simm.s32 @p1 $0x1  }
0x15: {  	[smem:$0x3FA4] =	sst s0;
	s0 =	simm.s32 @!p2 $0x0  }
0x16: {  	s3 =	sld [smem:$0x3FDB];
	s0 =	simm.s32 @p2 $0x1  }
0x17: {  	s4 =	simm.s32 $0x1BF5;
	[smem:$0x3FA6] =	sst s0  }
0x18: {  	s0 =	sld [smem:$0x3F89];
	_ =	swait.ge [sflag:s4], $0x0  }
0x19: {  	s7 =	sld [smem:$0x3F8A]  }
0x1a: {  	s8 =	sadd.s32 $0xFFFFE003, lr  }
0x1b: {  	s9 =	sadd.s32 $0xFFFFFEF7, lr;
	s5 =	simm.s32 $0xFFFFFFFF;
	p2 =	slt.u32 s8, $0xFFFFF086  }
0x1c: {  	p1 =	slt.u32 s9, $0xF7A;
	s5 =	simm.s32 @!p2 $0x0  }
0x1d: {  	s5 =	simm.s32 @p1 $0x1;
	p0 =	seq.s32 s7, s2  }
0x1e: {  	s7 =	smul.u32 @!p0 $0xF7A, s2;
	p2 =	seq.s32 @!p0 s5, $0x0  }
0x1f: {  	s9 =	smul.u32 $0xF7A, s1;
	s8 =	simm.s32 @!p0 $0x1BF5;
	p2 =	por !p2, p0  }
0x20: {  	[sflag:s8] =	ssyncset.s32 @!p0 $0xFFFFF086;
	s6 =	sadd.s32 @!p0 s3, s7;
	s7 =	simm.s32 @!p0 $0x108  }
0x21: {  	s3 =	sadd.s32 s3, s9;
	s6 =	sadd.s32 @!p0 $0x88, s6;
	s7 =	simm.s32 @p2 $0x1082  }
0x22: {  	[simem:s7], [sflag:s8] =	dma.local @!p0 [hbm:s6], $0xF7A  }
0x23: {  	s9 =	sor.u32 $0xD0000000, s2;
	s6 =	simm.s32 $0x108;
	_ =	swait.ge @!p0 [sflag:s8], $0x0  }
0x24: {  	s3 =	sadd.s32 $0x88, s3;
	s6 =	simm.s32 @!p1 $0x1082;
	[sflag:s4] =	ssyncset.s32 $0xFFFFF086  }
0x25: {  	[simem:s6], [sflag:s4] =	dma.local [hbm:s3], $0xF7A  }
0x26: {  	[smem:$0x3F8A] =	sst s1;
	(tag) =	ssettag s2;
	_ =	strace s9  }
0x27: {  	s1 =	sld [smem:$0x3F9A]  }
0x28: {  	s2 =	sld [smem:$0x3F9B]  }
0x29: {  	s4 =	sld [smem:$0x3F9D]  }
0x2a: {  	p0 =	seq.s32 s5, $0x0;
	s5 =	sld [smem:$0x3F9E]  }
0x2b: {  	s6 =	sld [smem:$0x3F9F]  }
0x2c: {  	s7 =	sld [smem:$0x3FA0]  }
0x2d: {  	s3 =	simm.s32 $0x108;
	s8 =	sld [smem:$0x3FA1]  }
0x2e: {  	s3 =	simm.s32 @!p0 $0x1082;
	s9 =	sld [smem:$0x3FA2]  }
0x2f: {  	lr =	sadd.s32 s0, s3;
	s0 =	sld [smem:$0x3F99]  }
0x30: {  	s3 =	sld [smem:$0x3F9C]  }
0x31: {  	[smem:$0x3FA5] =	sst s10  }
0x32: {  	s10 =	sld [smem:$0x3FA3];
	_ =	sdelay $0x3  }
0x33: {  	p0 =	seq.s32 s10, $0x1;
	s10 =	sld [smem:$0x3FA5];
	_ =	sdelay $0x3  }
0x34: {  	[smem:$0x3FA5] =	sst s10  }
0x35: {  	s10 =	sld [smem:$0x3FA4];
	_ =	sdelay $0x3  }
0x36: {  	p1 =	seq.s32 s10, $0x1;
	s10 =	sld [smem:$0x3FA5];
	_ =	sdelay $0x3  }
0x37: {  	[smem:$0x3FA5] =	sst s10  }
0x38: {  	s10 =	sld [smem:$0x3FA6]  }
0x39: {  	_ = 	snop;
	(pc) =	sbr.ind lr, $3  }
0x3a: {  	_ = 	snop  }
0x3b: {  	_ = 	snop  }
0x3c: {  	p2 =	seq.s32 s10, $0x1;
	s10 =	sld [smem:$0x3FA5]  }
0x3d: {  	_ =	shalt  }
0x3e: {  	_ =	shalt  }
0x3f: {  	_ =	shalt  }
0x40: {  	_ =	shalt  }
0x41: {  	_ =	shalt  }
0x42: {  	_ =	shalt  }
0x43: {  	_ =	shalt  }
0x44: {  	_ =	shalt  }
0x45: {  	_ =	shalt  }
0x46: {  	_ =	shalt  }
0x47: {  	_ =	shalt  }
0x48: {  	_ =	shalt  }
0x49: {  	_ =	shalt  }
0x4a: {  	_ =	shalt  }
0x4b: {  	_ =	shalt  }
0x4c: {  	_ =	shalt  }
0x4d: {  	_ =	shalt  }
0x4e: {  	_ =	shalt  }
0x4f: {  	_ =	shalt  }
0x50: {  	_ =	shalt  }
0x51: {  	_ =	shalt  }
0x52: {  	_ =	shalt  }
0x53: {  	_ =	shalt  }
0x54: {  	_ =	shalt  }
0x55: {  	_ =	shalt  }
0x56: {  	_ =	shalt  }
0x57: {  	_ =	shalt  }
0x58: {  	_ =	shalt  }
0x59: {  	_ =	shalt  }
0x5a: {  	_ =	shalt  }
0x5b: {  	_ =	shalt  }
0x5c: {  	_ =	shalt  }
0x5d: {  	_ =	shalt  }
0x5e: {  	_ =	shalt  }
0x5f: {  	_ =	shalt  }
0x60: {  	_ =	shalt  }
0x61: {  	_ =	shalt  }
0x62: {  	_ =	shalt  }
0x63: {  	_ =	shalt  }
0x64: {  	_ =	shalt  }
0x65: {  	_ =	shalt  }
0x66: {  	_ =	shalt  }
0x67: {  	_ =	shalt  }
0x68: {  	_ =	shalt  }
0x69: {  	_ =	shalt  }
0x6a: {  	_ =	shalt  }
0x6b: {  	_ =	shalt  }
0x6c: {  	_ =	shalt  }
0x6d: {  	_ =	shalt  }
0x6e: {  	_ =	shalt  }
0x6f: {  	_ =	shalt  }
0x70: {  	_ =	shalt  }
0x71: {  	_ =	shalt  }
0x72: {  	_ =	shalt  }
0x73: {  	_ =	shalt  }
0x74: {  	_ =	shalt  }
0x75: {  	_ =	shalt  }
0x76: {  	_ =	shalt  }
0x77: {  	_ =	shalt  }
0x78: {  	_ =	shalt  }
0x79: {  	_ =	shalt  }
0x7a: {  	_ =	shalt  }
0x7b: {  	_ =	shalt  }
0x7c: {  	_ =	shalt  }
0x7d: {  	_ =	shalt  }
0x7e: {  	_ =	shalt  }
0x7f: {  	_ =	shalt  }
0x80: {  	_ =	shalt  }
0x81: {  	_ =	shalt  }
0x82: {  	_ =	shalt  }
0x83: {  	_ =	shalt  }
0x84: {  	_ =	shalt  }
0x85: {  	_ =	shalt  }
0x86: {  	_ =	shalt  }
0x87: {  	_ =	shalt  }
.Lfunc_end0:
.L_simem_size_0:
called_computation.1_lowered:
.L_overlay_start_0:
0x88: {  	s2 =	sld [smem:$0x3FD9]  }
0x89: {  	s3 =	sld [smem:$0x3FFE];
	_ =	sdelay $0x1  }
0x8a: {  	s1 =	srdreg.scid  }
0x8b: {  	s0 =	sand.u32 $0x1, s1  }
0x8c: {  	s17 =	sshll.u32 s0, $0xA;
	s2 =	sadd.s32 s3, s2  }
0x8d: {  	s2 =	sadd.s32 s2, s17  }
0x8e: {  	[smem:$0x3FB1] =	sst s2  }
0x8f: {  	_ = 	snop  }
0x90: {  	s2 =	sld [smem:$0x3FD0];
	(tm) =	ssettm $0x1  }
0x91: {  	s18 =	sld [smem:$0x3FFB];
	_ =	sdelay $0x3  }
0x92: {  	_ =	strace s18  }
0x93: {  	s3 =	sld [smem:$0x3FFC];
	_ =	sdelay $0x3  }
0x94: {  	_ =	strace s3  }
0x95: {  	s3 =	sld [smem:$0x3FFD];
	_ =	sdelay $0x3  }
0x96: {  	_ =	strace s3  }
0x97: {  	_ =	strace $0x8FFFFFFF  }
0x98: {  	s19 =	sld [smem:$0x3FDB];
	_ =	sdelay $0x1  }
0x99: {  	s4 =	simm.s32 $_scs_section_size  }
0x9a: {  	s5 =	simm.s32 $_size__tile_overlayer_lowered;
	s6 =	simm.s32 $_tile_overlayer_lowered  }
0x9b: {  	s22 =	simm.s32 $0x1BFF;
	s21 =	sshll.u32 s6, $0x1;
	s3 =	sadd.s32 s4, s19  }
0x9c: {  	s7 =	simm.s32 $0x0;
	s20 =	sshll.u32 s5, $0x1;
	s5 =	sadd.s32 s21, s3  }
0x9d: {  	[timem:s7], [sflag:s22] =	dma.local [hbm:s5], s20  }
0x9e: {  	_ =	swait.ge [sflag:s22], s20  }
0x9f: {  	s4 =	ssub.s32 $0x0, s20;
	[sflag:s22] =	ssyncset.done $0x0  }
0xa0: {  	[sflag:s22] =	ssyncadd.s32 s4;
	_ =	sdelay $0x1  }
0xa1: {  	s23 =	simm.s32 $0x1B8B  }
0xa2: {  	_ =	swait.ge [sflag:s23], $0x1  }
0xa3: {  	[sflag:s23] =	ssyncset.done $0x0  }
0xa4: {  	s25 =	simm.s32 $0x1B8E;
	s24 =	sld [smem:$0x3FFE];
	[sflag:s23] =	ssyncadd.s32 $0xFFFFFFFF  }
0xa5: {  	s26 =	simm.s32 $execute0_lowered;
	[smem:$0x3FD2] =	sst s25  }
0xa6: {  	s5 =	sshll.u32 s26, $0x1;
	_ =	strace $0x80000049;
	[dreg:$0x1] =	wrdreg $0xFFFFFFFF  }
0xa7: {  	s28 =	simm.s32 $_size_execute0_lowered;
	s3 =	sadd.s32 s3, s5;
	[dreg:$0x0] =	wrdreg $0x0  }
0xa8: {  	s5 =	sshll.u32 s28, $0x1;
	[dreg:$0x2] =	wrdreg s3  }
0xa9: {  	[dreg:$0x3] =	wrdreg s5  }
0xaa: {  	[dreg:$0x4] =	wrdreg $0xC0  }
0xab: {  	_ =	task [dreg:s7], $0x5FFFF  }
0xac: {  	[dreg:$0x1] =	wrdreg $0xFFFFFFFF  }
0xad: {  	[dreg:$0x0] =	wrdreg $0x60  }
0xae: {  	[dreg:$0x2] =	wrdreg s24  }
0xaf: {  	[dreg:$0x3] =	wrdreg s2  }
0xb0: {  	[dreg:$0x4] =	wrdreg $0x9  }
0xb1: {  	_ =	task.clear_ibuf [dreg:s7], $0x5FFFF;
	_ =	strace $0x90000049  }
0xb2: {  	s29 =	simm.s32 $0x9;
	_ =	strace $0x8000004B  }
0xb3: {  	_ =	swait.ge [sflag:s29], $0x1  }
0xb4: {  	[sflag:s29] =	ssyncadd.s32 $0xFFFFFFFF  }
0xb5: {  	_ =	strace $0x9000004B  }
0xb6: {  	_ =	sfence  }
0xb7: {  	s30 =	sld [smem:$0x0];
	_ =	sdelay $0x2  }
0xb8: {  	s31 =	sshll.u32 s1, $0xD;
	s1 =	sshrl.u32 s1, $0x2  }
0xb9: {  	s3 =	sand.u32 $0x4000, s31;
	s1 =	sadd.s32 s1, s30  }
0xba: {  	s0 =	sor.u32 s3, s0;
	s1 =	sshll.u32 s1, $0x11  }
0xbb: {  	s0 =	sor.u32 s1, s0  }
0xbc: {  	s0 =	sadd.s32 $0x8F2B, s0  }
0xbd: {  	[sflag:s0] =	ssyncadd.remote.s32 $0x1  }
0xbe: {  	_ =	sfence.sel $0xFFFF  }
0xbf: {  	[dreg:$0x0] =	wrdreg $0xFFFFFFFF;
	(pc) =	sbr.abs _section_cstart, $3  }
0xc0: {  	[dreg:$0x1] =	wrdreg $0xFFFFFFFF  }
0xc1: {  	_ =	task.clear_ibuf [dreg:s7], $0x2FFFF;
	_ =	strace $0x9FFFFFFF  }
0xc2: {  	(tm) =	ssettm $0x7FFFFFFF  }
0xc3: {  	_ =	shalt  }
tec
execute0_lowered:
.L_overlay_start_1:
0x0: {  	(tag) =	ssettag $0x1  }
0x1: {  	s4 =	rddreg [dreg:$0x0]  }
0x2: {  	s5 =	rddreg [dreg:$0x1]  }
0x3: {  	s0 =	rddreg [dreg:$0x2];
	s2 =	simm.s32 $0x0;
	s3 =	srdreg.scid  }
0x4: {  	s1 =	stileid.u32;
	s13 =	simm.s32 $0x1;
	s14 =	simm.s32 $0x2  }
0x5: {  	s15 =	simm.s32 $0x3;
	s16 =	simm.s32 $0x4;
	s17 =	simm.s32 $0x0  }
0x6: {  	[smem:$0x7FF] =	sst s2;
	s6 =	sand.u32 $0x1, s3;
	s28 =	sshll.u32 s1, $0x1  }
0x7: {  	s3 =	sadd.s32 $0x4000, s4;
	s31 =	smul.u32 $0x4E200, s1;
	s7 =	sor.u32 s6, s28  }
0x8: {  	s10 =	sadd.s32 $0x2B200, s4;
	s8 =	ssub.s32 $0x2, s6;
	s9 =	smul.u32 $0x138800, s7  }
0x9: {  	_ =	strace $0x8000004A;
	s29 =	sshrl.u32 s8, $0x1;
	s7 =	smul.u32 $0x2710, s7  }
0xa: {  	s12 =	smul.u32 $0x27100, s6;
	s8 =	ssub.s32 s8, s29;
	s30 =	sshrl.u32 s9, $0x3  }
0xb: {  	s7 =	sshrl.u32 s7, $0x3;
	s9 =	sadd.s32 s31, s10;
	s11 =	sadd.s32 s10, s30  }
0xc: {  	s4 =	sadd.s32 s5, s7;
	s7 =	smax.u32 s8, $0x1;
	s8 =	sadd.s32 s12, s9  }
0xd: {  	s9 =	simm.s32 $0x5;
	s10 =	simm.s32 $0x28;
	s12 =	simm.s32 $0x3B80  }
0xe: {  	s5 =	sadd.s32 $0x26C00, s11;
	s6 =	sadd.s32 $0x26E80, s11;
	s11 =	simm.s32 $0x2780  }
.LBB2_1:
0xf: {  	[tilespmem:s2], [sflag:$0x5] =	stream.linear.gather [hbm4b:s4+s2], $0x2710, $0x38;
	[tilespmem:$0x4F80] =	vst v63  }
0x10: {  	_ =	swait.ge [sflag:s9], $0x2710  }
0x11: {  	[sflag:s9] =	ssyncset.done $0x0  }
0x12: {  	[sflag:s9] =	ssyncadd.s32 $0xFFFFD8F0  }
0x13: {  	[tilespmem:s11], [sflag:$0x1] =	stream.indirect.gather [hbm4b:s3+s10], $0x80, s2, s10, $0xb8;
	[tilespmem:$0x4F80] =	vst v63  }
0x14: {  	_ = 	snop  }
0x15: {  	[tilespmem:s12], [sflag:$0x2] =	stream.indirect.gather [hbm4b:s3+s10], $0x80, s10, s10, $0xb8;
	[tilespmem:$0x4F80] =	vst v63  }
0x16: {  	_ =	swait.ge [sflag:s13], $0x1400  }
0x17: {  	[sflag:s13] =	ssyncset.done $0x0  }
0x18: {  	s18 =	sadd.s32 $0x0, s8;
	[sflag:s13] =	ssyncadd.s32 $0xFFFFEC00  }
0x19: {  	[hbm4b:s18+s2] =	stream.linear.scatter [tilespmem:s11], [sflag:$0x3], $0x1400, $0x38;
	[tilespmem:$0x4F80] =	vst v63  }
0x1a: {  	_ =	swait.ge [sflag:s14], $0x1400  }
0x1b: {  	[sflag:s14] =	ssyncset.done $0x0  }
0x1c: {  	s18 =	sadd.s32 $0x280, s18;
	[sflag:s14] =	ssyncadd.s32 $0xFFFFEC00  }
0x1d: {  	[hbm4b:s18+s2] =	stream.linear.scatter [tilespmem:s12], [sflag:$0x4], $0x1400, $0x38;
	[tilespmem:$0x4F80] =	vst v63  }
0x1e: {  	_ =	swait.ge [sflag:s15], $0x1400  }
0x1f: {  	[sflag:s15] =	ssyncset.done $0x0  }
0x20: {  	s31 =	simm.s32 $0x50;
	[sflag:s15] =	ssyncadd.s32 $0xFFFFEC00  }
0x21: {  	[tilespmem:s11], [sflag:$0x1] =	stream.indirect.gather [hbm4b:s3+s10], $0x80, s31, s10, $0xb8;
	[tilespmem:$0x4F80] =	vst v63  }
0x22: {  	_ =	swait.ge [sflag:s16], $0x1400  }
0x23: {  	s19 =	simm.s32 $0x500;
	[sflag:s16] =	ssyncset.done $0x0  }
0x24: {  	s20 =	simm.s32 $0xC8;
	s18 =	simm.s32 $0x78;
	[sflag:s16] =	ssyncadd.s32 $0xFFFFEC00  }
.LBB2_2:
0x25: {  	[tilespmem:s12], [sflag:$0x2] =	stream.indirect.gather [hbm4b:s3+s10], $0x80, s18, s10, $0xb8;
	[tilespmem:$0x4F80] =	vst v63  }
0x26: {  	s21 =	smov.u32 s19;
	s18 =	smov.u32 s20  }
0x27: {  	p0 =	sne.s32 s19, $0x26700;
	s19 =	sadd.s32 $0x500, s19;
	_ =	swait.ge [sflag:s13], $0x1400  }
0x28: {  	[sflag:s13] =	ssyncset.done $0x0  }
0x29: {  	s21 =	sadd.s32 s21, s8;
	[sflag:s13] =	ssyncadd.s32 $0xFFFFEC00  }
0x2a: {  	[hbm4b:s21+s2] =	stream.linear.scatter [tilespmem:s11], [sflag:$0x3], $0x1400, $0x38;
	[tilespmem:$0x4F80] =	vst v63  }
0x2b: {  	_ =	swait.ge [sflag:s14], $0x1400  }
0x2c: {  	[sflag:s14] =	ssyncset.done $0x0  }
0x2d: {  	s21 =	sadd.s32 $0x280, s21;
	[sflag:s14] =	ssyncadd.s32 $0xFFFFEC00  }
0x2e: {  	[hbm4b:s21+s2] =	stream.linear.scatter [tilespmem:s12], [sflag:$0x4], $0x1400, $0x38;
	[tilespmem:$0x4F80] =	vst v63  }
0x2f: {  	_ =	swait.ge [sflag:s15], $0x1400  }
0x30: {  	[sflag:s15] =	ssyncset.done $0x0  }
.Ltmp0:
0x31: {  	s21 =	sadd.s32 $0xFFFFFFD8, s20;
	[sflag:s15] =	ssyncadd.s32 $0xFFFFEC00;
	(pc) =	sbr.rel @p0 .LBB2_2-.Ltmp0, $4  }
0x32: {  	[tilespmem:s11], [sflag:$0x1] =	stream.indirect.gather [hbm4b:s3+s10], $0x80, s21, s10, $0xb8;
	[tilespmem:$0x4F80] =	vst v63  }
0x33: {  	_ =	swait.ge [sflag:s16], $0x1400  }
0x34: {  	[sflag:s16] =	ssyncset.done $0x0  }
0x35: {  	s20 =	sadd.s32 $0x50, s20;
	[sflag:s16] =	ssyncadd.s32 $0xFFFFEC00  }
0x36: {  	[tilespmem:s12], [sflag:$0x2] =	stream.indirect.gather [hbm4b:s3+s10], $0x80, s18, s10, $0xb8;
	[tilespmem:$0x4F80] =	vst v63  }
0x37: {  	_ =	swait.ge [sflag:s13], $0x1400  }
0x38: {  	[sflag:s13] =	ssyncset.done $0x0  }
0x39: {  	[sflag:s13] =	ssyncadd.s32 $0xFFFFEC00  }
0x3a: {  	[hbm4b:s5+s2] =	stream.linear.scatter [tilespmem:s11], [sflag:$0x3], $0x1400, $0x38;
	[tilespmem:$0x4F80] =	vst v63  }
0x3b: {  	_ =	swait.ge [sflag:s14], $0x1400  }
0x3c: {  	[sflag:s14] =	ssyncset.done $0x0  }
0x3d: {  	s17 =	sadd.s32 $0x1, s17;
	[sflag:s14] =	ssyncadd.s32 $0xFFFFEC00  }
0x3e: {  	[hbm4b:s6+s2] =	stream.linear.scatter [tilespmem:s12], [sflag:$0x4], $0x1400, $0x38;
	[tilespmem:$0x4F80] =	vst v63  }
0x3f: {  	p0 =	sne.s32 s17, s7;
	_ =	swait.ge [sflag:s15], $0x1400  }
.Ltmp1:
0x40: {  	[sflag:s15] =	ssyncset.done $0x0;
	(pc) =	sbr.rel @p0 .LBB2_1-.Ltmp1, $4  }
0x41: {  	[sflag:s15] =	ssyncadd.s32 $0xFFFFEC00  }
0x42: {  	_ =	swait.ge [sflag:s16], $0x1400  }
0x43: {  	[sflag:s16] =	ssyncset.done $0x0  }
0x44: {  	[sflag:s16] =	ssyncadd.s32 $0xFFFFEC00  }
0x45: {  	_ =	sfence.sel $0x180000  }
0x46: {  	[bflag:$0x0] =	sbarrier.arrive $0xFFFF  }
0x47: {  	p0 =	sne.s32 s1, $0x0;
	_ =	strace $0x9000004A  }
0x48: {  	s0 =	sadd.s32 @!p0 $0x100000, s0;
	[bflag:$0x2] =	sbarrier.arrive $0xFFFF  }
0x49: {  	[sflag:s0] =	ssyncadd.tile.s32 @!p0 $0x1;
	_ =	shalt  }
.Lfunc_end2:
_tile_overlayer_lowered:
.L_overlay_start_2:
0x4a: {  	(tag) =	ssettag $0x2  }
0x4b: {  	s0 =	rddreg [dreg:$0x0];
	s2 =	stileid.u32  }
0x4c: {  	s1 =	rddreg [dreg:$0x1];
	p0 =	sne.s32 s2, $0x0  }
0x4d: {  	s3 =	rddreg [dreg:$0x2];
	[bflag:$0x3] =	sbarrier.arrive $0xFFFF;
	s2 =	simm.s32 @!p0 $0x1C05  }
0x4e: {  	[timem:s3], [sflag:s2] =	dma.local @!p0 [hbm:s0], s1  }
0x4f: {  	s0 =	simm.s32 @!p0 $0x5  }
0x50: {  	_ =	swait.ge @!p0 [sflag:s0], s1  }
0x51: {  	s1 =	ssub.s32 @!p0 $0x0, s1;
	[sflag:s0] =	ssyncset.done @!p0 $0x0  }
0x52: {  	[sflag:s0] =	ssyncadd.s32 @!p0 s1  }
0x53: {  	[bflag:$0x3] =	sbarrier.arrive $0xFFFF  }
0x54: {  	_ =	shalt  }

// kernel: kernel.14.cloned.1.call-start
scs
__scs_entry_jumppad:
0x0: {  	(pc) =	sbr.rel $0x88, $3  }
0x1: {  	(tag) =	ssettag $0x0;
	lr =	simm.s32 $0x1  }
0x2: {  	[smem:$0x3F8A] =	sst lr;
	_ =	strace $0xD0000000  }
0x3: {  	_ = 	snop  }
0x4: {  	_ = 	snop  }
0x5: {  	_ = 	snop  }
0x6: {  	_ = 	snop  }
0x7: {  	_ = 	snop  }
__scs_overlays_trampoline_lowered:
0x8: {  	[smem:$0x3F99] =	sst s0  }
0x9: {  	[smem:$0x3F9A] =	sst s1  }
0xa: {  	[smem:$0x3F9B] =	sst s2  }
0xb: {  	[smem:$0x3F9C] =	sst s3  }
0xc: {  	[smem:$0x3F9D] =	sst s4  }
0xd: {  	[smem:$0x3F9E] =	sst s5  }
0xe: {  	[smem:$0x3F9F] =	sst s6  }
0xf: {  	[smem:$0x3FA0] =	sst s7  }
0x10: {  	[smem:$0x3FA1] =	sst s8  }
0x11: {  	[smem:$0x3FA2] =	sst s9;
	s0 =	simm.s32 @!p0 $0x0  }
0x12: {  	s1 =	sld [smem:$0x3F88];
	s0 =	simm.s32 @p0 $0x1  }
0x13: {  	[smem:$0x3FA3] =	sst s0;
	s0 =	simm.s32 @!p1 $0x0  }
0x14: {  	s2 =	sld [smem:$0x3F87];
	s0 =	simm.s32 @p1 $0x1  }
0x15: {  	[smem:$0x3FA4] =	sst s0;
	s0 =	simm.s32 @!p2 $0x0  }
0x16: {  	s3 =	sld [smem:$0x3FDB];
	s0 =	simm.s32 @p2 $0x1  }
0x17: {  	s4 =	simm.s32 $0x1BF5;
	[smem:$0x3FA6] =	sst s0  }
0x18: {  	s0 =	sld [smem:$0x3F89];
	_ =	swait.ge [sflag:s4], $0x0  }
0x19: {  	s7 =	sld [smem:$0x3F8A]  }
0x1a: {  	s8 =	sadd.s32 $0xFFFFE003, lr  }
0x1b: {  	s9 =	sadd.s32 $0xFFFFFEF7, lr;
	s5 =	simm.s32 $0xFFFFFFFF;
	p2 =	slt.u32 s8, $0xFFFFF086  }
0x1c: {  	p1 =	slt.u32 s9, $0xF7A;
	s5 =	simm.s32 @!p2 $0x0  }
0x1d: {  	s5 =	simm.s32 @p1 $0x1;
	p0 =	seq.s32 s7, s2  }
0x1e: {  	s7 =	smul.u32 @!p0 $0xF7A, s2;
	p2 =	seq.s32 @!p0 s5, $0x0  }
0x1f: {  	s9 =	smul.u32 $0xF7A, s1;
	s8 =	simm.s32 @!p0 $0x1BF5;
	p2 =	por !p2, p0  }
0x20: {  	[sflag:s8] =	ssyncset.s32 @!p0 $0xFFFFF086;
	s6 =	sadd.s32 @!p0 s3, s7;
	s7 =	simm.s32 @!p0 $0x108  }
0x21: {  	s3 =	sadd.s32 s3, s9;
	s6 =	sadd.s32 @!p0 $0x88, s6;
	s7 =	simm.s32 @p2 $0x1082  }
0x22: {  	[simem:s7], [sflag:s8] =	dma.local @!p0 [hbm:s6], $0xF7A  }
0x23: {  	s9 =	sor.u32 $0xD0000000, s2;
	s6 =	simm.s32 $0x108;
	_ =	swait.ge @!p0 [sflag:s8], $0x0  }
0x24: {  	s3 =	sadd.s32 $0x88, s3;
	s6 =	simm.s32 @!p1 $0x1082;
	[sflag:s4] =	ssyncset.s32 $0xFFFFF086  }
0x25: {  	[simem:s6], [sflag:s4] =	dma.local [hbm:s3], $0xF7A  }
0x26: {  	[smem:$0x3F8A] =	sst s1;
	(tag) =	ssettag s2;
	_ =	strace s9  }
0x27: {  	s1 =	sld [smem:$0x3F9A]  }
0x28: {  	s2 =	sld [smem:$0x3F9B]  }
0x29: {  	s4 =	sld [smem:$0x3F9D]  }
0x2a: {  	p0 =	seq.s32 s5, $0x0;
	s5 =	sld [smem:$0x3F9E]  }
0x2b: {  	s6 =	sld [smem:$0x3F9F]  }
0x2c: {  	s7 =	sld [smem:$0x3FA0]  }
0x2d: {  	s3 =	simm.s32 $0x108;
	s8 =	sld [smem:$0x3FA1]  }
0x2e: {  	s3 =	simm.s32 @!p0 $0x1082;
	s9 =	sld [smem:$0x3FA2]  }
0x2f: {  	lr =	sadd.s32 s0, s3;
	s0 =	sld [smem:$0x3F99]  }
0x30: {  	s3 =	sld [smem:$0x3F9C]  }
0x31: {  	[smem:$0x3FA5] =	sst s10  }
0x32: {  	s10 =	sld [smem:$0x3FA3];
	_ =	sdelay $0x3  }
0x33: {  	p0 =	seq.s32 s10, $0x1;
	s10 =	sld [smem:$0x3FA5];
	_ =	sdelay $0x3  }
0x34: {  	[smem:$0x3FA5] =	sst s10  }
0x35: {  	s10 =	sld [smem:$0x3FA4];
	_ =	sdelay $0x3  }
0x36: {  	p1 =	seq.s32 s10, $0x1;
	s10 =	sld [smem:$0x3FA5];
	_ =	sdelay $0x3  }
0x37: {  	[smem:$0x3FA5] =	sst s10  }
0x38: {  	s10 =	sld [smem:$0x3FA6]  }
0x39: {  	_ = 	snop;
	(pc) =	sbr.ind lr, $3  }
0x3a: {  	_ = 	snop  }
0x3b: {  	_ = 	snop  }
0x3c: {  	p2 =	seq.s32 s10, $0x1;
	s10 =	sld [smem:$0x3FA5]  }
0x3d: {  	_ =	shalt  }
0x3e: {  	_ =	shalt  }
0x3f: {  	_ =	shalt  }
0x40: {  	_ =	shalt  }
0x41: {  	_ =	shalt  }
0x42: {  	_ =	shalt  }
0x43: {  	_ =	shalt  }
0x44: {  	_ =	shalt  }
0x45: {  	_ =	shalt  }
0x46: {  	_ =	shalt  }
0x47: {  	_ =	shalt  }
0x48: {  	_ =	shalt  }
0x49: {  	_ =	shalt  }
0x4a: {  	_ =	shalt  }
0x4b: {  	_ =	shalt  }
0x4c: {  	_ =	shalt  }
0x4d: {  	_ =	shalt  }
0x4e: {  	_ =	shalt  }
0x4f: {  	_ =	shalt  }
0x50: {  	_ =	shalt  }
0x51: {  	_ =	shalt  }
0x52: {  	_ =	shalt  }
0x53: {  	_ =	shalt  }
0x54: {  	_ =	shalt  }
0x55: {  	_ =	shalt  }
0x56: {  	_ =	shalt  }
0x57: {  	_ =	shalt  }
0x58: {  	_ =	shalt  }
0x59: {  	_ =	shalt  }
0x5a: {  	_ =	shalt  }
0x5b: {  	_ =	shalt  }
0x5c: {  	_ =	shalt  }
0x5d: {  	_ =	shalt  }
0x5e: {  	_ =	shalt  }
0x5f: {  	_ =	shalt  }
0x60: {  	_ =	shalt  }
0x61: {  	_ =	shalt  }
0x62: {  	_ =	shalt  }
0x63: {  	_ =	shalt  }
0x64: {  	_ =	shalt  }
0x65: {  	_ =	shalt  }
0x66: {  	_ =	shalt  }
0x67: {  	_ =	shalt  }
0x68: {  	_ =	shalt  }
0x69: {  	_ =	shalt  }
0x6a: {  	_ =	shalt  }
0x6b: {  	_ =	shalt  }
0x6c: {  	_ =	shalt  }
0x6d: {  	_ =	shalt  }
0x6e: {  	_ =	shalt  }
0x6f: {  	_ =	shalt  }
0x70: {  	_ =	shalt  }
0x71: {  	_ =	shalt  }
0x72: {  	_ =	shalt  }
0x73: {  	_ =	shalt  }
0x74: {  	_ =	shalt  }
0x75: {  	_ =	shalt  }
0x76: {  	_ =	shalt  }
0x77: {  	_ =	shalt  }
0x78: {  	_ =	shalt  }
0x79: {  	_ =	shalt  }
0x7a: {  	_ =	shalt  }
0x7b: {  	_ =	shalt  }
0x7c: {  	_ =	shalt  }
0x7d: {  	_ =	shalt  }
0x7e: {  	_ =	shalt  }
0x7f: {  	_ =	shalt  }
0x80: {  	_ =	shalt  }
0x81: {  	_ =	shalt  }
0x82: {  	_ =	shalt  }
0x83: {  	_ =	shalt  }
0x84: {  	_ =	shalt  }
0x85: {  	_ =	shalt  }
0x86: {  	_ =	shalt  }
0x87: {  	_ =	shalt  }
.Lfunc_end0:
.L_simem_size_0:
called_computation.2_lowered:
.L_overlay_start_0:
0x88: {  	s2 =	sld [smem:$0x3FD9]  }
0x89: {  	s3 =	sld [smem:$0x3FFE];
	_ =	sdelay $0x1  }
0x8a: {  	s1 =	srdreg.scid  }
0x8b: {  	s0 =	sand.u32 $0x1, s1  }
0x8c: {  	s17 =	sshll.u32 s0, $0xA;
	s2 =	sadd.s32 s3, s2  }
0x8d: {  	s2 =	sadd.s32 s2, s17  }
0x8e: {  	[smem:$0x3FB1] =	sst s2  }
0x8f: {  	_ = 	snop  }
0x90: {  	s2 =	sld [smem:$0x3FD0];
	(tm) =	ssettm $0x1  }
0x91: {  	s18 =	sld [smem:$0x3FFB];
	_ =	sdelay $0x3  }
0x92: {  	_ =	strace s18  }
0x93: {  	s3 =	sld [smem:$0x3FFC];
	_ =	sdelay $0x3  }
0x94: {  	_ =	strace s3  }
0x95: {  	s3 =	sld [smem:$0x3FFD];
	_ =	sdelay $0x3  }
0x96: {  	_ =	strace s3  }
0x97: {  	_ =	strace $0x8FFFFFFF  }
0x98: {  	s19 =	sld [smem:$0x3FDB];
	_ =	sdelay $0x1  }
0x99: {  	s4 =	simm.s32 $_scs_section_size  }
0x9a: {  	s5 =	simm.s32 $_size__tile_overlayer_lowered;
	s6 =	simm.s32 $_tile_overlayer_lowered  }
0x9b: {  	s22 =	simm.s32 $0x1BFF;
	s21 =	sshll.u32 s6, $0x1;
	s3 =	sadd.s32 s4, s19  }
0x9c: {  	s7 =	simm.s32 $0x0;
	s20 =	sshll.u32 s5, $0x1;
	s5 =	sadd.s32 s21, s3  }
0x9d: {  	[timem:s7], [sflag:s22] =	dma.local [hbm:s5], s20  }
0x9e: {  	_ =	swait.ge [sflag:s22], s20  }
0x9f: {  	s4 =	ssub.s32 $0x0, s20;
	[sflag:s22] =	ssyncset.done $0x0  }
0xa0: {  	[sflag:s22] =	ssyncadd.s32 s4;
	_ =	sdelay $0x1  }
0xa1: {  	s23 =	simm.s32 $0x1B8B  }
0xa2: {  	_ =	swait.ge [sflag:s23], $0x1  }
0xa3: {  	[sflag:s23] =	ssyncset.done $0x0  }
0xa4: {  	s25 =	simm.s32 $0x1B8E;
	s24 =	sld [smem:$0x3FFE];
	[sflag:s23] =	ssyncadd.s32 $0xFFFFFFFF  }
0xa5: {  	s26 =	simm.s32 $execute0_lowered;
	[smem:$0x3FD2] =	sst s25  }
0xa6: {  	s5 =	sshll.u32 s26, $0x1;
	_ =	strace $0x8000004C;
	[dreg:$0x1] =	wrdreg $0xFFFFFFFF  }
0xa7: {  	s28 =	simm.s32 $_size_execute0_lowered;
	s3 =	sadd.s32 s3, s5;
	[dreg:$0x0] =	wrdreg $0x0  }
0xa8: {  	s5 =	sshll.u32 s28, $0x1;
	[dreg:$0x2] =	wrdreg s3  }
0xa9: {  	[dreg:$0x3] =	wrdreg s5  }
0xaa: {  	[dreg:$0x4] =	wrdreg $0xC0  }
0xab: {  	_ =	task [dreg:s7], $0x5FFFF  }
0xac: {  	[dreg:$0x1] =	wrdreg $0xFFFFFFFF  }
0xad: {  	[dreg:$0x0] =	wrdreg $0x60  }
0xae: {  	[dreg:$0x2] =	wrdreg s24  }
0xaf: {  	[dreg:$0x3] =	wrdreg s2  }
0xb0: {  	[dreg:$0x4] =	wrdreg $0x9  }
0xb1: {  	_ =	task.clear_ibuf [dreg:s7], $0x5FFFF;
	_ =	strace $0x9000004C  }
0xb2: {  	s29 =	simm.s32 $0x9;
	_ =	strace $0x8000004E  }
0xb3: {  	_ =	swait.ge [sflag:s29], $0x1  }
0xb4: {  	[sflag:s29] =	ssyncadd.s32 $0xFFFFFFFF  }
0xb5: {  	_ =	strace $0x9000004E  }
0xb6: {  	_ =	sfence  }
0xb7: {  	s30 =	sld [smem:$0x0];
	_ =	sdelay $0x2  }
0xb8: {  	s31 =	sshll.u32 s1, $0xD;
	s1 =	sshrl.u32 s1, $0x2  }
0xb9: {  	s3 =	sand.u32 $0x4000, s31;
	s1 =	sadd.s32 s1, s30  }
0xba: {  	s0 =	sor.u32 s3, s0;
	s1 =	sshll.u32 s1, $0x11  }
0xbb: {  	s0 =	sor.u32 s1, s0  }
0xbc: {  	s0 =	sadd.s32 $0x8F2B, s0  }
0xbd: {  	[sflag:s0] =	ssyncadd.remote.s32 $0x1  }
0xbe: {  	_ =	sfence.sel $0xFFFF  }
0xbf: {  	[dreg:$0x0] =	wrdreg $0xFFFFFFFF;
	(pc) =	sbr.abs _section_cstart, $3  }
0xc0: {  	[dreg:$0x1] =	wrdreg $0xFFFFFFFF  }
0xc1: {  	_ =	task.clear_ibuf [dreg:s7], $0x2FFFF;
	_ =	strace $0x9FFFFFFF  }
0xc2: {  	(tm) =	ssettm $0x7FFFFFFF  }
0xc3: {  	_ =	shalt  }
tec
execute0_lowered:
.L_overlay_start_1:
0x0: {  	(tag) =	ssettag $0x1  }
0x1: {  	s4 =	rddreg [dreg:$0x0]  }
0x2: {  	s5 =	rddreg [dreg:$0x1]  }
0x3: {  	s0 =	rddreg [dreg:$0x2];
	s2 =	simm.s32 $0x0;
	s3 =	srdreg.scid  }
0x4: {  	s1 =	stileid.u32;
	s13 =	simm.s32 $0x1;
	s14 =	simm.s32 $0x2  }
0x5: {  	s15 =	simm.s32 $0x3;
	s16 =	simm.s32 $0x4;
	s17 =	simm.s32 $0x0  }
0x6: {  	[smem:$0x7FF] =	sst s2;
	s6 =	sand.u32 $0x1, s3;
	s28 =	sshll.u32 s1, $0x1  }
0x7: {  	s3 =	sadd.s32 $0x4000, s4;
	s31 =	smul.u32 $0x4E200, s1;
	s7 =	sor.u32 s6, s28  }
0x8: {  	s10 =	sadd.s32 $0x2B200, s4;
	s8 =	ssub.s32 $0x2, s6;
	s9 =	smul.u32 $0x138800, s7  }
0x9: {  	_ =	strace $0x8000004D;
	s29 =	sshrl.u32 s8, $0x1;
	s7 =	smul.u32 $0x2710, s7  }
0xa: {  	s12 =	smul.u32 $0x27100, s6;
	s8 =	ssub.s32 s8, s29;
	s30 =	sshrl.u32 s9, $0x3  }
0xb: {  	s7 =	sshrl.u32 s7, $0x3;
	s9 =	sadd.s32 s31, s10;
	s11 =	sadd.s32 s10, s30  }
0xc: {  	s4 =	sadd.s32 s5, s7;
	s7 =	smax.u32 s8, $0x1;
	s8 =	sadd.s32 s12, s9  }
0xd: {  	s9 =	simm.s32 $0x5;
	s10 =	simm.s32 $0x28;
	s12 =	simm.s32 $0x3B80  }
0xe: {  	s5 =	sadd.s32 $0x26C00, s11;
	s6 =	sadd.s32 $0x26E80, s11;
	s11 =	simm.s32 $0x2780  }
.LBB2_1:
0xf: {  	[tilespmem:s2], [sflag:$0x5] =	stream.linear.gather [hbm4b:s4+s2], $0x2710, $0x38;
	[tilespmem:$0x4F80] =	vst v63  }
0x10: {  	_ =	swait.ge [sflag:s9], $0x2710  }
0x11: {  	[sflag:s9] =	ssyncset.done $0x0  }
0x12: {  	[sflag:s9] =	ssyncadd.s32 $0xFFFFD8F0  }
0x13: {  	[tilespmem:s11], [sflag:$0x1] =	stream.indirect.gather [hbm4b:s3+s10], $0x80, s2, s10, $0xb8;
	[tilespmem:$0x4F80] =	vst v63  }
0x14: {  	_ = 	snop  }
0x15: {  	[tilespmem:s12], [sflag:$0x2] =	stream.indirect.gather [hbm4b:s3+s10], $0x80, s10, s10, $0xb8;
	[tilespmem:$0x4F80] =	vst v63  }
0x16: {  	_ =	swait.ge [sflag:s13], $0x1400  }
0x17: {  	[sflag:s13] =	ssyncset.done $0x0  }
0x18: {  	s18 =	sadd.s32 $0x0, s8;
	[sflag:s13] =	ssyncadd.s32 $0xFFFFEC00  }
0x19: {  	[hbm4b:s18+s2] =	stream.linear.scatter [tilespmem:s11], [sflag:$0x3], $0x1400, $0x38;
	[tilespmem:$0x4F80] =	vst v63  }
0x1a: {  	_ =	swait.ge [sflag:s14], $0x1400  }
0x1b: {  	[sflag:s14] =	ssyncset.done $0x0  }
0x1c: {  	s18 =	sadd.s32 $0x280, s18;
	[sflag:s14] =	ssyncadd.s32 $0xFFFFEC00  }
0x1d: {  	[hbm4b:s18+s2] =	stream.linear.scatter [tilespmem:s12], [sflag:$0x4], $0x1400, $0x38;
	[tilespmem:$0x4F80] =	vst v63  }
0x1e: {  	_ =	swait.ge [sflag:s15], $0x1400  }
0x1f: {  	[sflag:s15] =	ssyncset.done $0x0  }
0x20: {  	s31 =	simm.s32 $0x50;
	[sflag:s15] =	ssyncadd.s32 $0xFFFFEC00  }
0x21: {  	[tilespmem:s11], [sflag:$0x1] =	stream.indirect.gather [hbm4b:s3+s10], $0x80, s31, s10, $0xb8;
	[tilespmem:$0x4F80] =	vst v63  }
0x22: {  	_ =	swait.ge [sflag:s16], $0x1400  }
0x23: {  	s19 =	simm.s32 $0x500;
	[sflag:s16] =	ssyncset.done $0x0  }
0x24: {  	s20 =	simm.s32 $0xC8;
	s18 =	simm.s32 $0x78;
	[sflag:s16] =	ssyncadd.s32 $0xFFFFEC00  }
.LBB2_2:
0x25: {  	[tilespmem:s12], [sflag:$0x2] =	stream.indirect.gather [hbm4b:s3+s10], $0x80, s18, s10, $0xb8;
	[tilespmem:$0x4F80] =	vst v63  }
0x26: {  	s21 =	smov.u32 s19;
	s18 =	smov.u32 s20  }
0x27: {  	p0 =	sne.s32 s19, $0x26700;
	s19 =	sadd.s32 $0x500, s19;
	_ =	swait.ge [sflag:s13], $0x1400  }
0x28: {  	[sflag:s13] =	ssyncset.done $0x0  }
0x29: {  	s21 =	sadd.s32 s21, s8;
	[sflag:s13] =	ssyncadd.s32 $0xFFFFEC00  }
0x2a: {  	[hbm4b:s21+s2] =	stream.linear.scatter [tilespmem:s11], [sflag:$0x3], $0x1400, $0x38;
	[tilespmem:$0x4F80] =	vst v63  }
0x2b: {  	_ =	swait.ge [sflag:s14], $0x1400  }
0x2c: {  	[sflag:s14] =	ssyncset.done $0x0  }
0x2d: {  	s21 =	sadd.s32 $0x280, s21;
	[sflag:s14] =	ssyncadd.s32 $0xFFFFEC00  }
0x2e: {  	[hbm4b:s21+s2] =	stream.linear.scatter [tilespmem:s12], [sflag:$0x4], $0x1400, $0x38;
	[tilespmem:$0x4F80] =	vst v63  }
0x2f: {  	_ =	swait.ge [sflag:s15], $0x1400  }
0x30: {  	[sflag:s15] =	ssyncset.done $0x0  }
.Ltmp0:
0x31: {  	s21 =	sadd.s32 $0xFFFFFFD8, s20;
	[sflag:s15] =	ssyncadd.s32 $0xFFFFEC00;
	(pc) =	sbr.rel @p0 .LBB2_2-.Ltmp0, $4  }
0x32: {  	[tilespmem:s11], [sflag:$0x1] =	stream.indirect.gather [hbm4b:s3+s10], $0x80, s21, s10, $0xb8;
	[tilespmem:$0x4F80] =	vst v63  }
0x33: {  	_ =	swait.ge [sflag:s16], $0x1400  }
0x34: {  	[sflag:s16] =	ssyncset.done $0x0  }
0x35: {  	s20 =	sadd.s32 $0x50, s20;
	[sflag:s16] =	ssyncadd.s32 $0xFFFFEC00  }
0x36: {  	[tilespmem:s12], [sflag:$0x2] =	stream.indirect.gather [hbm4b:s3+s10], $0x80, s18, s10, $0xb8;
	[tilespmem:$0x4F80] =	vst v63  }
0x37: {  	_ =	swait.ge [sflag:s13], $0x1400  }
0x38: {  	[sflag:s13] =	ssyncset.done $0x0  }
0x39: {  	[sflag:s13] =	ssyncadd.s32 $0xFFFFEC00  }
0x3a: {  	[hbm4b:s5+s2] =	stream.linear.scatter [tilespmem:s11], [sflag:$0x3], $0x1400, $0x38;
	[tilespmem:$0x4F80] =	vst v63  }
0x3b: {  	_ =	swait.ge [sflag:s14], $0x1400  }
0x3c: {  	[sflag:s14] =	ssyncset.done $0x0  }
0x3d: {  	s17 =	sadd.s32 $0x1, s17;
	[sflag:s14] =	ssyncadd.s32 $0xFFFFEC00  }
0x3e: {  	[hbm4b:s6+s2] =	stream.linear.scatter [tilespmem:s12], [sflag:$0x4], $0x1400, $0x38;
	[tilespmem:$0x4F80] =	vst v63  }
0x3f: {  	p0 =	sne.s32 s17, s7;
	_ =	swait.ge [sflag:s15], $0x1400  }
.Ltmp1:
0x40: {  	[sflag:s15] =	ssyncset.done $0x0;
	(pc) =	sbr.rel @p0 .LBB2_1-.Ltmp1, $4  }
0x41: {  	[sflag:s15] =	ssyncadd.s32 $0xFFFFEC00  }
0x42: {  	_ =	swait.ge [sflag:s16], $0x1400  }
0x43: {  	[sflag:s16] =	ssyncset.done $0x0  }
0x44: {  	[sflag:s16] =	ssyncadd.s32 $0xFFFFEC00  }
0x45: {  	_ =	sfence.sel $0x180000  }
0x46: {  	[bflag:$0x0] =	sbarrier.arrive $0xFFFF  }
0x47: {  	p0 =	sne.s32 s1, $0x0;
	_ =	strace $0x9000004D  }
0x48: {  	s0 =	sadd.s32 @!p0 $0x100000, s0;
	[bflag:$0x2] =	sbarrier.arrive $0xFFFF  }
0x49: {  	[sflag:s0] =	ssyncadd.tile.s32 @!p0 $0x1;
	_ =	shalt  }
.Lfunc_end2:
_tile_overlayer_lowered:
.L_overlay_start_2:
0x4a: {  	(tag) =	ssettag $0x2  }
0x4b: {  	s0 =	rddreg [dreg:$0x0];
	s2 =	stileid.u32  }
0x4c: {  	s1 =	rddreg [dreg:$0x1];
	p0 =	sne.s32 s2, $0x0  }
0x4d: {  	s3 =	rddreg [dreg:$0x2];
	[bflag:$0x3] =	sbarrier.arrive $0xFFFF;
	s2 =	simm.s32 @!p0 $0x1C05  }
0x4e: {  	[timem:s3], [sflag:s2] =	dma.local @!p0 [hbm:s0], s1  }
0x4f: {  	s0 =	simm.s32 @!p0 $0x5  }
0x50: {  	_ =	swait.ge @!p0 [sflag:s0], s1  }
0x51: {  	s1 =	ssub.s32 @!p0 $0x0, s1;
	[sflag:s0] =	ssyncset.done @!p0 $0x0  }
0x52: {  	[sflag:s0] =	ssyncadd.s32 @!p0 s1  }
0x53: {  	[bflag:$0x3] =	sbarrier.arrive $0xFFFF  }
0x54: {  	_ =	shalt  }

// kernel: kernel.8.cloned.1.call-start
scs
__scs_entry_jumppad:
0x0: {  	(pc) =	sbr.rel $0x88, $3  }
0x1: {  	(tag) =	ssettag $0x0;
	lr =	simm.s32 $0x1  }
0x2: {  	[smem:$0x3F8A] =	sst lr;
	_ =	strace $0xD0000000  }
0x3: {  	_ = 	snop  }
0x4: {  	_ = 	snop  }
0x5: {  	_ = 	snop  }
0x6: {  	_ = 	snop  }
0x7: {  	_ = 	snop  }
__scs_overlays_trampoline_lowered:
0x8: {  	[smem:$0x3F99] =	sst s0  }
0x9: {  	[smem:$0x3F9A] =	sst s1  }
0xa: {  	[smem:$0x3F9B] =	sst s2  }
0xb: {  	[smem:$0x3F9C] =	sst s3  }
0xc: {  	[smem:$0x3F9D] =	sst s4  }
0xd: {  	[smem:$0x3F9E] =	sst s5  }
0xe: {  	[smem:$0x3F9F] =	sst s6  }
0xf: {  	[smem:$0x3FA0] =	sst s7  }
0x10: {  	[smem:$0x3FA1] =	sst s8  }
0x11: {  	[smem:$0x3FA2] =	sst s9;
	s0 =	simm.s32 @!p0 $0x0  }
0x12: {  	s1 =	sld [smem:$0x3F88];
	s0 =	simm.s32 @p0 $0x1  }
0x13: {  	[smem:$0x3FA3] =	sst s0;
	s0 =	simm.s32 @!p1 $0x0  }
0x14: {  	s2 =	sld [smem:$0x3F87];
	s0 =	simm.s32 @p1 $0x1  }
0x15: {  	[smem:$0x3FA4] =	sst s0;
	s0 =	simm.s32 @!p2 $0x0  }
0x16: {  	s3 =	sld [smem:$0x3FDB];
	s0 =	simm.s32 @p2 $0x1  }
0x17: {  	s4 =	simm.s32 $0x1BF5;
	[smem:$0x3FA6] =	sst s0  }
0x18: {  	s0 =	sld [smem:$0x3F89];
	_ =	swait.ge [sflag:s4], $0x0  }
0x19: {  	s7 =	sld [smem:$0x3F8A]  }
0x1a: {  	s8 =	sadd.s32 $0xFFFFE003, lr  }
0x1b: {  	s9 =	sadd.s32 $0xFFFFFEF7, lr;
	s5 =	simm.s32 $0xFFFFFFFF;
	p2 =	slt.u32 s8, $0xFFFFF086  }
0x1c: {  	p1 =	slt.u32 s9, $0xF7A;
	s5 =	simm.s32 @!p2 $0x0  }
0x1d: {  	s5 =	simm.s32 @p1 $0x1;
	p0 =	seq.s32 s7, s2  }
0x1e: {  	s7 =	smul.u32 @!p0 $0xF7A, s2;
	p2 =	seq.s32 @!p0 s5, $0x0  }
0x1f: {  	s9 =	smul.u32 $0xF7A, s1;
	s8 =	simm.s32 @!p0 $0x1BF5;
	p2 =	por !p2, p0  }
0x20: {  	[sflag:s8] =	ssyncset.s32 @!p0 $0xFFFFF086;
	s6 =	sadd.s32 @!p0 s3, s7;
	s7 =	simm.s32 @!p0 $0x108  }
0x21: {  	s3 =	sadd.s32 s3, s9;
	s6 =	sadd.s32 @!p0 $0x88, s6;
	s7 =	simm.s32 @p2 $0x1082  }
0x22: {  	[simem:s7], [sflag:s8] =	dma.local @!p0 [hbm:s6], $0xF7A  }
0x23: {  	s9 =	sor.u32 $0xD0000000, s2;
	s6 =	simm.s32 $0x108;
	_ =	swait.ge @!p0 [sflag:s8], $0x0  }
0x24: {  	s3 =	sadd.s32 $0x88, s3;
	s6 =	simm.s32 @!p1 $0x1082;
	[sflag:s4] =	ssyncset.s32 $0xFFFFF086  }
0x25: {  	[simem:s6], [sflag:s4] =	dma.local [hbm:s3], $0xF7A  }
0x26: {  	[smem:$0x3F8A] =	sst s1;
	(tag) =	ssettag s2;
	_ =	strace s9  }
0x27: {  	s1 =	sld [smem:$0x3F9A]  }
0x28: {  	s2 =	sld [smem:$0x3F9B]  }
0x29: {  	s4 =	sld [smem:$0x3F9D]  }
0x2a: {  	p0 =	seq.s32 s5, $0x0;
	s5 =	sld [smem:$0x3F9E]  }
0x2b: {  	s6 =	sld [smem:$0x3F9F]  }
0x2c: {  	s7 =	sld [smem:$0x3FA0]  }
0x2d: {  	s3 =	simm.s32 $0x108;
	s8 =	sld [smem:$0x3FA1]  }
0x2e: {  	s3 =	simm.s32 @!p0 $0x1082;
	s9 =	sld [smem:$0x3FA2]  }
0x2f: {  	lr =	sadd.s32 s0, s3;
	s0 =	sld [smem:$0x3F99]  }
0x30: {  	s3 =	sld [smem:$0x3F9C]  }
0x31: {  	[smem:$0x3FA5] =	sst s10  }
0x32: {  	s10 =	sld [smem:$0x3FA3];
	_ =	sdelay $0x3  }
0x33: {  	p0 =	seq.s32 s10, $0x1;
	s10 =	sld [smem:$0x3FA5];
	_ =	sdelay $0x3  }
0x34: {  	[smem:$0x3FA5] =	sst s10  }
0x35: {  	s10 =	sld [smem:$0x3FA4];
	_ =	sdelay $0x3  }
0x36: {  	p1 =	seq.s32 s10, $0x1;
	s10 =	sld [smem:$0x3FA5];
	_ =	sdelay $0x3  }
0x37: {  	[smem:$0x3FA5] =	sst s10  }
0x38: {  	s10 =	sld [smem:$0x3FA6]  }
0x39: {  	_ = 	snop;
	(pc) =	sbr.ind lr, $3  }
0x3a: {  	_ = 	snop  }
0x3b: {  	_ = 	snop  }
0x3c: {  	p2 =	seq.s32 s10, $0x1;
	s10 =	sld [smem:$0x3FA5]  }
0x3d: {  	_ =	shalt  }
0x3e: {  	_ =	shalt  }
0x3f: {  	_ =	shalt  }
0x40: {  	_ =	shalt  }
0x41: {  	_ =	shalt  }
0x42: {  	_ =	shalt  }
0x43: {  	_ =	shalt  }
0x44: {  	_ =	shalt  }
0x45: {  	_ =	shalt  }
0x46: {  	_ =	shalt  }
0x47: {  	_ =	shalt  }
0x48: {  	_ =	shalt  }
0x49: {  	_ =	shalt  }
0x4a: {  	_ =	shalt  }
0x4b: {  	_ =	shalt  }
0x4c: {  	_ =	shalt  }
0x4d: {  	_ =	shalt  }
0x4e: {  	_ =	shalt  }
0x4f: {  	_ =	shalt  }
0x50: {  	_ =	shalt  }
0x51: {  	_ =	shalt  }
0x52: {  	_ =	shalt  }
0x53: {  	_ =	shalt  }
0x54: {  	_ =	shalt  }
0x55: {  	_ =	shalt  }
0x56: {  	_ =	shalt  }
0x57: {  	_ =	shalt  }
0x58: {  	_ =	shalt  }
0x59: {  	_ =	shalt  }
0x5a: {  	_ =	shalt  }
0x5b: {  	_ =	shalt  }
0x5c: {  	_ =	shalt  }
0x5d: {  	_ =	shalt  }
0x5e: {  	_ =	shalt  }
0x5f: {  	_ =	shalt  }
0x60: {  	_ =	shalt  }
0x61: {  	_ =	shalt  }
0x62: {  	_ =	shalt  }
0x63: {  	_ =	shalt  }
0x64: {  	_ =	shalt  }
0x65: {  	_ =	shalt  }
0x66: {  	_ =	shalt  }
0x67: {  	_ =	shalt  }
0x68: {  	_ =	shalt  }
0x69: {  	_ =	shalt  }
0x6a: {  	_ =	shalt  }
0x6b: {  	_ =	shalt  }
0x6c: {  	_ =	shalt  }
0x6d: {  	_ =	shalt  }
0x6e: {  	_ =	shalt  }
0x6f: {  	_ =	shalt  }
0x70: {  	_ =	shalt  }
0x71: {  	_ =	shalt  }
0x72: {  	_ =	shalt  }
0x73: {  	_ =	shalt  }
0x74: {  	_ =	shalt  }
0x75: {  	_ =	shalt  }
0x76: {  	_ =	shalt  }
0x77: {  	_ =	shalt  }
0x78: {  	_ =	shalt  }
0x79: {  	_ =	shalt  }
0x7a: {  	_ =	shalt  }
0x7b: {  	_ =	shalt  }
0x7c: {  	_ =	shalt  }
0x7d: {  	_ =	shalt  }
0x7e: {  	_ =	shalt  }
0x7f: {  	_ =	shalt  }
0x80: {  	_ =	shalt  }
0x81: {  	_ =	shalt  }
0x82: {  	_ =	shalt  }
0x83: {  	_ =	shalt  }
0x84: {  	_ =	shalt  }
0x85: {  	_ =	shalt  }
0x86: {  	_ =	shalt  }
0x87: {  	_ =	shalt  }
.Lfunc_end0:
.L_simem_size_0:
called_computation_lowered:
.L_overlay_start_0:
0x88: {  	s2 =	sld [smem:$0x3FD9]  }
0x89: {  	s3 =	sld [smem:$0x3FFE];
	_ =	sdelay $0x1  }
0x8a: {  	s1 =	srdreg.scid  }
0x8b: {  	s0 =	sand.u32 $0x1, s1  }
0x8c: {  	s17 =	sshll.u32 s0, $0xA;
	s2 =	sadd.s32 s3, s2  }
0x8d: {  	s2 =	sadd.s32 s2, s17  }
0x8e: {  	[smem:$0x3FB1] =	sst s2  }
0x8f: {  	_ = 	snop  }
0x90: {  	s2 =	sld [smem:$0x3FD0];
	(tm) =	ssettm $0x1  }
0x91: {  	s18 =	sld [smem:$0x3FFB];
	_ =	sdelay $0x3  }
0x92: {  	_ =	strace s18  }
0x93: {  	s3 =	sld [smem:$0x3FFC];
	_ =	sdelay $0x3  }
0x94: {  	_ =	strace s3  }
0x95: {  	s3 =	sld [smem:$0x3FFD];
	_ =	sdelay $0x3  }
0x96: {  	_ =	strace s3  }
0x97: {  	_ =	strace $0x8FFFFFFF  }
0x98: {  	s19 =	sld [smem:$0x3FDB];
	_ =	sdelay $0x1  }
0x99: {  	s4 =	simm.s32 $_scs_section_size  }
0x9a: {  	s5 =	simm.s32 $_size__tile_overlayer_lowered;
	s6 =	simm.s32 $_tile_overlayer_lowered  }
0x9b: {  	s22 =	simm.s32 $0x1BFF;
	s21 =	sshll.u32 s6, $0x1;
	s3 =	sadd.s32 s4, s19  }
0x9c: {  	s7 =	simm.s32 $0x0;
	s20 =	sshll.u32 s5, $0x1;
	s5 =	sadd.s32 s21, s3  }
0x9d: {  	[timem:s7], [sflag:s22] =	dma.local [hbm:s5], s20  }
0x9e: {  	_ =	swait.ge [sflag:s22], s20  }
0x9f: {  	s4 =	ssub.s32 $0x0, s20;
	[sflag:s22] =	ssyncset.done $0x0  }
0xa0: {  	[sflag:s22] =	ssyncadd.s32 s4;
	_ =	sdelay $0x1  }
0xa1: {  	s23 =	simm.s32 $0x1B8B  }
0xa2: {  	_ =	swait.ge [sflag:s23], $0x1  }
0xa3: {  	[sflag:s23] =	ssyncset.done $0x0  }
0xa4: {  	s25 =	simm.s32 $0x1B8E;
	s24 =	sld [smem:$0x3FFE];
	[sflag:s23] =	ssyncadd.s32 $0xFFFFFFFF  }
0xa5: {  	s26 =	simm.s32 $execute0_lowered;
	[smem:$0x3FD2] =	sst s25  }
0xa6: {  	s5 =	sshll.u32 s26, $0x1;
	_ =	strace $0x80000046;
	[dreg:$0x1] =	wrdreg $0xFFFFFFFF  }
0xa7: {  	s28 =	simm.s32 $_size_execute0_lowered;
	s3 =	sadd.s32 s3, s5;
	[dreg:$0x0] =	wrdreg $0x0  }
0xa8: {  	s5 =	sshll.u32 s28, $0x1;
	[dreg:$0x2] =	wrdreg s3  }
0xa9: {  	[dreg:$0x3] =	wrdreg s5  }
0xaa: {  	[dreg:$0x4] =	wrdreg $0xC0  }
0xab: {  	_ =	task [dreg:s7], $0x5FFFF  }
0xac: {  	[dreg:$0x1] =	wrdreg $0xFFFFFFFF  }
0xad: {  	[dreg:$0x0] =	wrdreg $0x60  }
0xae: {  	[dreg:$0x2] =	wrdreg s24  }
0xaf: {  	[dreg:$0x3] =	wrdreg s2  }
0xb0: {  	[dreg:$0x4] =	wrdreg $0x9  }
0xb1: {  	_ =	task.clear_ibuf [dreg:s7], $0x5FFFF;
	_ =	strace $0x90000046  }
0xb2: {  	s29 =	simm.s32 $0x9;
	_ =	strace $0x80000048  }
0xb3: {  	_ =	swait.ge [sflag:s29], $0x1  }
0xb4: {  	[sflag:s29] =	ssyncadd.s32 $0xFFFFFFFF  }
0xb5: {  	_ =	strace $0x90000048  }
0xb6: {  	_ =	sfence  }
0xb7: {  	s30 =	sld [smem:$0x0];
	_ =	sdelay $0x2  }
0xb8: {  	s31 =	sshll.u32 s1, $0xD;
	s1 =	sshrl.u32 s1, $0x2  }
0xb9: {  	s3 =	sand.u32 $0x4000, s31;
	s1 =	sadd.s32 s1, s30  }
0xba: {  	s0 =	sor.u32 s3, s0;
	s1 =	sshll.u32 s1, $0x11  }
0xbb: {  	s0 =	sor.u32 s1, s0  }
0xbc: {  	s0 =	sadd.s32 $0x8F2B, s0  }
0xbd: {  	[sflag:s0] =	ssyncadd.remote.s32 $0x1  }
0xbe: {  	_ =	sfence.sel $0xFFFF  }
0xbf: {  	[dreg:$0x0] =	wrdreg $0xFFFFFFFF;
	(pc) =	sbr.abs _section_cstart, $3  }
0xc0: {  	[dreg:$0x1] =	wrdreg $0xFFFFFFFF  }
0xc1: {  	_ =	task.clear_ibuf [dreg:s7], $0x2FFFF;
	_ =	strace $0x9FFFFFFF  }
0xc2: {  	(tm) =	ssettm $0x7FFFFFFF  }
0xc3: {  	_ =	shalt  }
tec
execute0_lowered:
.L_overlay_start_1:
0x0: {  	(tag) =	ssettag $0x1  }
0x1: {  	s4 =	rddreg [dreg:$0x0]  }
0x2: {  	s5 =	rddreg [dreg:$0x1]  }
0x3: {  	s0 =	rddreg [dreg:$0x2];
	s2 =	simm.s32 $0x0;
	s3 =	srdreg.scid  }
0x4: {  	s1 =	stileid.u32;
	s13 =	simm.s32 $0x1;
	s14 =	simm.s32 $0x2  }
0x5: {  	s15 =	simm.s32 $0x3;
	s16 =	simm.s32 $0x4;
	s17 =	simm.s32 $0x0  }
0x6: {  	[smem:$0x7FF] =	sst s2;
	s6 =	sand.u32 $0x1, s3;
	s28 =	sshll.u32 s1, $0x1  }
0x7: {  	s3 =	sadd.s32 $0x4000, s4;
	s31 =	smul.u32 $0x4E200, s1;
	s7 =	sor.u32 s6, s28  }
0x8: {  	s10 =	sadd.s32 $0x2B200, s4;
	s8 =	ssub.s32 $0x2, s6;
	s9 =	smul.u32 $0x138800, s7  }
0x9: {  	_ =	strace $0x80000047;
	s29 =	sshrl.u32 s8, $0x1;
	s7 =	smul.u32 $0x2710, s7  }
0xa: {  	s12 =	smul.u32 $0x27100, s6;
	s8 =	ssub.s32 s8, s29;
	s30 =	sshrl.u32 s9, $0x3  }
0xb: {  	s7 =	sshrl.u32 s7, $0x3;
	s9 =	sadd.s32 s31, s10;
	s11 =	sadd.s32 s10, s30  }
0xc: {  	s4 =	sadd.s32 s5, s7;
	s7 =	smax.u32 s8, $0x1;
	s8 =	sadd.s32 s12, s9  }
0xd: {  	s9 =	simm.s32 $0x5;
	s10 =	simm.s32 $0x28;
	s12 =	simm.s32 $0x3B80  }
0xe: {  	s5 =	sadd.s32 $0x26C00, s11;
	s6 =	sadd.s32 $0x26E80, s11;
	s11 =	simm.s32 $0x2780  }
.LBB2_1:
0xf: {  	[tilespmem:s2], [sflag:$0x5] =	stream.linear.gather [hbm4b:s4+s2], $0x2710, $0x38;
	[tilespmem:$0x4F80] =	vst v63  }
0x10: {  	_ =	swait.ge [sflag:s9], $0x2710  }
0x11: {  	[sflag:s9] =	ssyncset.done $0x0  }
0x12: {  	[sflag:s9] =	ssyncadd.s32 $0xFFFFD8F0  }
0x13: {  	[tilespmem:s11], [sflag:$0x1] =	stream.indirect.gather [hbm4b:s3+s10], $0x80, s2, s10, $0xb8;
	[tilespmem:$0x4F80] =	vst v63  }
0x14: {  	_ = 	snop  }
0x15: {  	[tilespmem:s12], [sflag:$0x2] =	stream.indirect.gather [hbm4b:s3+s10], $0x80, s10, s10, $0xb8;
	[tilespmem:$0x4F80] =	vst v63  }
0x16: {  	_ =	swait.ge [sflag:s13], $0x1400  }
0x17: {  	[sflag:s13] =	ssyncset.done $0x0  }
0x18: {  	s18 =	sadd.s32 $0x0, s8;
	[sflag:s13] =	ssyncadd.s32 $0xFFFFEC00  }
0x19: {  	[hbm4b:s18+s2] =	stream.linear.scatter [tilespmem:s11], [sflag:$0x3], $0x1400, $0x38;
	[tilespmem:$0x4F80] =	vst v63  }
0x1a: {  	_ =	swait.ge [sflag:s14], $0x1400  }
0x1b: {  	[sflag:s14] =	ssyncset.done $0x0  }
0x1c: {  	s18 =	sadd.s32 $0x280, s18;
	[sflag:s14] =	ssyncadd.s32 $0xFFFFEC00  }
0x1d: {  	[hbm4b:s18+s2] =	stream.linear.scatter [tilespmem:s12], [sflag:$0x4], $0x1400, $0x38;
	[tilespmem:$0x4F80] =	vst v63  }
0x1e: {  	_ =	swait.ge [sflag:s15], $0x1400  }
0x1f: {  	[sflag:s15] =	ssyncset.done $0x0  }
0x20: {  	s31 =	simm.s32 $0x50;
	[sflag:s15] =	ssyncadd.s32 $0xFFFFEC00  }
0x21: {  	[tilespmem:s11], [sflag:$0x1] =	stream.indirect.gather [hbm4b:s3+s10], $0x80, s31, s10, $0xb8;
	[tilespmem:$0x4F80] =	vst v63  }
0x22: {  	_ =	swait.ge [sflag:s16], $0x1400  }
0x23: {  	s19 =	simm.s32 $0x500;
	[sflag:s16] =	ssyncset.done $0x0  }
0x24: {  	s20 =	simm.s32 $0xC8;
	s18 =	simm.s32 $0x78;
	[sflag:s16] =	ssyncadd.s32 $0xFFFFEC00  }
.LBB2_2:
0x25: {  	[tilespmem:s12], [sflag:$0x2] =	stream.indirect.gather [hbm4b:s3+s10], $0x80, s18, s10, $0xb8;
	[tilespmem:$0x4F80] =	vst v63  }
0x26: {  	s21 =	smov.u32 s19;
	s18 =	smov.u32 s20  }
0x27: {  	p0 =	sne.s32 s19, $0x26700;
	s19 =	sadd.s32 $0x500, s19;
	_ =	swait.ge [sflag:s13], $0x1400  }
0x28: {  	[sflag:s13] =	ssyncset.done $0x0  }
0x29: {  	s21 =	sadd.s32 s21, s8;
	[sflag:s13] =	ssyncadd.s32 $0xFFFFEC00  }
0x2a: {  	[hbm4b:s21+s2] =	stream.linear.scatter [tilespmem:s11], [sflag:$0x3], $0x1400, $0x38;
	[tilespmem:$0x4F80] =	vst v63  }
0x2b: {  	_ =	swait.ge [sflag:s14], $0x1400  }
0x2c: {  	[sflag:s14] =	ssyncset.done $0x0  }
0x2d: {  	s21 =	sadd.s32 $0x280, s21;
	[sflag:s14] =	ssyncadd.s32 $0xFFFFEC00  }
0x2e: {  	[hbm4b:s21+s2] =	stream.linear.scatter [tilespmem:s12], [sflag:$0x4], $0x1400, $0x38;
	[tilespmem:$0x4F80] =	vst v63  }
0x2f: {  	_ =	swait.ge [sflag:s15], $0x1400  }
0x30: {  	[sflag:s15] =	ssyncset.done $0x0  }
.Ltmp0:
0x31: {  	s21 =	sadd.s32 $0xFFFFFFD8, s20;
	[sflag:s15] =	ssyncadd.s32 $0xFFFFEC00;
	(pc) =	sbr.rel @p0 .LBB2_2-.Ltmp0, $4  }
0x32: {  	[tilespmem:s11], [sflag:$0x1] =	stream.indirect.gather [hbm4b:s3+s10], $0x80, s21, s10, $0xb8;
	[tilespmem:$0x4F80] =	vst v63  }
0x33: {  	_ =	swait.ge [sflag:s16], $0x1400  }
0x34: {  	[sflag:s16] =	ssyncset.done $0x0  }
0x35: {  	s20 =	sadd.s32 $0x50, s20;
	[sflag:s16] =	ssyncadd.s32 $0xFFFFEC00  }
0x36: {  	[tilespmem:s12], [sflag:$0x2] =	stream.indirect.gather [hbm4b:s3+s10], $0x80, s18, s10, $0xb8;
	[tilespmem:$0x4F80] =	vst v63  }
0x37: {  	_ =	swait.ge [sflag:s13], $0x1400  }
0x38: {  	[sflag:s13] =	ssyncset.done $0x0  }
0x39: {  	[sflag:s13] =	ssyncadd.s32 $0xFFFFEC00  }
0x3a: {  	[hbm4b:s5+s2] =	stream.linear.scatter [tilespmem:s11], [sflag:$0x3], $0x1400, $0x38;
	[tilespmem:$0x4F80] =	vst v63  }
0x3b: {  	_ =	swait.ge [sflag:s14], $0x1400  }
0x3c: {  	[sflag:s14] =	ssyncset.done $0x0  }
0x3d: {  	s17 =	sadd.s32 $0x1, s17;
	[sflag:s14] =	ssyncadd.s32 $0xFFFFEC00  }
0x3e: {  	[hbm4b:s6+s2] =	stream.linear.scatter [tilespmem:s12], [sflag:$0x4], $0x1400, $0x38;
	[tilespmem:$0x4F80] =	vst v63  }
0x3f: {  	p0 =	sne.s32 s17, s7;
	_ =	swait.ge [sflag:s15], $0x1400  }
.Ltmp1:
0x40: {  	[sflag:s15] =	ssyncset.done $0x0;
	(pc) =	sbr.rel @p0 .LBB2_1-.Ltmp1, $4  }
0x41: {  	[sflag:s15] =	ssyncadd.s32 $0xFFFFEC00  }
0x42: {  	_ =	swait.ge [sflag:s16], $0x1400  }
0x43: {  	[sflag:s16] =	ssyncset.done $0x0  }
0x44: {  	[sflag:s16] =	ssyncadd.s32 $0xFFFFEC00  }
0x45: {  	_ =	sfence.sel $0x180000  }
0x46: {  	[bflag:$0x0] =	sbarrier.arrive $0xFFFF  }
0x47: {  	p0 =	sne.s32 s1, $0x0;
	_ =	strace $0x90000047  }
0x48: {  	s0 =	sadd.s32 @!p0 $0x100000, s0;
	[bflag:$0x2] =	sbarrier.arrive $0xFFFF  }
0x49: {  	[sflag:s0] =	ssyncadd.tile.s32 @!p0 $0x1;
	_ =	shalt  }
.Lfunc_end2:
_tile_overlayer_lowered:
.L_overlay_start_2:
0x4a: {  	(tag) =	ssettag $0x2  }
0x4b: {  	s0 =	rddreg [dreg:$0x0];
	s2 =	stileid.u32  }
0x4c: {  	s1 =	rddreg [dreg:$0x1];
	p0 =	sne.s32 s2, $0x0  }
0x4d: {  	s3 =	rddreg [dreg:$0x2];
	[bflag:$0x3] =	sbarrier.arrive $0xFFFF;
	s2 =	simm.s32 @!p0 $0x1C05  }
0x4e: {  	[timem:s3], [sflag:s2] =	dma.local @!p0 [hbm:s0], s1  }
0x4f: {  	s0 =	simm.s32 @!p0 $0x5  }
0x50: {  	_ =	swait.ge @!p0 [sflag:s0], s1  }
0x51: {  	s1 =	ssub.s32 @!p0 $0x0, s1;
	[sflag:s0] =	ssyncset.done @!p0 $0x0  }
0x52: {  	[sflag:s0] =	ssyncadd.s32 @!p0 s1  }
0x53: {  	[bflag:$0x3] =	sbarrier.arrive $0xFFFF  }
0x54: {  	_ =	shalt  }

</sc_bundles>
